<compile_context>
chip_gen: v7x
topology: tpu7x:2x2x1
jax: 0.10.2.dev20260603
libtpu: 0.0.44.dev20260713+nightly
codegen_flags: <defaults>
</compile_context>

<pallas_src>
import jax
import jax.numpy as jnp
from jax import lax
from jax.experimental import pallas as pl
from jax.experimental.pallas import tpu as pltpu
from jax.experimental.pallas import tpu_sc as plsc

N = 10000
E = 320000
D_IN = 128
D_HID = 128
D_EMB = 64

NC = 2
NS = 16
EPT = E // (NC * NS)
CH = 80
NCHUNK = EPT // CH
STRIPE = 624
TAIL = N - NS * STRIPE

_mesh = lambda: plsc.VectorSubcoreMesh(core_axis_name="c", subcore_axis_name="s")
_params = lambda: pltpu.CompilerParams(needs_layout_passes=False)


def _zero_acc_1d(zero_hbm, buf_v, acc_sh, s):
    off0 = pl.multiple_of(s * STRIPE, 8)
    pltpu.sync_copy(zero_hbm, buf_v)
    pltpu.sync_copy(buf_v, acc_sh.at[pl.ds(off0, STRIPE)])

    @pl.when(s == NS - 1)
    def _zero_tail():
        pltpu.sync_copy(buf_v.at[pl.ds(0, TAIL)], acc_sh.at[pl.ds(N - TAIL, TAIL)])


def _readback_1d(acc_sh, buf_v, out_hbm, c, s):
    off0 = pl.multiple_of(s * STRIPE, 8)
    obase = pl.multiple_of(c * N, 8)
    pltpu.sync_copy(acc_sh.at[pl.ds(off0, STRIPE)], buf_v)
    pltpu.sync_copy(buf_v, out_hbm.at[pl.ds(obase + off0, STRIPE)])

    @pl.when(s == NS - 1)
    def _out_tail():
        pltpu.sync_copy(acc_sh.at[pl.ds(N - TAIL, TAIL)], buf_v.at[pl.ds(0, TAIL)])
        pltpu.sync_copy(buf_v.at[pl.ds(0, TAIL)],
                        out_hbm.at[pl.ds(obase + N - TAIL, TAIL)])



DCH = 128
DNCH = EPT // DCH
DTAIL = EPT - DNCH * DCH


def _deg_body(dst_hbm, zero_hbm, out_hbm,
              dst_all, dstbs, dstbt, ones_v, buf_v, acc_sh, csems):
    c = lax.axis_index("c")
    s = lax.axis_index("s")
    ebase = pl.multiple_of((c * NS + s) * EPT, 8)
    pltpu.sync_copy(dst_hbm.at[pl.ds(ebase, EPT)], dst_all)
    _zero_acc_1d(zero_hbm, buf_v, acc_sh, s)
    for k in range(DCH // 16):
        ones_v[pl.ds(k * 16, 16)] = jnp.ones((16,), jnp.float32)
    plsc.subcore_barrier()

    def fill_and_scatter(b, i):
        off = pl.multiple_of(i * DCH, 8)
        for k in range(DCH // 16):
            dstbs[b][pl.ds(k * 16, 16)] = dst_all[pl.ds(off + k * 16, 16)]
        pltpu.async_copy(ones_v, acc_sh.at[dstbs[b]], csems[b], add=True)

    def wait_scatter(b):
        pltpu.make_async_copy(ones_v, acc_sh.at[dstbs[b]], csems[b]).wait()

    fill_and_scatter(0, 0)
    fill_and_scatter(1, 1)

    def pair(g, carry):
        wait_scatter(0)
        fill_and_scatter(0, 2 * g + 2)
        wait_scatter(1)
        fill_and_scatter(1, 2 * g + 3)
        return carry

    lax.fori_loop(0, (DNCH - 2) // 2, pair, 0)
    wait_scatter(0)
    wait_scatter(1)
    ot = pl.multiple_of(DNCH * DCH, 8)
    for k in range(DTAIL // 16):
        dstbt[pl.ds(k * 16, 16)] = dst_all[pl.ds(ot + k * 16, 16)]
    pltpu.sync_copy(ones_v.at[pl.ds(0, DTAIL)], acc_sh.at[dstbt], add=True)
    plsc.subcore_barrier()
    _readback_1d(acc_sh, buf_v, out_hbm, c, s)


def _deg_counts(dst, zero_vec):
    return pl.kernel(
        _deg_body,
        out_type=jax.ShapeDtypeStruct((NC * N,), jnp.float32),
        mesh=_mesh(),
        compiler_params=_params(),
        scratch_types=[
            pltpu.VMEM((EPT,), jnp.int32),
            [pltpu.VMEM((DCH,), jnp.int32) for _ in range(2)],
            pltpu.VMEM((DTAIL,), jnp.int32),
            pltpu.VMEM((DCH,), jnp.float32),
            pltpu.VMEM((STRIPE,), jnp.float32),
            pltpu.VMEM_SHARED((N,), jnp.float32),
            [pltpu.SemaphoreType.DMA for _ in range(2)],
        ],
    )(dst, zero_vec)



EPT2 = E // NS
SCH = 128
SNCH = EPT2 // SCH
STAIL = EPT2 - SNCH * SCH
FS = 312
HALF = N // NC


def _scalar_final_body(zs_hbm, fin_hbm, dinv_hbm, src_hbm, dst_hbm, zero_hbm,
                       out_hbm, vals_v, src_all, dst_all, dstbs, dstbt, msgs,
                       buf_v, dinv_sv, fin_sv, outb_v, acc_sh, csems):
    c = lax.axis_index("c")
    s = lax.axis_index("s")
    pltpu.sync_copy(zs_hbm, vals_v)
    ebase = pl.multiple_of(s * EPT2, 8)
    pltpu.sync_copy(src_hbm.at[pl.ds(ebase, EPT2)], src_all)
    pltpu.sync_copy(dst_hbm.at[pl.ds(ebase, EPT2)], dst_all)
    _zero_acc_1d(zero_hbm, buf_v, acc_sh, s)
    plsc.subcore_barrier()

    def fill_and_scatter(b, i):
        off = pl.multiple_of(i * SCH, 8)
        for k in range(SCH // 16):
            idx = src_all[pl.ds(off + k * 16, 16)]
            msgs[b][pl.ds(k * 16, 16)] = plsc.load_gather(vals_v, [idx])
            dstbs[b][pl.ds(k * 16, 16)] = dst_all[pl.ds(off + k * 16, 16)]
        pltpu.async_copy(msgs[b], acc_sh.at[dstbs[b]], csems[b], add=True)

    def wait_scatter(b):
        pltpu.make_async_copy(msgs[b], acc_sh.at[dstbs[b]], csems[b]).wait()

    fill_and_scatter(0, 0)
    fill_and_scatter(1, 1)

    def pair(g, carry):
        wait_scatter(0)
        fill_and_scatter(0, 2 * g + 2)
        wait_scatter(1)
        fill_and_scatter(1, 2 * g + 3)
        return carry

    lax.fori_loop(0, (SNCH - 2) // 2, pair, 0)
    wait_scatter(0)
    wait_scatter(1)
    ot = pl.multiple_of(SNCH * SCH, 8)
    for k in range(STAIL // 16):
        idx = src_all[pl.ds(ot + k * 16, 16)]
        msgs[0][pl.ds(k * 16, 16)] = plsc.load_gather(vals_v, [idx])
        dstbt[pl.ds(k * 16, 16)] = dst_all[pl.ds(ot + k * 16, 16)]
    pltpu.sync_copy(msgs[0].at[pl.ds(0, STAIL)], acc_sh.at[dstbt], add=True)
    plsc.subcore_barrier()

    hbase = pl.multiple_of(c * HALF + s * FS, 8)
    pltpu.sync_copy(acc_sh.at[pl.ds(hbase, FS)], buf_v.at[pl.ds(0, FS)])
    pltpu.sync_copy(dinv_hbm.at[pl.ds(hbase, FS)], dinv_sv)
    pltpu.sync_copy(fin_hbm.at[pl.ds(hbase, FS)], fin_sv)
    for k in range(FS // 16):
        o = k * 16
        outb_v[pl.ds(o, 16)] = (dinv_sv[pl.ds(o, 16)] * buf_v[pl.ds(o, 16)]
                                + fin_sv[pl.ds(o, 16)])
    o = FS - 16
    outb_v[pl.ds(o, 16)] = (dinv_sv[pl.ds(o, 16)] * buf_v[pl.ds(o, 16)]
                            + fin_sv[pl.ds(o, 16)])
    pltpu.sync_copy(outb_v, out_hbm.at[pl.ds(hbase, FS)])

    @pl.when(s == NS - 1)
    def _fin_tail():
        tb = pl.multiple_of(c * HALF + HALF - 16, 8)
        pltpu.sync_copy(acc_sh.at[pl.ds(tb, 16)], buf_v.at[pl.ds(0, 16)])
        pltpu.sync_copy(dinv_hbm.at[pl.ds(tb, 16)], dinv_sv.at[pl.ds(0, 16)])
        pltpu.sync_copy(fin_hbm.at[pl.ds(tb, 16)], fin_sv.at[pl.ds(0, 16)])
        outb_v[pl.ds(0, 16)] = (dinv_sv[pl.ds(0, 16)] * buf_v[pl.ds(0, 16)]
                                + fin_sv[pl.ds(0, 16)])
        pltpu.sync_copy(outb_v.at[pl.ds(0, 16)], out_hbm.at[pl.ds(tb, 16)])


def _scalar_final(zs, fin, dinv, src, dst, zero_vec):
    return pl.kernel(
        _scalar_final_body,
        out_type=jax.ShapeDtypeStruct((N,), jnp.float32),
        mesh=_mesh(),
        compiler_params=_params(),
        scratch_types=[
            pltpu.VMEM((N,), jnp.float32),
            pltpu.VMEM((EPT2,), jnp.int32),
            pltpu.VMEM((EPT2,), jnp.int32),
            [pltpu.VMEM((SCH,), jnp.int32) for _ in range(2)],
            pltpu.VMEM((STAIL,), jnp.int32),
            [pltpu.VMEM((SCH,), jnp.float32) for _ in range(2)],
            pltpu.VMEM((STRIPE,), jnp.float32),
            pltpu.VMEM((FS,), jnp.float32),
            pltpu.VMEM((FS,), jnp.float32),
            pltpu.VMEM((FS,), jnp.float32),
            pltpu.VMEM_SHARED((N,), jnp.float32),
            [pltpu.SemaphoreType.DMA for _ in range(2)],
        ],
    )(zs, fin, dinv, src, dst, zero_vec)



RCH = 128
RNCH = EPT // RCH
RTAIL = EPT - RNCH * RCH
NBUF = 2


def _row_scatter_body(rows_hbm, src_hbm, dst_hbm, zero_hbm, out_hbm,
                      src_all, dstbs, dstbt, rows_bufs, acc_sh,
                      gsems, dsems, csems):
    c = lax.axis_index("c")
    s = lax.axis_index("s")
    ebase = pl.multiple_of((c * NS + s) * EPT, 8)
    pltpu.sync_copy(src_hbm.at[pl.ds(ebase, EPT)], src_all)
    rows0 = rows_bufs[0]
    off0 = pl.multiple_of(s * STRIPE, 8)
    pltpu.sync_copy(zero_hbm, rows0)
    for t in range(STRIPE // RCH):
        pltpu.sync_copy(rows0, acc_sh.at[pl.ds(off0 + t * RCH, RCH)])
    rem = STRIPE - (STRIPE // RCH) * RCH
    pltpu.sync_copy(rows0.at[pl.ds(0, rem)],
                    acc_sh.at[pl.ds(off0 + STRIPE - rem, rem)])

    @pl.when(s == NS - 1)
    def _zero_tail():
        pltpu.sync_copy(rows0.at[pl.ds(0, TAIL)], acc_sh.at[pl.ds(N - TAIL, TAIL)])

    plsc.subcore_barrier()

    def issue(b, off):
        pltpu.async_copy(dst_hbm.at[pl.ds(ebase + off, RCH)], dstbs[b],
                         dsems[b])
        pltpu.async_copy(rows_hbm.at[src_all.at[pl.ds(off, RCH)]],
                         rows_bufs[b], gsems[b])

    def process(b, off):
        pltpu.make_async_copy(dst_hbm.at[pl.ds(ebase + off, RCH)], dstbs[b],
                              dsems[b]).wait()
        pltpu.make_async_copy(rows_hbm.at[src_all.at[pl.ds(off, RCH)]],
                              rows_bufs[b], gsems[b]).wait()
        pltpu.async_copy(rows_bufs[b], acc_sh.at[dstbs[b]], csems[b],
                         add=True)

    def wait_scatter(b):
        pltpu.make_async_copy(rows_bufs[b], acc_sh.at[dstbs[b]],
                              csems[b]).wait()

    issue(0, pl.multiple_of(0, 8))

    def pair(g, carry):
        o0 = pl.multiple_of(2 * g * RCH, 8)
        o1 = pl.multiple_of((2 * g + 1) * RCH, 8)
        o2 = pl.multiple_of((2 * g + 2) * RCH, 8)
        issue(1, o1)
        process(0, o0)
        wait_scatter(0)
        issue(0, o2)
        process(1, o1)
        wait_scatter(1)
        return carry

    lax.fori_loop(0, RNCH // 2 - 1, pair, 0)
    o76 = pl.multiple_of((RNCH - 2) * RCH, 8)
    o77 = pl.multiple_of((RNCH - 1) * RCH, 8)
    issue(1, o77)
    process(0, o76)
    wait_scatter(0)
    process(1, o77)
    wait_scatter(1)
    ot = pl.multiple_of(RNCH * RCH, 8)
    pltpu.sync_copy(dst_hbm.at[pl.ds(ebase + ot, RTAIL)], dstbt)
    pltpu.async_copy(rows_hbm.at[src_all.at[pl.ds(ot, RTAIL)]],
                     rows0.at[pl.ds(0, RTAIL)], gsems[0]).wait()
    pltpu.sync_copy(rows0.at[pl.ds(0, RTAIL)], acc_sh.at[dstbt], add=True)

    plsc.subcore_barrier()
    obase = pl.multiple_of(c * N, 8)
    for t in range(STRIPE // RCH):
        pltpu.sync_copy(acc_sh.at[pl.ds(off0 + t * RCH, RCH)], rows0)
        pltpu.sync_copy(rows0, out_hbm.at[pl.ds(obase + off0 + t * RCH, RCH)])
    pltpu.sync_copy(acc_sh.at[pl.ds(off0 + STRIPE - rem, rem)],
                    rows0.at[pl.ds(0, rem)])
    pltpu.sync_copy(rows0.at[pl.ds(0, rem)],
                    out_hbm.at[pl.ds(obase + off0 + STRIPE - rem, rem)])

    @pl.when(s == NS - 1)
    def _out_tail():
        rows1 = rows_bufs[1]
        pltpu.sync_copy(acc_sh.at[pl.ds(N - TAIL, TAIL)], rows1.at[pl.ds(0, TAIL)])
        pltpu.sync_copy(rows1.at[pl.ds(0, TAIL)],
                        out_hbm.at[pl.ds(obase + N - TAIL, TAIL)])


def _row_scatter(rows, src, dst, zero_rows):
    return pl.kernel(
        _row_scatter_body,
        out_type=jax.ShapeDtypeStruct((NC * N, D_HID), jnp.float32),
        mesh=_mesh(),
        compiler_params=_params(),
        scratch_types=[
            pltpu.VMEM((EPT,), jnp.int32),
            [pltpu.VMEM((RCH,), jnp.int32) for _ in range(NBUF)],
            pltpu.VMEM((RTAIL,), jnp.int32),
            [pltpu.VMEM((RCH, D_HID), jnp.float32) for _ in range(NBUF)],
            pltpu.VMEM_SHARED((N, D_HID), jnp.float32),
            [pltpu.SemaphoreType.DMA for _ in range(NBUF)],
            [pltpu.SemaphoreType.DMA for _ in range(NBUF)],
            [pltpu.SemaphoreType.DMA for _ in range(NBUF)],
        ],
    )(rows, src, dst, zero_rows)



_RB = 400
_NG = N // _RB


def _scale_body(deg2_ref, x_ref, w1_ref, w2_ref, wlin_ref,
                xws_ref, dinv_ref, wz_ref):
    deg = deg2_ref[0] + deg2_ref[1] + 1.0
    dinv = lax.rsqrt(deg)
    dinv_ref[...] = dinv
    xw = jnp.dot(x_ref[...], w1_ref[...], preferred_element_type=jnp.float32)
    xws_ref[...] = dinv * xw
    wz_ref[...] = jnp.dot(w2_ref[...], wlin_ref[...],
                          preferred_element_type=jnp.float32)


def _scale_stage(deg_parts, x, W1, W2, Wlin):
    return pl.pallas_call(
        _scale_body,
        grid=(_NG,),
        in_specs=[
            pl.BlockSpec((NC, _RB, 1), lambda i: (0, i, 0)),
            pl.BlockSpec((_RB, D_IN), lambda i: (i, 0)),
            pl.BlockSpec((D_IN, D_HID), lambda i: (0, 0)),
            pl.BlockSpec((D_HID, D_EMB), lambda i: (0, 0)),
            pl.BlockSpec((D_EMB, 1), lambda i: (0, 0)),
        ],
        out_specs=[
            pl.BlockSpec((_RB, D_HID), lambda i: (i, 0)),
            pl.BlockSpec((_RB, 1), lambda i: (i, 0)),
            pl.BlockSpec((D_HID, 1), lambda i: (0, 0)),
        ],
        out_shape=[
            jax.ShapeDtypeStruct((N, D_HID), jnp.float32),
            jax.ShapeDtypeStruct((N, 1), jnp.float32),
            jax.ShapeDtypeStruct((D_HID, 1), jnp.float32),
        ],
    )(deg_parts, x, W1, W2, Wlin)


def _mid_body(agg_ref, xws_ref, dinv_ref, b1_ref, wz_ref, b2_ref, wlin_ref,
              blin_ref, zs_ref, fin_ref):
    dinv = dinv_ref[...]
    pre = dinv * (agg_ref[0] + agg_ref[1] + xws_ref[...]) + b1_ref[...]
    h = jnp.maximum(pre, 0.0)
    z = jnp.dot(h, wz_ref[...], preferred_element_type=jnp.float32)
    zs = dinv * z
    zs_ref[...] = zs
    cval = jnp.dot(b2_ref[...], wlin_ref[...],
                   preferred_element_type=jnp.float32) + blin_ref[...]
    fin_ref[...] = dinv * zs + cval


def _mid_stage(agg_parts, xws, dinv, b1, wz, b2, Wlin, blin):
    return pl.pallas_call(
        _mid_body,
        grid=(_NG,),
        in_specs=[
            pl.BlockSpec((NC, _RB, D_HID), lambda i: (0, i, 0)),
            pl.BlockSpec((_RB, D_HID), lambda i: (i, 0)),
            pl.BlockSpec((_RB, 1), lambda i: (i, 0)),
            pl.BlockSpec((1, D_HID), lambda i: (0, 0)),
            pl.BlockSpec((D_HID, 1), lambda i: (0, 0)),
            pl.BlockSpec((1, D_EMB), lambda i: (0, 0)),
            pl.BlockSpec((D_EMB, 1), lambda i: (0, 0)),
            pl.BlockSpec((1, 1), lambda i: (0, 0)),
        ],
        out_specs=[
            pl.BlockSpec((_RB, 1), lambda i: (i, 0)),
            pl.BlockSpec((_RB, 1), lambda i: (i, 0)),
        ],
        out_shape=[
            jax.ShapeDtypeStruct((N, 1), jnp.float32),
            jax.ShapeDtypeStruct((N, 1), jnp.float32),
        ],
    )(agg_parts, xws, dinv, b1, wz, b2, Wlin, blin)



def kernel(x, edge_index, W1, b1, W2, b2, Wlin, blin):
    src = edge_index[0]
    dst = edge_index[1]
    zero_vec = jnp.zeros((STRIPE,), jnp.float32)
    zero_rows = jnp.zeros((RCH, D_HID), jnp.float32)

    deg_parts = _deg_counts(dst, zero_vec)
    xws, dinv, wz = _scale_stage(deg_parts.reshape(NC, N, 1), x, W1, W2, Wlin)
    agg_parts = _row_scatter(xws, src, dst, zero_rows)
    zs, fin = _mid_stage(agg_parts.reshape(NC, N, D_HID), xws, dinv,
                         b1.reshape(1, D_HID), wz,
                         b2.reshape(1, D_EMB), Wlin, blin.reshape(1, 1))
    out = _scalar_final(zs.reshape(-1), fin.reshape(-1), dinv.reshape(-1),
                        src, dst, zero_vec)
    return out

# --- scband reference (transcript-rebuilt; emitter-appended) ---
"""Pipeline reference for scband-gcnmodel-22789096472972 (READ-ONLY COPY).

The authoritative reference and input builder live on the scoring server;
editing this copy changes nothing except your own understanding.
"""

import jax, jax.numpy as jnp
import numpy as np

N_NODES = 10000
N_EDGES = 320000
D_IN = 128
D_HID = 128
D_EMB = 64


def gcn_conv(x, edge_index, W, b):
    # Faithful PyG GCNConv: x' = D^{-1/2} (A + I) D^{-1/2} X W + b
    n = x.shape[0]
    src = edge_index[0]
    dst = edge_index[1]
    loop = jnp.arange(n, dtype=src.dtype)
    src = jnp.concatenate([src, loop])
    dst = jnp.concatenate([dst, loop])
    xw = x @ W
    ones = jnp.ones(dst.shape[0], dtype=x.dtype)
    deg = jax.ops.segment_sum(ones, dst, num_segments=n)
    deg_inv_sqrt = jnp.where(deg > 0, 1.0 / jnp.sqrt(deg), 0.0)
    norm = deg_inv_sqrt[src] * deg_inv_sqrt[dst]
    msg = xw[src] * norm[:, None]
    out = jax.ops.segment_sum(msg, dst, num_segments=n)
    return out + b


def setup_inputs(seed: int = 0) -> dict:
    key = jax.random.key(seed)
    ks = jax.random.split(key, 8)
    x = jax.random.normal(ks[0], (N_NODES, D_IN), dtype=jnp.float32)
    edge_index = jax.random.randint(ks[1], (2, N_EDGES), 0, N_NODES, dtype=jnp.int32)
    W1 = jax.random.normal(ks[2], (D_IN, D_HID), dtype=jnp.float32) * (1.0 / np.sqrt(D_IN))
    b1 = jnp.zeros((D_HID,), dtype=jnp.float32)
    W2 = jax.random.normal(ks[3], (D_HID, D_EMB), dtype=jnp.float32) * (1.0 / np.sqrt(D_HID))
    b2 = jnp.zeros((D_EMB,), dtype=jnp.float32)
    Wlin = jax.random.normal(ks[4], (D_EMB, 1), dtype=jnp.float32) * (1.0 / np.sqrt(D_EMB))
    blin = jnp.zeros((1,), dtype=jnp.float32)
    return {"x": x, "edge_index": edge_index, "W1": W1, "b1": b1, "W2": W2, "b2": b2, "Wlin": Wlin, "blin": blin}


def reference(x, edge_index, W1, b1, W2, b2, Wlin, blin):
    h = gcn_conv(x, edge_index, W1, b1)
    h = jax.nn.relu(h)
    # dropout(p=0.2) is identity in eval mode (training=False)
    h = gcn_conv(h, edge_index, W2, b2)
    out = h @ Wlin + blin
    return out.reshape(-1)

if __name__ == "__main__":
    import jax
    _d = setup_inputs()
    print(jax.jit(kernel)(*tuple(_d.values())))

</pallas_src>

<mosaic_0001>
#map = affine_map<(d0, d1) -> (0)>
module attributes {stable_mosaic.version = 14 : i64} {
  func.func @_deg_body(%arg0: i32, %arg1: i32, %arg2: memref<320000xi32, #tpu.memory_space<hbm>>, %arg3: memref<624xf32, #tpu.memory_space<hbm>>, %arg4: memref<20000xf32, #tpu.memory_space<hbm>>, %arg5: memref<10000xi32, #tpu.memory_space<vmem>>, %arg6: memref<128xi32, #tpu.memory_space<vmem>>, %arg7: memref<128xi32, #tpu.memory_space<vmem>>, %arg8: memref<16xi32, #tpu.memory_space<vmem>>, %arg9: memref<128xf32, #tpu.memory_space<vmem>>, %arg10: memref<624xf32, #tpu.memory_space<vmem>>, %arg11: memref<10000xf32, #tpu.memory_space<vmem_shared>>, %arg12: memref<!tpu.dma_semaphore, #tpu.memory_space<semaphore_mem>>, %arg13: memref<!tpu.dma_semaphore, #tpu.memory_space<semaphore_mem>>) attributes {dimension_semantics = [#tpu.dimension_semantics<core_parallel>, #tpu.dimension_semantics<subcore_parallel>], iteration_bounds = array<i64: 2, 16>, scalar_prefetch = 0 : i64, scratch_operands = 9 : i64, tpu.core_type = #tpu.core_type<sc_vector_subcore>, window_params = [{transform_indices = #map}, {transform_indices = #map}, {transform_indices = #map}]} {
    %mul3A = arith.constant 16 : i32
    %mul3A_0 = arith.muli %arg0, %mul3A : i32
    %add3A = arith.addi %mul3A_0, %arg1 : i32
    %mul3A_1 = arith.constant 10000 : i32
    %mul3A_2 = arith.muli %add3A, %mul3A_1 : i32
    %multiple_of3A = tpu.assume_multiple %mul3A_2, 8 : i32
    "tpu.region"() ({
      %run_scoped3A = tpu.sem_alloc : memref<!tpu.dma_semaphore, #tpu.memory_space<semaphore_mem>>
      %dma_start3A_169 = tpu.memref_slice %arg2[%multiple_of3A] : memref<320000xi32, #tpu.memory_space<hbm>> -> memref<10000xi32, #tpu.memory_space<hbm>>
      %dma_start3A_170 = tpu.memref_slice %arg2[%multiple_of3A] : memref<320000xi32, #tpu.memory_space<hbm>> -> memref<10000xi32, #tpu.memory_space<hbm>>
      tpu.enqueue_dma source(%dma_start3A_170 : memref<10000xi32, #tpu.memory_space<hbm>>) target(%arg5 : memref<10000xi32, #tpu.memory_space<vmem>>) target_semaphore(%run_scoped3A : memref<!tpu.dma_semaphore, #tpu.memory_space<semaphore_mem>>)
      %dma_wait3A_171 = tpu.memref_slice %arg2[%multiple_of3A] : memref<320000xi32, #tpu.memory_space<hbm>> -> memref<10000xi32, #tpu.memory_space<hbm>>
      %dma_wait3A_172 = tpu.memref_slice %arg2[%multiple_of3A] : memref<320000xi32, #tpu.memory_space<hbm>> -> memref<10000xi32, #tpu.memory_space<hbm>>
      tpu.wait_dma2 semaphore(%run_scoped3A : memref<!tpu.dma_semaphore, #tpu.memory_space<semaphore_mem>>) src(%dma_wait3A_172 : memref<10000xi32, #tpu.memory_space<hbm>>) dst(%arg5 : memref<10000xi32, #tpu.memory_space<vmem>>)
      tpu.yield
    }) : () -> ()
    %mul3A_3 = arith.constant 624 : i32
    %mul3A_4 = arith.muli %arg1, %mul3A_3 : i32
    %multiple_of3A_5 = tpu.assume_multiple %mul3A_4, 8 : i32
    "tpu.region"() ({
      %run_scoped3A = tpu.sem_alloc : memref<!tpu.dma_semaphore, #tpu.memory_space<semaphore_mem>>
      tpu.enqueue_dma source(%arg3 : memref<624xf32, #tpu.memory_space<hbm>>) target(%arg10 : memref<624xf32, #tpu.memory_space<vmem>>) target_semaphore(%run_scoped3A : memref<!tpu.dma_semaphore, #tpu.memory_space<semaphore_mem>>)
      tpu.wait_dma2 semaphore(%run_scoped3A : memref<!tpu.dma_semaphore, #tpu.memory_space<semaphore_mem>>) src(%arg3 : memref<624xf32, #tpu.memory_space<hbm>>) dst(%arg10 : memref<624xf32, #tpu.memory_space<vmem>>)
      tpu.yield
    }) : () -> ()
    "tpu.region"() ({
      %run_scoped3A = tpu.sem_alloc : memref<!tpu.dma_semaphore, #tpu.memory_space<semaphore_mem>>
      %dma_start3A_169 = tpu.memref_slice %arg11[%multiple_of3A_5] : memref<10000xf32, #tpu.memory_space<vmem_shared>> -> memref<624xf32, #tpu.memory_space<vmem_shared>>
      %dma_start3A_170 = tpu.memref_slice %arg11[%multiple_of3A_5] : memref<10000xf32, #tpu.memory_space<vmem_shared>> -> memref<624xf32, #tpu.memory_space<vmem_shared>>
      tpu.enqueue_dma source(%arg10 : memref<624xf32, #tpu.memory_space<vmem>>) target(%dma_start3A_170 : memref<624xf32, #tpu.memory_space<vmem_shared>>) target_semaphore(%run_scoped3A : memref<!tpu.dma_semaphore, #tpu.memory_space<semaphore_mem>>)
      %dma_wait3A_171 = tpu.memref_slice %arg11[%multiple_of3A_5] : memref<10000xf32, #tpu.memory_space<vmem_shared>> -> memref<624xf32, #tpu.memory_space<vmem_shared>>
      %dma_wait3A_172 = tpu.memref_slice %arg11[%multiple_of3A_5] : memref<10000xf32, #tpu.memory_space<vmem_shared>> -> memref<624xf32, #tpu.memory_space<vmem_shared>>
      tpu.wait_dma2 semaphore(%run_scoped3A : memref<!tpu.dma_semaphore, #tpu.memory_space<semaphore_mem>>) src(%arg10 : memref<624xf32, #tpu.memory_space<vmem>>) dst(%dma_wait3A_172 : memref<624xf32, #tpu.memory_space<vmem_shared>>)
      tpu.yield
    }) : () -> ()
    %eq3A = arith.constant 15 : i32
    %eq3A_6 = arith.cmpi eq, %arg1, %eq3A : i32
    %convert_element_type3A = arith.extui %eq3A_6 : i1 to i32
    %cond3A = arith.constant 0 : i32
    %cond3A_7 = arith.cmpi ne, %convert_element_type3A, %cond3A : i32
    scf.if %cond3A_7 {
      "tpu.region"() ({
        %run_scoped3A = tpu.sem_alloc : memref<!tpu.dma_semaphore, #tpu.memory_space<semaphore_mem>>
        %dma_start3A_169 = arith.constant 0 : i32
        %dma_start3A_170 = tpu.memref_slice %arg10[%dma_start3A_169] : memref<624xf32, #tpu.memory_space<vmem>> -> memref<16xf32, #tpu.memory_space<vmem>>
        %dma_start3A_171 = arith.constant 9984 : i32
        %dma_start3A_172 = tpu.memref_slice %arg11[%dma_start3A_171] : memref<10000xf32, #tpu.memory_space<vmem_shared>> -> memref<16xf32, #tpu.memory_space<vmem_shared>>
        %dma_start3A_173 = arith.constant 9984 : i32
        %dma_start3A_174 = tpu.memref_slice %arg11[%dma_start3A_173] : memref<10000xf32, #tpu.memory_space<vmem_shared>> -> memref<16xf32, #tpu.memory_space<vmem_shared>>
        %dma_start3A_175 = arith.constant 0 : i32
        %dma_start3A_176 = tpu.memref_slice %arg10[%dma_start3A_175] : memref<624xf32, #tpu.memory_space<vmem>> -> memref<16xf32, #tpu.memory_space<vmem>>
        tpu.enqueue_dma source(%dma_start3A_176 : memref<16xf32, #tpu.memory_space<vmem>>) target(%dma_start3A_174 : memref<16xf32, #tpu.memory_space<vmem_shared>>) target_semaphore(%run_scoped3A : memref<!tpu.dma_semaphore, #tpu.memory_space<semaphore_mem>>)
        %dma_wait3A_177 = arith.constant 0 : i32
        %dma_wait3A_178 = tpu.memref_slice %arg10[%dma_wait3A_177] : memref<624xf32, #tpu.memory_space<vmem>> -> memref<16xf32, #tpu.memory_space<vmem>>
        %dma_wait3A_179 = arith.constant 9984 : i32
        %dma_wait3A_180 = tpu.memref_slice %arg11[%dma_wait3A_179] : memref<10000xf32, #tpu.memory_space<vmem_shared>> -> memref<16xf32, #tpu.memory_space<vmem_shared>>
        %dma_wait3A_181 = arith.constant 9984 : i32
        %dma_wait3A_182 = tpu.memref_slice %arg11[%dma_wait3A_181] : memref<10000xf32, #tpu.memory_space<vmem_shared>> -> memref<16xf32, #tpu.memory_space<vmem_shared>>
        %dma_wait3A_183 = arith.constant 0 : i32
        %dma_wait3A_184 = tpu.memref_slice %arg10[%dma_wait3A_183] : memref<624xf32, #tpu.memory_space<vmem>> -> memref<16xf32, #tpu.memory_space<vmem>>
        tpu.wait_dma2 semaphore(%run_scoped3A : memref<!tpu.dma_semaphore, #tpu.memory_space<semaphore_mem>>) src(%dma_wait3A_184 : memref<16xf32, #tpu.memory_space<vmem>>) dst(%dma_wait3A_182 : memref<16xf32, #tpu.memory_space<vmem_shared>>)
        tpu.yield
      }) : () -> ()
    } else {
    }
    %broadcast_in_dim3A = arith.constant 1.000000e+00 : f32
    %broadcast_in_dim3A_8 = vector.broadcast %broadcast_in_dim3A : f32 to vector<16xf32>
    %swap3A = arith.constant 0 : index
    %swap3A_9 = tpu.vector_load %arg9[%swap3A] {strides = array<i32>} : memref<128xf32, #tpu.memory_space<vmem>>, vector<16xf32>,
    tpu.vector_store %arg9[%swap3A], %broadcast_in_dim3A_8 {strides = array<i32>} : memref<128xf32, #tpu.memory_space<vmem>>, vector<16xf32>,
    %broadcast_in_dim3A_10 = arith.constant 1.000000e+00 : f32
    %broadcast_in_dim3A_11 = vector.broadcast %broadcast_in_dim3A_10 : f32 to vector<16xf32>
    %swap3A_12 = arith.constant 16 : index
    %swap3A_13 = tpu.vector_load %arg9[%swap3A_12] {strides = array<i32>} : memref<128xf32, #tpu.memory_space<vmem>>, vector<16xf32>,
    tpu.vector_store %arg9[%swap3A_12], %broadcast_in_dim3A_11 {strides = array<i32>} : memref<128xf32, #tpu.memory_space<vmem>>, vector<16xf32>,
    %broadcast_in_dim3A_14 = arith.constant 1.000000e+00 : f32
    %broadcast_in_dim3A_15 = vector.broadcast %broadcast_in_dim3A_14 : f32 to vector<16xf32>
    %swap3A_16 = arith.constant 32 : index
    %swap3A_17 = tpu.vector_load %arg9[%swap3A_16] {strides = array<i32>} : memref<128xf32, #tpu.memory_space<vmem>>, vector<16xf32>,
    tpu.vector_store %arg9[%swap3A_16], %broadcast_in_dim3A_15 {strides = array<i32>} : memref<128xf32, #tpu.memory_space<vmem>>, vector<16xf32>,
    %broadcast_in_dim3A_18 = arith.constant 1.000000e+00 : f32
    %broadcast_in_dim3A_19 = vector.broadcast %broadcast_in_dim3A_18 : f32 to vector<16xf32>
    %swap3A_20 = arith.constant 48 : index
    %swap3A_21 = tpu.vector_load %arg9[%swap3A_20] {strides = array<i32>} : memref<128xf32, #tpu.memory_space<vmem>>, vector<16xf32>,
    tpu.vector_store %arg9[%swap3A_20], %broadcast_in_dim3A_19 {strides = array<i32>} : memref<128xf32, #tpu.memory_space<vmem>>, vector<16xf32>,
    %broadcast_in_dim3A_22 = arith.constant 1.000000e+00 : f32
    %broadcast_in_dim3A_23 = vector.broadcast %broadcast_in_dim3A_22 : f32 to vector<16xf32>
    %swap3A_24 = arith.constant 64 : index
    %swap3A_25 = tpu.vector_load %arg9[%swap3A_24] {strides = array<i32>} : memref<128xf32, #tpu.memory_space<vmem>>, vector<16xf32>,
    tpu.vector_store %arg9[%swap3A_24], %broadcast_in_dim3A_23 {strides = array<i32>} : memref<128xf32, #tpu.memory_space<vmem>>, vector<16xf32>,
    %broadcast_in_dim3A_26 = arith.constant 1.000000e+00 : f32
    %broadcast_in_dim3A_27 = vector.broadcast %broadcast_in_dim3A_26 : f32 to vector<16xf32>
    %swap3A_28 = arith.constant 80 : index
    %swap3A_29 = tpu.vector_load %arg9[%swap3A_28] {strides = array<i32>} : memref<128xf32, #tpu.memory_space<vmem>>, vector<16xf32>,
    tpu.vector_store %arg9[%swap3A_28], %broadcast_in_dim3A_27 {strides = array<i32>} : memref<128xf32, #tpu.memory_space<vmem>>, vector<16xf32>,
    %broadcast_in_dim3A_30 = arith.constant 1.000000e+00 : f32
    %broadcast_in_dim3A_31 = vector.broadcast %broadcast_in_dim3A_30 : f32 to vector<16xf32>
    %swap3A_32 = arith.constant 96 : index
    %swap3A_33 = tpu.vector_load %arg9[%swap3A_32] {strides = array<i32>} : memref<128xf32, #tpu.memory_space<vmem>>, vector<16xf32>,
    tpu.vector_store %arg9[%swap3A_32], %broadcast_in_dim3A_31 {strides = array<i32>} : memref<128xf32, #tpu.memory_space<vmem>>, vector<16xf32>,
    %broadcast_in_dim3A_34 = arith.constant 1.000000e+00 : f32
    %broadcast_in_dim3A_35 = vector.broadcast %broadcast_in_dim3A_34 : f32 to vector<16xf32>
    %swap3A_36 = arith.constant 112 : index
    %swap3A_37 = tpu.vector_load %arg9[%swap3A_36] {strides = array<i32>} : memref<128xf32, #tpu.memory_space<vmem>>, vector<16xf32>,
    tpu.vector_store %arg9[%swap3A_36], %broadcast_in_dim3A_35 {strides = array<i32>} : memref<128xf32, #tpu.memory_space<vmem>>, vector<16xf32>,
    %barrier3A = arith.constant 0 : index
    tpu.barrier barrier_id(%barrier3A)
    %multiple_of3A_38 = arith.constant 0 : i32
    %multiple_of3A_39 = tpu.assume_multiple %multiple_of3A_38, 8 : i32
    %add3A_40 = arith.constant 0 : i32
    %add3A_41 = arith.addi %multiple_of3A_39, %add3A_40 : i32
    %get3A = arith.index_cast %add3A_41 : i32 to index
    %get3A_42 = tpu.vector_load %arg5[%get3A] {strides = array<i32>} : memref<10000xi32, #tpu.memory_space<vmem>>, vector<16xi32>,
    %swap3A_43 = arith.constant 0 : index
    %swap3A_44 = tpu.vector_load %arg6[%swap3A_43] {strides = array<i32>} : memref<128xi32, #tpu.memory_space<vmem>>, vector<16xi32>,
    tpu.vector_store %arg6[%swap3A_43], %get3A_42 {strides = array<i32>} : memref<128xi32, #tpu.memory_space<vmem>>, vector<16xi32>,
    %add3A_45 = arith.constant 16 : i32
    %add3A_46 = arith.addi %multiple_of3A_39, %add3A_45 : i32
    %get3A_47 = arith.index_cast %add3A_46 : i32 to index
    %get3A_48 = tpu.vector_load %arg5[%get3A_47] {strides = array<i32>} : memref<10000xi32, #tpu.memory_space<vmem>>, vector<16xi32>,
    %swap3A_49 = arith.constant 16 : index
    %swap3A_50 = tpu.vector_load %arg6[%swap3A_49] {strides = array<i32>} : memref<128xi32, #tpu.memory_space<vmem>>, vector<16xi32>,
    tpu.vector_store %arg6[%swap3A_49], %get3A_48 {strides = array<i32>} : memref<128xi32, #tpu.memory_space<vmem>>, vector<16xi32>,
    %add3A_51 = arith.constant 32 : i32
    %add3A_52 = arith.addi %multiple_of3A_39, %add3A_51 : i32
    %get3A_53 = arith.index_cast %add3A_52 : i32 to index
    %get3A_54 = tpu.vector_load %arg5[%get3A_53] {strides = array<i32>} : memref<10000xi32, #tpu.memory_space<vmem>>, vector<16xi32>,
    %swap3A_55 = arith.constant 32 : index
    %swap3A_56 = tpu.vector_load %arg6[%swap3A_55] {strides = array<i32>} : memref<128xi32, #tpu.memory_space<vmem>>, vector<16xi32>,
    tpu.vector_store %arg6[%swap3A_55], %get3A_54 {strides = array<i32>} : memref<128xi32, #tpu.memory_space<vmem>>, vector<16xi32>,
    %add3A_57 = arith.constant 48 : i32
    %add3A_58 = arith.addi %multiple_of3A_39, %add3A_57 : i32
    %get3A_59 = arith.index_cast %add3A_58 : i32 to index
    %get3A_60 = tpu.vector_load %arg5[%get3A_59] {strides = array<i32>} : memref<10000xi32, #tpu.memory_space<vmem>>, vector<16xi32>,
    %swap3A_61 = arith.constant 48 : index
    %swap3A_62 = tpu.vector_load %arg6[%swap3A_61] {strides = array<i32>} : memref<128xi32, #tpu.memory_space<vmem>>, vector<16xi32>,
    tpu.vector_store %arg6[%swap3A_61], %get3A_60 {strides = array<i32>} : memref<128xi32, #tpu.memory_space<vmem>>, vector<16xi32>,
    %add3A_63 = arith.constant 64 : i32
    %add3A_64 = arith.addi %multiple_of3A_39, %add3A_63 : i32
    %get3A_65 = arith.index_cast %add3A_64 : i32 to index
    %get3A_66 = tpu.vector_load %arg5[%get3A_65] {strides = array<i32>} : memref<10000xi32, #tpu.memory_space<vmem>>, vector<16xi32>,
    %swap3A_67 = arith.constant 64 : index
    %swap3A_68 = tpu.vector_load %arg6[%swap3A_67] {strides = array<i32>} : memref<128xi32, #tpu.memory_space<vmem>>, vector<16xi32>,
    tpu.vector_store %arg6[%swap3A_67], %get3A_66 {strides = array<i32>} : memref<128xi32, #tpu.memory_space<vmem>>, vector<16xi32>,
    %add3A_69 = arith.constant 80 : i32
    %add3A_70 = arith.addi %multiple_of3A_39, %add3A_69 : i32
    %get3A_71 = arith.index_cast %add3A_70 : i32 to index
    %get3A_72 = tpu.vector_load %arg5[%get3A_71] {strides = array<i32>} : memref<10000xi32, #tpu.memory_space<vmem>>, vector<16xi32>,
    %swap3A_73 = arith.constant 80 : index
    %swap3A_74 = tpu.vector_load %arg6[%swap3A_73] {strides = array<i32>} : memref<128xi32, #tpu.memory_space<vmem>>, vector<16xi32>,
    tpu.vector_store %arg6[%swap3A_73], %get3A_72 {strides = array<i32>} : memref<128xi32, #tpu.memory_space<vmem>>, vector<16xi32>,
    %add3A_75 = arith.constant 96 : i32
    %add3A_76 = arith.addi %multiple_of3A_39, %add3A_75 : i32
    %get3A_77 = arith.index_cast %add3A_76 : i32 to index
    %get3A_78 = tpu.vector_load %arg5[%get3A_77] {strides = array<i32>} : memref<10000xi32, #tpu.memory_space<vmem>>, vector<16xi32>,
    %swap3A_79 = arith.constant 96 : index
    %swap3A_80 = tpu.vector_load %arg6[%swap3A_79] {strides = array<i32>} : memref<128xi32, #tpu.memory_space<vmem>>, vector<16xi32>,
    tpu.vector_store %arg6[%swap3A_79], %get3A_78 {strides = array<i32>} : memref<128xi32, #tpu.memory_space<vmem>>, vector<16xi32>,
    %add3A_81 = arith.constant 112 : i32
    %add3A_82 = arith.addi %multiple_of3A_39, %add3A_81 : i32
    %get3A_83 = arith.index_cast %add3A_82 : i32 to index
    %get3A_84 = tpu.vector_load %arg5[%get3A_83] {strides = array<i32>} : memref<10000xi32, #tpu.memory_space<vmem>>, vector<16xi32>,
    %swap3A_85 = arith.constant 112 : index
    %swap3A_86 = tpu.vector_load %arg6[%swap3A_85] {strides = array<i32>} : memref<128xi32, #tpu.memory_space<vmem>>, vector<16xi32>,
    tpu.vector_store %arg6[%swap3A_85], %get3A_84 {strides = array<i32>} : memref<128xi32, #tpu.memory_space<vmem>>, vector<16xi32>,
    %dma_start3A = arith.constant 0 : i32
    %dma_start3A_87 = tpu.memref_slice %arg11[%dma_start3A] : memref<10000xf32, #tpu.memory_space<vmem_shared>> -> memref<10000xf32, #tpu.memory_space<vmem_shared>>
    tpu.enqueue_indirect_dma source(%arg9 : memref<128xf32, #tpu.memory_space<vmem>>) target(%dma_start3A_87 : memref<10000xf32, #tpu.memory_space<vmem_shared>>) offsets(%arg6 : memref<128xi32, #tpu.memory_space<vmem>>) semaphore(%arg12 : memref<!tpu.dma_semaphore, #tpu.memory_space<semaphore_mem>>) {add = true}
    %multiple_of3A_88 = arith.constant 128 : i32
    %multiple_of3A_89 = tpu.assume_multiple %multiple_of3A_88, 8 : i32
    %add3A_90 = arith.constant 0 : i32
    %add3A_91 = arith.addi %multiple_of3A_89, %add3A_90 : i32
    %get3A_92 = arith.index_cast %add3A_91 : i32 to index
    %get3A_93 = tpu.vector_load %arg5[%get3A_92] {strides = array<i32>} : memref<10000xi32, #tpu.memory_space<vmem>>, vector<16xi32>,
    %swap3A_94 = arith.constant 0 : index
    %swap3A_95 = tpu.vector_load %arg7[%swap3A_94] {strides = array<i32>} : memref<128xi32, #tpu.memory_space<vmem>>, vector<16xi32>,
    tpu.vector_store %arg7[%swap3A_94], %get3A_93 {strides = array<i32>} : memref<128xi32, #tpu.memory_space<vmem>>, vector<16xi32>,
    %add3A_96 = arith.constant 16 : i32
    %add3A_97 = arith.addi %multiple_of3A_89, %add3A_96 : i32
    %get3A_98 = arith.index_cast %add3A_97 : i32 to index
    %get3A_99 = tpu.vector_load %arg5[%get3A_98] {strides = array<i32>} : memref<10000xi32, #tpu.memory_space<vmem>>, vector<16xi32>,
    %swap3A_100 = arith.constant 16 : index
    %swap3A_101 = tpu.vector_load %arg7[%swap3A_100] {strides = array<i32>} : memref<128xi32, #tpu.memory_space<vmem>>, vector<16xi32>,
    tpu.vector_store %arg7[%swap3A_100], %get3A_99 {strides = array<i32>} : memref<128xi32, #tpu.memory_space<vmem>>, vector<16xi32>,
    %add3A_102 = arith.constant 32 : i32
    %add3A_103 = arith.addi %multiple_of3A_89, %add3A_102 : i32
    %get3A_104 = arith.index_cast %add3A_103 : i32 to index
    %get3A_105 = tpu.vector_load %arg5[%get3A_104] {strides = array<i32>} : memref<10000xi32, #tpu.memory_space<vmem>>, vector<16xi32>,
    %swap3A_106 = arith.constant 32 : index
    %swap3A_107 = tpu.vector_load %arg7[%swap3A_106] {strides = array<i32>} : memref<128xi32, #tpu.memory_space<vmem>>, vector<16xi32>,
    tpu.vector_store %arg7[%swap3A_106], %get3A_105 {strides = array<i32>} : memref<128xi32, #tpu.memory_space<vmem>>, vector<16xi32>,
    %add3A_108 = arith.constant 48 : i32
    %add3A_109 = arith.addi %multiple_of3A_89, %add3A_108 : i32
    %get3A_110 = arith.index_cast %add3A_109 : i32 to index
    %get3A_111 = tpu.vector_load %arg5[%get3A_110] {strides = array<i32>} : memref<10000xi32, #tpu.memory_space<vmem>>, vector<16xi32>,
    %swap3A_112 = arith.constant 48 : index
    %swap3A_113 = tpu.vector_load %arg7[%swap3A_112] {strides = array<i32>} : memref<128xi32, #tpu.memory_space<vmem>>, vector<16xi32>,
    tpu.vector_store %arg7[%swap3A_112], %get3A_111 {strides = array<i32>} : memref<128xi32, #tpu.memory_space<vmem>>, vector<16xi32>,
    %add3A_114 = arith.constant 64 : i32
    %add3A_115 = arith.addi %multiple_of3A_89, %add3A_114 : i32
    %get3A_116 = arith.index_cast %add3A_115 : i32 to index
    %get3A_117 = tpu.vector_load %arg5[%get3A_116] {strides = array<i32>} : memref<10000xi32, #tpu.memory_space<vmem>>, vector<16xi32>,
    %swap3A_118 = arith.constant 64 : index
    %swap3A_119 = tpu.vector_load %arg7[%swap3A_118] {strides = array<i32>} : memref<128xi32, #tpu.memory_space<vmem>>, vector<16xi32>,
    tpu.vector_store %arg7[%swap3A_118], %get3A_117 {strides = array<i32>} : memref<128xi32, #tpu.memory_space<vmem>>, vector<16xi32>,
    %add3A_120 = arith.constant 80 : i32
    %add3A_121 = arith.addi %multiple_of3A_89, %add3A_120 : i32
    %get3A_122 = arith.index_cast %add3A_121 : i32 to index
    %get3A_123 = tpu.vector_load %arg5[%get3A_122] {strides = array<i32>} : memref<10000xi32, #tpu.memory_space<vmem>>, vector<16xi32>,
    %swap3A_124 = arith.constant 80 : index
    %swap3A_125 = tpu.vector_load %arg7[%swap3A_124] {strides = array<i32>} : memref<128xi32, #tpu.memory_space<vmem>>, vector<16xi32>,
    tpu.vector_store %arg7[%swap3A_124], %get3A_123 {strides = array<i32>} : memref<128xi32, #tpu.memory_space<vmem>>, vector<16xi32>,
    %add3A_126 = arith.constant 96 : i32
    %add3A_127 = arith.addi %multiple_of3A_89, %add3A_126 : i32
    %get3A_128 = arith.index_cast %add3A_127 : i32 to index
    %get3A_129 = tpu.vector_load %arg5[%get3A_128] {strides = array<i32>} : memref<10000xi32, #tpu.memory_space<vmem>>, vector<16xi32>,
    %swap3A_130 = arith.constant 96 : index
    %swap3A_131 = tpu.vector_load %arg7[%swap3A_130] {strides = array<i32>} : memref<128xi32, #tpu.memory_space<vmem>>, vector<16xi32>,
    tpu.vector_store %arg7[%swap3A_130], %get3A_129 {strides = array<i32>} : memref<128xi32, #tpu.memory_space<vmem>>, vector<16xi32>,
    %add3A_132 = arith.constant 112 : i32
    %add3A_133 = arith.addi %multiple_of3A_89, %add3A_132 : i32
    %get3A_134 = arith.index_cast %add3A_133 : i32 to index
    %get3A_135 = tpu.vector_load %arg5[%get3A_134] {strides = array<i32>} : memref<10000xi32, #tpu.memory_space<vmem>>, vector<16xi32>,
    %swap3A_136 = arith.constant 112 : index
    %swap3A_137 = tpu.vector_load %arg7[%swap3A_136] {strides = array<i32>} : memref<128xi32, #tpu.memory_space<vmem>>, vector<16xi32>,
    tpu.vector_store %arg7[%swap3A_136], %get3A_135 {strides = array<i32>} : memref<128xi32, #tpu.memory_space<vmem>>, vector<16xi32>,
    %dma_start3A_138 = arith.constant 0 : i32
    %dma_start3A_139 = tpu.memref_slice %arg11[%dma_start3A_138] : memref<10000xf32, #tpu.memory_space<vmem_shared>> -> memref<10000xf32, #tpu.memory_space<vmem_shared>>
    tpu.enqueue_indirect_dma source(%arg9 : memref<128xf32, #tpu.memory_space<vmem>>) target(%dma_start3A_139 : memref<10000xf32, #tpu.memory_space<vmem_shared>>) offsets(%arg7 : memref<128xi32, #tpu.memory_space<vmem>>) semaphore(%arg13 : memref<!tpu.dma_semaphore, #tpu.memory_space<semaphore_mem>>) {add = true}
    %scan3A = arith.constant 0 : i32
    %scan3A_140 = arith.constant 0 : i32
    %scan3A_141 = arith.constant 38 : i32
    %scan3A_142 = arith.addi %scan3A_140, %scan3A_141 : i32
    %scan3A_143 = arith.constant 1 : i32
    scf.for %scan3A_169 = %scan3A_140 to %scan3A_142 step %scan3A_143  : i32 {
      %dma_wait3A_170 = arith.constant 0 : i32
      %dma_wait3A_171 = tpu.memref_slice %arg11[%dma_wait3A_170] : memref<10000xf32, #tpu.memory_space<vmem_shared>> -> memref<10000xf32, #tpu.memory_space<vmem_shared>>
      tpu.wait_indirect_dma semaphore(%arg12 : memref<!tpu.dma_semaphore, #tpu.memory_space<semaphore_mem>>) src(%arg9 : memref<128xf32, #tpu.memory_space<vmem>>) dst(%dma_wait3A_171 : memref<10000xf32, #tpu.memory_space<vmem_shared>>)
      %mul3A_172 = arith.constant 2 : i32
      %mul3A_173 = arith.muli %mul3A_172, %scan3A_169 : i32
      %add3A_174 = arith.constant 2 : i32
      %add3A_175 = arith.addi %mul3A_173, %add3A_174 : i32
      %mul3A_176 = arith.constant 128 : i32
      %mul3A_177 = arith.muli %add3A_175, %mul3A_176 : i32
      %multiple_of3A_178 = tpu.assume_multiple %mul3A_177, 8 : i32
      %add3A_179 = arith.constant 0 : i32
      %add3A_180 = arith.addi %multiple_of3A_178, %add3A_179 : i32
      %get3A_181 = arith.index_cast %add3A_180 : i32 to index
      %get3A_182 = tpu.vector_load %arg5[%get3A_181] {strides = array<i32>} : memref<10000xi32, #tpu.memory_space<vmem>>, vector<16xi32>,
      %swap3A_183 = arith.constant 0 : index
      %swap3A_184 = tpu.vector_load %arg6[%swap3A_183] {strides = array<i32>} : memref<128xi32, #tpu.memory_space<vmem>>, vector<16xi32>,
      tpu.vector_store %arg6[%swap3A_183], %get3A_182 {strides = array<i32>} : memref<128xi32, #tpu.memory_space<vmem>>, vector<16xi32>,
      %add3A_185 = arith.constant 16 : i32
      %add3A_186 = arith.addi %multiple_of3A_178, %add3A_185 : i32
      %get3A_187 = arith.index_cast %add3A_186 : i32 to index
      %get3A_188 = tpu.vector_load %arg5[%get3A_187] {strides = array<i32>} : memref<10000xi32, #tpu.memory_space<vmem>>, vector<16xi32>,
      %swap3A_189 = arith.constant 16 : index
      %swap3A_190 = tpu.vector_load %arg6[%swap3A_189] {strides = array<i32>} : memref<128xi32, #tpu.memory_space<vmem>>, vector<16xi32>,
      tpu.vector_store %arg6[%swap3A_189], %get3A_188 {strides = array<i32>} : memref<128xi32, #tpu.memory_space<vmem>>, vector<16xi32>,
      %add3A_191 = arith.constant 32 : i32
      %add3A_192 = arith.addi %multiple_of3A_178, %add3A_191 : i32
      %get3A_193 = arith.index_cast %add3A_192 : i32 to index
      %get3A_194 = tpu.vector_load %arg5[%get3A_193] {strides = array<i32>} : memref<10000xi32, #tpu.memory_space<vmem>>, vector<16xi32>,
      %swap3A_195 = arith.constant 32 : index
      %swap3A_196 = tpu.vector_load %arg6[%swap3A_195] {strides = array<i32>} : memref<128xi32, #tpu.memory_space<vmem>>, vector<16xi32>,
      tpu.vector_store %arg6[%swap3A_195], %get3A_194 {strides = array<i32>} : memref<128xi32, #tpu.memory_space<vmem>>, vector<16xi32>,
      %add3A_197 = arith.constant 48 : i32
      %add3A_198 = arith.addi %multiple_of3A_178, %add3A_197 : i32
      %get3A_199 = arith.index_cast %add3A_198 : i32 to index
      %get3A_200 = tpu.vector_load %arg5[%get3A_199] {strides = array<i32>} : memref<10000xi32, #tpu.memory_space<vmem>>, vector<16xi32>,
      %swap3A_201 = arith.constant 48 : index
      %swap3A_202 = tpu.vector_load %arg6[%swap3A_201] {strides = array<i32>} : memref<128xi32, #tpu.memory_space<vmem>>, vector<16xi32>,
      tpu.vector_store %arg6[%swap3A_201], %get3A_200 {strides = array<i32>} : memref<128xi32, #tpu.memory_space<vmem>>, vector<16xi32>,
      %add3A_203 = arith.constant 64 : i32
      %add3A_204 = arith.addi %multiple_of3A_178, %add3A_203 : i32
      %get3A_205 = arith.index_cast %add3A_204 : i32 to index
      %get3A_206 = tpu.vector_load %arg5[%get3A_205] {strides = array<i32>} : memref<10000xi32, #tpu.memory_space<vmem>>, vector<16xi32>,
      %swap3A_207 = arith.constant 64 : index
      %swap3A_208 = tpu.vector_load %arg6[%swap3A_207] {strides = array<i32>} : memref<128xi32, #tpu.memory_space<vmem>>, vector<16xi32>,
      tpu.vector_store %arg6[%swap3A_207], %get3A_206 {strides = array<i32>} : memref<128xi32, #tpu.memory_space<vmem>>, vector<16xi32>,
      %add3A_209 = arith.constant 80 : i32
      %add3A_210 = arith.addi %multiple_of3A_178, %add3A_209 : i32
      %get3A_211 = arith.index_cast %add3A_210 : i32 to index
      %get3A_212 = tpu.vector_load %arg5[%get3A_211] {strides = array<i32>} : memref<10000xi32, #tpu.memory_space<vmem>>, vector<16xi32>,
      %swap3A_213 = arith.constant 80 : index
      %swap3A_214 = tpu.vector_load %arg6[%swap3A_213] {strides = array<i32>} : memref<128xi32, #tpu.memory_space<vmem>>, vector<16xi32>,
      tpu.vector_store %arg6[%swap3A_213], %get3A_212 {strides = array<i32>} : memref<128xi32, #tpu.memory_space<vmem>>, vector<16xi32>,
      %add3A_215 = arith.constant 96 : i32
      %add3A_216 = arith.addi %multiple_of3A_178, %add3A_215 : i32
      %get3A_217 = arith.index_cast %add3A_216 : i32 to index
      %get3A_218 = tpu.vector_load %arg5[%get3A_217] {strides = array<i32>} : memref<10000xi32, #tpu.memory_space<vmem>>, vector<16xi32>,
      %swap3A_219 = arith.constant 96 : index
      %swap3A_220 = tpu.vector_load %arg6[%swap3A_219] {strides = array<i32>} : memref<128xi32, #tpu.memory_space<vmem>>, vector<16xi32>,
      tpu.vector_store %arg6[%swap3A_219], %get3A_218 {strides = array<i32>} : memref<128xi32, #tpu.memory_space<vmem>>, vector<16xi32>,
      %add3A_221 = arith.constant 112 : i32
      %add3A_222 = arith.addi %multiple_of3A_178, %add3A_221 : i32
      %get3A_223 = arith.index_cast %add3A_222 : i32 to index
      %get3A_224 = tpu.vector_load %arg5[%get3A_223] {strides = array<i32>} : memref<10000xi32, #tpu.memory_space<vmem>>, vector<16xi32>,
      %swap3A_225 = arith.constant 112 : index
      %swap3A_226 = tpu.vector_load %arg6[%swap3A_225] {strides = array<i32>} : memref<128xi32, #tpu.memory_space<vmem>>, vector<16xi32>,
      tpu.vector_store %arg6[%swap3A_225], %get3A_224 {strides = array<i32>} : memref<128xi32, #tpu.memory_space<vmem>>, vector<16xi32>,
      %dma_start3A_227 = arith.constant 0 : i32
      %dma_start3A_228 = tpu.memref_slice %arg11[%dma_start3A_227] : memref<10000xf32, #tpu.memory_space<vmem_shared>> -> memref<10000xf32, #tpu.memory_space<vmem_shared>>
      tpu.enqueue_indirect_dma source(%arg9 : memref<128xf32, #tpu.memory_space<vmem>>) target(%dma_start3A_228 : memref<10000xf32, #tpu.memory_space<vmem_shared>>) offsets(%arg6 : memref<128xi32, #tpu.memory_space<vmem>>) semaphore(%arg12 : memref<!tpu.dma_semaphore, #tpu.memory_space<semaphore_mem>>) {add = true}
      %dma_wait3A_229 = arith.constant 0 : i32
      %dma_wait3A_230 = tpu.memref_slice %arg11[%dma_wait3A_229] : memref<10000xf32, #tpu.memory_space<vmem_shared>> -> memref<10000xf32, #tpu.memory_space<vmem_shared>>
      tpu.wait_indirect_dma semaphore(%arg13 : memref<!tpu.dma_semaphore, #tpu.memory_space<semaphore_mem>>) src(%arg9 : memref<128xf32, #tpu.memory_space<vmem>>) dst(%dma_wait3A_230 : memref<10000xf32, #tpu.memory_space<vmem_shared>>)
      %mul3A_231 = arith.constant 2 : i32
      %mul3A_232 = arith.muli %mul3A_231, %scan3A_169 : i32
      %add3A_233 = arith.constant 3 : i32
      %add3A_234 = arith.addi %mul3A_232, %add3A_233 : i32
      %mul3A_235 = arith.constant 128 : i32
      %mul3A_236 = arith.muli %add3A_234, %mul3A_235 : i32
      %multiple_of3A_237 = tpu.assume_multiple %mul3A_236, 8 : i32
      %add3A_238 = arith.constant 0 : i32
      %add3A_239 = arith.addi %multiple_of3A_237, %add3A_238 : i32
      %get3A_240 = arith.index_cast %add3A_239 : i32 to index
      %get3A_241 = tpu.vector_load %arg5[%get3A_240] {strides = array<i32>} : memref<10000xi32, #tpu.memory_space<vmem>>, vector<16xi32>,
      %swap3A_242 = arith.constant 0 : index
      %swap3A_243 = tpu.vector_load %arg7[%swap3A_242] {strides = array<i32>} : memref<128xi32, #tpu.memory_space<vmem>>, vector<16xi32>,
      tpu.vector_store %arg7[%swap3A_242], %get3A_241 {strides = array<i32>} : memref<128xi32, #tpu.memory_space<vmem>>, vector<16xi32>,
      %add3A_244 = arith.constant 16 : i32
      %add3A_245 = arith.addi %multiple_of3A_237, %add3A_244 : i32
      %get3A_246 = arith.index_cast %add3A_245 : i32 to index
      %get3A_247 = tpu.vector_load %arg5[%get3A_246] {strides = array<i32>} : memref<10000xi32, #tpu.memory_space<vmem>>, vector<16xi32>,
      %swap3A_248 = arith.constant 16 : index
      %swap3A_249 = tpu.vector_load %arg7[%swap3A_248] {strides = array<i32>} : memref<128xi32, #tpu.memory_space<vmem>>, vector<16xi32>,
      tpu.vector_store %arg7[%swap3A_248], %get3A_247 {strides = array<i32>} : memref<128xi32, #tpu.memory_space<vmem>>, vector<16xi32>,
      %add3A_250 = arith.constant 32 : i32
      %add3A_251 = arith.addi %multiple_of3A_237, %add3A_250 : i32
      %get3A_252 = arith.index_cast %add3A_251 : i32 to index
      %get3A_253 = tpu.vector_load %arg5[%get3A_252] {strides = array<i32>} : memref<10000xi32, #tpu.memory_space<vmem>>, vector<16xi32>,
      %swap3A_254 = arith.constant 32 : index
      %swap3A_255 = tpu.vector_load %arg7[%swap3A_254] {strides = array<i32>} : memref<128xi32, #tpu.memory_space<vmem>>, vector<16xi32>,
      tpu.vector_store %arg7[%swap3A_254], %get3A_253 {strides = array<i32>} : memref<128xi32, #tpu.memory_space<vmem>>, vector<16xi32>,
      %add3A_256 = arith.constant 48 : i32
      %add3A_257 = arith.addi %multiple_of3A_237, %add3A_256 : i32
      %get3A_258 = arith.index_cast %add3A_257 : i32 to index
      %get3A_259 = tpu.vector_load %arg5[%get3A_258] {strides = array<i32>} : memref<10000xi32, #tpu.memory_space<vmem>>, vector<16xi32>,
      %swap3A_260 = arith.constant 48 : index
      %swap3A_261 = tpu.vector_load %arg7[%swap3A_260] {strides = array<i32>} : memref<128xi32, #tpu.memory_space<vmem>>, vector<16xi32>,
      tpu.vector_store %arg7[%swap3A_260], %get3A_259 {strides = array<i32>} : memref<128xi32, #tpu.memory_space<vmem>>, vector<16xi32>,
      %add3A_262 = arith.constant 64 : i32
      %add3A_263 = arith.addi %multiple_of3A_237, %add3A_262 : i32
      %get3A_264 = arith.index_cast %add3A_263 : i32 to index
      %get3A_265 = tpu.vector_load %arg5[%get3A_264] {strides = array<i32>} : memref<10000xi32, #tpu.memory_space<vmem>>, vector<16xi32>,
      %swap3A_266 = arith.constant 64 : index
      %swap3A_267 = tpu.vector_load %arg7[%swap3A_266] {strides = array<i32>} : memref<128xi32, #tpu.memory_space<vmem>>, vector<16xi32>,
      tpu.vector_store %arg7[%swap3A_266], %get3A_265 {strides = array<i32>} : memref<128xi32, #tpu.memory_space<vmem>>, vector<16xi32>,
      %add3A_268 = arith.constant 80 : i32
      %add3A_269 = arith.addi %multiple_of3A_237, %add3A_268 : i32
      %get3A_270 = arith.index_cast %add3A_269 : i32 to index
      %get3A_271 = tpu.vector_load %arg5[%get3A_270] {strides = array<i32>} : memref<10000xi32, #tpu.memory_space<vmem>>, vector<16xi32>,
      %swap3A_272 = arith.constant 80 : index
      %swap3A_273 = tpu.vector_load %arg7[%swap3A_272] {strides = array<i32>} : memref<128xi32, #tpu.memory_space<vmem>>, vector<16xi32>,
      tpu.vector_store %arg7[%swap3A_272], %get3A_271 {strides = array<i32>} : memref<128xi32, #tpu.memory_space<vmem>>, vector<16xi32>,
      %add3A_274 = arith.constant 96 : i32
      %add3A_275 = arith.addi %multiple_of3A_237, %add3A_274 : i32
      %get3A_276 = arith.index_cast %add3A_275 : i32 to index
      %get3A_277 = tpu.vector_load %arg5[%get3A_276] {strides = array<i32>} : memref<10000xi32, #tpu.memory_space<vmem>>, vector<16xi32>,
      %swap3A_278 = arith.constant 96 : index
      %swap3A_279 = tpu.vector_load %arg7[%swap3A_278] {strides = array<i32>} : memref<128xi32, #tpu.memory_space<vmem>>, vector<16xi32>,
      tpu.vector_store %arg7[%swap3A_278], %get3A_277 {strides = array<i32>} : memref<128xi32, #tpu.memory_space<vmem>>, vector<16xi32>,
      %add3A_280 = arith.constant 112 : i32
      %add3A_281 = arith.addi %multiple_of3A_237, %add3A_280 : i32
      %get3A_282 = arith.index_cast %add3A_281 : i32 to index
      %get3A_283 = tpu.vector_load %arg5[%get3A_282] {strides = array<i32>} : memref<10000xi32, #tpu.memory_space<vmem>>, vector<16xi32>,
      %swap3A_284 = arith.constant 112 : index
      %swap3A_285 = tpu.vector_load %arg7[%swap3A_284] {strides = array<i32>} : memref<128xi32, #tpu.memory_space<vmem>>, vector<16xi32>,
      tpu.vector_store %arg7[%swap3A_284], %get3A_283 {strides = array<i32>} : memref<128xi32, #tpu.memory_space<vmem>>, vector<16xi32>,
      %dma_start3A_286 = arith.constant 0 : i32
      %dma_start3A_287 = tpu.memref_slice %arg11[%dma_start3A_286] : memref<10000xf32, #tpu.memory_space<vmem_shared>> -> memref<10000xf32, #tpu.memory_space<vmem_shared>>
      tpu.enqueue_indirect_dma source(%arg9 : memref<128xf32, #tpu.memory_space<vmem>>) target(%dma_start3A_287 : memref<10000xf32, #tpu.memory_space<vmem_shared>>) offsets(%arg7 : memref<128xi32, #tpu.memory_space<vmem>>) semaphore(%arg13 : memref<!tpu.dma_semaphore, #tpu.memory_space<semaphore_mem>>) {add = true}
    }
    %scan3A_144 = arith.constant 38 : i32
    %dma_wait3A = arith.constant 0 : i32
    %dma_wait3A_145 = tpu.memref_slice %arg11[%dma_wait3A] : memref<10000xf32, #tpu.memory_space<vmem_shared>> -> memref<10000xf32, #tpu.memory_space<vmem_shared>>
    tpu.wait_indirect_dma semaphore(%arg12 : memref<!tpu.dma_semaphore, #tpu.memory_space<semaphore_mem>>) src(%arg9 : memref<128xf32, #tpu.memory_space<vmem>>) dst(%dma_wait3A_145 : memref<10000xf32, #tpu.memory_space<vmem_shared>>)
    %dma_wait3A_146 = arith.constant 0 : i32
    %dma_wait3A_147 = tpu.memref_slice %arg11[%dma_wait3A_146] : memref<10000xf32, #tpu.memory_space<vmem_shared>> -> memref<10000xf32, #tpu.memory_space<vmem_shared>>
    tpu.wait_indirect_dma semaphore(%arg13 : memref<!tpu.dma_semaphore, #tpu.memory_space<semaphore_mem>>) src(%arg9 : memref<128xf32, #tpu.memory_space<vmem>>) dst(%dma_wait3A_147 : memref<10000xf32, #tpu.memory_space<vmem_shared>>)
    %multiple_of3A_148 = arith.constant 9984 : i32
    %multiple_of3A_149 = tpu.assume_multiple %multiple_of3A_148, 8 : i32
    %add3A_150 = arith.constant 0 : i32
    %add3A_151 = arith.addi %multiple_of3A_149, %add3A_150 : i32
    %get3A_152 = arith.index_cast %add3A_151 : i32 to index
    %get3A_153 = tpu.vector_load %arg5[%get3A_152] {strides = array<i32>} : memref<10000xi32, #tpu.memory_space<vmem>>, vector<16xi32>,
    %swap3A_154 = arith.constant 0 : index
    %swap3A_155 = tpu.vector_load %arg8[%swap3A_154] {strides = array<i32>} : memref<16xi32, #tpu.memory_space<vmem>>, vector<16xi32>,
    tpu.vector_store %arg8[%swap3A_154], %get3A_153 {strides = array<i32>} : memref<16xi32, #tpu.memory_space<vmem>>, vector<16xi32>,
    "tpu.region"() ({
      %run_scoped3A = tpu.sem_alloc : memref<!tpu.dma_semaphore, #tpu.memory_space<semaphore_mem>>
      %dma_start3A_169 = arith.constant 0 : i32
      %dma_start3A_170 = tpu.memref_slice %arg9[%dma_start3A_169] : memref<128xf32, #tpu.memory_space<vmem>> -> memref<16xf32, #tpu.memory_space<vmem>>
      %dma_start3A_171 = arith.constant 0 : i32
      %dma_start3A_172 = tpu.memref_slice %arg11[%dma_start3A_171] : memref<10000xf32, #tpu.memory_space<vmem_shared>> -> memref<10000xf32, #tpu.memory_space<vmem_shared>>
      tpu.enqueue_indirect_dma source(%dma_start3A_170 : memref<16xf32, #tpu.memory_space<vmem>>) target(%dma_start3A_172 : memref<10000xf32, #tpu.memory_space<vmem_shared>>) offsets(%arg8 : memref<16xi32, #tpu.memory_space<vmem>>) semaphore(%run_scoped3A : memref<!tpu.dma_semaphore, #tpu.memory_space<semaphore_mem>>) {add = true}
      %dma_wait3A_173 = arith.constant 0 : i32
      %dma_wait3A_174 = tpu.memref_slice %arg9[%dma_wait3A_173] : memref<128xf32, #tpu.memory_space<vmem>> -> memref<16xf32, #tpu.memory_space<vmem>>
      %dma_wait3A_175 = arith.constant 0 : i32
      %dma_wait3A_176 = tpu.memref_slice %arg11[%dma_wait3A_175] : memref<10000xf32, #tpu.memory_space<vmem_shared>> -> memref<10000xf32, #tpu.memory_space<vmem_shared>>
      tpu.wait_indirect_dma semaphore(%run_scoped3A : memref<!tpu.dma_semaphore, #tpu.memory_space<semaphore_mem>>) src(%dma_wait3A_174 : memref<16xf32, #tpu.memory_space<vmem>>) dst(%dma_wait3A_176 : memref<10000xf32, #tpu.memory_space<vmem_shared>>)
      tpu.yield
    }) : () -> ()
    %barrier3A_156 = arith.constant 0 : index
    tpu.barrier barrier_id(%barrier3A_156)
    %mul3A_157 = arith.constant 624 : i32
    %mul3A_158 = arith.muli %arg1, %mul3A_157 : i32
    %multiple_of3A_159 = tpu.assume_multiple %mul3A_158, 8 : i32
    %mul3A_160 = arith.constant 10000 : i32
    %mul3A_161 = arith.muli %arg0, %mul3A_160 : i32
    %multiple_of3A_162 = tpu.assume_multiple %mul3A_161, 8 : i32
    "tpu.region"() ({
      %run_scoped3A = tpu.sem_alloc : memref<!tpu.dma_semaphore, #tpu.memory_space<semaphore_mem>>
      %dma_start3A_169 = tpu.memref_slice %arg11[%multiple_of3A_159] : memref<10000xf32, #tpu.memory_space<vmem_shared>> -> memref<624xf32, #tpu.memory_space<vmem_shared>>
      %dma_start3A_170 = tpu.memref_slice %arg11[%multiple_of3A_159] : memref<10000xf32, #tpu.memory_space<vmem_shared>> -> memref<624xf32, #tpu.memory_space<vmem_shared>>
      tpu.enqueue_dma source(%dma_start3A_170 : memref<624xf32, #tpu.memory_space<vmem_shared>>) target(%arg10 : memref<624xf32, #tpu.memory_space<vmem>>) target_semaphore(%run_scoped3A : memref<!tpu.dma_semaphore, #tpu.memory_space<semaphore_mem>>)
      %dma_wait3A_171 = tpu.memref_slice %arg11[%multiple_of3A_159] : memref<10000xf32, #tpu.memory_space<vmem_shared>> -> memref<624xf32, #tpu.memory_space<vmem_shared>>
      %dma_wait3A_172 = tpu.memref_slice %arg11[%multiple_of3A_159] : memref<10000xf32, #tpu.memory_space<vmem_shared>> -> memref<624xf32, #tpu.memory_space<vmem_shared>>
      tpu.wait_dma2 semaphore(%run_scoped3A : memref<!tpu.dma_semaphore, #tpu.memory_space<semaphore_mem>>) src(%dma_wait3A_172 : memref<624xf32, #tpu.memory_space<vmem_shared>>) dst(%arg10 : memref<624xf32, #tpu.memory_space<vmem>>)
      tpu.yield
    }) : () -> ()
    %add3A_163 = arith.addi %multiple_of3A_162, %multiple_of3A_159 : i32
    "tpu.region"() ({
      %run_scoped3A = tpu.sem_alloc : memref<!tpu.dma_semaphore, #tpu.memory_space<semaphore_mem>>
      %dma_start3A_169 = tpu.memref_slice %arg4[%add3A_163] : memref<20000xf32, #tpu.memory_space<hbm>> -> memref<624xf32, #tpu.memory_space<hbm>>
      %dma_start3A_170 = tpu.memref_slice %arg4[%add3A_163] : memref<20000xf32, #tpu.memory_space<hbm>> -> memref<624xf32, #tpu.memory_space<hbm>>
      tpu.enqueue_dma source(%arg10 : memref<624xf32, #tpu.memory_space<vmem>>) target(%dma_start3A_170 : memref<624xf32, #tpu.memory_space<hbm>>) target_semaphore(%run_scoped3A : memref<!tpu.dma_semaphore, #tpu.memory_space<semaphore_mem>>)
      %dma_wait3A_171 = tpu.memref_slice %arg4[%add3A_163] : memref<20000xf32, #tpu.memory_space<hbm>> -> memref<624xf32, #tpu.memory_space<hbm>>
      %dma_wait3A_172 = tpu.memref_slice %arg4[%add3A_163] : memref<20000xf32, #tpu.memory_space<hbm>> -> memref<624xf32, #tpu.memory_space<hbm>>
      tpu.wait_dma2 semaphore(%run_scoped3A : memref<!tpu.dma_semaphore, #tpu.memory_space<semaphore_mem>>) src(%arg10 : memref<624xf32, #tpu.memory_space<vmem>>) dst(%dma_wait3A_172 : memref<624xf32, #tpu.memory_space<hbm>>)
      tpu.yield
    }) : () -> ()
    %eq3A_164 = arith.constant 15 : i32
    %eq3A_165 = arith.cmpi eq, %arg1, %eq3A_164 : i32
    %convert_element_type3A_166 = arith.extui %eq3A_165 : i1 to i32
    %cond3A_167 = arith.constant 0 : i32
    %cond3A_168 = arith.cmpi ne, %convert_element_type3A_166, %cond3A_167 : i32
    scf.if %cond3A_168 {
      "tpu.region"() ({
        %run_scoped3A = tpu.sem_alloc : memref<!tpu.dma_semaphore, #tpu.memory_space<semaphore_mem>>
        %dma_start3A_172 = arith.constant 0 : i32
        %dma_start3A_173 = tpu.memref_slice %arg10[%dma_start3A_172] : memref<624xf32, #tpu.memory_space<vmem>> -> memref<16xf32, #tpu.memory_space<vmem>>
        %dma_start3A_174 = arith.constant 9984 : i32
        %dma_start3A_175 = tpu.memref_slice %arg11[%dma_start3A_174] : memref<10000xf32, #tpu.memory_space<vmem_shared>> -> memref<16xf32, #tpu.memory_space<vmem_shared>>
        %dma_start3A_176 = arith.constant 0 : i32
        %dma_start3A_177 = tpu.memref_slice %arg10[%dma_start3A_176] : memref<624xf32, #tpu.memory_space<vmem>> -> memref<16xf32, #tpu.memory_space<vmem>>
        %dma_start3A_178 = arith.constant 9984 : i32
        %dma_start3A_179 = tpu.memref_slice %arg11[%dma_start3A_178] : memref<10000xf32, #tpu.memory_space<vmem_shared>> -> memref<16xf32, #tpu.memory_space<vmem_shared>>
        tpu.enqueue_dma source(%dma_start3A_179 : memref<16xf32, #tpu.memory_space<vmem_shared>>) target(%dma_start3A_177 : memref<16xf32, #tpu.memory_space<vmem>>) target_semaphore(%run_scoped3A : memref<!tpu.dma_semaphore, #tpu.memory_space<semaphore_mem>>)
        %dma_wait3A_180 = arith.constant 0 : i32
        %dma_wait3A_181 = tpu.memref_slice %arg10[%dma_wait3A_180] : memref<624xf32, #tpu.memory_space<vmem>> -> memref<16xf32, #tpu.memory_space<vmem>>
        %dma_wait3A_182 = arith.constant 9984 : i32
        %dma_wait3A_183 = tpu.memref_slice %arg11[%dma_wait3A_182] : memref<10000xf32, #tpu.memory_space<vmem_shared>> -> memref<16xf32, #tpu.memory_space<vmem_shared>>
        %dma_wait3A_184 = arith.constant 0 : i32
        %dma_wait3A_185 = tpu.memref_slice %arg10[%dma_wait3A_184] : memref<624xf32, #tpu.memory_space<vmem>> -> memref<16xf32, #tpu.memory_space<vmem>>
        %dma_wait3A_186 = arith.constant 9984 : i32
        %dma_wait3A_187 = tpu.memref_slice %arg11[%dma_wait3A_186] : memref<10000xf32, #tpu.memory_space<vmem_shared>> -> memref<16xf32, #tpu.memory_space<vmem_shared>>
        tpu.wait_dma2 semaphore(%run_scoped3A : memref<!tpu.dma_semaphore, #tpu.memory_space<semaphore_mem>>) src(%dma_wait3A_187 : memref<16xf32, #tpu.memory_space<vmem_shared>>) dst(%dma_wait3A_185 : memref<16xf32, #tpu.memory_space<vmem>>)
        tpu.yield
      }) : () -> ()
      %add3A_169 = arith.constant 10000 : i32
      %add3A_170 = arith.addi %multiple_of3A_162, %add3A_169 : i32
      %sub3A = arith.constant 16 : i32
      %sub3A_171 = arith.subi %add3A_170, %sub3A : i32
      "tpu.region"() ({
        %run_scoped3A = tpu.sem_alloc : memref<!tpu.dma_semaphore, #tpu.memory_space<semaphore_mem>>
        %dma_start3A_172 = arith.constant 0 : i32
        %dma_start3A_173 = tpu.memref_slice %arg10[%dma_start3A_172] : memref<624xf32, #tpu.memory_space<vmem>> -> memref<16xf32, #tpu.memory_space<vmem>>
        %dma_start3A_174 = tpu.memref_slice %arg4[%sub3A_171] : memref<20000xf32, #tpu.memory_space<hbm>> -> memref<16xf32, #tpu.memory_space<hbm>>
        %dma_start3A_175 = tpu.memref_slice %arg4[%sub3A_171] : memref<20000xf32, #tpu.memory_space<hbm>> -> memref<16xf32, #tpu.memory_space<hbm>>
        %dma_start3A_176 = arith.constant 0 : i32
        %dma_start3A_177 = tpu.memref_slice %arg10[%dma_start3A_176] : memref<624xf32, #tpu.memory_space<vmem>> -> memref<16xf32, #tpu.memory_space<vmem>>
        tpu.enqueue_dma source(%dma_start3A_177 : memref<16xf32, #tpu.memory_space<vmem>>) target(%dma_start3A_175 : memref<16xf32, #tpu.memory_space<hbm>>) target_semaphore(%run_scoped3A : memref<!tpu.dma_semaphore, #tpu.memory_space<semaphore_mem>>)
        %dma_wait3A_178 = arith.constant 0 : i32
        %dma_wait3A_179 = tpu.memref_slice %arg10[%dma_wait3A_178] : memref<624xf32, #tpu.memory_space<vmem>> -> memref<16xf32, #tpu.memory_space<vmem>>
        %dma_wait3A_180 = tpu.memref_slice %arg4[%sub3A_171] : memref<20000xf32, #tpu.memory_space<hbm>> -> memref<16xf32, #tpu.memory_space<hbm>>
        %dma_wait3A_181 = tpu.memref_slice %arg4[%sub3A_171] : memref<20000xf32, #tpu.memory_space<hbm>> -> memref<16xf32, #tpu.memory_space<hbm>>
        %dma_wait3A_182 = arith.constant 0 : i32
        %dma_wait3A_183 = tpu.memref_slice %arg10[%dma_wait3A_182] : memref<624xf32, #tpu.memory_space<vmem>> -> memref<16xf32, #tpu.memory_space<vmem>>
        tpu.wait_dma2 semaphore(%run_scoped3A : memref<!tpu.dma_semaphore, #tpu.memory_space<semaphore_mem>>) src(%dma_wait3A_183 : memref<16xf32, #tpu.memory_space<vmem>>) dst(%dma_wait3A_181 : memref<16xf32, #tpu.memory_space<hbm>>)
        tpu.yield
      }) : () -> ()
    } else {
    }
    return
  }
}

#map = affine_map<(d0, d1) -> (0)>
module attributes {stable_mosaic.version = 14 : i64} {
  func.func @_scalar_final_body(%arg0: i32, %arg1: i32, %arg2: memref<10000xf32, #tpu.memory_space<hbm>>, %arg3: memref<10000xf32, #tpu.memory_space<hbm>>, %arg4: memref<10000xf32, #tpu.memory_space<hbm>>, %arg5: memref<320000xi32, #tpu.memory_space<hbm>>, %arg6: memref<320000xi32, #tpu.memory_space<hbm>>, %arg7: memref<624xf32, #tpu.memory_space<hbm>>, %arg8: memref<10000xf32, #tpu.memory_space<hbm>>, %arg9: memref<10000xf32, #tpu.memory_space<vmem>>, %arg10: memref<20000xi32, #tpu.memory_space<vmem>>, %arg11: memref<20000xi32, #tpu.memory_space<vmem>>, %arg12: memref<128xi32, #tpu.memory_space<vmem>>, %arg13: memref<128xi32, #tpu.memory_space<vmem>>, %arg14: memref<32xi32, #tpu.memory_space<vmem>>, %arg15: memref<128xf32, #tpu.memory_space<vmem>>, %arg16: memref<128xf32, #tpu.memory_space<vmem>>, %arg17: memref<624xf32, #tpu.memory_space<vmem>>, %arg18: memref<312xf32, #tpu.memory_space<vmem>>, %arg19: memref<312xf32, #tpu.memory_space<vmem>>, %arg20: memref<312xf32, #tpu.memory_space<vmem>>, %arg21: memref<10000xf32, #tpu.memory_space<vmem_shared>>, %arg22: memref<!tpu.dma_semaphore, #tpu.memory_space<semaphore_mem>>, %arg23: memref<!tpu.dma_semaphore, #tpu.memory_space<semaphore_mem>>) attributes {dimension_semantics = [#tpu.dimension_semantics<core_parallel>, #tpu.dimension_semantics<subcore_parallel>], iteration_bounds = array<i64: 2, 16>, scalar_prefetch = 0 : i64, scratch_operands = 15 : i64, tpu.core_type = #tpu.core_type<sc_vector_subcore>, window_params = [{transform_indices = #map}, {transform_indices = #map}, {transform_indices = #map}, {transform_indices = #map}, {transform_indices = #map}, {transform_indices = #map}, {transform_indices = #map}]} {
    "tpu.region"() ({
      %run_scoped3A = tpu.sem_alloc : memref<!tpu.dma_semaphore, #tpu.memory_space<semaphore_mem>>
      tpu.enqueue_dma source(%arg2 : memref<10000xf32, #tpu.memory_space<hbm>>) target(%arg9 : memref<10000xf32, #tpu.memory_space<vmem>>) target_semaphore(%run_scoped3A : memref<!tpu.dma_semaphore, #tpu.memory_space<semaphore_mem>>)
      tpu.wait_dma2 semaphore(%run_scoped3A : memref<!tpu.dma_semaphore, #tpu.memory_space<semaphore_mem>>) src(%arg2 : memref<10000xf32, #tpu.memory_space<hbm>>) dst(%arg9 : memref<10000xf32, #tpu.memory_space<vmem>>)
      tpu.yield
    }) : () -> ()
    %mul3A = arith.constant 20000 : i32
    %mul3A_0 = arith.muli %arg1, %mul3A : i32
    %multiple_of3A = tpu.assume_multiple %mul3A_0, 8 : i32
    "tpu.region"() ({
      %run_scoped3A = tpu.sem_alloc : memref<!tpu.dma_semaphore, #tpu.memory_space<semaphore_mem>>
      %dma_start3A_465 = tpu.memref_slice %arg5[%multiple_of3A] : memref<320000xi32, #tpu.memory_space<hbm>> -> memref<20000xi32, #tpu.memory_space<hbm>>
      %dma_start3A_466 = tpu.memref_slice %arg5[%multiple_of3A] : memref<320000xi32, #tpu.memory_space<hbm>> -> memref<20000xi32, #tpu.memory_space<hbm>>
      tpu.enqueue_dma source(%dma_start3A_466 : memref<20000xi32, #tpu.memory_space<hbm>>) target(%arg10 : memref<20000xi32, #tpu.memory_space<vmem>>) target_semaphore(%run_scoped3A : memref<!tpu.dma_semaphore, #tpu.memory_space<semaphore_mem>>)
      %dma_wait3A_467 = tpu.memref_slice %arg5[%multiple_of3A] : memref<320000xi32, #tpu.memory_space<hbm>> -> memref<20000xi32, #tpu.memory_space<hbm>>
      %dma_wait3A_468 = tpu.memref_slice %arg5[%multiple_of3A] : memref<320000xi32, #tpu.memory_space<hbm>> -> memref<20000xi32, #tpu.memory_space<hbm>>
      tpu.wait_dma2 semaphore(%run_scoped3A : memref<!tpu.dma_semaphore, #tpu.memory_space<semaphore_mem>>) src(%dma_wait3A_468 : memref<20000xi32, #tpu.memory_space<hbm>>) dst(%arg10 : memref<20000xi32, #tpu.memory_space<vmem>>)
      tpu.yield
    }) : () -> ()
    "tpu.region"() ({
      %run_scoped3A = tpu.sem_alloc : memref<!tpu.dma_semaphore, #tpu.memory_space<semaphore_mem>>
      %dma_start3A_465 = tpu.memref_slice %arg6[%multiple_of3A] : memref<320000xi32, #tpu.memory_space<hbm>> -> memref<20000xi32, #tpu.memory_space<hbm>>
      %dma_start3A_466 = tpu.memref_slice %arg6[%multiple_of3A] : memref<320000xi32, #tpu.memory_space<hbm>> -> memref<20000xi32, #tpu.memory_space<hbm>>
      tpu.enqueue_dma source(%dma_start3A_466 : memref<20000xi32, #tpu.memory_space<hbm>>) target(%arg11 : memref<20000xi32, #tpu.memory_space<vmem>>) target_semaphore(%run_scoped3A : memref<!tpu.dma_semaphore, #tpu.memory_space<semaphore_mem>>)
      %dma_wait3A_467 = tpu.memref_slice %arg6[%multiple_of3A] : memref<320000xi32, #tpu.memory_space<hbm>> -> memref<20000xi32, #tpu.memory_space<hbm>>
      %dma_wait3A_468 = tpu.memref_slice %arg6[%multiple_of3A] : memref<320000xi32, #tpu.memory_space<hbm>> -> memref<20000xi32, #tpu.memory_space<hbm>>
      tpu.wait_dma2 semaphore(%run_scoped3A : memref<!tpu.dma_semaphore, #tpu.memory_space<semaphore_mem>>) src(%dma_wait3A_468 : memref<20000xi32, #tpu.memory_space<hbm>>) dst(%arg11 : memref<20000xi32, #tpu.memory_space<vmem>>)
      tpu.yield
    }) : () -> ()
    %mul3A_1 = arith.constant 624 : i32
    %mul3A_2 = arith.muli %arg1, %mul3A_1 : i32
    %multiple_of3A_3 = tpu.assume_multiple %mul3A_2, 8 : i32
    "tpu.region"() ({
      %run_scoped3A = tpu.sem_alloc : memref<!tpu.dma_semaphore, #tpu.memory_space<semaphore_mem>>
      tpu.enqueue_dma source(%arg7 : memref<624xf32, #tpu.memory_space<hbm>>) target(%arg17 : memref<624xf32, #tpu.memory_space<vmem>>) target_semaphore(%run_scoped3A : memref<!tpu.dma_semaphore, #tpu.memory_space<semaphore_mem>>)
      tpu.wait_dma2 semaphore(%run_scoped3A : memref<!tpu.dma_semaphore, #tpu.memory_space<semaphore_mem>>) src(%arg7 : memref<624xf32, #tpu.memory_space<hbm>>) dst(%arg17 : memref<624xf32, #tpu.memory_space<vmem>>)
      tpu.yield
    }) : () -> ()
    "tpu.region"() ({
      %run_scoped3A = tpu.sem_alloc : memref<!tpu.dma_semaphore, #tpu.memory_space<semaphore_mem>>
      %dma_start3A_465 = tpu.memref_slice %arg21[%multiple_of3A_3] : memref<10000xf32, #tpu.memory_space<vmem_shared>> -> memref<624xf32, #tpu.memory_space<vmem_shared>>
      %dma_start3A_466 = tpu.memref_slice %arg21[%multiple_of3A_3] : memref<10000xf32, #tpu.memory_space<vmem_shared>> -> memref<624xf32, #tpu.memory_space<vmem_shared>>
      tpu.enqueue_dma source(%arg17 : memref<624xf32, #tpu.memory_space<vmem>>) target(%dma_start3A_466 : memref<624xf32, #tpu.memory_space<vmem_shared>>) target_semaphore(%run_scoped3A : memref<!tpu.dma_semaphore, #tpu.memory_space<semaphore_mem>>)
      %dma_wait3A_467 = tpu.memref_slice %arg21[%multiple_of3A_3] : memref<10000xf32, #tpu.memory_space<vmem_shared>> -> memref<624xf32, #tpu.memory_space<vmem_shared>>
      %dma_wait3A_468 = tpu.memref_slice %arg21[%multiple_of3A_3] : memref<10000xf32, #tpu.memory_space<vmem_shared>> -> memref<624xf32, #tpu.memory_space<vmem_shared>>
      tpu.wait_dma2 semaphore(%run_scoped3A : memref<!tpu.dma_semaphore, #tpu.memory_space<semaphore_mem>>) src(%arg17 : memref<624xf32, #tpu.memory_space<vmem>>) dst(%dma_wait3A_468 : memref<624xf32, #tpu.memory_space<vmem_shared>>)
      tpu.yield
    }) : () -> ()
    %eq3A = arith.constant 15 : i32
    %eq3A_4 = arith.cmpi eq, %arg1, %eq3A : i32
    %convert_element_type3A = arith.extui %eq3A_4 : i1 to i32
    %cond3A = arith.constant 0 : i32
    %cond3A_5 = arith.cmpi ne, %convert_element_type3A, %cond3A : i32
    scf.if %cond3A_5 {
      "tpu.region"() ({
        %run_scoped3A = tpu.sem_alloc : memref<!tpu.dma_semaphore, #tpu.memory_space<semaphore_mem>>
        %dma_start3A_465 = arith.constant 0 : i32
        %dma_start3A_466 = tpu.memref_slice %arg17[%dma_start3A_465] : memref<624xf32, #tpu.memory_space<vmem>> -> memref<16xf32, #tpu.memory_space<vmem>>
        %dma_start3A_467 = arith.constant 9984 : i32
        %dma_start3A_468 = tpu.memref_slice %arg21[%dma_start3A_467] : memref<10000xf32, #tpu.memory_space<vmem_shared>> -> memref<16xf32, #tpu.memory_space<vmem_shared>>
        %dma_start3A_469 = arith.constant 9984 : i32
        %dma_start3A_470 = tpu.memref_slice %arg21[%dma_start3A_469] : memref<10000xf32, #tpu.memory_space<vmem_shared>> -> memref<16xf32, #tpu.memory_space<vmem_shared>>
        %dma_start3A_471 = arith.constant 0 : i32
        %dma_start3A_472 = tpu.memref_slice %arg17[%dma_start3A_471] : memref<624xf32, #tpu.memory_space<vmem>> -> memref<16xf32, #tpu.memory_space<vmem>>
        tpu.enqueue_dma source(%dma_start3A_472 : memref<16xf32, #tpu.memory_space<vmem>>) target(%dma_start3A_470 : memref<16xf32, #tpu.memory_space<vmem_shared>>) target_semaphore(%run_scoped3A : memref<!tpu.dma_semaphore, #tpu.memory_space<semaphore_mem>>)
        %dma_wait3A_473 = arith.constant 0 : i32
        %dma_wait3A_474 = tpu.memref_slice %arg17[%dma_wait3A_473] : memref<624xf32, #tpu.memory_space<vmem>> -> memref<16xf32, #tpu.memory_space<vmem>>
        %dma_wait3A_475 = arith.constant 9984 : i32
        %dma_wait3A_476 = tpu.memref_slice %arg21[%dma_wait3A_475] : memref<10000xf32, #tpu.memory_space<vmem_shared>> -> memref<16xf32, #tpu.memory_space<vmem_shared>>
        %dma_wait3A_477 = arith.constant 9984 : i32
        %dma_wait3A_478 = tpu.memref_slice %arg21[%dma_wait3A_477] : memref<10000xf32, #tpu.memory_space<vmem_shared>> -> memref<16xf32, #tpu.memory_space<vmem_shared>>
        %dma_wait3A_479 = arith.constant 0 : i32
        %dma_wait3A_480 = tpu.memref_slice %arg17[%dma_wait3A_479] : memref<624xf32, #tpu.memory_space<vmem>> -> memref<16xf32, #tpu.memory_space<vmem>>
        tpu.wait_dma2 semaphore(%run_scoped3A : memref<!tpu.dma_semaphore, #tpu.memory_space<semaphore_mem>>) src(%dma_wait3A_480 : memref<16xf32, #tpu.memory_space<vmem>>) dst(%dma_wait3A_478 : memref<16xf32, #tpu.memory_space<vmem_shared>>)
        tpu.yield
      }) : () -> ()
    } else {
    }
    %barrier3A = arith.constant 0 : index
    tpu.barrier barrier_id(%barrier3A)
    %multiple_of3A_6 = arith.constant 0 : i32
    %multiple_of3A_7 = tpu.assume_multiple %multiple_of3A_6, 8 : i32
    %add3A = arith.constant 0 : i32
    %add3A_8 = arith.addi %multiple_of3A_7, %add3A : i32
    %get3A = arith.index_cast %add3A_8 : i32 to index
    %get3A_9 = tpu.vector_load %arg10[%get3A] {strides = array<i32>} : memref<20000xi32, #tpu.memory_space<vmem>>, vector<16xi32>,
    %gather3A = tpu.vector_load_idx %arg9[%get3A_9] : memref<10000xf32, #tpu.memory_space<vmem>>[vector<16xi32>], vector<16xf32>,
    %swap3A = arith.constant 0 : index
    %swap3A_10 = tpu.vector_load %arg15[%swap3A] {strides = array<i32>} : memref<128xf32, #tpu.memory_space<vmem>>, vector<16xf32>,
    tpu.vector_store %arg15[%swap3A], %gather3A {strides = array<i32>} : memref<128xf32, #tpu.memory_space<vmem>>, vector<16xf32>,
    %add3A_11 = arith.constant 0 : i32
    %add3A_12 = arith.addi %multiple_of3A_7, %add3A_11 : i32
    %get3A_13 = arith.index_cast %add3A_12 : i32 to index
    %get3A_14 = tpu.vector_load %arg11[%get3A_13] {strides = array<i32>} : memref<20000xi32, #tpu.memory_space<vmem>>, vector<16xi32>,
    %swap3A_15 = arith.constant 0 : index
    %swap3A_16 = tpu.vector_load %arg12[%swap3A_15] {strides = array<i32>} : memref<128xi32, #tpu.memory_space<vmem>>, vector<16xi32>,
    tpu.vector_store %arg12[%swap3A_15], %get3A_14 {strides = array<i32>} : memref<128xi32, #tpu.memory_space<vmem>>, vector<16xi32>,
    %add3A_17 = arith.constant 16 : i32
    %add3A_18 = arith.addi %multiple_of3A_7, %add3A_17 : i32
    %get3A_19 = arith.index_cast %add3A_18 : i32 to index
    %get3A_20 = tpu.vector_load %arg10[%get3A_19] {strides = array<i32>} : memref<20000xi32, #tpu.memory_space<vmem>>, vector<16xi32>,
    %gather3A_21 = tpu.vector_load_idx %arg9[%get3A_20] : memref<10000xf32, #tpu.memory_space<vmem>>[vector<16xi32>], vector<16xf32>,
    %swap3A_22 = arith.constant 16 : index
    %swap3A_23 = tpu.vector_load %arg15[%swap3A_22] {strides = array<i32>} : memref<128xf32, #tpu.memory_space<vmem>>, vector<16xf32>,
    tpu.vector_store %arg15[%swap3A_22], %gather3A_21 {strides = array<i32>} : memref<128xf32, #tpu.memory_space<vmem>>, vector<16xf32>,
    %add3A_24 = arith.constant 16 : i32
    %add3A_25 = arith.addi %multiple_of3A_7, %add3A_24 : i32
    %get3A_26 = arith.index_cast %add3A_25 : i32 to index
    %get3A_27 = tpu.vector_load %arg11[%get3A_26] {strides = array<i32>} : memref<20000xi32, #tpu.memory_space<vmem>>, vector<16xi32>,
    %swap3A_28 = arith.constant 16 : index
    %swap3A_29 = tpu.vector_load %arg12[%swap3A_28] {strides = array<i32>} : memref<128xi32, #tpu.memory_space<vmem>>, vector<16xi32>,
    tpu.vector_store %arg12[%swap3A_28], %get3A_27 {strides = array<i32>} : memref<128xi32, #tpu.memory_space<vmem>>, vector<16xi32>,
    %add3A_30 = arith.constant 32 : i32
    %add3A_31 = arith.addi %multiple_of3A_7, %add3A_30 : i32
    %get3A_32 = arith.index_cast %add3A_31 : i32 to index
    %get3A_33 = tpu.vector_load %arg10[%get3A_32] {strides = array<i32>} : memref<20000xi32, #tpu.memory_space<vmem>>, vector<16xi32>,
    %gather3A_34 = tpu.vector_load_idx %arg9[%get3A_33] : memref<10000xf32, #tpu.memory_space<vmem>>[vector<16xi32>], vector<16xf32>,
    %swap3A_35 = arith.constant 32 : index
    %swap3A_36 = tpu.vector_load %arg15[%swap3A_35] {strides = array<i32>} : memref<128xf32, #tpu.memory_space<vmem>>, vector<16xf32>,
    tpu.vector_store %arg15[%swap3A_35], %gather3A_34 {strides = array<i32>} : memref<128xf32, #tpu.memory_space<vmem>>, vector<16xf32>,
    %add3A_37 = arith.constant 32 : i32
    %add3A_38 = arith.addi %multiple_of3A_7, %add3A_37 : i32
    %get3A_39 = arith.index_cast %add3A_38 : i32 to index
    %get3A_40 = tpu.vector_load %arg11[%get3A_39] {strides = array<i32>} : memref<20000xi32, #tpu.memory_space<vmem>>, vector<16xi32>,
    %swap3A_41 = arith.constant 32 : index
    %swap3A_42 = tpu.vector_load %arg12[%swap3A_41] {strides = array<i32>} : memref<128xi32, #tpu.memory_space<vmem>>, vector<16xi32>,
    tpu.vector_store %arg12[%swap3A_41], %get3A_40 {strides = array<i32>} : memref<128xi32, #tpu.memory_space<vmem>>, vector<16xi32>,
    %add3A_43 = arith.constant 48 : i32
    %add3A_44 = arith.addi %multiple_of3A_7, %add3A_43 : i32
    %get3A_45 = arith.index_cast %add3A_44 : i32 to index
    %get3A_46 = tpu.vector_load %arg10[%get3A_45] {strides = array<i32>} : memref<20000xi32, #tpu.memory_space<vmem>>, vector<16xi32>,
    %gather3A_47 = tpu.vector_load_idx %arg9[%get3A_46] : memref<10000xf32, #tpu.memory_space<vmem>>[vector<16xi32>], vector<16xf32>,
    %swap3A_48 = arith.constant 48 : index
    %swap3A_49 = tpu.vector_load %arg15[%swap3A_48] {strides = array<i32>} : memref<128xf32, #tpu.memory_space<vmem>>, vector<16xf32>,
    tpu.vector_store %arg15[%swap3A_48], %gather3A_47 {strides = array<i32>} : memref<128xf32, #tpu.memory_space<vmem>>, vector<16xf32>,
    %add3A_50 = arith.constant 48 : i32
    %add3A_51 = arith.addi %multiple_of3A_7, %add3A_50 : i32
    %get3A_52 = arith.index_cast %add3A_51 : i32 to index
    %get3A_53 = tpu.vector_load %arg11[%get3A_52] {strides = array<i32>} : memref<20000xi32, #tpu.memory_space<vmem>>, vector<16xi32>,
    %swap3A_54 = arith.constant 48 : index
    %swap3A_55 = tpu.vector_load %arg12[%swap3A_54] {strides = array<i32>} : memref<128xi32, #tpu.memory_space<vmem>>, vector<16xi32>,
    tpu.vector_store %arg12[%swap3A_54], %get3A_53 {strides = array<i32>} : memref<128xi32, #tpu.memory_space<vmem>>, vector<16xi32>,
    %add3A_56 = arith.constant 64 : i32
    %add3A_57 = arith.addi %multiple_of3A_7, %add3A_56 : i32
    %get3A_58 = arith.index_cast %add3A_57 : i32 to index
    %get3A_59 = tpu.vector_load %arg10[%get3A_58] {strides = array<i32>} : memref<20000xi32, #tpu.memory_space<vmem>>, vector<16xi32>,
    %gather3A_60 = tpu.vector_load_idx %arg9[%get3A_59] : memref<10000xf32, #tpu.memory_space<vmem>>[vector<16xi32>], vector<16xf32>,
    %swap3A_61 = arith.constant 64 : index
    %swap3A_62 = tpu.vector_load %arg15[%swap3A_61] {strides = array<i32>} : memref<128xf32, #tpu.memory_space<vmem>>, vector<16xf32>,
    tpu.vector_store %arg15[%swap3A_61], %gather3A_60 {strides = array<i32>} : memref<128xf32, #tpu.memory_space<vmem>>, vector<16xf32>,
    %add3A_63 = arith.constant 64 : i32
    %add3A_64 = arith.addi %multiple_of3A_7, %add3A_63 : i32
    %get3A_65 = arith.index_cast %add3A_64 : i32 to index
    %get3A_66 = tpu.vector_load %arg11[%get3A_65] {strides = array<i32>} : memref<20000xi32, #tpu.memory_space<vmem>>, vector<16xi32>,
    %swap3A_67 = arith.constant 64 : index
    %swap3A_68 = tpu.vector_load %arg12[%swap3A_67] {strides = array<i32>} : memref<128xi32, #tpu.memory_space<vmem>>, vector<16xi32>,
    tpu.vector_store %arg12[%swap3A_67], %get3A_66 {strides = array<i32>} : memref<128xi32, #tpu.memory_space<vmem>>, vector<16xi32>,
    %add3A_69 = arith.constant 80 : i32
    %add3A_70 = arith.addi %multiple_of3A_7, %add3A_69 : i32
    %get3A_71 = arith.index_cast %add3A_70 : i32 to index
    %get3A_72 = tpu.vector_load %arg10[%get3A_71] {strides = array<i32>} : memref<20000xi32, #tpu.memory_space<vmem>>, vector<16xi32>,
    %gather3A_73 = tpu.vector_load_idx %arg9[%get3A_72] : memref<10000xf32, #tpu.memory_space<vmem>>[vector<16xi32>], vector<16xf32>,
    %swap3A_74 = arith.constant 80 : index
    %swap3A_75 = tpu.vector_load %arg15[%swap3A_74] {strides = array<i32>} : memref<128xf32, #tpu.memory_space<vmem>>, vector<16xf32>,
    tpu.vector_store %arg15[%swap3A_74], %gather3A_73 {strides = array<i32>} : memref<128xf32, #tpu.memory_space<vmem>>, vector<16xf32>,
    %add3A_76 = arith.constant 80 : i32
    %add3A_77 = arith.addi %multiple_of3A_7, %add3A_76 : i32
    %get3A_78 = arith.index_cast %add3A_77 : i32 to index
    %get3A_79 = tpu.vector_load %arg11[%get3A_78] {strides = array<i32>} : memref<20000xi32, #tpu.memory_space<vmem>>, vector<16xi32>,
    %swap3A_80 = arith.constant 80 : index
    %swap3A_81 = tpu.vector_load %arg12[%swap3A_80] {strides = array<i32>} : memref<128xi32, #tpu.memory_space<vmem>>, vector<16xi32>,
    tpu.vector_store %arg12[%swap3A_80], %get3A_79 {strides = array<i32>} : memref<128xi32, #tpu.memory_space<vmem>>, vector<16xi32>,
    %add3A_82 = arith.constant 96 : i32
    %add3A_83 = arith.addi %multiple_of3A_7, %add3A_82 : i32
    %get3A_84 = arith.index_cast %add3A_83 : i32 to index
    %get3A_85 = tpu.vector_load %arg10[%get3A_84] {strides = array<i32>} : memref<20000xi32, #tpu.memory_space<vmem>>, vector<16xi32>,
    %gather3A_86 = tpu.vector_load_idx %arg9[%get3A_85] : memref<10000xf32, #tpu.memory_space<vmem>>[vector<16xi32>], vector<16xf32>,
    %swap3A_87 = arith.constant 96 : index
    %swap3A_88 = tpu.vector_load %arg15[%swap3A_87] {strides = array<i32>} : memref<128xf32, #tpu.memory_space<vmem>>, vector<16xf32>,
    tpu.vector_store %arg15[%swap3A_87], %gather3A_86 {strides = array<i32>} : memref<128xf32, #tpu.memory_space<vmem>>, vector<16xf32>,
    %add3A_89 = arith.constant 96 : i32
    %add3A_90 = arith.addi %multiple_of3A_7, %add3A_89 : i32
    %get3A_91 = arith.index_cast %add3A_90 : i32 to index
    %get3A_92 = tpu.vector_load %arg11[%get3A_91] {strides = array<i32>} : memref<20000xi32, #tpu.memory_space<vmem>>, vector<16xi32>,
    %swap3A_93 = arith.constant 96 : index
    %swap3A_94 = tpu.vector_load %arg12[%swap3A_93] {strides = array<i32>} : memref<128xi32, #tpu.memory_space<vmem>>, vector<16xi32>,
    tpu.vector_store %arg12[%swap3A_93], %get3A_92 {strides = array<i32>} : memref<128xi32, #tpu.memory_space<vmem>>, vector<16xi32>,
    %add3A_95 = arith.constant 112 : i32
    %add3A_96 = arith.addi %multiple_of3A_7, %add3A_95 : i32
    %get3A_97 = arith.index_cast %add3A_96 : i32 to index
    %get3A_98 = tpu.vector_load %arg10[%get3A_97] {strides = array<i32>} : memref<20000xi32, #tpu.memory_space<vmem>>, vector<16xi32>,
    %gather3A_99 = tpu.vector_load_idx %arg9[%get3A_98] : memref<10000xf32, #tpu.memory_space<vmem>>[vector<16xi32>], vector<16xf32>,
    %swap3A_100 = arith.constant 112 : index
    %swap3A_101 = tpu.vector_load %arg15[%swap3A_100] {strides = array<i32>} : memref<128xf32, #tpu.memory_space<vmem>>, vector<16xf32>,
    tpu.vector_store %arg15[%swap3A_100], %gather3A_99 {strides = array<i32>} : memref<128xf32, #tpu.memory_space<vmem>>, vector<16xf32>,
    %add3A_102 = arith.constant 112 : i32
    %add3A_103 = arith.addi %multiple_of3A_7, %add3A_102 : i32
    %get3A_104 = arith.index_cast %add3A_103 : i32 to index
    %get3A_105 = tpu.vector_load %arg11[%get3A_104] {strides = array<i32>} : memref<20000xi32, #tpu.memory_space<vmem>>, vector<16xi32>,
    %swap3A_106 = arith.constant 112 : index
    %swap3A_107 = tpu.vector_load %arg12[%swap3A_106] {strides = array<i32>} : memref<128xi32, #tpu.memory_space<vmem>>, vector<16xi32>,
    tpu.vector_store %arg12[%swap3A_106], %get3A_105 {strides = array<i32>} : memref<128xi32, #tpu.memory_space<vmem>>, vector<16xi32>,
    %dma_start3A = arith.constant 0 : i32
    %dma_start3A_108 = tpu.memref_slice %arg21[%dma_start3A] : memref<10000xf32, #tpu.memory_space<vmem_shared>> -> memref<10000xf32, #tpu.memory_space<vmem_shared>>
    tpu.enqueue_indirect_dma source(%arg15 : memref<128xf32, #tpu.memory_space<vmem>>) target(%dma_start3A_108 : memref<10000xf32, #tpu.memory_space<vmem_shared>>) offsets(%arg12 : memref<128xi32, #tpu.memory_space<vmem>>) semaphore(%arg22 : memref<!tpu.dma_semaphore, #tpu.memory_space<semaphore_mem>>) {add = true}
    %multiple_of3A_109 = arith.constant 128 : i32
    %multiple_of3A_110 = tpu.assume_multiple %multiple_of3A_109, 8 : i32
    %add3A_111 = arith.constant 0 : i32
    %add3A_112 = arith.addi %multiple_of3A_110, %add3A_111 : i32
    %get3A_113 = arith.index_cast %add3A_112 : i32 to index
    %get3A_114 = tpu.vector_load %arg10[%get3A_113] {strides = array<i32>} : memref<20000xi32, #tpu.memory_space<vmem>>, vector<16xi32>,
    %gather3A_115 = tpu.vector_load_idx %arg9[%get3A_114] : memref<10000xf32, #tpu.memory_space<vmem>>[vector<16xi32>], vector<16xf32>,
    %swap3A_116 = arith.constant 0 : index
    %swap3A_117 = tpu.vector_load %arg16[%swap3A_116] {strides = array<i32>} : memref<128xf32, #tpu.memory_space<vmem>>, vector<16xf32>,
    tpu.vector_store %arg16[%swap3A_116], %gather3A_115 {strides = array<i32>} : memref<128xf32, #tpu.memory_space<vmem>>, vector<16xf32>,
    %add3A_118 = arith.constant 0 : i32
    %add3A_119 = arith.addi %multiple_of3A_110, %add3A_118 : i32
    %get3A_120 = arith.index_cast %add3A_119 : i32 to index
    %get3A_121 = tpu.vector_load %arg11[%get3A_120] {strides = array<i32>} : memref<20000xi32, #tpu.memory_space<vmem>>, vector<16xi32>,
    %swap3A_122 = arith.constant 0 : index
    %swap3A_123 = tpu.vector_load %arg13[%swap3A_122] {strides = array<i32>} : memref<128xi32, #tpu.memory_space<vmem>>, vector<16xi32>,
    tpu.vector_store %arg13[%swap3A_122], %get3A_121 {strides = array<i32>} : memref<128xi32, #tpu.memory_space<vmem>>, vector<16xi32>,
    %add3A_124 = arith.constant 16 : i32
    %add3A_125 = arith.addi %multiple_of3A_110, %add3A_124 : i32
    %get3A_126 = arith.index_cast %add3A_125 : i32 to index
    %get3A_127 = tpu.vector_load %arg10[%get3A_126] {strides = array<i32>} : memref<20000xi32, #tpu.memory_space<vmem>>, vector<16xi32>,
    %gather3A_128 = tpu.vector_load_idx %arg9[%get3A_127] : memref<10000xf32, #tpu.memory_space<vmem>>[vector<16xi32>], vector<16xf32>,
    %swap3A_129 = arith.constant 16 : index
    %swap3A_130 = tpu.vector_load %arg16[%swap3A_129] {strides = array<i32>} : memref<128xf32, #tpu.memory_space<vmem>>, vector<16xf32>,
    tpu.vector_store %arg16[%swap3A_129], %gather3A_128 {strides = array<i32>} : memref<128xf32, #tpu.memory_space<vmem>>, vector<16xf32>,
    %add3A_131 = arith.constant 16 : i32
    %add3A_132 = arith.addi %multiple_of3A_110, %add3A_131 : i32
    %get3A_133 = arith.index_cast %add3A_132 : i32 to index
    %get3A_134 = tpu.vector_load %arg11[%get3A_133] {strides = array<i32>} : memref<20000xi32, #tpu.memory_space<vmem>>, vector<16xi32>,
    %swap3A_135 = arith.constant 16 : index
    %swap3A_136 = tpu.vector_load %arg13[%swap3A_135] {strides = array<i32>} : memref<128xi32, #tpu.memory_space<vmem>>, vector<16xi32>,
    tpu.vector_store %arg13[%swap3A_135], %get3A_134 {strides = array<i32>} : memref<128xi32, #tpu.memory_space<vmem>>, vector<16xi32>,
    %add3A_137 = arith.constant 32 : i32
    %add3A_138 = arith.addi %multiple_of3A_110, %add3A_137 : i32
    %get3A_139 = arith.index_cast %add3A_138 : i32 to index
    %get3A_140 = tpu.vector_load %arg10[%get3A_139] {strides = array<i32>} : memref<20000xi32, #tpu.memory_space<vmem>>, vector<16xi32>,
    %gather3A_141 = tpu.vector_load_idx %arg9[%get3A_140] : memref<10000xf32, #tpu.memory_space<vmem>>[vector<16xi32>], vector<16xf32>,
    %swap3A_142 = arith.constant 32 : index
    %swap3A_143 = tpu.vector_load %arg16[%swap3A_142] {strides = array<i32>} : memref<128xf32, #tpu.memory_space<vmem>>, vector<16xf32>,
    tpu.vector_store %arg16[%swap3A_142], %gather3A_141 {strides = array<i32>} : memref<128xf32, #tpu.memory_space<vmem>>, vector<16xf32>,
    %add3A_144 = arith.constant 32 : i32
    %add3A_145 = arith.addi %multiple_of3A_110, %add3A_144 : i32
    %get3A_146 = arith.index_cast %add3A_145 : i32 to index
    %get3A_147 = tpu.vector_load %arg11[%get3A_146] {strides = array<i32>} : memref<20000xi32, #tpu.memory_space<vmem>>, vector<16xi32>,
    %swap3A_148 = arith.constant 32 : index
    %swap3A_149 = tpu.vector_load %arg13[%swap3A_148] {strides = array<i32>} : memref<128xi32, #tpu.memory_space<vmem>>, vector<16xi32>,
    tpu.vector_store %arg13[%swap3A_148], %get3A_147 {strides = array<i32>} : memref<128xi32, #tpu.memory_space<vmem>>, vector<16xi32>,
    %add3A_150 = arith.constant 48 : i32
    %add3A_151 = arith.addi %multiple_of3A_110, %add3A_150 : i32
    %get3A_152 = arith.index_cast %add3A_151 : i32 to index
    %get3A_153 = tpu.vector_load %arg10[%get3A_152] {strides = array<i32>} : memref<20000xi32, #tpu.memory_space<vmem>>, vector<16xi32>,
    %gather3A_154 = tpu.vector_load_idx %arg9[%get3A_153] : memref<10000xf32, #tpu.memory_space<vmem>>[vector<16xi32>], vector<16xf32>,
    %swap3A_155 = arith.constant 48 : index
    %swap3A_156 = tpu.vector_load %arg16[%swap3A_155] {strides = array<i32>} : memref<128xf32, #tpu.memory_space<vmem>>, vector<16xf32>,
    tpu.vector_store %arg16[%swap3A_155], %gather3A_154 {strides = array<i32>} : memref<128xf32, #tpu.memory_space<vmem>>, vector<16xf32>,
    %add3A_157 = arith.constant 48 : i32
    %add3A_158 = arith.addi %multiple_of3A_110, %add3A_157 : i32
    %get3A_159 = arith.index_cast %add3A_158 : i32 to index
    %get3A_160 = tpu.vector_load %arg11[%get3A_159] {strides = array<i32>} : memref<20000xi32, #tpu.memory_space<vmem>>, vector<16xi32>,
    %swap3A_161 = arith.constant 48 : index
    %swap3A_162 = tpu.vector_load %arg13[%swap3A_161] {strides = array<i32>} : memref<128xi32, #tpu.memory_space<vmem>>, vector<16xi32>,
    tpu.vector_store %arg13[%swap3A_161], %get3A_160 {strides = array<i32>} : memref<128xi32, #tpu.memory_space<vmem>>, vector<16xi32>,
    %add3A_163 = arith.constant 64 : i32
    %add3A_164 = arith.addi %multiple_of3A_110, %add3A_163 : i32
    %get3A_165 = arith.index_cast %add3A_164 : i32 to index
    %get3A_166 = tpu.vector_load %arg10[%get3A_165] {strides = array<i32>} : memref<20000xi32, #tpu.memory_space<vmem>>, vector<16xi32>,
    %gather3A_167 = tpu.vector_load_idx %arg9[%get3A_166] : memref<10000xf32, #tpu.memory_space<vmem>>[vector<16xi32>], vector<16xf32>,
    %swap3A_168 = arith.constant 64 : index
    %swap3A_169 = tpu.vector_load %arg16[%swap3A_168] {strides = array<i32>} : memref<128xf32, #tpu.memory_space<vmem>>, vector<16xf32>,
    tpu.vector_store %arg16[%swap3A_168], %gather3A_167 {strides = array<i32>} : memref<128xf32, #tpu.memory_space<vmem>>, vector<16xf32>,
    %add3A_170 = arith.constant 64 : i32
    %add3A_171 = arith.addi %multiple_of3A_110, %add3A_170 : i32
    %get3A_172 = arith.index_cast %add3A_171 : i32 to index
    %get3A_173 = tpu.vector_load %arg11[%get3A_172] {strides = array<i32>} : memref<20000xi32, #tpu.memory_space<vmem>>, vector<16xi32>,
    %swap3A_174 = arith.constant 64 : index
    %swap3A_175 = tpu.vector_load %arg13[%swap3A_174] {strides = array<i32>} : memref<128xi32, #tpu.memory_space<vmem>>, vector<16xi32>,
    tpu.vector_store %arg13[%swap3A_174], %get3A_173 {strides = array<i32>} : memref<128xi32, #tpu.memory_space<vmem>>, vector<16xi32>,
    %add3A_176 = arith.constant 80 : i32
    %add3A_177 = arith.addi %multiple_of3A_110, %add3A_176 : i32
    %get3A_178 = arith.index_cast %add3A_177 : i32 to index
    %get3A_179 = tpu.vector_load %arg10[%get3A_178] {strides = array<i32>} : memref<20000xi32, #tpu.memory_space<vmem>>, vector<16xi32>,
    %gather3A_180 = tpu.vector_load_idx %arg9[%get3A_179] : memref<10000xf32, #tpu.memory_space<vmem>>[vector<16xi32>], vector<16xf32>,
    %swap3A_181 = arith.constant 80 : index
    %swap3A_182 = tpu.vector_load %arg16[%swap3A_181] {strides = array<i32>} : memref<128xf32, #tpu.memory_space<vmem>>, vector<16xf32>,
    tpu.vector_store %arg16[%swap3A_181], %gather3A_180 {strides = array<i32>} : memref<128xf32, #tpu.memory_space<vmem>>, vector<16xf32>,
    %add3A_183 = arith.constant 80 : i32
    %add3A_184 = arith.addi %multiple_of3A_110, %add3A_183 : i32
    %get3A_185 = arith.index_cast %add3A_184 : i32 to index
    %get3A_186 = tpu.vector_load %arg11[%get3A_185] {strides = array<i32>} : memref<20000xi32, #tpu.memory_space<vmem>>, vector<16xi32>,
    %swap3A_187 = arith.constant 80 : index
    %swap3A_188 = tpu.vector_load %arg13[%swap3A_187] {strides = array<i32>} : memref<128xi32, #tpu.memory_space<vmem>>, vector<16xi32>,
    tpu.vector_store %arg13[%swap3A_187], %get3A_186 {strides = array<i32>} : memref<128xi32, #tpu.memory_space<vmem>>, vector<16xi32>,
    %add3A_189 = arith.constant 96 : i32
    %add3A_190 = arith.addi %multiple_of3A_110, %add3A_189 : i32
    %get3A_191 = arith.index_cast %add3A_190 : i32 to index
    %get3A_192 = tpu.vector_load %arg10[%get3A_191] {strides = array<i32>} : memref<20000xi32, #tpu.memory_space<vmem>>, vector<16xi32>,
    %gather3A_193 = tpu.vector_load_idx %arg9[%get3A_192] : memref<10000xf32, #tpu.memory_space<vmem>>[vector<16xi32>], vector<16xf32>,
    %swap3A_194 = arith.constant 96 : index
    %swap3A_195 = tpu.vector_load %arg16[%swap3A_194] {strides = array<i32>} : memref<128xf32, #tpu.memory_space<vmem>>, vector<16xf32>,
    tpu.vector_store %arg16[%swap3A_194], %gather3A_193 {strides = array<i32>} : memref<128xf32, #tpu.memory_space<vmem>>, vector<16xf32>,
    %add3A_196 = arith.constant 96 : i32
    %add3A_197 = arith.addi %multiple_of3A_110, %add3A_196 : i32
    %get3A_198 = arith.index_cast %add3A_197 : i32 to index
    %get3A_199 = tpu.vector_load %arg11[%get3A_198] {strides = array<i32>} : memref<20000xi32, #tpu.memory_space<vmem>>, vector<16xi32>,
    %swap3A_200 = arith.constant 96 : index
    %swap3A_201 = tpu.vector_load %arg13[%swap3A_200] {strides = array<i32>} : memref<128xi32, #tpu.memory_space<vmem>>, vector<16xi32>,
    tpu.vector_store %arg13[%swap3A_200], %get3A_199 {strides = array<i32>} : memref<128xi32, #tpu.memory_space<vmem>>, vector<16xi32>,
    %add3A_202 = arith.constant 112 : i32
    %add3A_203 = arith.addi %multiple_of3A_110, %add3A_202 : i32
    %get3A_204 = arith.index_cast %add3A_203 : i32 to index
    %get3A_205 = tpu.vector_load %arg10[%get3A_204] {strides = array<i32>} : memref<20000xi32, #tpu.memory_space<vmem>>, vector<16xi32>,
    %gather3A_206 = tpu.vector_load_idx %arg9[%get3A_205] : memref<10000xf32, #tpu.memory_space<vmem>>[vector<16xi32>], vector<16xf32>,
    %swap3A_207 = arith.constant 112 : index
    %swap3A_208 = tpu.vector_load %arg16[%swap3A_207] {strides = array<i32>} : memref<128xf32, #tpu.memory_space<vmem>>, vector<16xf32>,
    tpu.vector_store %arg16[%swap3A_207], %gather3A_206 {strides = array<i32>} : memref<128xf32, #tpu.memory_space<vmem>>, vector<16xf32>,
    %add3A_209 = arith.constant 112 : i32
    %add3A_210 = arith.addi %multiple_of3A_110, %add3A_209 : i32
    %get3A_211 = arith.index_cast %add3A_210 : i32 to index
    %get3A_212 = tpu.vector_load %arg11[%get3A_211] {strides = array<i32>} : memref<20000xi32, #tpu.memory_space<vmem>>, vector<16xi32>,
    %swap3A_213 = arith.constant 112 : index
    %swap3A_214 = tpu.vector_load %arg13[%swap3A_213] {strides = array<i32>} : memref<128xi32, #tpu.memory_space<vmem>>, vector<16xi32>,
    tpu.vector_store %arg13[%swap3A_213], %get3A_212 {strides = array<i32>} : memref<128xi32, #tpu.memory_space<vmem>>, vector<16xi32>,
    %dma_start3A_215 = arith.constant 0 : i32
    %dma_start3A_216 = tpu.memref_slice %arg21[%dma_start3A_215] : memref<10000xf32, #tpu.memory_space<vmem_shared>> -> memref<10000xf32, #tpu.memory_space<vmem_shared>>
    tpu.enqueue_indirect_dma source(%arg16 : memref<128xf32, #tpu.memory_space<vmem>>) target(%dma_start3A_216 : memref<10000xf32, #tpu.memory_space<vmem_shared>>) offsets(%arg13 : memref<128xi32, #tpu.memory_space<vmem>>) semaphore(%arg23 : memref<!tpu.dma_semaphore, #tpu.memory_space<semaphore_mem>>) {add = true}
    %scan3A = arith.constant 0 : i32
    %scan3A_217 = arith.constant 0 : i32
    %scan3A_218 = arith.constant 77 : i32
    %scan3A_219 = arith.addi %scan3A_217, %scan3A_218 : i32
    %scan3A_220 = arith.constant 1 : i32
    scf.for %scan3A_465 = %scan3A_217 to %scan3A_219 step %scan3A_220  : i32 {
      %dma_wait3A_466 = arith.constant 0 : i32
      %dma_wait3A_467 = tpu.memref_slice %arg21[%dma_wait3A_466] : memref<10000xf32, #tpu.memory_space<vmem_shared>> -> memref<10000xf32, #tpu.memory_space<vmem_shared>>
      tpu.wait_indirect_dma semaphore(%arg22 : memref<!tpu.dma_semaphore, #tpu.memory_space<semaphore_mem>>) src(%arg15 : memref<128xf32, #tpu.memory_space<vmem>>) dst(%dma_wait3A_467 : memref<10000xf32, #tpu.memory_space<vmem_shared>>)
      %mul3A_468 = arith.constant 2 : i32
      %mul3A_469 = arith.muli %mul3A_468, %scan3A_465 : i32
      %add3A_470 = arith.constant 2 : i32
      %add3A_471 = arith.addi %mul3A_469, %add3A_470 : i32
      %mul3A_472 = arith.constant 128 : i32
      %mul3A_473 = arith.muli %add3A_471, %mul3A_472 : i32
      %multiple_of3A_474 = tpu.assume_multiple %mul3A_473, 8 : i32
      %add3A_475 = arith.constant 0 : i32
      %add3A_476 = arith.addi %multiple_of3A_474, %add3A_475 : i32
      %get3A_477 = arith.index_cast %add3A_476 : i32 to index
      %get3A_478 = tpu.vector_load %arg10[%get3A_477] {strides = array<i32>} : memref<20000xi32, #tpu.memory_space<vmem>>, vector<16xi32>,
      %gather3A_479 = tpu.vector_load_idx %arg9[%get3A_478] : memref<10000xf32, #tpu.memory_space<vmem>>[vector<16xi32>], vector<16xf32>,
      %swap3A_480 = arith.constant 0 : index
      %swap3A_481 = tpu.vector_load %arg15[%swap3A_480] {strides = array<i32>} : memref<128xf32, #tpu.memory_space<vmem>>, vector<16xf32>,
      tpu.vector_store %arg15[%swap3A_480], %gather3A_479 {strides = array<i32>} : memref<128xf32, #tpu.memory_space<vmem>>, vector<16xf32>,
      %add3A_482 = arith.constant 0 : i32
      %add3A_483 = arith.addi %multiple_of3A_474, %add3A_482 : i32
      %get3A_484 = arith.index_cast %add3A_483 : i32 to index
      %get3A_485 = tpu.vector_load %arg11[%get3A_484] {strides = array<i32>} : memref<20000xi32, #tpu.memory_space<vmem>>, vector<16xi32>,
      %swap3A_486 = arith.constant 0 : index
      %swap3A_487 = tpu.vector_load %arg12[%swap3A_486] {strides = array<i32>} : memref<128xi32, #tpu.memory_space<vmem>>, vector<16xi32>,
      tpu.vector_store %arg12[%swap3A_486], %get3A_485 {strides = array<i32>} : memref<128xi32, #tpu.memory_space<vmem>>, vector<16xi32>,
      %add3A_488 = arith.constant 16 : i32
      %add3A_489 = arith.addi %multiple_of3A_474, %add3A_488 : i32
      %get3A_490 = arith.index_cast %add3A_489 : i32 to index
      %get3A_491 = tpu.vector_load %arg10[%get3A_490] {strides = array<i32>} : memref<20000xi32, #tpu.memory_space<vmem>>, vector<16xi32>,
      %gather3A_492 = tpu.vector_load_idx %arg9[%get3A_491] : memref<10000xf32, #tpu.memory_space<vmem>>[vector<16xi32>], vector<16xf32>,
      %swap3A_493 = arith.constant 16 : index
      %swap3A_494 = tpu.vector_load %arg15[%swap3A_493] {strides = array<i32>} : memref<128xf32, #tpu.memory_space<vmem>>, vector<16xf32>,
      tpu.vector_store %arg15[%swap3A_493], %gather3A_492 {strides = array<i32>} : memref<128xf32, #tpu.memory_space<vmem>>, vector<16xf32>,
      %add3A_495 = arith.constant 16 : i32
      %add3A_496 = arith.addi %multiple_of3A_474, %add3A_495 : i32
      %get3A_497 = arith.index_cast %add3A_496 : i32 to index
      %get3A_498 = tpu.vector_load %arg11[%get3A_497] {strides = array<i32>} : memref<20000xi32, #tpu.memory_space<vmem>>, vector<16xi32>,
      %swap3A_499 = arith.constant 16 : index
      %swap3A_500 = tpu.vector_load %arg12[%swap3A_499] {strides = array<i32>} : memref<128xi32, #tpu.memory_space<vmem>>, vector<16xi32>,
      tpu.vector_store %arg12[%swap3A_499], %get3A_498 {strides = array<i32>} : memref<128xi32, #tpu.memory_space<vmem>>, vector<16xi32>,
      %add3A_501 = arith.constant 32 : i32
      %add3A_502 = arith.addi %multiple_of3A_474, %add3A_501 : i32
      %get3A_503 = arith.index_cast %add3A_502 : i32 to index
      %get3A_504 = tpu.vector_load %arg10[%get3A_503] {strides = array<i32>} : memref<20000xi32, #tpu.memory_space<vmem>>, vector<16xi32>,
      %gather3A_505 = tpu.vector_load_idx %arg9[%get3A_504] : memref<10000xf32, #tpu.memory_space<vmem>>[vector<16xi32>], vector<16xf32>,
      %swap3A_506 = arith.constant 32 : index
      %swap3A_507 = tpu.vector_load %arg15[%swap3A_506] {strides = array<i32>} : memref<128xf32, #tpu.memory_space<vmem>>, vector<16xf32>,
      tpu.vector_store %arg15[%swap3A_506], %gather3A_505 {strides = array<i32>} : memref<128xf32, #tpu.memory_space<vmem>>, vector<16xf32>,
      %add3A_508 = arith.constant 32 : i32
      %add3A_509 = arith.addi %multiple_of3A_474, %add3A_508 : i32
      %get3A_510 = arith.index_cast %add3A_509 : i32 to index
      %get3A_511 = tpu.vector_load %arg11[%get3A_510] {strides = array<i32>} : memref<20000xi32, #tpu.memory_space<vmem>>, vector<16xi32>,
      %swap3A_512 = arith.constant 32 : index
      %swap3A_513 = tpu.vector_load %arg12[%swap3A_512] {strides = array<i32>} : memref<128xi32, #tpu.memory_space<vmem>>, vector<16xi32>,
      tpu.vector_store %arg12[%swap3A_512], %get3A_511 {strides = array<i32>} : memref<128xi32, #tpu.memory_space<vmem>>, vector<16xi32>,
      %add3A_514 = arith.constant 48 : i32
      %add3A_515 = arith.addi %multiple_of3A_474, %add3A_514 : i32
      %get3A_516 = arith.index_cast %add3A_515 : i32 to index
      %get3A_517 = tpu.vector_load %arg10[%get3A_516] {strides = array<i32>} : memref<20000xi32, #tpu.memory_space<vmem>>, vector<16xi32>,
      %gather3A_518 = tpu.vector_load_idx %arg9[%get3A_517] : memref<10000xf32, #tpu.memory_space<vmem>>[vector<16xi32>], vector<16xf32>,
      %swap3A_519 = arith.constant 48 : index
      %swap3A_520 = tpu.vector_load %arg15[%swap3A_519] {strides = array<i32>} : memref<128xf32, #tpu.memory_space<vmem>>, vector<16xf32>,
      tpu.vector_store %arg15[%swap3A_519], %gather3A_518 {strides = array<i32>} : memref<128xf32, #tpu.memory_space<vmem>>, vector<16xf32>,
      %add3A_521 = arith.constant 48 : i32
      %add3A_522 = arith.addi %multiple_of3A_474, %add3A_521 : i32
      %get3A_523 = arith.index_cast %add3A_522 : i32 to index
      %get3A_524 = tpu.vector_load %arg11[%get3A_523] {strides = array<i32>} : memref<20000xi32, #tpu.memory_space<vmem>>, vector<16xi32>,
      %swap3A_525 = arith.constant 48 : index
      %swap3A_526 = tpu.vector_load %arg12[%swap3A_525] {strides = array<i32>} : memref<128xi32, #tpu.memory_space<vmem>>, vector<16xi32>,
      tpu.vector_store %arg12[%swap3A_525], %get3A_524 {strides = array<i32>} : memref<128xi32, #tpu.memory_space<vmem>>, vector<16xi32>,
      %add3A_527 = arith.constant 64 : i32
      %add3A_528 = arith.addi %multiple_of3A_474, %add3A_527 : i32
      %get3A_529 = arith.index_cast %add3A_528 : i32 to index
      %get3A_530 = tpu.vector_load %arg10[%get3A_529] {strides = array<i32>} : memref<20000xi32, #tpu.memory_space<vmem>>, vector<16xi32>,
      %gather3A_531 = tpu.vector_load_idx %arg9[%get3A_530] : memref<10000xf32, #tpu.memory_space<vmem>>[vector<16xi32>], vector<16xf32>,
      %swap3A_532 = arith.constant 64 : index
      %swap3A_533 = tpu.vector_load %arg15[%swap3A_532] {strides = array<i32>} : memref<128xf32, #tpu.memory_space<vmem>>, vector<16xf32>,
      tpu.vector_store %arg15[%swap3A_532], %gather3A_531 {strides = array<i32>} : memref<128xf32, #tpu.memory_space<vmem>>, vector<16xf32>,
      %add3A_534 = arith.constant 64 : i32
      %add3A_535 = arith.addi %multiple_of3A_474, %add3A_534 : i32
      %get3A_536 = arith.index_cast %add3A_535 : i32 to index
      %get3A_537 = tpu.vector_load %arg11[%get3A_536] {strides = array<i32>} : memref<20000xi32, #tpu.memory_space<vmem>>, vector<16xi32>,
      %swap3A_538 = arith.constant 64 : index
      %swap3A_539 = tpu.vector_load %arg12[%swap3A_538] {strides = array<i32>} : memref<128xi32, #tpu.memory_space<vmem>>, vector<16xi32>,
      tpu.vector_store %arg12[%swap3A_538], %get3A_537 {strides = array<i32>} : memref<128xi32, #tpu.memory_space<vmem>>, vector<16xi32>,
      %add3A_540 = arith.constant 80 : i32
      %add3A_541 = arith.addi %multiple_of3A_474, %add3A_540 : i32
      %get3A_542 = arith.index_cast %add3A_541 : i32 to index
      %get3A_543 = tpu.vector_load %arg10[%get3A_542] {strides = array<i32>} : memref<20000xi32, #tpu.memory_space<vmem>>, vector<16xi32>,
      %gather3A_544 = tpu.vector_load_idx %arg9[%get3A_543] : memref<10000xf32, #tpu.memory_space<vmem>>[vector<16xi32>], vector<16xf32>,
      %swap3A_545 = arith.constant 80 : index
      %swap3A_546 = tpu.vector_load %arg15[%swap3A_545] {strides = array<i32>} : memref<128xf32, #tpu.memory_space<vmem>>, vector<16xf32>,
      tpu.vector_store %arg15[%swap3A_545], %gather3A_544 {strides = array<i32>} : memref<128xf32, #tpu.memory_space<vmem>>, vector<16xf32>,
      %add3A_547 = arith.constant 80 : i32
      %add3A_548 = arith.addi %multiple_of3A_474, %add3A_547 : i32
      %get3A_549 = arith.index_cast %add3A_548 : i32 to index
      %get3A_550 = tpu.vector_load %arg11[%get3A_549] {strides = array<i32>} : memref<20000xi32, #tpu.memory_space<vmem>>, vector<16xi32>,
      %swap3A_551 = arith.constant 80 : index
      %swap3A_552 = tpu.vector_load %arg12[%swap3A_551] {strides = array<i32>} : memref<128xi32, #tpu.memory_space<vmem>>, vector<16xi32>,
      tpu.vector_store %arg12[%swap3A_551], %get3A_550 {strides = array<i32>} : memref<128xi32, #tpu.memory_space<vmem>>, vector<16xi32>,
      %add3A_553 = arith.constant 96 : i32
      %add3A_554 = arith.addi %multiple_of3A_474, %add3A_553 : i32
      %get3A_555 = arith.index_cast %add3A_554 : i32 to index
      %get3A_556 = tpu.vector_load %arg10[%get3A_555] {strides = array<i32>} : memref<20000xi32, #tpu.memory_space<vmem>>, vector<16xi32>,
      %gather3A_557 = tpu.vector_load_idx %arg9[%get3A_556] : memref<10000xf32, #tpu.memory_space<vmem>>[vector<16xi32>], vector<16xf32>,
      %swap3A_558 = arith.constant 96 : index
      %swap3A_559 = tpu.vector_load %arg15[%swap3A_558] {strides = array<i32>} : memref<128xf32, #tpu.memory_space<vmem>>, vector<16xf32>,
      tpu.vector_store %arg15[%swap3A_558], %gather3A_557 {strides = array<i32>} : memref<128xf32, #tpu.memory_space<vmem>>, vector<16xf32>,
      %add3A_560 = arith.constant 96 : i32
      %add3A_561 = arith.addi %multiple_of3A_474, %add3A_560 : i32
      %get3A_562 = arith.index_cast %add3A_561 : i32 to index
      %get3A_563 = tpu.vector_load %arg11[%get3A_562] {strides = array<i32>} : memref<20000xi32, #tpu.memory_space<vmem>>, vector<16xi32>,
      %swap3A_564 = arith.constant 96 : index
      %swap3A_565 = tpu.vector_load %arg12[%swap3A_564] {strides = array<i32>} : memref<128xi32, #tpu.memory_space<vmem>>, vector<16xi32>,
      tpu.vector_store %arg12[%swap3A_564], %get3A_563 {strides = array<i32>} : memref<128xi32, #tpu.memory_space<vmem>>, vector<16xi32>,
      %add3A_566 = arith.constant 112 : i32
      %add3A_567 = arith.addi %multiple_of3A_474, %add3A_566 : i32
      %get3A_568 = arith.index_cast %add3A_567 : i32 to index
      %get3A_569 = tpu.vector_load %arg10[%get3A_568] {strides = array<i32>} : memref<20000xi32, #tpu.memory_space<vmem>>, vector<16xi32>,
      %gather3A_570 = tpu.vector_load_idx %arg9[%get3A_569] : memref<10000xf32, #tpu.memory_space<vmem>>[vector<16xi32>], vector<16xf32>,
      %swap3A_571 = arith.constant 112 : index
      %swap3A_572 = tpu.vector_load %arg15[%swap3A_571] {strides = array<i32>} : memref<128xf32, #tpu.memory_space<vmem>>, vector<16xf32>,
      tpu.vector_store %arg15[%swap3A_571], %gather3A_570 {strides = array<i32>} : memref<128xf32, #tpu.memory_space<vmem>>, vector<16xf32>,
      %add3A_573 = arith.constant 112 : i32
      %add3A_574 = arith.addi %multiple_of3A_474, %add3A_573 : i32
      %get3A_575 = arith.index_cast %add3A_574 : i32 to index
      %get3A_576 = tpu.vector_load %arg11[%get3A_575] {strides = array<i32>} : memref<20000xi32, #tpu.memory_space<vmem>>, vector<16xi32>,
      %swap3A_577 = arith.constant 112 : index
      %swap3A_578 = tpu.vector_load %arg12[%swap3A_577] {strides = array<i32>} : memref<128xi32, #tpu.memory_space<vmem>>, vector<16xi32>,
      tpu.vector_store %arg12[%swap3A_577], %get3A_576 {strides = array<i32>} : memref<128xi32, #tpu.memory_space<vmem>>, vector<16xi32>,
      %dma_start3A_579 = arith.constant 0 : i32
      %dma_start3A_580 = tpu.memref_slice %arg21[%dma_start3A_579] : memref<10000xf32, #tpu.memory_space<vmem_shared>> -> memref<10000xf32, #tpu.memory_space<vmem_shared>>
      tpu.enqueue_indirect_dma source(%arg15 : memref<128xf32, #tpu.memory_space<vmem>>) target(%dma_start3A_580 : memref<10000xf32, #tpu.memory_space<vmem_shared>>) offsets(%arg12 : memref<128xi32, #tpu.memory_space<vmem>>) semaphore(%arg22 : memref<!tpu.dma_semaphore, #tpu.memory_space<semaphore_mem>>) {add = true}
      %dma_wait3A_581 = arith.constant 0 : i32
      %dma_wait3A_582 = tpu.memref_slice %arg21[%dma_wait3A_581] : memref<10000xf32, #tpu.memory_space<vmem_shared>> -> memref<10000xf32, #tpu.memory_space<vmem_shared>>
      tpu.wait_indirect_dma semaphore(%arg23 : memref<!tpu.dma_semaphore, #tpu.memory_space<semaphore_mem>>) src(%arg16 : memref<128xf32, #tpu.memory_space<vmem>>) dst(%dma_wait3A_582 : memref<10000xf32, #tpu.memory_space<vmem_shared>>)
      %mul3A_583 = arith.constant 2 : i32
      %mul3A_584 = arith.muli %mul3A_583, %scan3A_465 : i32
      %add3A_585 = arith.constant 3 : i32
      %add3A_586 = arith.addi %mul3A_584, %add3A_585 : i32
      %mul3A_587 = arith.constant 128 : i32
      %mul3A_588 = arith.muli %add3A_586, %mul3A_587 : i32
      %multiple_of3A_589 = tpu.assume_multiple %mul3A_588, 8 : i32
      %add3A_590 = arith.constant 0 : i32
      %add3A_591 = arith.addi %multiple_of3A_589, %add3A_590 : i32
      %get3A_592 = arith.index_cast %add3A_591 : i32 to index
      %get3A_593 = tpu.vector_load %arg10[%get3A_592] {strides = array<i32>} : memref<20000xi32, #tpu.memory_space<vmem>>, vector<16xi32>,
      %gather3A_594 = tpu.vector_load_idx %arg9[%get3A_593] : memref<10000xf32, #tpu.memory_space<vmem>>[vector<16xi32>], vector<16xf32>,
      %swap3A_595 = arith.constant 0 : index
      %swap3A_596 = tpu.vector_load %arg16[%swap3A_595] {strides = array<i32>} : memref<128xf32, #tpu.memory_space<vmem>>, vector<16xf32>,
      tpu.vector_store %arg16[%swap3A_595], %gather3A_594 {strides = array<i32>} : memref<128xf32, #tpu.memory_space<vmem>>, vector<16xf32>,
      %add3A_597 = arith.constant 0 : i32
      %add3A_598 = arith.addi %multiple_of3A_589, %add3A_597 : i32
      %get3A_599 = arith.index_cast %add3A_598 : i32 to index
      %get3A_600 = tpu.vector_load %arg11[%get3A_599] {strides = array<i32>} : memref<20000xi32, #tpu.memory_space<vmem>>, vector<16xi32>,
      %swap3A_601 = arith.constant 0 : index
      %swap3A_602 = tpu.vector_load %arg13[%swap3A_601] {strides = array<i32>} : memref<128xi32, #tpu.memory_space<vmem>>, vector<16xi32>,
      tpu.vector_store %arg13[%swap3A_601], %get3A_600 {strides = array<i32>} : memref<128xi32, #tpu.memory_space<vmem>>, vector<16xi32>,
      %add3A_603 = arith.constant 16 : i32
      %add3A_604 = arith.addi %multiple_of3A_589, %add3A_603 : i32
      %get3A_605 = arith.index_cast %add3A_604 : i32 to index
      %get3A_606 = tpu.vector_load %arg10[%get3A_605] {strides = array<i32>} : memref<20000xi32, #tpu.memory_space<vmem>>, vector<16xi32>,
      %gather3A_607 = tpu.vector_load_idx %arg9[%get3A_606] : memref<10000xf32, #tpu.memory_space<vmem>>[vector<16xi32>], vector<16xf32>,
      %swap3A_608 = arith.constant 16 : index
      %swap3A_609 = tpu.vector_load %arg16[%swap3A_608] {strides = array<i32>} : memref<128xf32, #tpu.memory_space<vmem>>, vector<16xf32>,
      tpu.vector_store %arg16[%swap3A_608], %gather3A_607 {strides = array<i32>} : memref<128xf32, #tpu.memory_space<vmem>>, vector<16xf32>,
      %add3A_610 = arith.constant 16 : i32
      %add3A_611 = arith.addi %multiple_of3A_589, %add3A_610 : i32
      %get3A_612 = arith.index_cast %add3A_611 : i32 to index
      %get3A_613 = tpu.vector_load %arg11[%get3A_612] {strides = array<i32>} : memref<20000xi32, #tpu.memory_space<vmem>>, vector<16xi32>,
      %swap3A_614 = arith.constant 16 : index
      %swap3A_615 = tpu.vector_load %arg13[%swap3A_614] {strides = array<i32>} : memref<128xi32, #tpu.memory_space<vmem>>, vector<16xi32>,
      tpu.vector_store %arg13[%swap3A_614], %get3A_613 {strides = array<i32>} : memref<128xi32, #tpu.memory_space<vmem>>, vector<16xi32>,
      %add3A_616 = arith.constant 32 : i32
      %add3A_617 = arith.addi %multiple_of3A_589, %add3A_616 : i32
      %get3A_618 = arith.index_cast %add3A_617 : i32 to index
      %get3A_619 = tpu.vector_load %arg10[%get3A_618] {strides = array<i32>} : memref<20000xi32, #tpu.memory_space<vmem>>, vector<16xi32>,
      %gather3A_620 = tpu.vector_load_idx %arg9[%get3A_619] : memref<10000xf32, #tpu.memory_space<vmem>>[vector<16xi32>], vector<16xf32>,
      %swap3A_621 = arith.constant 32 : index
      %swap3A_622 = tpu.vector_load %arg16[%swap3A_621] {strides = array<i32>} : memref<128xf32, #tpu.memory_space<vmem>>, vector<16xf32>,
      tpu.vector_store %arg16[%swap3A_621], %gather3A_620 {strides = array<i32>} : memref<128xf32, #tpu.memory_space<vmem>>, vector<16xf32>,
      %add3A_623 = arith.constant 32 : i32
      %add3A_624 = arith.addi %multiple_of3A_589, %add3A_623 : i32
      %get3A_625 = arith.index_cast %add3A_624 : i32 to index
      %get3A_626 = tpu.vector_load %arg11[%get3A_625] {strides = array<i32>} : memref<20000xi32, #tpu.memory_space<vmem>>, vector<16xi32>,
      %swap3A_627 = arith.constant 32 : index
      %swap3A_628 = tpu.vector_load %arg13[%swap3A_627] {strides = array<i32>} : memref<128xi32, #tpu.memory_space<vmem>>, vector<16xi32>,
      tpu.vector_store %arg13[%swap3A_627], %get3A_626 {strides = array<i32>} : memref<128xi32, #tpu.memory_space<vmem>>, vector<16xi32>,
      %add3A_629 = arith.constant 48 : i32
      %add3A_630 = arith.addi %multiple_of3A_589, %add3A_629 : i32
      %get3A_631 = arith.index_cast %add3A_630 : i32 to index
      %get3A_632 = tpu.vector_load %arg10[%get3A_631] {strides = array<i32>} : memref<20000xi32, #tpu.memory_space<vmem>>, vector<16xi32>,
      %gather3A_633 = tpu.vector_load_idx %arg9[%get3A_632] : memref<10000xf32, #tpu.memory_space<vmem>>[vector<16xi32>], vector<16xf32>,
      %swap3A_634 = arith.constant 48 : index
      %swap3A_635 = tpu.vector_load %arg16[%swap3A_634] {strides = array<i32>} : memref<128xf32, #tpu.memory_space<vmem>>, vector<16xf32>,
      tpu.vector_store %arg16[%swap3A_634], %gather3A_633 {strides = array<i32>} : memref<128xf32, #tpu.memory_space<vmem>>, vector<16xf32>,
      %add3A_636 = arith.constant 48 : i32
      %add3A_637 = arith.addi %multiple_of3A_589, %add3A_636 : i32
      %get3A_638 = arith.index_cast %add3A_637 : i32 to index
      %get3A_639 = tpu.vector_load %arg11[%get3A_638] {strides = array<i32>} : memref<20000xi32, #tpu.memory_space<vmem>>, vector<16xi32>,
      %swap3A_640 = arith.constant 48 : index
      %swap3A_641 = tpu.vector_load %arg13[%swap3A_640] {strides = array<i32>} : memref<128xi32, #tpu.memory_space<vmem>>, vector<16xi32>,
      tpu.vector_store %arg13[%swap3A_640], %get3A_639 {strides = array<i32>} : memref<128xi32, #tpu.memory_space<vmem>>, vector<16xi32>,
      %add3A_642 = arith.constant 64 : i32
      %add3A_643 = arith.addi %multiple_of3A_589, %add3A_642 : i32
      %get3A_644 = arith.index_cast %add3A_643 : i32 to index
      %get3A_645 = tpu.vector_load %arg10[%get3A_644] {strides = array<i32>} : memref<20000xi32, #tpu.memory_space<vmem>>, vector<16xi32>,
      %gather3A_646 = tpu.vector_load_idx %arg9[%get3A_645] : memref<10000xf32, #tpu.memory_space<vmem>>[vector<16xi32>], vector<16xf32>,
      %swap3A_647 = arith.constant 64 : index
      %swap3A_648 = tpu.vector_load %arg16[%swap3A_647] {strides = array<i32>} : memref<128xf32, #tpu.memory_space<vmem>>, vector<16xf32>,
      tpu.vector_store %arg16[%swap3A_647], %gather3A_646 {strides = array<i32>} : memref<128xf32, #tpu.memory_space<vmem>>, vector<16xf32>,
      %add3A_649 = arith.constant 64 : i32
      %add3A_650 = arith.addi %multiple_of3A_589, %add3A_649 : i32
      %get3A_651 = arith.index_cast %add3A_650 : i32 to index
      %get3A_652 = tpu.vector_load %arg11[%get3A_651] {strides = array<i32>} : memref<20000xi32, #tpu.memory_space<vmem>>, vector<16xi32>,
      %swap3A_653 = arith.constant 64 : index
      %swap3A_654 = tpu.vector_load %arg13[%swap3A_653] {strides = array<i32>} : memref<128xi32, #tpu.memory_space<vmem>>, vector<16xi32>,
      tpu.vector_store %arg13[%swap3A_653], %get3A_652 {strides = array<i32>} : memref<128xi32, #tpu.memory_space<vmem>>, vector<16xi32>,
      %add3A_655 = arith.constant 80 : i32
      %add3A_656 = arith.addi %multiple_of3A_589, %add3A_655 : i32
      %get3A_657 = arith.index_cast %add3A_656 : i32 to index
      %get3A_658 = tpu.vector_load %arg10[%get3A_657] {strides = array<i32>} : memref<20000xi32, #tpu.memory_space<vmem>>, vector<16xi32>,
      %gather3A_659 = tpu.vector_load_idx %arg9[%get3A_658] : memref<10000xf32, #tpu.memory_space<vmem>>[vector<16xi32>], vector<16xf32>,
      %swap3A_660 = arith.constant 80 : index
      %swap3A_661 = tpu.vector_load %arg16[%swap3A_660] {strides = array<i32>} : memref<128xf32, #tpu.memory_space<vmem>>, vector<16xf32>,
      tpu.vector_store %arg16[%swap3A_660], %gather3A_659 {strides = array<i32>} : memref<128xf32, #tpu.memory_space<vmem>>, vector<16xf32>,
      %add3A_662 = arith.constant 80 : i32
      %add3A_663 = arith.addi %multiple_of3A_589, %add3A_662 : i32
      %get3A_664 = arith.index_cast %add3A_663 : i32 to index
      %get3A_665 = tpu.vector_load %arg11[%get3A_664] {strides = array<i32>} : memref<20000xi32, #tpu.memory_space<vmem>>, vector<16xi32>,
      %swap3A_666 = arith.constant 80 : index
      %swap3A_667 = tpu.vector_load %arg13[%swap3A_666] {strides = array<i32>} : memref<128xi32, #tpu.memory_space<vmem>>, vector<16xi32>,
      tpu.vector_store %arg13[%swap3A_666], %get3A_665 {strides = array<i32>} : memref<128xi32, #tpu.memory_space<vmem>>, vector<16xi32>,
      %add3A_668 = arith.constant 96 : i32
      %add3A_669 = arith.addi %multiple_of3A_589, %add3A_668 : i32
      %get3A_670 = arith.index_cast %add3A_669 : i32 to index
      %get3A_671 = tpu.vector_load %arg10[%get3A_670] {strides = array<i32>} : memref<20000xi32, #tpu.memory_space<vmem>>, vector<16xi32>,
      %gather3A_672 = tpu.vector_load_idx %arg9[%get3A_671] : memref<10000xf32, #tpu.memory_space<vmem>>[vector<16xi32>], vector<16xf32>,
      %swap3A_673 = arith.constant 96 : index
      %swap3A_674 = tpu.vector_load %arg16[%swap3A_673] {strides = array<i32>} : memref<128xf32, #tpu.memory_space<vmem>>, vector<16xf32>,
      tpu.vector_store %arg16[%swap3A_673], %gather3A_672 {strides = array<i32>} : memref<128xf32, #tpu.memory_space<vmem>>, vector<16xf32>,
      %add3A_675 = arith.constant 96 : i32
      %add3A_676 = arith.addi %multiple_of3A_589, %add3A_675 : i32
      %get3A_677 = arith.index_cast %add3A_676 : i32 to index
      %get3A_678 = tpu.vector_load %arg11[%get3A_677] {strides = array<i32>} : memref<20000xi32, #tpu.memory_space<vmem>>, vector<16xi32>,
      %swap3A_679 = arith.constant 96 : index
      %swap3A_680 = tpu.vector_load %arg13[%swap3A_679] {strides = array<i32>} : memref<128xi32, #tpu.memory_space<vmem>>, vector<16xi32>,
      tpu.vector_store %arg13[%swap3A_679], %get3A_678 {strides = array<i32>} : memref<128xi32, #tpu.memory_space<vmem>>, vector<16xi32>,
      %add3A_681 = arith.constant 112 : i32
      %add3A_682 = arith.addi %multiple_of3A_589, %add3A_681 : i32
      %get3A_683 = arith.index_cast %add3A_682 : i32 to index
      %get3A_684 = tpu.vector_load %arg10[%get3A_683] {strides = array<i32>} : memref<20000xi32, #tpu.memory_space<vmem>>, vector<16xi32>,
      %gather3A_685 = tpu.vector_load_idx %arg9[%get3A_684] : memref<10000xf32, #tpu.memory_space<vmem>>[vector<16xi32>], vector<16xf32>,
      %swap3A_686 = arith.constant 112 : index
      %swap3A_687 = tpu.vector_load %arg16[%swap3A_686] {strides = array<i32>} : memref<128xf32, #tpu.memory_space<vmem>>, vector<16xf32>,
      tpu.vector_store %arg16[%swap3A_686], %gather3A_685 {strides = array<i32>} : memref<128xf32, #tpu.memory_space<vmem>>, vector<16xf32>,
      %add3A_688 = arith.constant 112 : i32
      %add3A_689 = arith.addi %multiple_of3A_589, %add3A_688 : i32
      %get3A_690 = arith.index_cast %add3A_689 : i32 to index
      %get3A_691 = tpu.vector_load %arg11[%get3A_690] {strides = array<i32>} : memref<20000xi32, #tpu.memory_space<vmem>>, vector<16xi32>,
      %swap3A_692 = arith.constant 112 : index
      %swap3A_693 = tpu.vector_load %arg13[%swap3A_692] {strides = array<i32>} : memref<128xi32, #tpu.memory_space<vmem>>, vector<16xi32>,
      tpu.vector_store %arg13[%swap3A_692], %get3A_691 {strides = array<i32>} : memref<128xi32, #tpu.memory_space<vmem>>, vector<16xi32>,
      %dma_start3A_694 = arith.constant 0 : i32
      %dma_start3A_695 = tpu.memref_slice %arg21[%dma_start3A_694] : memref<10000xf32, #tpu.memory_space<vmem_shared>> -> memref<10000xf32, #tpu.memory_space<vmem_shared>>
      tpu.enqueue_indirect_dma source(%arg16 : memref<128xf32, #tpu.memory_space<vmem>>) target(%dma_start3A_695 : memref<10000xf32, #tpu.memory_space<vmem_shared>>) offsets(%arg13 : memref<128xi32, #tpu.memory_space<vmem>>) semaphore(%arg23 : memref<!tpu.dma_semaphore, #tpu.memory_space<semaphore_mem>>) {add = true}
    }
    %scan3A_221 = arith.constant 77 : i32
    %dma_wait3A = arith.constant 0 : i32
    %dma_wait3A_222 = tpu.memref_slice %arg21[%dma_wait3A] : memref<10000xf32, #tpu.memory_space<vmem_shared>> -> memref<10000xf32, #tpu.memory_space<vmem_shared>>
    tpu.wait_indirect_dma semaphore(%arg22 : memref<!tpu.dma_semaphore, #tpu.memory_space<semaphore_mem>>) src(%arg15 : memref<128xf32, #tpu.memory_space<vmem>>) dst(%dma_wait3A_222 : memref<10000xf32, #tpu.memory_space<vmem_shared>>)
    %dma_wait3A_223 = arith.constant 0 : i32
    %dma_wait3A_224 = tpu.memref_slice %arg21[%dma_wait3A_223] : memref<10000xf32, #tpu.memory_space<vmem_shared>> -> memref<10000xf32, #tpu.memory_space<vmem_shared>>
    tpu.wait_indirect_dma semaphore(%arg23 : memref<!tpu.dma_semaphore, #tpu.memory_space<semaphore_mem>>) src(%arg16 : memref<128xf32, #tpu.memory_space<vmem>>) dst(%dma_wait3A_224 : memref<10000xf32, #tpu.memory_space<vmem_shared>>)
    %multiple_of3A_225 = arith.constant 19968 : i32
    %multiple_of3A_226 = tpu.assume_multiple %multiple_of3A_225, 8 : i32
    %add3A_227 = arith.constant 0 : i32
    %add3A_228 = arith.addi %multiple_of3A_226, %add3A_227 : i32
    %get3A_229 = arith.index_cast %add3A_228 : i32 to index
    %get3A_230 = tpu.vector_load %arg10[%get3A_229] {strides = array<i32>} : memref<20000xi32, #tpu.memory_space<vmem>>, vector<16xi32>,
    %gather3A_231 = tpu.vector_load_idx %arg9[%get3A_230] : memref<10000xf32, #tpu.memory_space<vmem>>[vector<16xi32>], vector<16xf32>,
    %swap3A_232 = arith.constant 0 : index
    %swap3A_233 = tpu.vector_load %arg15[%swap3A_232] {strides = array<i32>} : memref<128xf32, #tpu.memory_space<vmem>>, vector<16xf32>,
    tpu.vector_store %arg15[%swap3A_232], %gather3A_231 {strides = array<i32>} : memref<128xf32, #tpu.memory_space<vmem>>, vector<16xf32>,
    %add3A_234 = arith.constant 0 : i32
    %add3A_235 = arith.addi %multiple_of3A_226, %add3A_234 : i32
    %get3A_236 = arith.index_cast %add3A_235 : i32 to index
    %get3A_237 = tpu.vector_load %arg11[%get3A_236] {strides = array<i32>} : memref<20000xi32, #tpu.memory_space<vmem>>, vector<16xi32>,
    %swap3A_238 = arith.constant 0 : index
    %swap3A_239 = tpu.vector_load %arg14[%swap3A_238] {strides = array<i32>} : memref<32xi32, #tpu.memory_space<vmem>>, vector<16xi32>,
    tpu.vector_store %arg14[%swap3A_238], %get3A_237 {strides = array<i32>} : memref<32xi32, #tpu.memory_space<vmem>>, vector<16xi32>,
    %add3A_240 = arith.constant 16 : i32
    %add3A_241 = arith.addi %multiple_of3A_226, %add3A_240 : i32
    %get3A_242 = arith.index_cast %add3A_241 : i32 to index
    %get3A_243 = tpu.vector_load %arg10[%get3A_242] {strides = array<i32>} : memref<20000xi32, #tpu.memory_space<vmem>>, vector<16xi32>,
    %gather3A_244 = tpu.vector_load_idx %arg9[%get3A_243] : memref<10000xf32, #tpu.memory_space<vmem>>[vector<16xi32>], vector<16xf32>,
    %swap3A_245 = arith.constant 16 : index
    %swap3A_246 = tpu.vector_load %arg15[%swap3A_245] {strides = array<i32>} : memref<128xf32, #tpu.memory_space<vmem>>, vector<16xf32>,
    tpu.vector_store %arg15[%swap3A_245], %gather3A_244 {strides = array<i32>} : memref<128xf32, #tpu.memory_space<vmem>>, vector<16xf32>,
    %add3A_247 = arith.constant 16 : i32
    %add3A_248 = arith.addi %multiple_of3A_226, %add3A_247 : i32
    %get3A_249 = arith.index_cast %add3A_248 : i32 to index
    %get3A_250 = tpu.vector_load %arg11[%get3A_249] {strides = array<i32>} : memref<20000xi32, #tpu.memory_space<vmem>>, vector<16xi32>,
    %swap3A_251 = arith.constant 16 : index
    %swap3A_252 = tpu.vector_load %arg14[%swap3A_251] {strides = array<i32>} : memref<32xi32, #tpu.memory_space<vmem>>, vector<16xi32>,
    tpu.vector_store %arg14[%swap3A_251], %get3A_250 {strides = array<i32>} : memref<32xi32, #tpu.memory_space<vmem>>, vector<16xi32>,
    "tpu.region"() ({
      %run_scoped3A = tpu.sem_alloc : memref<!tpu.dma_semaphore, #tpu.memory_space<semaphore_mem>>
      %dma_start3A_465 = arith.constant 0 : i32
      %dma_start3A_466 = tpu.memref_slice %arg15[%dma_start3A_465] : memref<128xf32, #tpu.memory_space<vmem>> -> memref<32xf32, #tpu.memory_space<vmem>>
      %dma_start3A_467 = arith.constant 0 : i32
      %dma_start3A_468 = tpu.memref_slice %arg21[%dma_start3A_467] : memref<10000xf32, #tpu.memory_space<vmem_shared>> -> memref<10000xf32, #tpu.memory_space<vmem_shared>>
      tpu.enqueue_indirect_dma source(%dma_start3A_466 : memref<32xf32, #tpu.memory_space<vmem>>) target(%dma_start3A_468 : memref<10000xf32, #tpu.memory_space<vmem_shared>>) offsets(%arg14 : memref<32xi32, #tpu.memory_space<vmem>>) semaphore(%run_scoped3A : memref<!tpu.dma_semaphore, #tpu.memory_space<semaphore_mem>>) {add = true}
      %dma_wait3A_469 = arith.constant 0 : i32
      %dma_wait3A_470 = tpu.memref_slice %arg15[%dma_wait3A_469] : memref<128xf32, #tpu.memory_space<vmem>> -> memref<32xf32, #tpu.memory_space<vmem>>
      %dma_wait3A_471 = arith.constant 0 : i32
      %dma_wait3A_472 = tpu.memref_slice %arg21[%dma_wait3A_471] : memref<10000xf32, #tpu.memory_space<vmem_shared>> -> memref<10000xf32, #tpu.memory_space<vmem_shared>>
      tpu.wait_indirect_dma semaphore(%run_scoped3A : memref<!tpu.dma_semaphore, #tpu.memory_space<semaphore_mem>>) src(%dma_wait3A_470 : memref<32xf32, #tpu.memory_space<vmem>>) dst(%dma_wait3A_472 : memref<10000xf32, #tpu.memory_space<vmem_shared>>)
      tpu.yield
    }) : () -> ()
    %barrier3A_253 = arith.constant 0 : index
    tpu.barrier barrier_id(%barrier3A_253)
    %mul3A_254 = arith.constant 5000 : i32
    %mul3A_255 = arith.muli %arg0, %mul3A_254 : i32
    %mul3A_256 = arith.constant 312 : i32
    %mul3A_257 = arith.muli %arg1, %mul3A_256 : i32
    %add3A_258 = arith.addi %mul3A_255, %mul3A_257 : i32
    %multiple_of3A_259 = tpu.assume_multiple %add3A_258, 8 : i32
    "tpu.region"() ({
      %run_scoped3A = tpu.sem_alloc : memref<!tpu.dma_semaphore, #tpu.memory_space<semaphore_mem>>
      %dma_start3A_465 = arith.constant 0 : i32
      %dma_start3A_466 = tpu.memref_slice %arg17[%dma_start3A_465] : memref<624xf32, #tpu.memory_space<vmem>> -> memref<312xf32, #tpu.memory_space<vmem>>
      %dma_start3A_467 = tpu.memref_slice %arg21[%multiple_of3A_259] : memref<10000xf32, #tpu.memory_space<vmem_shared>> -> memref<312xf32, #tpu.memory_space<vmem_shared>>
      %dma_start3A_468 = arith.constant 0 : i32
      %dma_start3A_469 = tpu.memref_slice %arg17[%dma_start3A_468] : memref<624xf32, #tpu.memory_space<vmem>> -> memref<312xf32, #tpu.memory_space<vmem>>
      %dma_start3A_470 = tpu.memref_slice %arg21[%multiple_of3A_259] : memref<10000xf32, #tpu.memory_space<vmem_shared>> -> memref<312xf32, #tpu.memory_space<vmem_shared>>
      tpu.enqueue_dma source(%dma_start3A_470 : memref<312xf32, #tpu.memory_space<vmem_shared>>) target(%dma_start3A_469 : memref<312xf32, #tpu.memory_space<vmem>>) target_semaphore(%run_scoped3A : memref<!tpu.dma_semaphore, #tpu.memory_space<semaphore_mem>>)
      %dma_wait3A_471 = arith.constant 0 : i32
      %dma_wait3A_472 = tpu.memref_slice %arg17[%dma_wait3A_471] : memref<624xf32, #tpu.memory_space<vmem>> -> memref<312xf32, #tpu.memory_space<vmem>>
      %dma_wait3A_473 = tpu.memref_slice %arg21[%multiple_of3A_259] : memref<10000xf32, #tpu.memory_space<vmem_shared>> -> memref<312xf32, #tpu.memory_space<vmem_shared>>
      %dma_wait3A_474 = arith.constant 0 : i32
      %dma_wait3A_475 = tpu.memref_slice %arg17[%dma_wait3A_474] : memref<624xf32, #tpu.memory_space<vmem>> -> memref<312xf32, #tpu.memory_space<vmem>>
      %dma_wait3A_476 = tpu.memref_slice %arg21[%multiple_of3A_259] : memref<10000xf32, #tpu.memory_space<vmem_shared>> -> memref<312xf32, #tpu.memory_space<vmem_shared>>
      tpu.wait_dma2 semaphore(%run_scoped3A : memref<!tpu.dma_semaphore, #tpu.memory_space<semaphore_mem>>) src(%dma_wait3A_476 : memref<312xf32, #tpu.memory_space<vmem_shared>>) dst(%dma_wait3A_475 : memref<312xf32, #tpu.memory_space<vmem>>)
      tpu.yield
    }) : () -> ()
    "tpu.region"() ({
      %run_scoped3A = tpu.sem_alloc : memref<!tpu.dma_semaphore, #tpu.memory_space<semaphore_mem>>
      %dma_start3A_465 = tpu.memref_slice %arg4[%multiple_of3A_259] : memref<10000xf32, #tpu.memory_space<hbm>> -> memref<312xf32, #tpu.memory_space<hbm>>
      %dma_start3A_466 = tpu.memref_slice %arg4[%multiple_of3A_259] : memref<10000xf32, #tpu.memory_space<hbm>> -> memref<312xf32, #tpu.memory_space<hbm>>
      tpu.enqueue_dma source(%dma_start3A_466 : memref<312xf32, #tpu.memory_space<hbm>>) target(%arg18 : memref<312xf32, #tpu.memory_space<vmem>>) target_semaphore(%run_scoped3A : memref<!tpu.dma_semaphore, #tpu.memory_space<semaphore_mem>>)
      %dma_wait3A_467 = tpu.memref_slice %arg4[%multiple_of3A_259] : memref<10000xf32, #tpu.memory_space<hbm>> -> memref<312xf32, #tpu.memory_space<hbm>>
      %dma_wait3A_468 = tpu.memref_slice %arg4[%multiple_of3A_259] : memref<10000xf32, #tpu.memory_space<hbm>> -> memref<312xf32, #tpu.memory_space<hbm>>
      tpu.wait_dma2 semaphore(%run_scoped3A : memref<!tpu.dma_semaphore, #tpu.memory_space<semaphore_mem>>) src(%dma_wait3A_468 : memref<312xf32, #tpu.memory_space<hbm>>) dst(%arg18 : memref<312xf32, #tpu.memory_space<vmem>>)
      tpu.yield
    }) : () -> ()
    "tpu.region"() ({
      %run_scoped3A = tpu.sem_alloc : memref<!tpu.dma_semaphore, #tpu.memory_space<semaphore_mem>>
      %dma_start3A_465 = tpu.memref_slice %arg3[%multiple_of3A_259] : memref<10000xf32, #tpu.memory_space<hbm>> -> memref<312xf32, #tpu.memory_space<hbm>>
      %dma_start3A_466 = tpu.memref_slice %arg3[%multiple_of3A_259] : memref<10000xf32, #tpu.memory_space<hbm>> -> memref<312xf32, #tpu.memory_space<hbm>>
      tpu.enqueue_dma source(%dma_start3A_466 : memref<312xf32, #tpu.memory_space<hbm>>) target(%arg19 : memref<312xf32, #tpu.memory_space<vmem>>) target_semaphore(%run_scoped3A : memref<!tpu.dma_semaphore, #tpu.memory_space<semaphore_mem>>)
      %dma_wait3A_467 = tpu.memref_slice %arg3[%multiple_of3A_259] : memref<10000xf32, #tpu.memory_space<hbm>> -> memref<312xf32, #tpu.memory_space<hbm>>
      %dma_wait3A_468 = tpu.memref_slice %arg3[%multiple_of3A_259] : memref<10000xf32, #tpu.memory_space<hbm>> -> memref<312xf32, #tpu.memory_space<hbm>>
      tpu.wait_dma2 semaphore(%run_scoped3A : memref<!tpu.dma_semaphore, #tpu.memory_space<semaphore_mem>>) src(%dma_wait3A_468 : memref<312xf32, #tpu.memory_space<hbm>>) dst(%arg19 : memref<312xf32, #tpu.memory_space<vmem>>)
      tpu.yield
    }) : () -> ()
    %get3A_260 = arith.constant 0 : index
    %get3A_261 = tpu.vector_load %arg18[%get3A_260] {strides = array<i32>} : memref<312xf32, #tpu.memory_space<vmem>>, vector<16xf32>,
    %get3A_262 = arith.constant 0 : index
    %get3A_263 = tpu.vector_load %arg17[%get3A_262] {strides = array<i32>} : memref<624xf32, #tpu.memory_space<vmem>>, vector<16xf32>,
    %mul3A_264 = arith.mulf %get3A_261, %get3A_263 : vector<16xf32>
    %get3A_265 = arith.constant 0 : index
    %get3A_266 = tpu.vector_load %arg19[%get3A_265] {strides = array<i32>} : memref<312xf32, #tpu.memory_space<vmem>>, vector<16xf32>,
    %add3A_267 = arith.addf %mul3A_264, %get3A_266 : vector<16xf32>
    %swap3A_268 = arith.constant 0 : index
    %swap3A_269 = tpu.vector_load %arg20[%swap3A_268] {strides = array<i32>} : memref<312xf32, #tpu.memory_space<vmem>>, vector<16xf32>,
    tpu.vector_store %arg20[%swap3A_268], %add3A_267 {strides = array<i32>} : memref<312xf32, #tpu.memory_space<vmem>>, vector<16xf32>,
    %get3A_270 = arith.constant 16 : index
    %get3A_271 = tpu.vector_load %arg18[%get3A_270] {strides = array<i32>} : memref<312xf32, #tpu.memory_space<vmem>>, vector<16xf32>,
    %get3A_272 = arith.constant 16 : index
    %get3A_273 = tpu.vector_load %arg17[%get3A_272] {strides = array<i32>} : memref<624xf32, #tpu.memory_space<vmem>>, vector<16xf32>,
    %mul3A_274 = arith.mulf %get3A_271, %get3A_273 : vector<16xf32>
    %get3A_275 = arith.constant 16 : index
    %get3A_276 = tpu.vector_load %arg19[%get3A_275] {strides = array<i32>} : memref<312xf32, #tpu.memory_space<vmem>>, vector<16xf32>,
    %add3A_277 = arith.addf %mul3A_274, %get3A_276 : vector<16xf32>
    %swap3A_278 = arith.constant 16 : index
    %swap3A_279 = tpu.vector_load %arg20[%swap3A_278] {strides = array<i32>} : memref<312xf32, #tpu.memory_space<vmem>>, vector<16xf32>,
    tpu.vector_store %arg20[%swap3A_278], %add3A_277 {strides = array<i32>} : memref<312xf32, #tpu.memory_space<vmem>>, vector<16xf32>,
    %get3A_280 = arith.constant 32 : index
    %get3A_281 = tpu.vector_load %arg18[%get3A_280] {strides = array<i32>} : memref<312xf32, #tpu.memory_space<vmem>>, vector<16xf32>,
    %get3A_282 = arith.constant 32 : index
    %get3A_283 = tpu.vector_load %arg17[%get3A_282] {strides = array<i32>} : memref<624xf32, #tpu.memory_space<vmem>>, vector<16xf32>,
    %mul3A_284 = arith.mulf %get3A_281, %get3A_283 : vector<16xf32>
    %get3A_285 = arith.constant 32 : index
    %get3A_286 = tpu.vector_load %arg19[%get3A_285] {strides = array<i32>} : memref<312xf32, #tpu.memory_space<vmem>>, vector<16xf32>,
    %add3A_287 = arith.addf %mul3A_284, %get3A_286 : vector<16xf32>
    %swap3A_288 = arith.constant 32 : index
    %swap3A_289 = tpu.vector_load %arg20[%swap3A_288] {strides = array<i32>} : memref<312xf32, #tpu.memory_space<vmem>>, vector<16xf32>,
    tpu.vector_store %arg20[%swap3A_288], %add3A_287 {strides = array<i32>} : memref<312xf32, #tpu.memory_space<vmem>>, vector<16xf32>,
    %get3A_290 = arith.constant 48 : index
    %get3A_291 = tpu.vector_load %arg18[%get3A_290] {strides = array<i32>} : memref<312xf32, #tpu.memory_space<vmem>>, vector<16xf32>,
    %get3A_292 = arith.constant 48 : index
    %get3A_293 = tpu.vector_load %arg17[%get3A_292] {strides = array<i32>} : memref<624xf32, #tpu.memory_space<vmem>>, vector<16xf32>,
    %mul3A_294 = arith.mulf %get3A_291, %get3A_293 : vector<16xf32>
    %get3A_295 = arith.constant 48 : index
    %get3A_296 = tpu.vector_load %arg19[%get3A_295] {strides = array<i32>} : memref<312xf32, #tpu.memory_space<vmem>>, vector<16xf32>,
    %add3A_297 = arith.addf %mul3A_294, %get3A_296 : vector<16xf32>
    %swap3A_298 = arith.constant 48 : index
    %swap3A_299 = tpu.vector_load %arg20[%swap3A_298] {strides = array<i32>} : memref<312xf32, #tpu.memory_space<vmem>>, vector<16xf32>,
    tpu.vector_store %arg20[%swap3A_298], %add3A_297 {strides = array<i32>} : memref<312xf32, #tpu.memory_space<vmem>>, vector<16xf32>,
    %get3A_300 = arith.constant 64 : index
    %get3A_301 = tpu.vector_load %arg18[%get3A_300] {strides = array<i32>} : memref<312xf32, #tpu.memory_space<vmem>>, vector<16xf32>,
    %get3A_302 = arith.constant 64 : index
    %get3A_303 = tpu.vector_load %arg17[%get3A_302] {strides = array<i32>} : memref<624xf32, #tpu.memory_space<vmem>>, vector<16xf32>,
    %mul3A_304 = arith.mulf %get3A_301, %get3A_303 : vector<16xf32>
    %get3A_305 = arith.constant 64 : index
    %get3A_306 = tpu.vector_load %arg19[%get3A_305] {strides = array<i32>} : memref<312xf32, #tpu.memory_space<vmem>>, vector<16xf32>,
    %add3A_307 = arith.addf %mul3A_304, %get3A_306 : vector<16xf32>
    %swap3A_308 = arith.constant 64 : index
    %swap3A_309 = tpu.vector_load %arg20[%swap3A_308] {strides = array<i32>} : memref<312xf32, #tpu.memory_space<vmem>>, vector<16xf32>,
    tpu.vector_store %arg20[%swap3A_308], %add3A_307 {strides = array<i32>} : memref<312xf32, #tpu.memory_space<vmem>>, vector<16xf32>,
    %get3A_310 = arith.constant 80 : index
    %get3A_311 = tpu.vector_load %arg18[%get3A_310] {strides = array<i32>} : memref<312xf32, #tpu.memory_space<vmem>>, vector<16xf32>,
    %get3A_312 = arith.constant 80 : index
    %get3A_313 = tpu.vector_load %arg17[%get3A_312] {strides = array<i32>} : memref<624xf32, #tpu.memory_space<vmem>>, vector<16xf32>,
    %mul3A_314 = arith.mulf %get3A_311, %get3A_313 : vector<16xf32>
    %get3A_315 = arith.constant 80 : index
    %get3A_316 = tpu.vector_load %arg19[%get3A_315] {strides = array<i32>} : memref<312xf32, #tpu.memory_space<vmem>>, vector<16xf32>,
    %add3A_317 = arith.addf %mul3A_314, %get3A_316 : vector<16xf32>
    %swap3A_318 = arith.constant 80 : index
    %swap3A_319 = tpu.vector_load %arg20[%swap3A_318] {strides = array<i32>} : memref<312xf32, #tpu.memory_space<vmem>>, vector<16xf32>,
    tpu.vector_store %arg20[%swap3A_318], %add3A_317 {strides = array<i32>} : memref<312xf32, #tpu.memory_space<vmem>>, vector<16xf32>,
    %get3A_320 = arith.constant 96 : index
    %get3A_321 = tpu.vector_load %arg18[%get3A_320] {strides = array<i32>} : memref<312xf32, #tpu.memory_space<vmem>>, vector<16xf32>,
    %get3A_322 = arith.constant 96 : index
    %get3A_323 = tpu.vector_load %arg17[%get3A_322] {strides = array<i32>} : memref<624xf32, #tpu.memory_space<vmem>>, vector<16xf32>,
    %mul3A_324 = arith.mulf %get3A_321, %get3A_323 : vector<16xf32>
    %get3A_325 = arith.constant 96 : index
    %get3A_326 = tpu.vector_load %arg19[%get3A_325] {strides = array<i32>} : memref<312xf32, #tpu.memory_space<vmem>>, vector<16xf32>,
    %add3A_327 = arith.addf %mul3A_324, %get3A_326 : vector<16xf32>
    %swap3A_328 = arith.constant 96 : index
    %swap3A_329 = tpu.vector_load %arg20[%swap3A_328] {strides = array<i32>} : memref<312xf32, #tpu.memory_space<vmem>>, vector<16xf32>,
    tpu.vector_store %arg20[%swap3A_328], %add3A_327 {strides = array<i32>} : memref<312xf32, #tpu.memory_space<vmem>>, vector<16xf32>,
    %get3A_330 = arith.constant 112 : index
    %get3A_331 = tpu.vector_load %arg18[%get3A_330] {strides = array<i32>} : memref<312xf32, #tpu.memory_space<vmem>>, vector<16xf32>,
    %get3A_332 = arith.constant 112 : index
    %get3A_333 = tpu.vector_load %arg17[%get3A_332] {strides = array<i32>} : memref<624xf32, #tpu.memory_space<vmem>>, vector<16xf32>,
    %mul3A_334 = arith.mulf %get3A_331, %get3A_333 : vector<16xf32>
    %get3A_335 = arith.constant 112 : index
    %get3A_336 = tpu.vector_load %arg19[%get3A_335] {strides = array<i32>} : memref<312xf32, #tpu.memory_space<vmem>>, vector<16xf32>,
    %add3A_337 = arith.addf %mul3A_334, %get3A_336 : vector<16xf32>
    %swap3A_338 = arith.constant 112 : index
    %swap3A_339 = tpu.vector_load %arg20[%swap3A_338] {strides = array<i32>} : memref<312xf32, #tpu.memory_space<vmem>>, vector<16xf32>,
    tpu.vector_store %arg20[%swap3A_338], %add3A_337 {strides = array<i32>} : memref<312xf32, #tpu.memory_space<vmem>>, vector<16xf32>,
    %get3A_340 = arith.constant 128 : index
    %get3A_341 = tpu.vector_load %arg18[%get3A_340] {strides = array<i32>} : memref<312xf32, #tpu.memory_space<vmem>>, vector<16xf32>,
    %get3A_342 = arith.constant 128 : index
    %get3A_343 = tpu.vector_load %arg17[%get3A_342] {strides = array<i32>} : memref<624xf32, #tpu.memory_space<vmem>>, vector<16xf32>,
    %mul3A_344 = arith.mulf %get3A_341, %get3A_343 : vector<16xf32>
    %get3A_345 = arith.constant 128 : index
    %get3A_346 = tpu.vector_load %arg19[%get3A_345] {strides = array<i32>} : memref<312xf32, #tpu.memory_space<vmem>>, vector<16xf32>,
    %add3A_347 = arith.addf %mul3A_344, %get3A_346 : vector<16xf32>
    %swap3A_348 = arith.constant 128 : index
    %swap3A_349 = tpu.vector_load %arg20[%swap3A_348] {strides = array<i32>} : memref<312xf32, #tpu.memory_space<vmem>>, vector<16xf32>,
    tpu.vector_store %arg20[%swap3A_348], %add3A_347 {strides = array<i32>} : memref<312xf32, #tpu.memory_space<vmem>>, vector<16xf32>,
    %get3A_350 = arith.constant 144 : index
    %get3A_351 = tpu.vector_load %arg18[%get3A_350] {strides = array<i32>} : memref<312xf32, #tpu.memory_space<vmem>>, vector<16xf32>,
    %get3A_352 = arith.constant 144 : index
    %get3A_353 = tpu.vector_load %arg17[%get3A_352] {strides = array<i32>} : memref<624xf32, #tpu.memory_space<vmem>>, vector<16xf32>,
    %mul3A_354 = arith.mulf %get3A_351, %get3A_353 : vector<16xf32>
    %get3A_355 = arith.constant 144 : index
    %get3A_356 = tpu.vector_load %arg19[%get3A_355] {strides = array<i32>} : memref<312xf32, #tpu.memory_space<vmem>>, vector<16xf32>,
    %add3A_357 = arith.addf %mul3A_354, %get3A_356 : vector<16xf32>
    %swap3A_358 = arith.constant 144 : index
    %swap3A_359 = tpu.vector_load %arg20[%swap3A_358] {strides = array<i32>} : memref<312xf32, #tpu.memory_space<vmem>>, vector<16xf32>,
    tpu.vector_store %arg20[%swap3A_358], %add3A_357 {strides = array<i32>} : memref<312xf32, #tpu.memory_space<vmem>>, vector<16xf32>,
    %get3A_360 = arith.constant 160 : index
    %get3A_361 = tpu.vector_load %arg18[%get3A_360] {strides = array<i32>} : memref<312xf32, #tpu.memory_space<vmem>>, vector<16xf32>,
    %get3A_362 = arith.constant 160 : index
    %get3A_363 = tpu.vector_load %arg17[%get3A_362] {strides = array<i32>} : memref<624xf32, #tpu.memory_space<vmem>>, vector<16xf32>,
    %mul3A_364 = arith.mulf %get3A_361, %get3A_363 : vector<16xf32>
    %get3A_365 = arith.constant 160 : index
    %get3A_366 = tpu.vector_load %arg19[%get3A_365] {strides = array<i32>} : memref<312xf32, #tpu.memory_space<vmem>>, vector<16xf32>,
    %add3A_367 = arith.addf %mul3A_364, %get3A_366 : vector<16xf32>
    %swap3A_368 = arith.constant 160 : index
    %swap3A_369 = tpu.vector_load %arg20[%swap3A_368] {strides = array<i32>} : memref<312xf32, #tpu.memory_space<vmem>>, vector<16xf32>,
    tpu.vector_store %arg20[%swap3A_368], %add3A_367 {strides = array<i32>} : memref<312xf32, #tpu.memory_space<vmem>>, vector<16xf32>,
    %get3A_370 = arith.constant 176 : index
    %get3A_371 = tpu.vector_load %arg18[%get3A_370] {strides = array<i32>} : memref<312xf32, #tpu.memory_space<vmem>>, vector<16xf32>,
    %get3A_372 = arith.constant 176 : index
    %get3A_373 = tpu.vector_load %arg17[%get3A_372] {strides = array<i32>} : memref<624xf32, #tpu.memory_space<vmem>>, vector<16xf32>,
    %mul3A_374 = arith.mulf %get3A_371, %get3A_373 : vector<16xf32>
    %get3A_375 = arith.constant 176 : index
    %get3A_376 = tpu.vector_load %arg19[%get3A_375] {strides = array<i32>} : memref<312xf32, #tpu.memory_space<vmem>>, vector<16xf32>,
    %add3A_377 = arith.addf %mul3A_374, %get3A_376 : vector<16xf32>
    %swap3A_378 = arith.constant 176 : index
    %swap3A_379 = tpu.vector_load %arg20[%swap3A_378] {strides = array<i32>} : memref<312xf32, #tpu.memory_space<vmem>>, vector<16xf32>,
    tpu.vector_store %arg20[%swap3A_378], %add3A_377 {strides = array<i32>} : memref<312xf32, #tpu.memory_space<vmem>>, vector<16xf32>,
    %get3A_380 = arith.constant 192 : index
    %get3A_381 = tpu.vector_load %arg18[%get3A_380] {strides = array<i32>} : memref<312xf32, #tpu.memory_space<vmem>>, vector<16xf32>,
    %get3A_382 = arith.constant 192 : index
    %get3A_383 = tpu.vector_load %arg17[%get3A_382] {strides = array<i32>} : memref<624xf32, #tpu.memory_space<vmem>>, vector<16xf32>,
    %mul3A_384 = arith.mulf %get3A_381, %get3A_383 : vector<16xf32>
    %get3A_385 = arith.constant 192 : index
    %get3A_386 = tpu.vector_load %arg19[%get3A_385] {strides = array<i32>} : memref<312xf32, #tpu.memory_space<vmem>>, vector<16xf32>,
    %add3A_387 = arith.addf %mul3A_384, %get3A_386 : vector<16xf32>
    %swap3A_388 = arith.constant 192 : index
    %swap3A_389 = tpu.vector_load %arg20[%swap3A_388] {strides = array<i32>} : memref<312xf32, #tpu.memory_space<vmem>>, vector<16xf32>,
    tpu.vector_store %arg20[%swap3A_388], %add3A_387 {strides = array<i32>} : memref<312xf32, #tpu.memory_space<vmem>>, vector<16xf32>,
    %get3A_390 = arith.constant 208 : index
    %get3A_391 = tpu.vector_load %arg18[%get3A_390] {strides = array<i32>} : memref<312xf32, #tpu.memory_space<vmem>>, vector<16xf32>,
    %get3A_392 = arith.constant 208 : index
    %get3A_393 = tpu.vector_load %arg17[%get3A_392] {strides = array<i32>} : memref<624xf32, #tpu.memory_space<vmem>>, vector<16xf32>,
    %mul3A_394 = arith.mulf %get3A_391, %get3A_393 : vector<16xf32>
    %get3A_395 = arith.constant 208 : index
    %get3A_396 = tpu.vector_load %arg19[%get3A_395] {strides = array<i32>} : memref<312xf32, #tpu.memory_space<vmem>>, vector<16xf32>,
    %add3A_397 = arith.addf %mul3A_394, %get3A_396 : vector<16xf32>
    %swap3A_398 = arith.constant 208 : index
    %swap3A_399 = tpu.vector_load %arg20[%swap3A_398] {strides = array<i32>} : memref<312xf32, #tpu.memory_space<vmem>>, vector<16xf32>,
    tpu.vector_store %arg20[%swap3A_398], %add3A_397 {strides = array<i32>} : memref<312xf32, #tpu.memory_space<vmem>>, vector<16xf32>,
    %get3A_400 = arith.constant 224 : index
    %get3A_401 = tpu.vector_load %arg18[%get3A_400] {strides = array<i32>} : memref<312xf32, #tpu.memory_space<vmem>>, vector<16xf32>,
    %get3A_402 = arith.constant 224 : index
    %get3A_403 = tpu.vector_load %arg17[%get3A_402] {strides = array<i32>} : memref<624xf32, #tpu.memory_space<vmem>>, vector<16xf32>,
    %mul3A_404 = arith.mulf %get3A_401, %get3A_403 : vector<16xf32>
    %get3A_405 = arith.constant 224 : index
    %get3A_406 = tpu.vector_load %arg19[%get3A_405] {strides = array<i32>} : memref<312xf32, #tpu.memory_space<vmem>>, vector<16xf32>,
    %add3A_407 = arith.addf %mul3A_404, %get3A_406 : vector<16xf32>
    %swap3A_408 = arith.constant 224 : index
    %swap3A_409 = tpu.vector_load %arg20[%swap3A_408] {strides = array<i32>} : memref<312xf32, #tpu.memory_space<vmem>>, vector<16xf32>,
    tpu.vector_store %arg20[%swap3A_408], %add3A_407 {strides = array<i32>} : memref<312xf32, #tpu.memory_space<vmem>>, vector<16xf32>,
    %get3A_410 = arith.constant 240 : index
    %get3A_411 = tpu.vector_load %arg18[%get3A_410] {strides = array<i32>} : memref<312xf32, #tpu.memory_space<vmem>>, vector<16xf32>,
    %get3A_412 = arith.constant 240 : index
    %get3A_413 = tpu.vector_load %arg17[%get3A_412] {strides = array<i32>} : memref<624xf32, #tpu.memory_space<vmem>>, vector<16xf32>,
    %mul3A_414 = arith.mulf %get3A_411, %get3A_413 : vector<16xf32>
    %get3A_415 = arith.constant 240 : index
    %get3A_416 = tpu.vector_load %arg19[%get3A_415] {strides = array<i32>} : memref<312xf32, #tpu.memory_space<vmem>>, vector<16xf32>,
    %add3A_417 = arith.addf %mul3A_414, %get3A_416 : vector<16xf32>
    %swap3A_418 = arith.constant 240 : index
    %swap3A_419 = tpu.vector_load %arg20[%swap3A_418] {strides = array<i32>} : memref<312xf32, #tpu.memory_space<vmem>>, vector<16xf32>,
    tpu.vector_store %arg20[%swap3A_418], %add3A_417 {strides = array<i32>} : memref<312xf32, #tpu.memory_space<vmem>>, vector<16xf32>,
    %get3A_420 = arith.constant 256 : index
    %get3A_421 = tpu.vector_load %arg18[%get3A_420] {strides = array<i32>} : memref<312xf32, #tpu.memory_space<vmem>>, vector<16xf32>,
    %get3A_422 = arith.constant 256 : index
    %get3A_423 = tpu.vector_load %arg17[%get3A_422] {strides = array<i32>} : memref<624xf32, #tpu.memory_space<vmem>>, vector<16xf32>,
    %mul3A_424 = arith.mulf %get3A_421, %get3A_423 : vector<16xf32>
    %get3A_425 = arith.constant 256 : index
    %get3A_426 = tpu.vector_load %arg19[%get3A_425] {strides = array<i32>} : memref<312xf32, #tpu.memory_space<vmem>>, vector<16xf32>,
    %add3A_427 = arith.addf %mul3A_424, %get3A_426 : vector<16xf32>
    %swap3A_428 = arith.constant 256 : index
    %swap3A_429 = tpu.vector_load %arg20[%swap3A_428] {strides = array<i32>} : memref<312xf32, #tpu.memory_space<vmem>>, vector<16xf32>,
    tpu.vector_store %arg20[%swap3A_428], %add3A_427 {strides = array<i32>} : memref<312xf32, #tpu.memory_space<vmem>>, vector<16xf32>,
    %get3A_430 = arith.constant 272 : index
    %get3A_431 = tpu.vector_load %arg18[%get3A_430] {strides = array<i32>} : memref<312xf32, #tpu.memory_space<vmem>>, vector<16xf32>,
    %get3A_432 = arith.constant 272 : index
    %get3A_433 = tpu.vector_load %arg17[%get3A_432] {strides = array<i32>} : memref<624xf32, #tpu.memory_space<vmem>>, vector<16xf32>,
    %mul3A_434 = arith.mulf %get3A_431, %get3A_433 : vector<16xf32>
    %get3A_435 = arith.constant 272 : index
    %get3A_436 = tpu.vector_load %arg19[%get3A_435] {strides = array<i32>} : memref<312xf32, #tpu.memory_space<vmem>>, vector<16xf32>,
    %add3A_437 = arith.addf %mul3A_434, %get3A_436 : vector<16xf32>
    %swap3A_438 = arith.constant 272 : index
    %swap3A_439 = tpu.vector_load %arg20[%swap3A_438] {strides = array<i32>} : memref<312xf32, #tpu.memory_space<vmem>>, vector<16xf32>,
    tpu.vector_store %arg20[%swap3A_438], %add3A_437 {strides = array<i32>} : memref<312xf32, #tpu.memory_space<vmem>>, vector<16xf32>,
    %get3A_440 = arith.constant 288 : index
    %get3A_441 = tpu.vector_load %arg18[%get3A_440] {strides = array<i32>} : memref<312xf32, #tpu.memory_space<vmem>>, vector<16xf32>,
    %get3A_442 = arith.constant 288 : index
    %get3A_443 = tpu.vector_load %arg17[%get3A_442] {strides = array<i32>} : memref<624xf32, #tpu.memory_space<vmem>>, vector<16xf32>,
    %mul3A_444 = arith.mulf %get3A_441, %get3A_443 : vector<16xf32>
    %get3A_445 = arith.constant 288 : index
    %get3A_446 = tpu.vector_load %arg19[%get3A_445] {strides = array<i32>} : memref<312xf32, #tpu.memory_space<vmem>>, vector<16xf32>,
    %add3A_447 = arith.addf %mul3A_444, %get3A_446 : vector<16xf32>
    %swap3A_448 = arith.constant 288 : index
    %swap3A_449 = tpu.vector_load %arg20[%swap3A_448] {strides = array<i32>} : memref<312xf32, #tpu.memory_space<vmem>>, vector<16xf32>,
    tpu.vector_store %arg20[%swap3A_448], %add3A_447 {strides = array<i32>} : memref<312xf32, #tpu.memory_space<vmem>>, vector<16xf32>,
    %get3A_450 = arith.constant 296 : index
    %get3A_451 = tpu.vector_load %arg18[%get3A_450] {strides = array<i32>} : memref<312xf32, #tpu.memory_space<vmem>>, vector<16xf32>,
    %get3A_452 = arith.constant 296 : index
    %get3A_453 = tpu.vector_load %arg17[%get3A_452] {strides = array<i32>} : memref<624xf32, #tpu.memory_space<vmem>>, vector<16xf32>,
    %mul3A_454 = arith.mulf %get3A_451, %get3A_453 : vector<16xf32>
    %get3A_455 = arith.constant 296 : index
    %get3A_456 = tpu.vector_load %arg19[%get3A_455] {strides = array<i32>} : memref<312xf32, #tpu.memory_space<vmem>>, vector<16xf32>,
    %add3A_457 = arith.addf %mul3A_454, %get3A_456 : vector<16xf32>
    %swap3A_458 = arith.constant 296 : index
    %swap3A_459 = tpu.vector_load %arg20[%swap3A_458] {strides = array<i32>} : memref<312xf32, #tpu.memory_space<vmem>>, vector<16xf32>,
    tpu.vector_store %arg20[%swap3A_458], %add3A_457 {strides = array<i32>} : memref<312xf32, #tpu.memory_space<vmem>>, vector<16xf32>,
    "tpu.region"() ({
      %run_scoped3A = tpu.sem_alloc : memref<!tpu.dma_semaphore, #tpu.memory_space<semaphore_mem>>
      %dma_start3A_465 = tpu.memref_slice %arg8[%multiple_of3A_259] : memref<10000xf32, #tpu.memory_space<hbm>> -> memref<312xf32, #tpu.memory_space<hbm>>
      %dma_start3A_466 = tpu.memref_slice %arg8[%multiple_of3A_259] : memref<10000xf32, #tpu.memory_space<hbm>> -> memref<312xf32, #tpu.memory_space<hbm>>
      tpu.enqueue_dma source(%arg20 : memref<312xf32, #tpu.memory_space<vmem>>) target(%dma_start3A_466 : memref<312xf32, #tpu.memory_space<hbm>>) target_semaphore(%run_scoped3A : memref<!tpu.dma_semaphore, #tpu.memory_space<semaphore_mem>>)
      %dma_wait3A_467 = tpu.memref_slice %arg8[%multiple_of3A_259] : memref<10000xf32, #tpu.memory_space<hbm>> -> memref<312xf32, #tpu.memory_space<hbm>>
      %dma_wait3A_468 = tpu.memref_slice %arg8[%multiple_of3A_259] : memref<10000xf32, #tpu.memory_space<hbm>> -> memref<312xf32, #tpu.memory_space<hbm>>
      tpu.wait_dma2 semaphore(%run_scoped3A : memref<!tpu.dma_semaphore, #tpu.memory_space<semaphore_mem>>) src(%arg20 : memref<312xf32, #tpu.memory_space<vmem>>) dst(%dma_wait3A_468 : memref<312xf32, #tpu.memory_space<hbm>>)
      tpu.yield
    }) : () -> ()
    %eq3A_460 = arith.constant 15 : i32
    %eq3A_461 = arith.cmpi eq, %arg1, %eq3A_460 : i32
    %convert_element_type3A_462 = arith.extui %eq3A_461 : i1 to i32
    %cond3A_463 = arith.constant 0 : i32
    %cond3A_464 = arith.cmpi ne, %convert_element_type3A_462, %cond3A_463 : i32
    scf.if %cond3A_464 {
      %mul3A_465 = arith.constant 5000 : i32
      %mul3A_466 = arith.muli %arg0, %mul3A_465 : i32
      %add3A_467 = arith.constant 5000 : i32
      %add3A_468 = arith.addi %mul3A_466, %add3A_467 : i32
      %sub3A = arith.constant 16 : i32
      %sub3A_469 = arith.subi %add3A_468, %sub3A : i32
      %multiple_of3A_470 = tpu.assume_multiple %sub3A_469, 8 : i32
      "tpu.region"() ({
        %run_scoped3A = tpu.sem_alloc : memref<!tpu.dma_semaphore, #tpu.memory_space<semaphore_mem>>
        %dma_start3A_481 = arith.constant 0 : i32
        %dma_start3A_482 = tpu.memref_slice %arg17[%dma_start3A_481] : memref<624xf32, #tpu.memory_space<vmem>> -> memref<16xf32, #tpu.memory_space<vmem>>
        %dma_start3A_483 = tpu.memref_slice %arg21[%multiple_of3A_470] : memref<10000xf32, #tpu.memory_space<vmem_shared>> -> memref<16xf32, #tpu.memory_space<vmem_shared>>
        %dma_start3A_484 = arith.constant 0 : i32
        %dma_start3A_485 = tpu.memref_slice %arg17[%dma_start3A_484] : memref<624xf32, #tpu.memory_space<vmem>> -> memref<16xf32, #tpu.memory_space<vmem>>
        %dma_start3A_486 = tpu.memref_slice %arg21[%multiple_of3A_470] : memref<10000xf32, #tpu.memory_space<vmem_shared>> -> memref<16xf32, #tpu.memory_space<vmem_shared>>
        tpu.enqueue_dma source(%dma_start3A_486 : memref<16xf32, #tpu.memory_space<vmem_shared>>) target(%dma_start3A_485 : memref<16xf32, #tpu.memory_space<vmem>>) target_semaphore(%run_scoped3A : memref<!tpu.dma_semaphore, #tpu.memory_space<semaphore_mem>>)
        %dma_wait3A_487 = arith.constant 0 : i32
        %dma_wait3A_488 = tpu.memref_slice %arg17[%dma_wait3A_487] : memref<624xf32, #tpu.memory_space<vmem>> -> memref<16xf32, #tpu.memory_space<vmem>>
        %dma_wait3A_489 = tpu.memref_slice %arg21[%multiple_of3A_470] : memref<10000xf32, #tpu.memory_space<vmem_shared>> -> memref<16xf32, #tpu.memory_space<vmem_shared>>
        %dma_wait3A_490 = arith.constant 0 : i32
        %dma_wait3A_491 = tpu.memref_slice %arg17[%dma_wait3A_490] : memref<624xf32, #tpu.memory_space<vmem>> -> memref<16xf32, #tpu.memory_space<vmem>>
        %dma_wait3A_492 = tpu.memref_slice %arg21[%multiple_of3A_470] : memref<10000xf32, #tpu.memory_space<vmem_shared>> -> memref<16xf32, #tpu.memory_space<vmem_shared>>
        tpu.wait_dma2 semaphore(%run_scoped3A : memref<!tpu.dma_semaphore, #tpu.memory_space<semaphore_mem>>) src(%dma_wait3A_492 : memref<16xf32, #tpu.memory_space<vmem_shared>>) dst(%dma_wait3A_491 : memref<16xf32, #tpu.memory_space<vmem>>)
        tpu.yield
      }) : () -> ()
      "tpu.region"() ({
        %run_scoped3A = tpu.sem_alloc : memref<!tpu.dma_semaphore, #tpu.memory_space<semaphore_mem>>
        %dma_start3A_481 = arith.constant 0 : i32
        %dma_start3A_482 = tpu.memref_slice %arg18[%dma_start3A_481] : memref<312xf32, #tpu.memory_space<vmem>> -> memref<16xf32, #tpu.memory_space<vmem>>
        %dma_start3A_483 = tpu.memref_slice %arg4[%multiple_of3A_470] : memref<10000xf32, #tpu.memory_space<hbm>> -> memref<16xf32, #tpu.memory_space<hbm>>
        %dma_start3A_484 = arith.constant 0 : i32
        %dma_start3A_485 = tpu.memref_slice %arg18[%dma_start3A_484] : memref<312xf32, #tpu.memory_space<vmem>> -> memref<16xf32, #tpu.memory_space<vmem>>
        %dma_start3A_486 = tpu.memref_slice %arg4[%multiple_of3A_470] : memref<10000xf32, #tpu.memory_space<hbm>> -> memref<16xf32, #tpu.memory_space<hbm>>
        tpu.enqueue_dma source(%dma_start3A_486 : memref<16xf32, #tpu.memory_space<hbm>>) target(%dma_start3A_485 : memref<16xf32, #tpu.memory_space<vmem>>) target_semaphore(%run_scoped3A : memref<!tpu.dma_semaphore, #tpu.memory_space<semaphore_mem>>)
        %dma_wait3A_487 = arith.constant 0 : i32
        %dma_wait3A_488 = tpu.memref_slice %arg18[%dma_wait3A_487] : memref<312xf32, #tpu.memory_space<vmem>> -> memref<16xf32, #tpu.memory_space<vmem>>
        %dma_wait3A_489 = tpu.memref_slice %arg4[%multiple_of3A_470] : memref<10000xf32, #tpu.memory_space<hbm>> -> memref<16xf32, #tpu.memory_space<hbm>>
        %dma_wait3A_490 = arith.constant 0 : i32
        %dma_wait3A_491 = tpu.memref_slice %arg18[%dma_wait3A_490] : memref<312xf32, #tpu.memory_space<vmem>> -> memref<16xf32, #tpu.memory_space<vmem>>
        %dma_wait3A_492 = tpu.memref_slice %arg4[%multiple_of3A_470] : memref<10000xf32, #tpu.memory_space<hbm>> -> memref<16xf32, #tpu.memory_space<hbm>>
        tpu.wait_dma2 semaphore(%run_scoped3A : memref<!tpu.dma_semaphore, #tpu.memory_space<semaphore_mem>>) src(%dma_wait3A_492 : memref<16xf32, #tpu.memory_space<hbm>>) dst(%dma_wait3A_491 : memref<16xf32, #tpu.memory_space<vmem>>)
        tpu.yield
      }) : () -> ()
      "tpu.region"() ({
        %run_scoped3A = tpu.sem_alloc : memref<!tpu.dma_semaphore, #tpu.memory_space<semaphore_mem>>
        %dma_start3A_481 = arith.constant 0 : i32
        %dma_start3A_482 = tpu.memref_slice %arg19[%dma_start3A_481] : memref<312xf32, #tpu.memory_space<vmem>> -> memref<16xf32, #tpu.memory_space<vmem>>
        %dma_start3A_483 = tpu.memref_slice %arg3[%multiple_of3A_470] : memref<10000xf32, #tpu.memory_space<hbm>> -> memref<16xf32, #tpu.memory_space<hbm>>
        %dma_start3A_484 = arith.constant 0 : i32
        %dma_start3A_485 = tpu.memref_slice %arg19[%dma_start3A_484] : memref<312xf32, #tpu.memory_space<vmem>> -> memref<16xf32, #tpu.memory_space<vmem>>
        %dma_start3A_486 = tpu.memref_slice %arg3[%multiple_of3A_470] : memref<10000xf32, #tpu.memory_space<hbm>> -> memref<16xf32, #tpu.memory_space<hbm>>
        tpu.enqueue_dma source(%dma_start3A_486 : memref<16xf32, #tpu.memory_space<hbm>>) target(%dma_start3A_485 : memref<16xf32, #tpu.memory_space<vmem>>) target_semaphore(%run_scoped3A : memref<!tpu.dma_semaphore, #tpu.memory_space<semaphore_mem>>)
        %dma_wait3A_487 = arith.constant 0 : i32
        %dma_wait3A_488 = tpu.memref_slice %arg19[%dma_wait3A_487] : memref<312xf32, #tpu.memory_space<vmem>> -> memref<16xf32, #tpu.memory_space<vmem>>
        %dma_wait3A_489 = tpu.memref_slice %arg3[%multiple_of3A_470] : memref<10000xf32, #tpu.memory_space<hbm>> -> memref<16xf32, #tpu.memory_space<hbm>>
        %dma_wait3A_490 = arith.constant 0 : i32
        %dma_wait3A_491 = tpu.memref_slice %arg19[%dma_wait3A_490] : memref<312xf32, #tpu.memory_space<vmem>> -> memref<16xf32, #tpu.memory_space<vmem>>
        %dma_wait3A_492 = tpu.memref_slice %arg3[%multiple_of3A_470] : memref<10000xf32, #tpu.memory_space<hbm>> -> memref<16xf32, #tpu.memory_space<hbm>>
        tpu.wait_dma2 semaphore(%run_scoped3A : memref<!tpu.dma_semaphore, #tpu.memory_space<semaphore_mem>>) src(%dma_wait3A_492 : memref<16xf32, #tpu.memory_space<hbm>>) dst(%dma_wait3A_491 : memref<16xf32, #tpu.memory_space<vmem>>)
        tpu.yield
      }) : () -> ()
      %get3A_471 = arith.constant 0 : index
      %get3A_472 = tpu.vector_load %arg18[%get3A_471] {strides = array<i32>} : memref<312xf32, #tpu.memory_space<vmem>>, vector<16xf32>,
      %get3A_473 = arith.constant 0 : index
      %get3A_474 = tpu.vector_load %arg17[%get3A_473] {strides = array<i32>} : memref<624xf32, #tpu.memory_space<vmem>>, vector<16xf32>,
      %mul3A_475 = arith.mulf %get3A_472, %get3A_474 : vector<16xf32>
      %get3A_476 = arith.constant 0 : index
      %get3A_477 = tpu.vector_load %arg19[%get3A_476] {strides = array<i32>} : memref<312xf32, #tpu.memory_space<vmem>>, vector<16xf32>,
      %add3A_478 = arith.addf %mul3A_475, %get3A_477 : vector<16xf32>
      %swap3A_479 = arith.constant 0 : index
      %swap3A_480 = tpu.vector_load %arg20[%swap3A_479] {strides = array<i32>} : memref<312xf32, #tpu.memory_space<vmem>>, vector<16xf32>,
      tpu.vector_store %arg20[%swap3A_479], %add3A_478 {strides = array<i32>} : memref<312xf32, #tpu.memory_space<vmem>>, vector<16xf32>,
      "tpu.region"() ({
        %run_scoped3A = tpu.sem_alloc : memref<!tpu.dma_semaphore, #tpu.memory_space<semaphore_mem>>
        %dma_start3A_481 = arith.constant 0 : i32
        %dma_start3A_482 = tpu.memref_slice %arg20[%dma_start3A_481] : memref<312xf32, #tpu.memory_space<vmem>> -> memref<16xf32, #tpu.memory_space<vmem>>
        %dma_start3A_483 = tpu.memref_slice %arg8[%multiple_of3A_470] : memref<10000xf32, #tpu.memory_space<hbm>> -> memref<16xf32, #tpu.memory_space<hbm>>
        %dma_start3A_484 = tpu.memref_slice %arg8[%multiple_of3A_470] : memref<10000xf32, #tpu.memory_space<hbm>> -> memref<16xf32, #tpu.memory_space<hbm>>
        %dma_start3A_485 = arith.constant 0 : i32
        %dma_start3A_486 = tpu.memref_slice %arg20[%dma_start3A_485] : memref<312xf32, #tpu.memory_space<vmem>> -> memref<16xf32, #tpu.memory_space<vmem>>
        tpu.enqueue_dma source(%dma_start3A_486 : memref<16xf32, #tpu.memory_space<vmem>>) target(%dma_start3A_484 : memref<16xf32, #tpu.memory_space<hbm>>) target_semaphore(%run_scoped3A : memref<!tpu.dma_semaphore, #tpu.memory_space<semaphore_mem>>)
        %dma_wait3A_487 = arith.constant 0 : i32
        %dma_wait3A_488 = tpu.memref_slice %arg20[%dma_wait3A_487] : memref<312xf32, #tpu.memory_space<vmem>> -> memref<16xf32, #tpu.memory_space<vmem>>
        %dma_wait3A_489 = tpu.memref_slice %arg8[%multiple_of3A_470] : memref<10000xf32, #tpu.memory_space<hbm>> -> memref<16xf32, #tpu.memory_space<hbm>>
        %dma_wait3A_490 = tpu.memref_slice %arg8[%multiple_of3A_470] : memref<10000xf32, #tpu.memory_space<hbm>> -> memref<16xf32, #tpu.memory_space<hbm>>
        %dma_wait3A_491 = arith.constant 0 : i32
        %dma_wait3A_492 = tpu.memref_slice %arg20[%dma_wait3A_491] : memref<312xf32, #tpu.memory_space<vmem>> -> memref<16xf32, #tpu.memory_space<vmem>>
        tpu.wait_dma2 semaphore(%run_scoped3A : memref<!tpu.dma_semaphore, #tpu.memory_space<semaphore_mem>>) src(%dma_wait3A_492 : memref<16xf32, #tpu.memory_space<vmem>>) dst(%dma_wait3A_490 : memref<16xf32, #tpu.memory_space<hbm>>)
        tpu.yield
      }) : () -> ()
    } else {
    }
    return
  }
}

#map = affine_map<(d0, d1) -> (0, 0)>
#map1 = affine_map<(d0, d1) -> (0)>
module attributes {stable_mosaic.version = 14 : i64} {
  func.func @_row_scatter_body(%arg0: i32, %arg1: i32, %arg2: memref<10000x128xf32, #tpu.memory_space<hbm>>, %arg3: memref<320000xi32, #tpu.memory_space<hbm>>, %arg4: memref<320000xi32, #tpu.memory_space<hbm>>, %arg5: memref<128x128xf32, #tpu.memory_space<hbm>>, %arg6: memref<20000x128xf32, #tpu.memory_space<hbm>>, %arg7: memref<10000xi32, #tpu.memory_space<vmem>>, %arg8: memref<128xi32, #tpu.memory_space<vmem>>, %arg9: memref<128xi32, #tpu.memory_space<vmem>>, %arg10: memref<16xi32, #tpu.memory_space<vmem>>, %arg11: memref<128x128xf32, #tpu.memory_space<vmem>>, %arg12: memref<128x128xf32, #tpu.memory_space<vmem>>, %arg13: memref<10000x128xf32, #tpu.memory_space<vmem_shared>>, %arg14: memref<!tpu.dma_semaphore, #tpu.memory_space<semaphore_mem>>, %arg15: memref<!tpu.dma_semaphore, #tpu.memory_space<semaphore_mem>>, %arg16: memref<!tpu.dma_semaphore, #tpu.memory_space<semaphore_mem>>, %arg17: memref<!tpu.dma_semaphore, #tpu.memory_space<semaphore_mem>>, %arg18: memref<!tpu.dma_semaphore, #tpu.memory_space<semaphore_mem>>, %arg19: memref<!tpu.dma_semaphore, #tpu.memory_space<semaphore_mem>>) attributes {dimension_semantics = [#tpu.dimension_semantics<core_parallel>, #tpu.dimension_semantics<subcore_parallel>], iteration_bounds = array<i64: 2, 16>, scalar_prefetch = 0 : i64, scratch_operands = 13 : i64, tpu.core_type = #tpu.core_type<sc_vector_subcore>, window_params = [{transform_indices = #map}, {transform_indices = #map1}, {transform_indices = #map1}, {transform_indices = #map}, {transform_indices = #map}]} {
    %mul3A = arith.constant 16 : i32
    %mul3A_0 = arith.muli %arg0, %mul3A : i32
    %add3A = arith.addi %mul3A_0, %arg1 : i32
    %mul3A_1 = arith.constant 10000 : i32
    %mul3A_2 = arith.muli %add3A, %mul3A_1 : i32
    %multiple_of3A = tpu.assume_multiple %mul3A_2, 8 : i32
    "tpu.region"() ({
      %run_scoped3A = tpu.sem_alloc : memref<!tpu.dma_semaphore, #tpu.memory_space<semaphore_mem>>
      %dma_start3A_123 = tpu.memref_slice %arg3[%multiple_of3A] : memref<320000xi32, #tpu.memory_space<hbm>> -> memref<10000xi32, #tpu.memory_space<hbm>>
      %dma_start3A_124 = tpu.memref_slice %arg3[%multiple_of3A] : memref<320000xi32, #tpu.memory_space<hbm>> -> memref<10000xi32, #tpu.memory_space<hbm>>
      tpu.enqueue_dma source(%dma_start3A_124 : memref<10000xi32, #tpu.memory_space<hbm>>) target(%arg7 : memref<10000xi32, #tpu.memory_space<vmem>>) target_semaphore(%run_scoped3A : memref<!tpu.dma_semaphore, #tpu.memory_space<semaphore_mem>>)
      %dma_wait3A_125 = tpu.memref_slice %arg3[%multiple_of3A] : memref<320000xi32, #tpu.memory_space<hbm>> -> memref<10000xi32, #tpu.memory_space<hbm>>
      %dma_wait3A_126 = tpu.memref_slice %arg3[%multiple_of3A] : memref<320000xi32, #tpu.memory_space<hbm>> -> memref<10000xi32, #tpu.memory_space<hbm>>
      tpu.wait_dma2 semaphore(%run_scoped3A : memref<!tpu.dma_semaphore, #tpu.memory_space<semaphore_mem>>) src(%dma_wait3A_126 : memref<10000xi32, #tpu.memory_space<hbm>>) dst(%arg7 : memref<10000xi32, #tpu.memory_space<vmem>>)
      tpu.yield
    }) : () -> ()
    %mul3A_3 = arith.constant 624 : i32
    %mul3A_4 = arith.muli %arg1, %mul3A_3 : i32
    %multiple_of3A_5 = tpu.assume_multiple %mul3A_4, 8 : i32
    "tpu.region"() ({
      %run_scoped3A = tpu.sem_alloc : memref<!tpu.dma_semaphore, #tpu.memory_space<semaphore_mem>>
      tpu.enqueue_dma source(%arg5 : memref<128x128xf32, #tpu.memory_space<hbm>>) target(%arg11 : memref<128x128xf32, #tpu.memory_space<vmem>>) target_semaphore(%run_scoped3A : memref<!tpu.dma_semaphore, #tpu.memory_space<semaphore_mem>>)
      tpu.wait_dma2 semaphore(%run_scoped3A : memref<!tpu.dma_semaphore, #tpu.memory_space<semaphore_mem>>) src(%arg5 : memref<128x128xf32, #tpu.memory_space<hbm>>) dst(%arg11 : memref<128x128xf32, #tpu.memory_space<vmem>>)
      tpu.yield
    }) : () -> ()
    %add3A_6 = arith.constant 0 : i32
    %add3A_7 = arith.addi %multiple_of3A_5, %add3A_6 : i32
    "tpu.region"() ({
      %run_scoped3A = tpu.sem_alloc : memref<!tpu.dma_semaphore, #tpu.memory_space<semaphore_mem>>
      %dma_start3A_123 = arith.constant 0 : i32
      %dma_start3A_124 = tpu.memref_slice %arg13[%add3A_7, %dma_start3A_123] : memref<10000x128xf32, #tpu.memory_space<vmem_shared>> -> memref<128x128xf32, #tpu.memory_space<vmem_shared>>
      %dma_start3A_125 = arith.constant 0 : i32
      %dma_start3A_126 = tpu.memref_slice %arg13[%add3A_7, %dma_start3A_125] : memref<10000x128xf32, #tpu.memory_space<vmem_shared>> -> memref<128x128xf32, #tpu.memory_space<vmem_shared>>
      tpu.enqueue_dma source(%arg11 : memref<128x128xf32, #tpu.memory_space<vmem>>) target(%dma_start3A_126 : memref<128x128xf32, #tpu.memory_space<vmem_shared>>) target_semaphore(%run_scoped3A : memref<!tpu.dma_semaphore, #tpu.memory_space<semaphore_mem>>)
      %dma_wait3A_127 = arith.constant 0 : i32
      %dma_wait3A_128 = tpu.memref_slice %arg13[%add3A_7, %dma_wait3A_127] : memref<10000x128xf32, #tpu.memory_space<vmem_shared>> -> memref<128x128xf32, #tpu.memory_space<vmem_shared>>
      %dma_wait3A_129 = arith.constant 0 : i32
      %dma_wait3A_130 = tpu.memref_slice %arg13[%add3A_7, %dma_wait3A_129] : memref<10000x128xf32, #tpu.memory_space<vmem_shared>> -> memref<128x128xf32, #tpu.memory_space<vmem_shared>>
      tpu.wait_dma2 semaphore(%run_scoped3A : memref<!tpu.dma_semaphore, #tpu.memory_space<semaphore_mem>>) src(%arg11 : memref<128x128xf32, #tpu.memory_space<vmem>>) dst(%dma_wait3A_130 : memref<128x128xf32, #tpu.memory_space<vmem_shared>>)
      tpu.yield
    }) : () -> ()
    %add3A_8 = arith.constant 128 : i32
    %add3A_9 = arith.addi %multiple_of3A_5, %add3A_8 : i32
    "tpu.region"() ({
      %run_scoped3A = tpu.sem_alloc : memref<!tpu.dma_semaphore, #tpu.memory_space<semaphore_mem>>
      %dma_start3A_123 = arith.constant 0 : i32
      %dma_start3A_124 = tpu.memref_slice %arg13[%add3A_9, %dma_start3A_123] : memref<10000x128xf32, #tpu.memory_space<vmem_shared>> -> memref<128x128xf32, #tpu.memory_space<vmem_shared>>
      %dma_start3A_125 = arith.constant 0 : i32
      %dma_start3A_126 = tpu.memref_slice %arg13[%add3A_9, %dma_start3A_125] : memref<10000x128xf32, #tpu.memory_space<vmem_shared>> -> memref<128x128xf32, #tpu.memory_space<vmem_shared>>
      tpu.enqueue_dma source(%arg11 : memref<128x128xf32, #tpu.memory_space<vmem>>) target(%dma_start3A_126 : memref<128x128xf32, #tpu.memory_space<vmem_shared>>) target_semaphore(%run_scoped3A : memref<!tpu.dma_semaphore, #tpu.memory_space<semaphore_mem>>)
      %dma_wait3A_127 = arith.constant 0 : i32
      %dma_wait3A_128 = tpu.memref_slice %arg13[%add3A_9, %dma_wait3A_127] : memref<10000x128xf32, #tpu.memory_space<vmem_shared>> -> memref<128x128xf32, #tpu.memory_space<vmem_shared>>
      %dma_wait3A_129 = arith.constant 0 : i32
      %dma_wait3A_130 = tpu.memref_slice %arg13[%add3A_9, %dma_wait3A_129] : memref<10000x128xf32, #tpu.memory_space<vmem_shared>> -> memref<128x128xf32, #tpu.memory_space<vmem_shared>>
      tpu.wait_dma2 semaphore(%run_scoped3A : memref<!tpu.dma_semaphore, #tpu.memory_space<semaphore_mem>>) src(%arg11 : memref<128x128xf32, #tpu.memory_space<vmem>>) dst(%dma_wait3A_130 : memref<128x128xf32, #tpu.memory_space<vmem_shared>>)
      tpu.yield
    }) : () -> ()
    %add3A_10 = arith.constant 256 : i32
    %add3A_11 = arith.addi %multiple_of3A_5, %add3A_10 : i32
    "tpu.region"() ({
      %run_scoped3A = tpu.sem_alloc : memref<!tpu.dma_semaphore, #tpu.memory_space<semaphore_mem>>
      %dma_start3A_123 = arith.constant 0 : i32
      %dma_start3A_124 = tpu.memref_slice %arg13[%add3A_11, %dma_start3A_123] : memref<10000x128xf32, #tpu.memory_space<vmem_shared>> -> memref<128x128xf32, #tpu.memory_space<vmem_shared>>
      %dma_start3A_125 = arith.constant 0 : i32
      %dma_start3A_126 = tpu.memref_slice %arg13[%add3A_11, %dma_start3A_125] : memref<10000x128xf32, #tpu.memory_space<vmem_shared>> -> memref<128x128xf32, #tpu.memory_space<vmem_shared>>
      tpu.enqueue_dma source(%arg11 : memref<128x128xf32, #tpu.memory_space<vmem>>) target(%dma_start3A_126 : memref<128x128xf32, #tpu.memory_space<vmem_shared>>) target_semaphore(%run_scoped3A : memref<!tpu.dma_semaphore, #tpu.memory_space<semaphore_mem>>)
      %dma_wait3A_127 = arith.constant 0 : i32
      %dma_wait3A_128 = tpu.memref_slice %arg13[%add3A_11, %dma_wait3A_127] : memref<10000x128xf32, #tpu.memory_space<vmem_shared>> -> memref<128x128xf32, #tpu.memory_space<vmem_shared>>
      %dma_wait3A_129 = arith.constant 0 : i32
      %dma_wait3A_130 = tpu.memref_slice %arg13[%add3A_11, %dma_wait3A_129] : memref<10000x128xf32, #tpu.memory_space<vmem_shared>> -> memref<128x128xf32, #tpu.memory_space<vmem_shared>>
      tpu.wait_dma2 semaphore(%run_scoped3A : memref<!tpu.dma_semaphore, #tpu.memory_space<semaphore_mem>>) src(%arg11 : memref<128x128xf32, #tpu.memory_space<vmem>>) dst(%dma_wait3A_130 : memref<128x128xf32, #tpu.memory_space<vmem_shared>>)
      tpu.yield
    }) : () -> ()
    %add3A_12 = arith.constant 384 : i32
    %add3A_13 = arith.addi %multiple_of3A_5, %add3A_12 : i32
    "tpu.region"() ({
      %run_scoped3A = tpu.sem_alloc : memref<!tpu.dma_semaphore, #tpu.memory_space<semaphore_mem>>
      %dma_start3A_123 = arith.constant 0 : i32
      %dma_start3A_124 = tpu.memref_slice %arg13[%add3A_13, %dma_start3A_123] : memref<10000x128xf32, #tpu.memory_space<vmem_shared>> -> memref<128x128xf32, #tpu.memory_space<vmem_shared>>
      %dma_start3A_125 = arith.constant 0 : i32
      %dma_start3A_126 = tpu.memref_slice %arg13[%add3A_13, %dma_start3A_125] : memref<10000x128xf32, #tpu.memory_space<vmem_shared>> -> memref<128x128xf32, #tpu.memory_space<vmem_shared>>
      tpu.enqueue_dma source(%arg11 : memref<128x128xf32, #tpu.memory_space<vmem>>) target(%dma_start3A_126 : memref<128x128xf32, #tpu.memory_space<vmem_shared>>) target_semaphore(%run_scoped3A : memref<!tpu.dma_semaphore, #tpu.memory_space<semaphore_mem>>)
      %dma_wait3A_127 = arith.constant 0 : i32
      %dma_wait3A_128 = tpu.memref_slice %arg13[%add3A_13, %dma_wait3A_127] : memref<10000x128xf32, #tpu.memory_space<vmem_shared>> -> memref<128x128xf32, #tpu.memory_space<vmem_shared>>
      %dma_wait3A_129 = arith.constant 0 : i32
      %dma_wait3A_130 = tpu.memref_slice %arg13[%add3A_13, %dma_wait3A_129] : memref<10000x128xf32, #tpu.memory_space<vmem_shared>> -> memref<128x128xf32, #tpu.memory_space<vmem_shared>>
      tpu.wait_dma2 semaphore(%run_scoped3A : memref<!tpu.dma_semaphore, #tpu.memory_space<semaphore_mem>>) src(%arg11 : memref<128x128xf32, #tpu.memory_space<vmem>>) dst(%dma_wait3A_130 : memref<128x128xf32, #tpu.memory_space<vmem_shared>>)
      tpu.yield
    }) : () -> ()
    %add3A_14 = arith.constant 624 : i32
    %add3A_15 = arith.addi %multiple_of3A_5, %add3A_14 : i32
    %sub3A = arith.constant 112 : i32
    %sub3A_16 = arith.subi %add3A_15, %sub3A : i32
    "tpu.region"() ({
      %run_scoped3A = tpu.sem_alloc : memref<!tpu.dma_semaphore, #tpu.memory_space<semaphore_mem>>
      %dma_start3A_123 = arith.constant 0 : i32
      %dma_start3A_124 = arith.constant 0 : i32
      %dma_start3A_125 = tpu.memref_slice %arg11[%dma_start3A_123, %dma_start3A_124] : memref<128x128xf32, #tpu.memory_space<vmem>> -> memref<112x128xf32, #tpu.memory_space<vmem>>
      %dma_start3A_126 = arith.constant 0 : i32
      %dma_start3A_127 = tpu.memref_slice %arg13[%sub3A_16, %dma_start3A_126] : memref<10000x128xf32, #tpu.memory_space<vmem_shared>> -> memref<112x128xf32, #tpu.memory_space<vmem_shared>>
      %dma_start3A_128 = arith.constant 0 : i32
      %dma_start3A_129 = tpu.memref_slice %arg13[%sub3A_16, %dma_start3A_128] : memref<10000x128xf32, #tpu.memory_space<vmem_shared>> -> memref<112x128xf32, #tpu.memory_space<vmem_shared>>
      %dma_start3A_130 = arith.constant 0 : i32
      %dma_start3A_131 = arith.constant 0 : i32
      %dma_start3A_132 = tpu.memref_slice %arg11[%dma_start3A_130, %dma_start3A_131] : memref<128x128xf32, #tpu.memory_space<vmem>> -> memref<112x128xf32, #tpu.memory_space<vmem>>
      tpu.enqueue_dma source(%dma_start3A_132 : memref<112x128xf32, #tpu.memory_space<vmem>>) target(%dma_start3A_129 : memref<112x128xf32, #tpu.memory_space<vmem_shared>>) target_semaphore(%run_scoped3A : memref<!tpu.dma_semaphore, #tpu.memory_space<semaphore_mem>>)
      %dma_wait3A_133 = arith.constant 0 : i32
      %dma_wait3A_134 = arith.constant 0 : i32
      %dma_wait3A_135 = tpu.memref_slice %arg11[%dma_wait3A_133, %dma_wait3A_134] : memref<128x128xf32, #tpu.memory_space<vmem>> -> memref<112x128xf32, #tpu.memory_space<vmem>>
      %dma_wait3A_136 = arith.constant 0 : i32
      %dma_wait3A_137 = tpu.memref_slice %arg13[%sub3A_16, %dma_wait3A_136] : memref<10000x128xf32, #tpu.memory_space<vmem_shared>> -> memref<112x128xf32, #tpu.memory_space<vmem_shared>>
      %dma_wait3A_138 = arith.constant 0 : i32
      %dma_wait3A_139 = tpu.memref_slice %arg13[%sub3A_16, %dma_wait3A_138] : memref<10000x128xf32, #tpu.memory_space<vmem_shared>> -> memref<112x128xf32, #tpu.memory_space<vmem_shared>>
      %dma_wait3A_140 = arith.constant 0 : i32
      %dma_wait3A_141 = arith.constant 0 : i32
      %dma_wait3A_142 = tpu.memref_slice %arg11[%dma_wait3A_140, %dma_wait3A_141] : memref<128x128xf32, #tpu.memory_space<vmem>> -> memref<112x128xf32, #tpu.memory_space<vmem>>
      tpu.wait_dma2 semaphore(%run_scoped3A : memref<!tpu.dma_semaphore, #tpu.memory_space<semaphore_mem>>) src(%dma_wait3A_142 : memref<112x128xf32, #tpu.memory_space<vmem>>) dst(%dma_wait3A_139 : memref<112x128xf32, #tpu.memory_space<vmem_shared>>)
      tpu.yield
    }) : () -> ()
    %eq3A = arith.constant 15 : i32
    %eq3A_17 = arith.cmpi eq, %arg1, %eq3A : i32
    %convert_element_type3A = arith.extui %eq3A_17 : i1 to i32
    %cond3A = arith.constant 0 : i32
    %cond3A_18 = arith.cmpi ne, %convert_element_type3A, %cond3A : i32
    scf.if %cond3A_18 {
      "tpu.region"() ({
        %run_scoped3A = tpu.sem_alloc : memref<!tpu.dma_semaphore, #tpu.memory_space<semaphore_mem>>
        %dma_start3A_123 = arith.constant 0 : i32
        %dma_start3A_124 = arith.constant 0 : i32
        %dma_start3A_125 = tpu.memref_slice %arg11[%dma_start3A_123, %dma_start3A_124] : memref<128x128xf32, #tpu.memory_space<vmem>> -> memref<16x128xf32, #tpu.memory_space<vmem>>
        %dma_start3A_126 = arith.constant 9984 : i32
        %dma_start3A_127 = arith.constant 0 : i32
        %dma_start3A_128 = tpu.memref_slice %arg13[%dma_start3A_126, %dma_start3A_127] : memref<10000x128xf32, #tpu.memory_space<vmem_shared>> -> memref<16x128xf32, #tpu.memory_space<vmem_shared>>
        %dma_start3A_129 = arith.constant 9984 : i32
        %dma_start3A_130 = arith.constant 0 : i32
        %dma_start3A_131 = tpu.memref_slice %arg13[%dma_start3A_129, %dma_start3A_130] : memref<10000x128xf32, #tpu.memory_space<vmem_shared>> -> memref<16x128xf32, #tpu.memory_space<vmem_shared>>
        %dma_start3A_132 = arith.constant 0 : i32
        %dma_start3A_133 = arith.constant 0 : i32
        %dma_start3A_134 = tpu.memref_slice %arg11[%dma_start3A_132, %dma_start3A_133] : memref<128x128xf32, #tpu.memory_space<vmem>> -> memref<16x128xf32, #tpu.memory_space<vmem>>
        tpu.enqueue_dma source(%dma_start3A_134 : memref<16x128xf32, #tpu.memory_space<vmem>>) target(%dma_start3A_131 : memref<16x128xf32, #tpu.memory_space<vmem_shared>>) target_semaphore(%run_scoped3A : memref<!tpu.dma_semaphore, #tpu.memory_space<semaphore_mem>>)
        %dma_wait3A_135 = arith.constant 0 : i32
        %dma_wait3A_136 = arith.constant 0 : i32
        %dma_wait3A_137 = tpu.memref_slice %arg11[%dma_wait3A_135, %dma_wait3A_136] : memref<128x128xf32, #tpu.memory_space<vmem>> -> memref<16x128xf32, #tpu.memory_space<vmem>>
        %dma_wait3A_138 = arith.constant 9984 : i32
        %dma_wait3A_139 = arith.constant 0 : i32
        %dma_wait3A_140 = tpu.memref_slice %arg13[%dma_wait3A_138, %dma_wait3A_139] : memref<10000x128xf32, #tpu.memory_space<vmem_shared>> -> memref<16x128xf32, #tpu.memory_space<vmem_shared>>
        %dma_wait3A_141 = arith.constant 9984 : i32
        %dma_wait3A_142 = arith.constant 0 : i32
        %dma_wait3A_143 = tpu.memref_slice %arg13[%dma_wait3A_141, %dma_wait3A_142] : memref<10000x128xf32, #tpu.memory_space<vmem_shared>> -> memref<16x128xf32, #tpu.memory_space<vmem_shared>>
        %dma_wait3A_144 = arith.constant 0 : i32
        %dma_wait3A_145 = arith.constant 0 : i32
        %dma_wait3A_146 = tpu.memref_slice %arg11[%dma_wait3A_144, %dma_wait3A_145] : memref<128x128xf32, #tpu.memory_space<vmem>> -> memref<16x128xf32, #tpu.memory_space<vmem>>
        tpu.wait_dma2 semaphore(%run_scoped3A : memref<!tpu.dma_semaphore, #tpu.memory_space<semaphore_mem>>) src(%dma_wait3A_146 : memref<16x128xf32, #tpu.memory_space<vmem>>) dst(%dma_wait3A_143 : memref<16x128xf32, #tpu.memory_space<vmem_shared>>)
        tpu.yield
      }) : () -> ()
    } else {
    }
    %barrier3A = arith.constant 0 : index
    tpu.barrier barrier_id(%barrier3A)
    %multiple_of3A_19 = arith.constant 0 : i32
    %multiple_of3A_20 = tpu.assume_multiple %multiple_of3A_19, 8 : i32
    %add3A_21 = arith.addi %multiple_of3A, %multiple_of3A_20 : i32
    %dma_start3A = tpu.memref_slice %arg4[%add3A_21] : memref<320000xi32, #tpu.memory_space<hbm>> -> memref<128xi32, #tpu.memory_space<hbm>>
    %dma_start3A_22 = tpu.memref_slice %arg4[%add3A_21] : memref<320000xi32, #tpu.memory_space<hbm>> -> memref<128xi32, #tpu.memory_space<hbm>>
    tpu.enqueue_dma source(%dma_start3A_22 : memref<128xi32, #tpu.memory_space<hbm>>) target(%arg8 : memref<128xi32, #tpu.memory_space<vmem>>) target_semaphore(%arg16 : memref<!tpu.dma_semaphore, #tpu.memory_space<semaphore_mem>>)
    %dma_start3A_23 = tpu.memref_slice %arg7[%multiple_of3A_20] : memref<10000xi32, #tpu.memory_space<vmem>> -> memref<128xi32, #tpu.memory_space<vmem>>
    %dma_start3A_24 = arith.constant 0 : i32
    %dma_start3A_25 = arith.constant 0 : i32
    %dma_start3A_26 = tpu.memref_slice %arg2[%dma_start3A_24, %dma_start3A_25] : memref<10000x128xf32, #tpu.memory_space<hbm>> -> memref<10000x128xf32, #tpu.memory_space<hbm>>
    tpu.enqueue_indirect_dma source(%dma_start3A_26 : memref<10000x128xf32, #tpu.memory_space<hbm>>) target(%arg11 : memref<128x128xf32, #tpu.memory_space<vmem>>) offsets(%dma_start3A_23 : memref<128xi32, #tpu.memory_space<vmem>>) semaphore(%arg14 : memref<!tpu.dma_semaphore, #tpu.memory_space<semaphore_mem>>)
    %scan3A = arith.constant 0 : i32
    %scan3A_27 = arith.constant 0 : i32
    %scan3A_28 = arith.constant 38 : i32
    %scan3A_29 = arith.addi %scan3A_27, %scan3A_28 : i32
    %scan3A_30 = arith.constant 1 : i32
    scf.for %scan3A_123 = %scan3A_27 to %scan3A_29 step %scan3A_30  : i32 {
      %mul3A_124 = arith.constant 2 : i32
      %mul3A_125 = arith.muli %mul3A_124, %scan3A_123 : i32
      %mul3A_126 = arith.constant 128 : i32
      %mul3A_127 = arith.muli %mul3A_125, %mul3A_126 : i32
      %multiple_of3A_128 = tpu.assume_multiple %mul3A_127, 8 : i32
      %mul3A_129 = arith.constant 2 : i32
      %mul3A_130 = arith.muli %mul3A_129, %scan3A_123 : i32
      %add3A_131 = arith.constant 1 : i32
      %add3A_132 = arith.addi %mul3A_130, %add3A_131 : i32
      %mul3A_133 = arith.constant 128 : i32
      %mul3A_134 = arith.muli %add3A_132, %mul3A_133 : i32
      %multiple_of3A_135 = tpu.assume_multiple %mul3A_134, 8 : i32
      %mul3A_136 = arith.constant 2 : i32
      %mul3A_137 = arith.muli %mul3A_136, %scan3A_123 : i32
      %add3A_138 = arith.constant 2 : i32
      %add3A_139 = arith.addi %mul3A_137, %add3A_138 : i32
      %mul3A_140 = arith.constant 128 : i32
      %mul3A_141 = arith.muli %add3A_139, %mul3A_140 : i32
      %multiple_of3A_142 = tpu.assume_multiple %mul3A_141, 8 : i32
      %add3A_143 = arith.addi %multiple_of3A, %multiple_of3A_135 : i32
      %dma_start3A_144 = tpu.memref_slice %arg4[%add3A_143] : memref<320000xi32, #tpu.memory_space<hbm>> -> memref<128xi32, #tpu.memory_space<hbm>>
      %dma_start3A_145 = tpu.memref_slice %arg4[%add3A_143] : memref<320000xi32, #tpu.memory_space<hbm>> -> memref<128xi32, #tpu.memory_space<hbm>>
      tpu.enqueue_dma source(%dma_start3A_145 : memref<128xi32, #tpu.memory_space<hbm>>) target(%arg9 : memref<128xi32, #tpu.memory_space<vmem>>) target_semaphore(%arg17 : memref<!tpu.dma_semaphore, #tpu.memory_space<semaphore_mem>>)
      %dma_start3A_146 = tpu.memref_slice %arg7[%multiple_of3A_135] : memref<10000xi32, #tpu.memory_space<vmem>> -> memref<128xi32, #tpu.memory_space<vmem>>
      %dma_start3A_147 = arith.constant 0 : i32
      %dma_start3A_148 = arith.constant 0 : i32
      %dma_start3A_149 = tpu.memref_slice %arg2[%dma_start3A_147, %dma_start3A_148] : memref<10000x128xf32, #tpu.memory_space<hbm>> -> memref<10000x128xf32, #tpu.memory_space<hbm>>
      tpu.enqueue_indirect_dma source(%dma_start3A_149 : memref<10000x128xf32, #tpu.memory_space<hbm>>) target(%arg12 : memref<128x128xf32, #tpu.memory_space<vmem>>) offsets(%dma_start3A_146 : memref<128xi32, #tpu.memory_space<vmem>>) semaphore(%arg15 : memref<!tpu.dma_semaphore, #tpu.memory_space<semaphore_mem>>)
      %add3A_150 = arith.addi %multiple_of3A, %multiple_of3A_128 : i32
      %dma_wait3A_151 = tpu.memref_slice %arg4[%add3A_150] : memref<320000xi32, #tpu.memory_space<hbm>> -> memref<128xi32, #tpu.memory_space<hbm>>
      %dma_wait3A_152 = tpu.memref_slice %arg4[%add3A_150] : memref<320000xi32, #tpu.memory_space<hbm>> -> memref<128xi32, #tpu.memory_space<hbm>>
      tpu.wait_dma2 semaphore(%arg16 : memref<!tpu.dma_semaphore, #tpu.memory_space<semaphore_mem>>) src(%dma_wait3A_152 : memref<128xi32, #tpu.memory_space<hbm>>) dst(%arg8 : memref<128xi32, #tpu.memory_space<vmem>>)
      %dma_wait3A_153 = tpu.memref_slice %arg7[%multiple_of3A_128] : memref<10000xi32, #tpu.memory_space<vmem>> -> memref<128xi32, #tpu.memory_space<vmem>>
      %dma_wait3A_154 = arith.constant 0 : i32
      %dma_wait3A_155 = arith.constant 0 : i32
      %dma_wait3A_156 = tpu.memref_slice %arg2[%dma_wait3A_154, %dma_wait3A_155] : memref<10000x128xf32, #tpu.memory_space<hbm>> -> memref<10000x128xf32, #tpu.memory_space<hbm>>
      tpu.wait_indirect_dma semaphore(%arg14 : memref<!tpu.dma_semaphore, #tpu.memory_space<semaphore_mem>>) src(%dma_wait3A_156 : memref<10000x128xf32, #tpu.memory_space<hbm>>) dst(%arg11 : memref<128x128xf32, #tpu.memory_space<vmem>>)
      %dma_start3A_157 = arith.constant 0 : i32
      %dma_start3A_158 = arith.constant 0 : i32
      %dma_start3A_159 = tpu.memref_slice %arg13[%dma_start3A_157, %dma_start3A_158] : memref<10000x128xf32, #tpu.memory_space<vmem_shared>> -> memref<10000x128xf32, #tpu.memory_space<vmem_shared>>
      tpu.enqueue_indirect_dma source(%arg11 : memref<128x128xf32, #tpu.memory_space<vmem>>) target(%dma_start3A_159 : memref<10000x128xf32, #tpu.memory_space<vmem_shared>>) offsets(%arg8 : memref<128xi32, #tpu.memory_space<vmem>>) semaphore(%arg18 : memref<!tpu.dma_semaphore, #tpu.memory_space<semaphore_mem>>) {add = true}
      %dma_wait3A_160 = arith.constant 0 : i32
      %dma_wait3A_161 = arith.constant 0 : i32
      %dma_wait3A_162 = tpu.memref_slice %arg13[%dma_wait3A_160, %dma_wait3A_161] : memref<10000x128xf32, #tpu.memory_space<vmem_shared>> -> memref<10000x128xf32, #tpu.memory_space<vmem_shared>>
      tpu.wait_indirect_dma semaphore(%arg18 : memref<!tpu.dma_semaphore, #tpu.memory_space<semaphore_mem>>) src(%arg11 : memref<128x128xf32, #tpu.memory_space<vmem>>) dst(%dma_wait3A_162 : memref<10000x128xf32, #tpu.memory_space<vmem_shared>>)
      %add3A_163 = arith.addi %multiple_of3A, %multiple_of3A_142 : i32
      %dma_start3A_164 = tpu.memref_slice %arg4[%add3A_163] : memref<320000xi32, #tpu.memory_space<hbm>> -> memref<128xi32, #tpu.memory_space<hbm>>
      %dma_start3A_165 = tpu.memref_slice %arg4[%add3A_163] : memref<320000xi32, #tpu.memory_space<hbm>> -> memref<128xi32, #tpu.memory_space<hbm>>
      tpu.enqueue_dma source(%dma_start3A_165 : memref<128xi32, #tpu.memory_space<hbm>>) target(%arg8 : memref<128xi32, #tpu.memory_space<vmem>>) target_semaphore(%arg16 : memref<!tpu.dma_semaphore, #tpu.memory_space<semaphore_mem>>)
      %dma_start3A_166 = tpu.memref_slice %arg7[%multiple_of3A_142] : memref<10000xi32, #tpu.memory_space<vmem>> -> memref<128xi32, #tpu.memory_space<vmem>>
      %dma_start3A_167 = arith.constant 0 : i32
      %dma_start3A_168 = arith.constant 0 : i32
      %dma_start3A_169 = tpu.memref_slice %arg2[%dma_start3A_167, %dma_start3A_168] : memref<10000x128xf32, #tpu.memory_space<hbm>> -> memref<10000x128xf32, #tpu.memory_space<hbm>>
      tpu.enqueue_indirect_dma source(%dma_start3A_169 : memref<10000x128xf32, #tpu.memory_space<hbm>>) target(%arg11 : memref<128x128xf32, #tpu.memory_space<vmem>>) offsets(%dma_start3A_166 : memref<128xi32, #tpu.memory_space<vmem>>) semaphore(%arg14 : memref<!tpu.dma_semaphore, #tpu.memory_space<semaphore_mem>>)
      %add3A_170 = arith.addi %multiple_of3A, %multiple_of3A_135 : i32
      %dma_wait3A_171 = tpu.memref_slice %arg4[%add3A_170] : memref<320000xi32, #tpu.memory_space<hbm>> -> memref<128xi32, #tpu.memory_space<hbm>>
      %dma_wait3A_172 = tpu.memref_slice %arg4[%add3A_170] : memref<320000xi32, #tpu.memory_space<hbm>> -> memref<128xi32, #tpu.memory_space<hbm>>
      tpu.wait_dma2 semaphore(%arg17 : memref<!tpu.dma_semaphore, #tpu.memory_space<semaphore_mem>>) src(%dma_wait3A_172 : memref<128xi32, #tpu.memory_space<hbm>>) dst(%arg9 : memref<128xi32, #tpu.memory_space<vmem>>)
      %dma_wait3A_173 = tpu.memref_slice %arg7[%multiple_of3A_135] : memref<10000xi32, #tpu.memory_space<vmem>> -> memref<128xi32, #tpu.memory_space<vmem>>
      %dma_wait3A_174 = arith.constant 0 : i32
      %dma_wait3A_175 = arith.constant 0 : i32
      %dma_wait3A_176 = tpu.memref_slice %arg2[%dma_wait3A_174, %dma_wait3A_175] : memref<10000x128xf32, #tpu.memory_space<hbm>> -> memref<10000x128xf32, #tpu.memory_space<hbm>>
      tpu.wait_indirect_dma semaphore(%arg15 : memref<!tpu.dma_semaphore, #tpu.memory_space<semaphore_mem>>) src(%dma_wait3A_176 : memref<10000x128xf32, #tpu.memory_space<hbm>>) dst(%arg12 : memref<128x128xf32, #tpu.memory_space<vmem>>)
      %dma_start3A_177 = arith.constant 0 : i32
      %dma_start3A_178 = arith.constant 0 : i32
      %dma_start3A_179 = tpu.memref_slice %arg13[%dma_start3A_177, %dma_start3A_178] : memref<10000x128xf32, #tpu.memory_space<vmem_shared>> -> memref<10000x128xf32, #tpu.memory_space<vmem_shared>>
      tpu.enqueue_indirect_dma source(%arg12 : memref<128x128xf32, #tpu.memory_space<vmem>>) target(%dma_start3A_179 : memref<10000x128xf32, #tpu.memory_space<vmem_shared>>) offsets(%arg9 : memref<128xi32, #tpu.memory_space<vmem>>) semaphore(%arg19 : memref<!tpu.dma_semaphore, #tpu.memory_space<semaphore_mem>>) {add = true}
      %dma_wait3A_180 = arith.constant 0 : i32
      %dma_wait3A_181 = arith.constant 0 : i32
      %dma_wait3A_182 = tpu.memref_slice %arg13[%dma_wait3A_180, %dma_wait3A_181] : memref<10000x128xf32, #tpu.memory_space<vmem_shared>> -> memref<10000x128xf32, #tpu.memory_space<vmem_shared>>
      tpu.wait_indirect_dma semaphore(%arg19 : memref<!tpu.dma_semaphore, #tpu.memory_space<semaphore_mem>>) src(%arg12 : memref<128x128xf32, #tpu.memory_space<vmem>>) dst(%dma_wait3A_182 : memref<10000x128xf32, #tpu.memory_space<vmem_shared>>)
    }
    %scan3A_31 = arith.constant 38 : i32
    %multiple_of3A_32 = arith.constant 9728 : i32
    %multiple_of3A_33 = tpu.assume_multiple %multiple_of3A_32, 8 : i32
    %multiple_of3A_34 = arith.constant 9856 : i32
    %multiple_of3A_35 = tpu.assume_multiple %multiple_of3A_34, 8 : i32
    %add3A_36 = arith.addi %multiple_of3A, %multiple_of3A_35 : i32
    %dma_start3A_37 = tpu.memref_slice %arg4[%add3A_36] : memref<320000xi32, #tpu.memory_space<hbm>> -> memref<128xi32, #tpu.memory_space<hbm>>
    %dma_start3A_38 = tpu.memref_slice %arg4[%add3A_36] : memref<320000xi32, #tpu.memory_space<hbm>> -> memref<128xi32, #tpu.memory_space<hbm>>
    tpu.enqueue_dma source(%dma_start3A_38 : memref<128xi32, #tpu.memory_space<hbm>>) target(%arg9 : memref<128xi32, #tpu.memory_space<vmem>>) target_semaphore(%arg17 : memref<!tpu.dma_semaphore, #tpu.memory_space<semaphore_mem>>)
    %dma_start3A_39 = tpu.memref_slice %arg7[%multiple_of3A_35] : memref<10000xi32, #tpu.memory_space<vmem>> -> memref<128xi32, #tpu.memory_space<vmem>>
    %dma_start3A_40 = arith.constant 0 : i32
    %dma_start3A_41 = arith.constant 0 : i32
    %dma_start3A_42 = tpu.memref_slice %arg2[%dma_start3A_40, %dma_start3A_41] : memref<10000x128xf32, #tpu.memory_space<hbm>> -> memref<10000x128xf32, #tpu.memory_space<hbm>>
    tpu.enqueue_indirect_dma source(%dma_start3A_42 : memref<10000x128xf32, #tpu.memory_space<hbm>>) target(%arg12 : memref<128x128xf32, #tpu.memory_space<vmem>>) offsets(%dma_start3A_39 : memref<128xi32, #tpu.memory_space<vmem>>) semaphore(%arg15 : memref<!tpu.dma_semaphore, #tpu.memory_space<semaphore_mem>>)
    %add3A_43 = arith.addi %multiple_of3A, %multiple_of3A_33 : i32
    %dma_wait3A = tpu.memref_slice %arg4[%add3A_43] : memref<320000xi32, #tpu.memory_space<hbm>> -> memref<128xi32, #tpu.memory_space<hbm>>
    %dma_wait3A_44 = tpu.memref_slice %arg4[%add3A_43] : memref<320000xi32, #tpu.memory_space<hbm>> -> memref<128xi32, #tpu.memory_space<hbm>>
    tpu.wait_dma2 semaphore(%arg16 : memref<!tpu.dma_semaphore, #tpu.memory_space<semaphore_mem>>) src(%dma_wait3A_44 : memref<128xi32, #tpu.memory_space<hbm>>) dst(%arg8 : memref<128xi32, #tpu.memory_space<vmem>>)
    %dma_wait3A_45 = tpu.memref_slice %arg7[%multiple_of3A_33] : memref<10000xi32, #tpu.memory_space<vmem>> -> memref<128xi32, #tpu.memory_space<vmem>>
    %dma_wait3A_46 = arith.constant 0 : i32
    %dma_wait3A_47 = arith.constant 0 : i32
    %dma_wait3A_48 = tpu.memref_slice %arg2[%dma_wait3A_46, %dma_wait3A_47] : memref<10000x128xf32, #tpu.memory_space<hbm>> -> memref<10000x128xf32, #tpu.memory_space<hbm>>
    tpu.wait_indirect_dma semaphore(%arg14 : memref<!tpu.dma_semaphore, #tpu.memory_space<semaphore_mem>>) src(%dma_wait3A_48 : memref<10000x128xf32, #tpu.memory_space<hbm>>) dst(%arg11 : memref<128x128xf32, #tpu.memory_space<vmem>>)
    %dma_start3A_49 = arith.constant 0 : i32
    %dma_start3A_50 = arith.constant 0 : i32
    %dma_start3A_51 = tpu.memref_slice %arg13[%dma_start3A_49, %dma_start3A_50] : memref<10000x128xf32, #tpu.memory_space<vmem_shared>> -> memref<10000x128xf32, #tpu.memory_space<vmem_shared>>
    tpu.enqueue_indirect_dma source(%arg11 : memref<128x128xf32, #tpu.memory_space<vmem>>) target(%dma_start3A_51 : memref<10000x128xf32, #tpu.memory_space<vmem_shared>>) offsets(%arg8 : memref<128xi32, #tpu.memory_space<vmem>>) semaphore(%arg18 : memref<!tpu.dma_semaphore, #tpu.memory_space<semaphore_mem>>) {add = true}
    %dma_wait3A_52 = arith.constant 0 : i32
    %dma_wait3A_53 = arith.constant 0 : i32
    %dma_wait3A_54 = tpu.memref_slice %arg13[%dma_wait3A_52, %dma_wait3A_53] : memref<10000x128xf32, #tpu.memory_space<vmem_shared>> -> memref<10000x128xf32, #tpu.memory_space<vmem_shared>>
    tpu.wait_indirect_dma semaphore(%arg18 : memref<!tpu.dma_semaphore, #tpu.memory_space<semaphore_mem>>) src(%arg11 : memref<128x128xf32, #tpu.memory_space<vmem>>) dst(%dma_wait3A_54 : memref<10000x128xf32, #tpu.memory_space<vmem_shared>>)
    %add3A_55 = arith.addi %multiple_of3A, %multiple_of3A_35 : i32
    %dma_wait3A_56 = tpu.memref_slice %arg4[%add3A_55] : memref<320000xi32, #tpu.memory_space<hbm>> -> memref<128xi32, #tpu.memory_space<hbm>>
    %dma_wait3A_57 = tpu.memref_slice %arg4[%add3A_55] : memref<320000xi32, #tpu.memory_space<hbm>> -> memref<128xi32, #tpu.memory_space<hbm>>
    tpu.wait_dma2 semaphore(%arg17 : memref<!tpu.dma_semaphore, #tpu.memory_space<semaphore_mem>>) src(%dma_wait3A_57 : memref<128xi32, #tpu.memory_space<hbm>>) dst(%arg9 : memref<128xi32, #tpu.memory_space<vmem>>)
    %dma_wait3A_58 = tpu.memref_slice %arg7[%multiple_of3A_35] : memref<10000xi32, #tpu.memory_space<vmem>> -> memref<128xi32, #tpu.memory_space<vmem>>
    %dma_wait3A_59 = arith.constant 0 : i32
    %dma_wait3A_60 = arith.constant 0 : i32
    %dma_wait3A_61 = tpu.memref_slice %arg2[%dma_wait3A_59, %dma_wait3A_60] : memref<10000x128xf32, #tpu.memory_space<hbm>> -> memref<10000x128xf32, #tpu.memory_space<hbm>>
    tpu.wait_indirect_dma semaphore(%arg15 : memref<!tpu.dma_semaphore, #tpu.memory_space<semaphore_mem>>) src(%dma_wait3A_61 : memref<10000x128xf32, #tpu.memory_space<hbm>>) dst(%arg12 : memref<128x128xf32, #tpu.memory_space<vmem>>)
    %dma_start3A_62 = arith.constant 0 : i32
    %dma_start3A_63 = arith.constant 0 : i32
    %dma_start3A_64 = tpu.memref_slice %arg13[%dma_start3A_62, %dma_start3A_63] : memref<10000x128xf32, #tpu.memory_space<vmem_shared>> -> memref<10000x128xf32, #tpu.memory_space<vmem_shared>>
    tpu.enqueue_indirect_dma source(%arg12 : memref<128x128xf32, #tpu.memory_space<vmem>>) target(%dma_start3A_64 : memref<10000x128xf32, #tpu.memory_space<vmem_shared>>) offsets(%arg9 : memref<128xi32, #tpu.memory_space<vmem>>) semaphore(%arg19 : memref<!tpu.dma_semaphore, #tpu.memory_space<semaphore_mem>>) {add = true}
    %dma_wait3A_65 = arith.constant 0 : i32
    %dma_wait3A_66 = arith.constant 0 : i32
    %dma_wait3A_67 = tpu.memref_slice %arg13[%dma_wait3A_65, %dma_wait3A_66] : memref<10000x128xf32, #tpu.memory_space<vmem_shared>> -> memref<10000x128xf32, #tpu.memory_space<vmem_shared>>
    tpu.wait_indirect_dma semaphore(%arg19 : memref<!tpu.dma_semaphore, #tpu.memory_space<semaphore_mem>>) src(%arg12 : memref<128x128xf32, #tpu.memory_space<vmem>>) dst(%dma_wait3A_67 : memref<10000x128xf32, #tpu.memory_space<vmem_shared>>)
    %multiple_of3A_68 = arith.constant 9984 : i32
    %multiple_of3A_69 = tpu.assume_multiple %multiple_of3A_68, 8 : i32
    %add3A_70 = arith.addi %multiple_of3A, %multiple_of3A_69 : i32
    "tpu.region"() ({
      %run_scoped3A = tpu.sem_alloc : memref<!tpu.dma_semaphore, #tpu.memory_space<semaphore_mem>>
      %dma_start3A_123 = tpu.memref_slice %arg4[%add3A_70] : memref<320000xi32, #tpu.memory_space<hbm>> -> memref<16xi32, #tpu.memory_space<hbm>>
      %dma_start3A_124 = tpu.memref_slice %arg4[%add3A_70] : memref<320000xi32, #tpu.memory_space<hbm>> -> memref<16xi32, #tpu.memory_space<hbm>>
      tpu.enqueue_dma source(%dma_start3A_124 : memref<16xi32, #tpu.memory_space<hbm>>) target(%arg10 : memref<16xi32, #tpu.memory_space<vmem>>) target_semaphore(%run_scoped3A : memref<!tpu.dma_semaphore, #tpu.memory_space<semaphore_mem>>)
      %dma_wait3A_125 = tpu.memref_slice %arg4[%add3A_70] : memref<320000xi32, #tpu.memory_space<hbm>> -> memref<16xi32, #tpu.memory_space<hbm>>
      %dma_wait3A_126 = tpu.memref_slice %arg4[%add3A_70] : memref<320000xi32, #tpu.memory_space<hbm>> -> memref<16xi32, #tpu.memory_space<hbm>>
      tpu.wait_dma2 semaphore(%run_scoped3A : memref<!tpu.dma_semaphore, #tpu.memory_space<semaphore_mem>>) src(%dma_wait3A_126 : memref<16xi32, #tpu.memory_space<hbm>>) dst(%arg10 : memref<16xi32, #tpu.memory_space<vmem>>)
      tpu.yield
    }) : () -> ()
    %dma_start3A_71 = arith.constant 0 : i32
    %dma_start3A_72 = arith.constant 0 : i32
    %dma_start3A_73 = tpu.memref_slice %arg11[%dma_start3A_71, %dma_start3A_72] : memref<128x128xf32, #tpu.memory_space<vmem>> -> memref<16x128xf32, #tpu.memory_space<vmem>>
    %dma_start3A_74 = tpu.memref_slice %arg7[%multiple_of3A_69] : memref<10000xi32, #tpu.memory_space<vmem>> -> memref<16xi32, #tpu.memory_space<vmem>>
    %dma_start3A_75 = arith.constant 0 : i32
    %dma_start3A_76 = arith.constant 0 : i32
    %dma_start3A_77 = tpu.memref_slice %arg2[%dma_start3A_75, %dma_start3A_76] : memref<10000x128xf32, #tpu.memory_space<hbm>> -> memref<10000x128xf32, #tpu.memory_space<hbm>>
    tpu.enqueue_indirect_dma source(%dma_start3A_77 : memref<10000x128xf32, #tpu.memory_space<hbm>>) target(%dma_start3A_73 : memref<16x128xf32, #tpu.memory_space<vmem>>) offsets(%dma_start3A_74 : memref<16xi32, #tpu.memory_space<vmem>>) semaphore(%arg14 : memref<!tpu.dma_semaphore, #tpu.memory_space<semaphore_mem>>)
    %dma_wait3A_78 = arith.constant 0 : i32
    %dma_wait3A_79 = arith.constant 0 : i32
    %dma_wait3A_80 = tpu.memref_slice %arg11[%dma_wait3A_78, %dma_wait3A_79] : memref<128x128xf32, #tpu.memory_space<vmem>> -> memref<16x128xf32, #tpu.memory_space<vmem>>
    %dma_wait3A_81 = tpu.memref_slice %arg7[%multiple_of3A_69] : memref<10000xi32, #tpu.memory_space<vmem>> -> memref<16xi32, #tpu.memory_space<vmem>>
    %dma_wait3A_82 = arith.constant 0 : i32
    %dma_wait3A_83 = arith.constant 0 : i32
    %dma_wait3A_84 = tpu.memref_slice %arg2[%dma_wait3A_82, %dma_wait3A_83] : memref<10000x128xf32, #tpu.memory_space<hbm>> -> memref<10000x128xf32, #tpu.memory_space<hbm>>
    tpu.wait_indirect_dma semaphore(%arg14 : memref<!tpu.dma_semaphore, #tpu.memory_space<semaphore_mem>>) src(%dma_wait3A_84 : memref<10000x128xf32, #tpu.memory_space<hbm>>) dst(%dma_wait3A_80 : memref<16x128xf32, #tpu.memory_space<vmem>>)
    "tpu.region"() ({
      %run_scoped3A = tpu.sem_alloc : memref<!tpu.dma_semaphore, #tpu.memory_space<semaphore_mem>>
      %dma_start3A_123 = arith.constant 0 : i32
      %dma_start3A_124 = arith.constant 0 : i32
      %dma_start3A_125 = tpu.memref_slice %arg11[%dma_start3A_123, %dma_start3A_124] : memref<128x128xf32, #tpu.memory_space<vmem>> -> memref<16x128xf32, #tpu.memory_space<vmem>>
      %dma_start3A_126 = arith.constant 0 : i32
      %dma_start3A_127 = arith.constant 0 : i32
      %dma_start3A_128 = tpu.memref_slice %arg13[%dma_start3A_126, %dma_start3A_127] : memref<10000x128xf32, #tpu.memory_space<vmem_shared>> -> memref<10000x128xf32, #tpu.memory_space<vmem_shared>>
      tpu.enqueue_indirect_dma source(%dma_start3A_125 : memref<16x128xf32, #tpu.memory_space<vmem>>) target(%dma_start3A_128 : memref<10000x128xf32, #tpu.memory_space<vmem_shared>>) offsets(%arg10 : memref<16xi32, #tpu.memory_space<vmem>>) semaphore(%run_scoped3A : memref<!tpu.dma_semaphore, #tpu.memory_space<semaphore_mem>>) {add = true}
      %dma_wait3A_129 = arith.constant 0 : i32
      %dma_wait3A_130 = arith.constant 0 : i32
      %dma_wait3A_131 = tpu.memref_slice %arg11[%dma_wait3A_129, %dma_wait3A_130] : memref<128x128xf32, #tpu.memory_space<vmem>> -> memref<16x128xf32, #tpu.memory_space<vmem>>
      %dma_wait3A_132 = arith.constant 0 : i32
      %dma_wait3A_133 = arith.constant 0 : i32
      %dma_wait3A_134 = tpu.memref_slice %arg13[%dma_wait3A_132, %dma_wait3A_133] : memref<10000x128xf32, #tpu.memory_space<vmem_shared>> -> memref<10000x128xf32, #tpu.memory_space<vmem_shared>>
      tpu.wait_indirect_dma semaphore(%run_scoped3A : memref<!tpu.dma_semaphore, #tpu.memory_space<semaphore_mem>>) src(%dma_wait3A_131 : memref<16x128xf32, #tpu.memory_space<vmem>>) dst(%dma_wait3A_134 : memref<10000x128xf32, #tpu.memory_space<vmem_shared>>)
      tpu.yield
    }) : () -> ()
    %barrier3A_85 = arith.constant 0 : index
    tpu.barrier barrier_id(%barrier3A_85)
    %mul3A_86 = arith.constant 10000 : i32
    %mul3A_87 = arith.muli %arg0, %mul3A_86 : i32
    %multiple_of3A_88 = tpu.assume_multiple %mul3A_87, 8 : i32
    %add3A_89 = arith.constant 0 : i32
    %add3A_90 = arith.addi %multiple_of3A_5, %add3A_89 : i32
    "tpu.region"() ({
      %run_scoped3A = tpu.sem_alloc : memref<!tpu.dma_semaphore, #tpu.memory_space<semaphore_mem>>
      %dma_start3A_123 = arith.constant 0 : i32
      %dma_start3A_124 = tpu.memref_slice %arg13[%add3A_90, %dma_start3A_123] : memref<10000x128xf32, #tpu.memory_space<vmem_shared>> -> memref<128x128xf32, #tpu.memory_space<vmem_shared>>
      %dma_start3A_125 = arith.constant 0 : i32
      %dma_start3A_126 = tpu.memref_slice %arg13[%add3A_90, %dma_start3A_125] : memref<10000x128xf32, #tpu.memory_space<vmem_shared>> -> memref<128x128xf32, #tpu.memory_space<vmem_shared>>
      tpu.enqueue_dma source(%dma_start3A_126 : memref<128x128xf32, #tpu.memory_space<vmem_shared>>) target(%arg11 : memref<128x128xf32, #tpu.memory_space<vmem>>) target_semaphore(%run_scoped3A : memref<!tpu.dma_semaphore, #tpu.memory_space<semaphore_mem>>)
      %dma_wait3A_127 = arith.constant 0 : i32
      %dma_wait3A_128 = tpu.memref_slice %arg13[%add3A_90, %dma_wait3A_127] : memref<10000x128xf32, #tpu.memory_space<vmem_shared>> -> memref<128x128xf32, #tpu.memory_space<vmem_shared>>
      %dma_wait3A_129 = arith.constant 0 : i32
      %dma_wait3A_130 = tpu.memref_slice %arg13[%add3A_90, %dma_wait3A_129] : memref<10000x128xf32, #tpu.memory_space<vmem_shared>> -> memref<128x128xf32, #tpu.memory_space<vmem_shared>>
      tpu.wait_dma2 semaphore(%run_scoped3A : memref<!tpu.dma_semaphore, #tpu.memory_space<semaphore_mem>>) src(%dma_wait3A_130 : memref<128x128xf32, #tpu.memory_space<vmem_shared>>) dst(%arg11 : memref<128x128xf32, #tpu.memory_space<vmem>>)
      tpu.yield
    }) : () -> ()
    %add3A_91 = arith.addi %multiple_of3A_88, %multiple_of3A_5 : i32
    %add3A_92 = arith.constant 0 : i32
    %add3A_93 = arith.addi %add3A_91, %add3A_92 : i32
    "tpu.region"() ({
      %run_scoped3A = tpu.sem_alloc : memref<!tpu.dma_semaphore, #tpu.memory_space<semaphore_mem>>
      %dma_start3A_123 = arith.constant 0 : i32
      %dma_start3A_124 = tpu.memref_slice %arg6[%add3A_93, %dma_start3A_123] : memref<20000x128xf32, #tpu.memory_space<hbm>> -> memref<128x128xf32, #tpu.memory_space<hbm>>
      %dma_start3A_125 = arith.constant 0 : i32
      %dma_start3A_126 = tpu.memref_slice %arg6[%add3A_93, %dma_start3A_125] : memref<20000x128xf32, #tpu.memory_space<hbm>> -> memref<128x128xf32, #tpu.memory_space<hbm>>
      tpu.enqueue_dma source(%arg11 : memref<128x128xf32, #tpu.memory_space<vmem>>) target(%dma_start3A_126 : memref<128x128xf32, #tpu.memory_space<hbm>>) target_semaphore(%run_scoped3A : memref<!tpu.dma_semaphore, #tpu.memory_space<semaphore_mem>>)
      %dma_wait3A_127 = arith.constant 0 : i32
      %dma_wait3A_128 = tpu.memref_slice %arg6[%add3A_93, %dma_wait3A_127] : memref<20000x128xf32, #tpu.memory_space<hbm>> -> memref<128x128xf32, #tpu.memory_space<hbm>>
      %dma_wait3A_129 = arith.constant 0 : i32
      %dma_wait3A_130 = tpu.memref_slice %arg6[%add3A_93, %dma_wait3A_129] : memref<20000x128xf32, #tpu.memory_space<hbm>> -> memref<128x128xf32, #tpu.memory_space<hbm>>
      tpu.wait_dma2 semaphore(%run_scoped3A : memref<!tpu.dma_semaphore, #tpu.memory_space<semaphore_mem>>) src(%arg11 : memref<128x128xf32, #tpu.memory_space<vmem>>) dst(%dma_wait3A_130 : memref<128x128xf32, #tpu.memory_space<hbm>>)
      tpu.yield
    }) : () -> ()
    %add3A_94 = arith.constant 128 : i32
    %add3A_95 = arith.addi %multiple_of3A_5, %add3A_94 : i32
    "tpu.region"() ({
      %run_scoped3A = tpu.sem_alloc : memref<!tpu.dma_semaphore, #tpu.memory_space<semaphore_mem>>
      %dma_start3A_123 = arith.constant 0 : i32
      %dma_start3A_124 = tpu.memref_slice %arg13[%add3A_95, %dma_start3A_123] : memref<10000x128xf32, #tpu.memory_space<vmem_shared>> -> memref<128x128xf32, #tpu.memory_space<vmem_shared>>
      %dma_start3A_125 = arith.constant 0 : i32
      %dma_start3A_126 = tpu.memref_slice %arg13[%add3A_95, %dma_start3A_125] : memref<10000x128xf32, #tpu.memory_space<vmem_shared>> -> memref<128x128xf32, #tpu.memory_space<vmem_shared>>
      tpu.enqueue_dma source(%dma_start3A_126 : memref<128x128xf32, #tpu.memory_space<vmem_shared>>) target(%arg11 : memref<128x128xf32, #tpu.memory_space<vmem>>) target_semaphore(%run_scoped3A : memref<!tpu.dma_semaphore, #tpu.memory_space<semaphore_mem>>)
      %dma_wait3A_127 = arith.constant 0 : i32
      %dma_wait3A_128 = tpu.memref_slice %arg13[%add3A_95, %dma_wait3A_127] : memref<10000x128xf32, #tpu.memory_space<vmem_shared>> -> memref<128x128xf32, #tpu.memory_space<vmem_shared>>
      %dma_wait3A_129 = arith.constant 0 : i32
      %dma_wait3A_130 = tpu.memref_slice %arg13[%add3A_95, %dma_wait3A_129] : memref<10000x128xf32, #tpu.memory_space<vmem_shared>> -> memref<128x128xf32, #tpu.memory_space<vmem_shared>>
      tpu.wait_dma2 semaphore(%run_scoped3A : memref<!tpu.dma_semaphore, #tpu.memory_space<semaphore_mem>>) src(%dma_wait3A_130 : memref<128x128xf32, #tpu.memory_space<vmem_shared>>) dst(%arg11 : memref<128x128xf32, #tpu.memory_space<vmem>>)
      tpu.yield
    }) : () -> ()
    %add3A_96 = arith.addi %multiple_of3A_88, %multiple_of3A_5 : i32
    %add3A_97 = arith.constant 128 : i32
    %add3A_98 = arith.addi %add3A_96, %add3A_97 : i32
    "tpu.region"() ({
      %run_scoped3A = tpu.sem_alloc : memref<!tpu.dma_semaphore, #tpu.memory_space<semaphore_mem>>
      %dma_start3A_123 = arith.constant 0 : i32
      %dma_start3A_124 = tpu.memref_slice %arg6[%add3A_98, %dma_start3A_123] : memref<20000x128xf32, #tpu.memory_space<hbm>> -> memref<128x128xf32, #tpu.memory_space<hbm>>
      %dma_start3A_125 = arith.constant 0 : i32
      %dma_start3A_126 = tpu.memref_slice %arg6[%add3A_98, %dma_start3A_125] : memref<20000x128xf32, #tpu.memory_space<hbm>> -> memref<128x128xf32, #tpu.memory_space<hbm>>
      tpu.enqueue_dma source(%arg11 : memref<128x128xf32, #tpu.memory_space<vmem>>) target(%dma_start3A_126 : memref<128x128xf32, #tpu.memory_space<hbm>>) target_semaphore(%run_scoped3A : memref<!tpu.dma_semaphore, #tpu.memory_space<semaphore_mem>>)
      %dma_wait3A_127 = arith.constant 0 : i32
      %dma_wait3A_128 = tpu.memref_slice %arg6[%add3A_98, %dma_wait3A_127] : memref<20000x128xf32, #tpu.memory_space<hbm>> -> memref<128x128xf32, #tpu.memory_space<hbm>>
      %dma_wait3A_129 = arith.constant 0 : i32
      %dma_wait3A_130 = tpu.memref_slice %arg6[%add3A_98, %dma_wait3A_129] : memref<20000x128xf32, #tpu.memory_space<hbm>> -> memref<128x128xf32, #tpu.memory_space<hbm>>
      tpu.wait_dma2 semaphore(%run_scoped3A : memref<!tpu.dma_semaphore, #tpu.memory_space<semaphore_mem>>) src(%arg11 : memref<128x128xf32, #tpu.memory_space<vmem>>) dst(%dma_wait3A_130 : memref<128x128xf32, #tpu.memory_space<hbm>>)
      tpu.yield
    }) : () -> ()
    %add3A_99 = arith.constant 256 : i32
    %add3A_100 = arith.addi %multiple_of3A_5, %add3A_99 : i32
    "tpu.region"() ({
      %run_scoped3A = tpu.sem_alloc : memref<!tpu.dma_semaphore, #tpu.memory_space<semaphore_mem>>
      %dma_start3A_123 = arith.constant 0 : i32
      %dma_start3A_124 = tpu.memref_slice %arg13[%add3A_100, %dma_start3A_123] : memref<10000x128xf32, #tpu.memory_space<vmem_shared>> -> memref<128x128xf32, #tpu.memory_space<vmem_shared>>
      %dma_start3A_125 = arith.constant 0 : i32
      %dma_start3A_126 = tpu.memref_slice %arg13[%add3A_100, %dma_start3A_125] : memref<10000x128xf32, #tpu.memory_space<vmem_shared>> -> memref<128x128xf32, #tpu.memory_space<vmem_shared>>
      tpu.enqueue_dma source(%dma_start3A_126 : memref<128x128xf32, #tpu.memory_space<vmem_shared>>) target(%arg11 : memref<128x128xf32, #tpu.memory_space<vmem>>) target_semaphore(%run_scoped3A : memref<!tpu.dma_semaphore, #tpu.memory_space<semaphore_mem>>)
      %dma_wait3A_127 = arith.constant 0 : i32
      %dma_wait3A_128 = tpu.memref_slice %arg13[%add3A_100, %dma_wait3A_127] : memref<10000x128xf32, #tpu.memory_space<vmem_shared>> -> memref<128x128xf32, #tpu.memory_space<vmem_shared>>
      %dma_wait3A_129 = arith.constant 0 : i32
      %dma_wait3A_130 = tpu.memref_slice %arg13[%add3A_100, %dma_wait3A_129] : memref<10000x128xf32, #tpu.memory_space<vmem_shared>> -> memref<128x128xf32, #tpu.memory_space<vmem_shared>>
      tpu.wait_dma2 semaphore(%run_scoped3A : memref<!tpu.dma_semaphore, #tpu.memory_space<semaphore_mem>>) src(%dma_wait3A_130 : memref<128x128xf32, #tpu.memory_space<vmem_shared>>) dst(%arg11 : memref<128x128xf32, #tpu.memory_space<vmem>>)
      tpu.yield
    }) : () -> ()
    %add3A_101 = arith.addi %multiple_of3A_88, %multiple_of3A_5 : i32
    %add3A_102 = arith.constant 256 : i32
    %add3A_103 = arith.addi %add3A_101, %add3A_102 : i32
    "tpu.region"() ({
      %run_scoped3A = tpu.sem_alloc : memref<!tpu.dma_semaphore, #tpu.memory_space<semaphore_mem>>
      %dma_start3A_123 = arith.constant 0 : i32
      %dma_start3A_124 = tpu.memref_slice %arg6[%add3A_103, %dma_start3A_123] : memref<20000x128xf32, #tpu.memory_space<hbm>> -> memref<128x128xf32, #tpu.memory_space<hbm>>
      %dma_start3A_125 = arith.constant 0 : i32
      %dma_start3A_126 = tpu.memref_slice %arg6[%add3A_103, %dma_start3A_125] : memref<20000x128xf32, #tpu.memory_space<hbm>> -> memref<128x128xf32, #tpu.memory_space<hbm>>
      tpu.enqueue_dma source(%arg11 : memref<128x128xf32, #tpu.memory_space<vmem>>) target(%dma_start3A_126 : memref<128x128xf32, #tpu.memory_space<hbm>>) target_semaphore(%run_scoped3A : memref<!tpu.dma_semaphore, #tpu.memory_space<semaphore_mem>>)
      %dma_wait3A_127 = arith.constant 0 : i32
      %dma_wait3A_128 = tpu.memref_slice %arg6[%add3A_103, %dma_wait3A_127] : memref<20000x128xf32, #tpu.memory_space<hbm>> -> memref<128x128xf32, #tpu.memory_space<hbm>>
      %dma_wait3A_129 = arith.constant 0 : i32
      %dma_wait3A_130 = tpu.memref_slice %arg6[%add3A_103, %dma_wait3A_129] : memref<20000x128xf32, #tpu.memory_space<hbm>> -> memref<128x128xf32, #tpu.memory_space<hbm>>
      tpu.wait_dma2 semaphore(%run_scoped3A : memref<!tpu.dma_semaphore, #tpu.memory_space<semaphore_mem>>) src(%arg11 : memref<128x128xf32, #tpu.memory_space<vmem>>) dst(%dma_wait3A_130 : memref<128x128xf32, #tpu.memory_space<hbm>>)
      tpu.yield
    }) : () -> ()
    %add3A_104 = arith.constant 384 : i32
    %add3A_105 = arith.addi %multiple_of3A_5, %add3A_104 : i32
    "tpu.region"() ({
      %run_scoped3A = tpu.sem_alloc : memref<!tpu.dma_semaphore, #tpu.memory_space<semaphore_mem>>
      %dma_start3A_123 = arith.constant 0 : i32
      %dma_start3A_124 = tpu.memref_slice %arg13[%add3A_105, %dma_start3A_123] : memref<10000x128xf32, #tpu.memory_space<vmem_shared>> -> memref<128x128xf32, #tpu.memory_space<vmem_shared>>
      %dma_start3A_125 = arith.constant 0 : i32
      %dma_start3A_126 = tpu.memref_slice %arg13[%add3A_105, %dma_start3A_125] : memref<10000x128xf32, #tpu.memory_space<vmem_shared>> -> memref<128x128xf32, #tpu.memory_space<vmem_shared>>
      tpu.enqueue_dma source(%dma_start3A_126 : memref<128x128xf32, #tpu.memory_space<vmem_shared>>) target(%arg11 : memref<128x128xf32, #tpu.memory_space<vmem>>) target_semaphore(%run_scoped3A : memref<!tpu.dma_semaphore, #tpu.memory_space<semaphore_mem>>)
      %dma_wait3A_127 = arith.constant 0 : i32
      %dma_wait3A_128 = tpu.memref_slice %arg13[%add3A_105, %dma_wait3A_127] : memref<10000x128xf32, #tpu.memory_space<vmem_shared>> -> memref<128x128xf32, #tpu.memory_space<vmem_shared>>
      %dma_wait3A_129 = arith.constant 0 : i32
      %dma_wait3A_130 = tpu.memref_slice %arg13[%add3A_105, %dma_wait3A_129] : memref<10000x128xf32, #tpu.memory_space<vmem_shared>> -> memref<128x128xf32, #tpu.memory_space<vmem_shared>>
      tpu.wait_dma2 semaphore(%run_scoped3A : memref<!tpu.dma_semaphore, #tpu.memory_space<semaphore_mem>>) src(%dma_wait3A_130 : memref<128x128xf32, #tpu.memory_space<vmem_shared>>) dst(%arg11 : memref<128x128xf32, #tpu.memory_space<vmem>>)
      tpu.yield
    }) : () -> ()
    %add3A_106 = arith.addi %multiple_of3A_88, %multiple_of3A_5 : i32
    %add3A_107 = arith.constant 384 : i32
    %add3A_108 = arith.addi %add3A_106, %add3A_107 : i32
    "tpu.region"() ({
      %run_scoped3A = tpu.sem_alloc : memref<!tpu.dma_semaphore, #tpu.memory_space<semaphore_mem>>
      %dma_start3A_123 = arith.constant 0 : i32
      %dma_start3A_124 = tpu.memref_slice %arg6[%add3A_108, %dma_start3A_123] : memref<20000x128xf32, #tpu.memory_space<hbm>> -> memref<128x128xf32, #tpu.memory_space<hbm>>
      %dma_start3A_125 = arith.constant 0 : i32
      %dma_start3A_126 = tpu.memref_slice %arg6[%add3A_108, %dma_start3A_125] : memref<20000x128xf32, #tpu.memory_space<hbm>> -> memref<128x128xf32, #tpu.memory_space<hbm>>
      tpu.enqueue_dma source(%arg11 : memref<128x128xf32, #tpu.memory_space<vmem>>) target(%dma_start3A_126 : memref<128x128xf32, #tpu.memory_space<hbm>>) target_semaphore(%run_scoped3A : memref<!tpu.dma_semaphore, #tpu.memory_space<semaphore_mem>>)
      %dma_wait3A_127 = arith.constant 0 : i32
      %dma_wait3A_128 = tpu.memref_slice %arg6[%add3A_108, %dma_wait3A_127] : memref<20000x128xf32, #tpu.memory_space<hbm>> -> memref<128x128xf32, #tpu.memory_space<hbm>>
      %dma_wait3A_129 = arith.constant 0 : i32
      %dma_wait3A_130 = tpu.memref_slice %arg6[%add3A_108, %dma_wait3A_129] : memref<20000x128xf32, #tpu.memory_space<hbm>> -> memref<128x128xf32, #tpu.memory_space<hbm>>
      tpu.wait_dma2 semaphore(%run_scoped3A : memref<!tpu.dma_semaphore, #tpu.memory_space<semaphore_mem>>) src(%arg11 : memref<128x128xf32, #tpu.memory_space<vmem>>) dst(%dma_wait3A_130 : memref<128x128xf32, #tpu.memory_space<hbm>>)
      tpu.yield
    }) : () -> ()
    %add3A_109 = arith.constant 624 : i32
    %add3A_110 = arith.addi %multiple_of3A_5, %add3A_109 : i32
    %sub3A_111 = arith.constant 112 : i32
    %sub3A_112 = arith.subi %add3A_110, %sub3A_111 : i32
    "tpu.region"() ({
      %run_scoped3A = tpu.sem_alloc : memref<!tpu.dma_semaphore, #tpu.memory_space<semaphore_mem>>
      %dma_start3A_123 = arith.constant 0 : i32
      %dma_start3A_124 = arith.constant 0 : i32
      %dma_start3A_125 = tpu.memref_slice %arg11[%dma_start3A_123, %dma_start3A_124] : memref<128x128xf32, #tpu.memory_space<vmem>> -> memref<112x128xf32, #tpu.memory_space<vmem>>
      %dma_start3A_126 = arith.constant 0 : i32
      %dma_start3A_127 = tpu.memref_slice %arg13[%sub3A_112, %dma_start3A_126] : memref<10000x128xf32, #tpu.memory_space<vmem_shared>> -> memref<112x128xf32, #tpu.memory_space<vmem_shared>>
      %dma_start3A_128 = arith.constant 0 : i32
      %dma_start3A_129 = arith.constant 0 : i32
      %dma_start3A_130 = tpu.memref_slice %arg11[%dma_start3A_128, %dma_start3A_129] : memref<128x128xf32, #tpu.memory_space<vmem>> -> memref<112x128xf32, #tpu.memory_space<vmem>>
      %dma_start3A_131 = arith.constant 0 : i32
      %dma_start3A_132 = tpu.memref_slice %arg13[%sub3A_112, %dma_start3A_131] : memref<10000x128xf32, #tpu.memory_space<vmem_shared>> -> memref<112x128xf32, #tpu.memory_space<vmem_shared>>
      tpu.enqueue_dma source(%dma_start3A_132 : memref<112x128xf32, #tpu.memory_space<vmem_shared>>) target(%dma_start3A_130 : memref<112x128xf32, #tpu.memory_space<vmem>>) target_semaphore(%run_scoped3A : memref<!tpu.dma_semaphore, #tpu.memory_space<semaphore_mem>>)
      %dma_wait3A_133 = arith.constant 0 : i32
      %dma_wait3A_134 = arith.constant 0 : i32
      %dma_wait3A_135 = tpu.memref_slice %arg11[%dma_wait3A_133, %dma_wait3A_134] : memref<128x128xf32, #tpu.memory_space<vmem>> -> memref<112x128xf32, #tpu.memory_space<vmem>>
      %dma_wait3A_136 = arith.constant 0 : i32
      %dma_wait3A_137 = tpu.memref_slice %arg13[%sub3A_112, %dma_wait3A_136] : memref<10000x128xf32, #tpu.memory_space<vmem_shared>> -> memref<112x128xf32, #tpu.memory_space<vmem_shared>>
      %dma_wait3A_138 = arith.constant 0 : i32
      %dma_wait3A_139 = arith.constant 0 : i32
      %dma_wait3A_140 = tpu.memref_slice %arg11[%dma_wait3A_138, %dma_wait3A_139] : memref<128x128xf32, #tpu.memory_space<vmem>> -> memref<112x128xf32, #tpu.memory_space<vmem>>
      %dma_wait3A_141 = arith.constant 0 : i32
      %dma_wait3A_142 = tpu.memref_slice %arg13[%sub3A_112, %dma_wait3A_141] : memref<10000x128xf32, #tpu.memory_space<vmem_shared>> -> memref<112x128xf32, #tpu.memory_space<vmem_shared>>
      tpu.wait_dma2 semaphore(%run_scoped3A : memref<!tpu.dma_semaphore, #tpu.memory_space<semaphore_mem>>) src(%dma_wait3A_142 : memref<112x128xf32, #tpu.memory_space<vmem_shared>>) dst(%dma_wait3A_140 : memref<112x128xf32, #tpu.memory_space<vmem>>)
      tpu.yield
    }) : () -> ()
    %add3A_113 = arith.addi %multiple_of3A_88, %multiple_of3A_5 : i32
    %add3A_114 = arith.constant 624 : i32
    %add3A_115 = arith.addi %add3A_113, %add3A_114 : i32
    %sub3A_116 = arith.constant 112 : i32
    %sub3A_117 = arith.subi %add3A_115, %sub3A_116 : i32
    "tpu.region"() ({
      %run_scoped3A = tpu.sem_alloc : memref<!tpu.dma_semaphore, #tpu.memory_space<semaphore_mem>>
      %dma_start3A_123 = arith.constant 0 : i32
      %dma_start3A_124 = arith.constant 0 : i32
      %dma_start3A_125 = tpu.memref_slice %arg11[%dma_start3A_123, %dma_start3A_124] : memref<128x128xf32, #tpu.memory_space<vmem>> -> memref<112x128xf32, #tpu.memory_space<vmem>>
      %dma_start3A_126 = arith.constant 0 : i32
      %dma_start3A_127 = tpu.memref_slice %arg6[%sub3A_117, %dma_start3A_126] : memref<20000x128xf32, #tpu.memory_space<hbm>> -> memref<112x128xf32, #tpu.memory_space<hbm>>
      %dma_start3A_128 = arith.constant 0 : i32
      %dma_start3A_129 = tpu.memref_slice %arg6[%sub3A_117, %dma_start3A_128] : memref<20000x128xf32, #tpu.memory_space<hbm>> -> memref<112x128xf32, #tpu.memory_space<hbm>>
      %dma_start3A_130 = arith.constant 0 : i32
      %dma_start3A_131 = arith.constant 0 : i32
      %dma_start3A_132 = tpu.memref_slice %arg11[%dma_start3A_130, %dma_start3A_131] : memref<128x128xf32, #tpu.memory_space<vmem>> -> memref<112x128xf32, #tpu.memory_space<vmem>>
      tpu.enqueue_dma source(%dma_start3A_132 : memref<112x128xf32, #tpu.memory_space<vmem>>) target(%dma_start3A_129 : memref<112x128xf32, #tpu.memory_space<hbm>>) target_semaphore(%run_scoped3A : memref<!tpu.dma_semaphore, #tpu.memory_space<semaphore_mem>>)
      %dma_wait3A_133 = arith.constant 0 : i32
      %dma_wait3A_134 = arith.constant 0 : i32
      %dma_wait3A_135 = tpu.memref_slice %arg11[%dma_wait3A_133, %dma_wait3A_134] : memref<128x128xf32, #tpu.memory_space<vmem>> -> memref<112x128xf32, #tpu.memory_space<vmem>>
      %dma_wait3A_136 = arith.constant 0 : i32
      %dma_wait3A_137 = tpu.memref_slice %arg6[%sub3A_117, %dma_wait3A_136] : memref<20000x128xf32, #tpu.memory_space<hbm>> -> memref<112x128xf32, #tpu.memory_space<hbm>>
      %dma_wait3A_138 = arith.constant 0 : i32
      %dma_wait3A_139 = tpu.memref_slice %arg6[%sub3A_117, %dma_wait3A_138] : memref<20000x128xf32, #tpu.memory_space<hbm>> -> memref<112x128xf32, #tpu.memory_space<hbm>>
      %dma_wait3A_140 = arith.constant 0 : i32
      %dma_wait3A_141 = arith.constant 0 : i32
      %dma_wait3A_142 = tpu.memref_slice %arg11[%dma_wait3A_140, %dma_wait3A_141] : memref<128x128xf32, #tpu.memory_space<vmem>> -> memref<112x128xf32, #tpu.memory_space<vmem>>
      tpu.wait_dma2 semaphore(%run_scoped3A : memref<!tpu.dma_semaphore, #tpu.memory_space<semaphore_mem>>) src(%dma_wait3A_142 : memref<112x128xf32, #tpu.memory_space<vmem>>) dst(%dma_wait3A_139 : memref<112x128xf32, #tpu.memory_space<hbm>>)
      tpu.yield
    }) : () -> ()
    %eq3A_118 = arith.constant 15 : i32
    %eq3A_119 = arith.cmpi eq, %arg1, %eq3A_118 : i32
    %convert_element_type3A_120 = arith.extui %eq3A_119 : i1 to i32
    %cond3A_121 = arith.constant 0 : i32
    %cond3A_122 = arith.cmpi ne, %convert_element_type3A_120, %cond3A_121 : i32
    scf.if %cond3A_122 {
      "tpu.region"() ({
        %run_scoped3A = tpu.sem_alloc : memref<!tpu.dma_semaphore, #tpu.memory_space<semaphore_mem>>
        %dma_start3A_127 = arith.constant 0 : i32
        %dma_start3A_128 = arith.constant 0 : i32
        %dma_start3A_129 = tpu.memref_slice %arg12[%dma_start3A_127, %dma_start3A_128] : memref<128x128xf32, #tpu.memory_space<vmem>> -> memref<16x128xf32, #tpu.memory_space<vmem>>
        %dma_start3A_130 = arith.constant 9984 : i32
        %dma_start3A_131 = arith.constant 0 : i32
        %dma_start3A_132 = tpu.memref_slice %arg13[%dma_start3A_130, %dma_start3A_131] : memref<10000x128xf32, #tpu.memory_space<vmem_shared>> -> memref<16x128xf32, #tpu.memory_space<vmem_shared>>
        %dma_start3A_133 = arith.constant 0 : i32
        %dma_start3A_134 = arith.constant 0 : i32
        %dma_start3A_135 = tpu.memref_slice %arg12[%dma_start3A_133, %dma_start3A_134] : memref<128x128xf32, #tpu.memory_space<vmem>> -> memref<16x128xf32, #tpu.memory_space<vmem>>
        %dma_start3A_136 = arith.constant 9984 : i32
        %dma_start3A_137 = arith.constant 0 : i32
        %dma_start3A_138 = tpu.memref_slice %arg13[%dma_start3A_136, %dma_start3A_137] : memref<10000x128xf32, #tpu.memory_space<vmem_shared>> -> memref<16x128xf32, #tpu.memory_space<vmem_shared>>
        tpu.enqueue_dma source(%dma_start3A_138 : memref<16x128xf32, #tpu.memory_space<vmem_shared>>) target(%dma_start3A_135 : memref<16x128xf32, #tpu.memory_space<vmem>>) target_semaphore(%run_scoped3A : memref<!tpu.dma_semaphore, #tpu.memory_space<semaphore_mem>>)
        %dma_wait3A_139 = arith.constant 0 : i32
        %dma_wait3A_140 = arith.constant 0 : i32
        %dma_wait3A_141 = tpu.memref_slice %arg12[%dma_wait3A_139, %dma_wait3A_140] : memref<128x128xf32, #tpu.memory_space<vmem>> -> memref<16x128xf32, #tpu.memory_space<vmem>>
        %dma_wait3A_142 = arith.constant 9984 : i32
        %dma_wait3A_143 = arith.constant 0 : i32
        %dma_wait3A_144 = tpu.memref_slice %arg13[%dma_wait3A_142, %dma_wait3A_143] : memref<10000x128xf32, #tpu.memory_space<vmem_shared>> -> memref<16x128xf32, #tpu.memory_space<vmem_shared>>
        %dma_wait3A_145 = arith.constant 0 : i32
        %dma_wait3A_146 = arith.constant 0 : i32
        %dma_wait3A_147 = tpu.memref_slice %arg12[%dma_wait3A_145, %dma_wait3A_146] : memref<128x128xf32, #tpu.memory_space<vmem>> -> memref<16x128xf32, #tpu.memory_space<vmem>>
        %dma_wait3A_148 = arith.constant 9984 : i32
        %dma_wait3A_149 = arith.constant 0 : i32
        %dma_wait3A_150 = tpu.memref_slice %arg13[%dma_wait3A_148, %dma_wait3A_149] : memref<10000x128xf32, #tpu.memory_space<vmem_shared>> -> memref<16x128xf32, #tpu.memory_space<vmem_shared>>
        tpu.wait_dma2 semaphore(%run_scoped3A : memref<!tpu.dma_semaphore, #tpu.memory_space<semaphore_mem>>) src(%dma_wait3A_150 : memref<16x128xf32, #tpu.memory_space<vmem_shared>>) dst(%dma_wait3A_147 : memref<16x128xf32, #tpu.memory_space<vmem>>)
        tpu.yield
      }) : () -> ()
      %add3A_123 = arith.constant 10000 : i32
      %add3A_124 = arith.addi %multiple_of3A_88, %add3A_123 : i32
      %sub3A_125 = arith.constant 16 : i32
      %sub3A_126 = arith.subi %add3A_124, %sub3A_125 : i32
      "tpu.region"() ({
        %run_scoped3A = tpu.sem_alloc : memref<!tpu.dma_semaphore, #tpu.memory_space<semaphore_mem>>
        %dma_start3A_127 = arith.constant 0 : i32
        %dma_start3A_128 = arith.constant 0 : i32
        %dma_start3A_129 = tpu.memref_slice %arg12[%dma_start3A_127, %dma_start3A_128] : memref<128x128xf32, #tpu.memory_space<vmem>> -> memref<16x128xf32, #tpu.memory_space<vmem>>
        %dma_start3A_130 = arith.constant 0 : i32
        %dma_start3A_131 = tpu.memref_slice %arg6[%sub3A_126, %dma_start3A_130] : memref<20000x128xf32, #tpu.memory_space<hbm>> -> memref<16x128xf32, #tpu.memory_space<hbm>>
        %dma_start3A_132 = arith.constant 0 : i32
        %dma_start3A_133 = tpu.memref_slice %arg6[%sub3A_126, %dma_start3A_132] : memref<20000x128xf32, #tpu.memory_space<hbm>> -> memref<16x128xf32, #tpu.memory_space<hbm>>
        %dma_start3A_134 = arith.constant 0 : i32
        %dma_start3A_135 = arith.constant 0 : i32
        %dma_start3A_136 = tpu.memref_slice %arg12[%dma_start3A_134, %dma_start3A_135] : memref<128x128xf32, #tpu.memory_space<vmem>> -> memref<16x128xf32, #tpu.memory_space<vmem>>
        tpu.enqueue_dma source(%dma_start3A_136 : memref<16x128xf32, #tpu.memory_space<vmem>>) target(%dma_start3A_133 : memref<16x128xf32, #tpu.memory_space<hbm>>) target_semaphore(%run_scoped3A : memref<!tpu.dma_semaphore, #tpu.memory_space<semaphore_mem>>)
        %dma_wait3A_137 = arith.constant 0 : i32
        %dma_wait3A_138 = arith.constant 0 : i32
        %dma_wait3A_139 = tpu.memref_slice %arg12[%dma_wait3A_137, %dma_wait3A_138] : memref<128x128xf32, #tpu.memory_space<vmem>> -> memref<16x128xf32, #tpu.memory_space<vmem>>
        %dma_wait3A_140 = arith.constant 0 : i32
        %dma_wait3A_141 = tpu.memref_slice %arg6[%sub3A_126, %dma_wait3A_140] : memref<20000x128xf32, #tpu.memory_space<hbm>> -> memref<16x128xf32, #tpu.memory_space<hbm>>
        %dma_wait3A_142 = arith.constant 0 : i32
        %dma_wait3A_143 = tpu.memref_slice %arg6[%sub3A_126, %dma_wait3A_142] : memref<20000x128xf32, #tpu.memory_space<hbm>> -> memref<16x128xf32, #tpu.memory_space<hbm>>
        %dma_wait3A_144 = arith.constant 0 : i32
        %dma_wait3A_145 = arith.constant 0 : i32
        %dma_wait3A_146 = tpu.memref_slice %arg12[%dma_wait3A_144, %dma_wait3A_145] : memref<128x128xf32, #tpu.memory_space<vmem>> -> memref<16x128xf32, #tpu.memory_space<vmem>>
        tpu.wait_dma2 semaphore(%run_scoped3A : memref<!tpu.dma_semaphore, #tpu.memory_space<semaphore_mem>>) src(%dma_wait3A_146 : memref<16x128xf32, #tpu.memory_space<vmem>>) dst(%dma_wait3A_143 : memref<16x128xf32, #tpu.memory_space<hbm>>)
        tpu.yield
      }) : () -> ()
    } else {
    }
    return
  }
}

module attributes {stable_mosaic.version = 14 : i64} {
  func.func @_scale_body(%arg0: i32, %arg1: memref<2x400x1xf32, #tpu.memory_space<vmem>>, %arg2: memref<400x128xf32, #tpu.memory_space<vmem>>, %arg3: memref<128x128xf32, #tpu.memory_space<vmem>>, %arg4: memref<128x64xf32, #tpu.memory_space<vmem>>, %arg5: memref<64x1xf32, #tpu.memory_space<vmem>>, %arg6: memref<400x128xf32, #tpu.memory_space<vmem>>, %arg7: memref<400x1xf32, #tpu.memory_space<vmem>>, %arg8: memref<128x1xf32, #tpu.memory_space<vmem>>) attributes {dimension_semantics = [#tpu.dimension_semantics<arbitrary>], iteration_bounds = array<i64: 25>, scalar_prefetch = 0 : i64, scratch_operands = 0 : i64, tpu.core_type = #tpu.core_type<tc>, window_params = [{transform_indices = @transform_0, window_bounds = array<i64: 2, 400, 1>}, {transform_indices = @transform_1, window_bounds = array<i64: 400, 128>}, {pipeline_mode = #tpu.pipeline_mode<synchronous>, transform_indices = @transform_2, window_bounds = array<i64: 128, 128>}, {pipeline_mode = #tpu.pipeline_mode<synchronous>, transform_indices = @transform_3, window_bounds = array<i64: 128, 64>}, {pipeline_mode = #tpu.pipeline_mode<synchronous>, transform_indices = @transform_4, window_bounds = array<i64: 64, 1>}, {transform_indices = @transform_5, window_bounds = array<i64: 400, 128>}, {transform_indices = @transform_6, window_bounds = array<i64: 400, 1>}, {pipeline_mode = #tpu.pipeline_mode<synchronous>, transform_indices = @transform_7, window_bounds = array<i64: 128, 1>}]} {
    %get3A = arith.constant 0 : index
    %get3A_0 = arith.constant 0 : index
    %get3A_1 = arith.constant 0 : index
    %get3A_2 = vector.load %arg1[%get3A, %get3A_0, %get3A_1] : memref<2x400x1xf32, #tpu.memory_space<vmem>>, vector<1x400x1xf32>
    %get3A_3 = vector.shape_cast %get3A_2 : vector<1x400x1xf32> to vector<400x1xf32>
    %get3A_4 = arith.constant 1 : index
    %get3A_5 = arith.constant 0 : index
    %get3A_6 = arith.constant 0 : index
    %get3A_7 = vector.load %arg1[%get3A_4, %get3A_5, %get3A_6] : memref<2x400x1xf32, #tpu.memory_space<vmem>>, vector<1x400x1xf32>
    %get3A_8 = vector.shape_cast %get3A_7 : vector<1x400x1xf32> to vector<400x1xf32>
    %add3A = arith.addf %get3A_3, %get3A_8 : vector<400x1xf32>
    %add3A_9 = arith.constant 1.000000e+00 : f32
    %add3A_10 = vector.broadcast %add3A_9 : f32 to vector<400x1xf32>
    %add3A_11 = arith.addf %add3A, %add3A_10 : vector<400x1xf32>
    %rsqrt3A = math.rsqrt %add3A_11 : vector<400x1xf32>
    %swap3A = arith.constant 0 : index
    %swap3A_12 = arith.constant 0 : index
    %swap3A_13 = vector.load %arg7[%swap3A, %swap3A_12] : memref<400x1xf32, #tpu.memory_space<vmem>>, vector<400x1xf32>
    tpu.vector_store %arg7[%swap3A, %swap3A_12], %rsqrt3A {strides = array<i32>} : memref<400x1xf32, #tpu.memory_space<vmem>>, vector<400x1xf32>,
    %get3A_14 = arith.constant 0 : index
    %get3A_15 = arith.constant 0 : index
    %get3A_16 = vector.load %arg2[%get3A_14, %get3A_15] : memref<400x128xf32, #tpu.memory_space<vmem>>, vector<400x128xf32>
    %get3A_17 = arith.constant 0 : index
    %get3A_18 = arith.constant 0 : index
    %get3A_19 = vector.load %arg3[%get3A_17, %get3A_18] : memref<128x128xf32, #tpu.memory_space<vmem>>, vector<128x128xf32>
    %dot_general3A = arith.constant dense<0.000000e+00> : vector<400x128xf32>
    %dot_general3A_20 = tpu.matmul %get3A_16, %get3A_19, %dot_general3A {dimension_numbers = #tpu.dot_dimension_numbers<[1], [0], [0], [1], [0, 0, 1, 1], [], []>, transpose_lhs_hint = false} : vector<400x128xf32>, vector<128x128xf32>, vector<400x128xf32> -> vector<400x128xf32>
    %mul3A = vector.broadcast %rsqrt3A : vector<400x1xf32> to vector<400x128xf32>
    %mul3A_21 = arith.mulf %mul3A, %dot_general3A_20 : vector<400x128xf32>
    %swap3A_22 = arith.constant 0 : index
    %swap3A_23 = arith.constant 0 : index
    %swap3A_24 = vector.load %arg6[%swap3A_22, %swap3A_23] : memref<400x128xf32, #tpu.memory_space<vmem>>, vector<400x128xf32>
    tpu.vector_store %arg6[%swap3A_22, %swap3A_23], %mul3A_21 {strides = array<i32>} : memref<400x128xf32, #tpu.memory_space<vmem>>, vector<400x128xf32>,
    %get3A_25 = arith.constant 0 : index
    %get3A_26 = arith.constant 0 : index
    %get3A_27 = vector.load %arg4[%get3A_25, %get3A_26] : memref<128x64xf32, #tpu.memory_space<vmem>>, vector<128x64xf32>
    %get3A_28 = arith.constant 0 : index
    %get3A_29 = arith.constant 0 : index
    %get3A_30 = vector.load %arg5[%get3A_28, %get3A_29] : memref<64x1xf32, #tpu.memory_space<vmem>>, vector<64x1xf32>
    %dot_general3A_31 = arith.constant dense<0.000000e+00> : vector<128x1xf32>
    %dot_general3A_32 = tpu.matmul %get3A_27, %get3A_30, %dot_general3A_31 {dimension_numbers = #tpu.dot_dimension_numbers<[1], [0], [0], [1], [0, 0, 1, 1], [], []>, transpose_lhs_hint = false} : vector<128x64xf32>, vector<64x1xf32>, vector<128x1xf32> -> vector<128x1xf32>
    %swap3A_33 = arith.constant 0 : index
    %swap3A_34 = arith.constant 0 : index
    %swap3A_35 = vector.load %arg8[%swap3A_33, %swap3A_34] : memref<128x1xf32, #tpu.memory_space<vmem>>, vector<128x1xf32>
    tpu.vector_store %arg8[%swap3A_33, %swap3A_34], %dot_general3A_32 {strides = array<i32>} : memref<128x1xf32, #tpu.memory_space<vmem>>, vector<128x1xf32>,
    return
  }
  func.func @transform_0(%arg0: i32) -> (i32, i32, i32) {
    %c0_i32 = arith.constant 0 : i32
    %c0_i32_0 = arith.constant 0 : i32
    %c0_i32_1 = arith.constant 0 : i32
    return %c0_i32, %arg0, %c0_i32_0 : i32, i32, i32
  }
  func.func @transform_1(%arg0: i32) -> (i32, i32) {
    %c0_i32 = arith.constant 0 : i32
    %c0_i32_0 = arith.constant 0 : i32
    return %arg0, %c0_i32 : i32, i32
  }
  func.func @transform_2(%arg0: i32) -> (i32, i32) {
    %c0_i32 = arith.constant 0 : i32
    %c0_i32_0 = arith.constant 0 : i32
    %c0_i32_1 = arith.constant 0 : i32
    return %c0_i32, %c0_i32_0 : i32, i32
  }
  func.func @transform_3(%arg0: i32) -> (i32, i32) {
    %c0_i32 = arith.constant 0 : i32
    %c0_i32_0 = arith.constant 0 : i32
    %c0_i32_1 = arith.constant 0 : i32
    return %c0_i32, %c0_i32_0 : i32, i32
  }
  func.func @transform_4(%arg0: i32) -> (i32, i32) {
    %c0_i32 = arith.constant 0 : i32
    %c0_i32_0 = arith.constant 0 : i32
    %c0_i32_1 = arith.constant 0 : i32
    return %c0_i32, %c0_i32_0 : i32, i32
  }
  func.func @transform_5(%arg0: i32) -> (i32, i32) {
    %c0_i32 = arith.constant 0 : i32
    %c0_i32_0 = arith.constant 0 : i32
    return %arg0, %c0_i32 : i32, i32
  }
  func.func @transform_6(%arg0: i32) -> (i32, i32) {
    %c0_i32 = arith.constant 0 : i32
    %c0_i32_0 = arith.constant 0 : i32
    return %arg0, %c0_i32 : i32, i32
  }
  func.func @transform_7(%arg0: i32) -> (i32, i32) {
    %c0_i32 = arith.constant 0 : i32
    %c0_i32_0 = arith.constant 0 : i32
    %c0_i32_1 = arith.constant 0 : i32
    return %c0_i32, %c0_i32_0 : i32, i32
  }
}

module attributes {stable_mosaic.version = 14 : i64} {
  func.func @_mid_body(%arg0: i32, %arg1: memref<2x400x128xf32, #tpu.memory_space<vmem>>, %arg2: memref<400x128xf32, #tpu.memory_space<vmem>>, %arg3: memref<400x1xf32, #tpu.memory_space<vmem>>, %arg4: memref<1x128xf32, #tpu.memory_space<vmem>>, %arg5: memref<128x1xf32, #tpu.memory_space<vmem>>, %arg6: memref<1x64xf32, #tpu.memory_space<vmem>>, %arg7: memref<64x1xf32, #tpu.memory_space<vmem>>, %arg8: memref<1x1xf32, #tpu.memory_space<vmem>>, %arg9: memref<400x1xf32, #tpu.memory_space<vmem>>, %arg10: memref<400x1xf32, #tpu.memory_space<vmem>>) attributes {dimension_semantics = [#tpu.dimension_semantics<arbitrary>], iteration_bounds = array<i64: 25>, scalar_prefetch = 0 : i64, scratch_operands = 0 : i64, tpu.core_type = #tpu.core_type<tc>, window_params = [{transform_indices = @transform_0, window_bounds = array<i64: 2, 400, 128>}, {transform_indices = @transform_1, window_bounds = array<i64: 400, 128>}, {transform_indices = @transform_2, window_bounds = array<i64: 400, 1>}, {pipeline_mode = #tpu.pipeline_mode<synchronous>, transform_indices = @transform_3, window_bounds = array<i64: 1, 128>}, {pipeline_mode = #tpu.pipeline_mode<synchronous>, transform_indices = @transform_4, window_bounds = array<i64: 128, 1>}, {pipeline_mode = #tpu.pipeline_mode<synchronous>, transform_indices = @transform_5, window_bounds = array<i64: 1, 64>}, {pipeline_mode = #tpu.pipeline_mode<synchronous>, transform_indices = @transform_6, window_bounds = array<i64: 64, 1>}, {pipeline_mode = #tpu.pipeline_mode<synchronous>, transform_indices = @transform_7, window_bounds = array<i64: 1, 1>}, {transform_indices = @transform_8, window_bounds = array<i64: 400, 1>}, {transform_indices = @transform_9, window_bounds = array<i64: 400, 1>}]} {
    %get3A = arith.constant 0 : index
    %get3A_0 = arith.constant 0 : index
    %get3A_1 = vector.load %arg3[%get3A, %get3A_0] : memref<400x1xf32, #tpu.memory_space<vmem>>, vector<400x1xf32>
    %get3A_2 = arith.constant 0 : index
    %get3A_3 = arith.constant 0 : index
    %get3A_4 = arith.constant 0 : index
    %get3A_5 = vector.load %arg1[%get3A_2, %get3A_3, %get3A_4] : memref<2x400x128xf32, #tpu.memory_space<vmem>>, vector<1x400x128xf32>
    %get3A_6 = vector.shape_cast %get3A_5 : vector<1x400x128xf32> to vector<400x128xf32>
    %get3A_7 = arith.constant 1 : index
    %get3A_8 = arith.constant 0 : index
    %get3A_9 = arith.constant 0 : index
    %get3A_10 = vector.load %arg1[%get3A_7, %get3A_8, %get3A_9] : memref<2x400x128xf32, #tpu.memory_space<vmem>>, vector<1x400x128xf32>
    %get3A_11 = vector.shape_cast %get3A_10 : vector<1x400x128xf32> to vector<400x128xf32>
    %add3A = arith.addf %get3A_6, %get3A_11 : vector<400x128xf32>
    %get3A_12 = arith.constant 0 : index
    %get3A_13 = arith.constant 0 : index
    %get3A_14 = vector.load %arg2[%get3A_12, %get3A_13] : memref<400x128xf32, #tpu.memory_space<vmem>>, vector<400x128xf32>
    %add3A_15 = arith.addf %add3A, %get3A_14 : vector<400x128xf32>
    %mul3A = vector.broadcast %get3A_1 : vector<400x1xf32> to vector<400x128xf32>
    %mul3A_16 = arith.mulf %mul3A, %add3A_15 : vector<400x128xf32>
    %get3A_17 = arith.constant 0 : index
    %get3A_18 = arith.constant 0 : index
    %get3A_19 = vector.load %arg4[%get3A_17, %get3A_18] : memref<1x128xf32, #tpu.memory_space<vmem>>, vector<1x128xf32>
    %add3A_20 = vector.broadcast %get3A_19 : vector<1x128xf32> to vector<400x128xf32>
    %add3A_21 = arith.addf %mul3A_16, %add3A_20 : vector<400x128xf32>
    %max3A = arith.constant 0.000000e+00 : f32
    %max3A_22 = vector.broadcast %max3A : f32 to vector<400x128xf32>
    %max3A_23 = arith.maximumf %add3A_21, %max3A_22 : vector<400x128xf32>
    %get3A_24 = arith.constant 0 : index
    %get3A_25 = arith.constant 0 : index
    %get3A_26 = vector.load %arg5[%get3A_24, %get3A_25] : memref<128x1xf32, #tpu.memory_space<vmem>>, vector<128x1xf32>
    %dot_general3A = arith.constant dense<0.000000e+00> : vector<400x1xf32>
    %dot_general3A_27 = tpu.matmul %max3A_23, %get3A_26, %dot_general3A {dimension_numbers = #tpu.dot_dimension_numbers<[1], [0], [0], [1], [0, 0, 1, 1], [], []>, transpose_lhs_hint = false} : vector<400x128xf32>, vector<128x1xf32>, vector<400x1xf32> -> vector<400x1xf32>
    %mul3A_28 = arith.mulf %get3A_1, %dot_general3A_27 : vector<400x1xf32>
    %swap3A = arith.constant 0 : index
    %swap3A_29 = arith.constant 0 : index
    %swap3A_30 = vector.load %arg9[%swap3A, %swap3A_29] : memref<400x1xf32, #tpu.memory_space<vmem>>, vector<400x1xf32>
    tpu.vector_store %arg9[%swap3A, %swap3A_29], %mul3A_28 {strides = array<i32>} : memref<400x1xf32, #tpu.memory_space<vmem>>, vector<400x1xf32>,
    %get3A_31 = arith.constant 0 : index
    %get3A_32 = arith.constant 0 : index
    %get3A_33 = vector.load %arg6[%get3A_31, %get3A_32] : memref<1x64xf32, #tpu.memory_space<vmem>>, vector<1x64xf32>
    %get3A_34 = arith.constant 0 : index
    %get3A_35 = arith.constant 0 : index
    %get3A_36 = vector.load %arg7[%get3A_34, %get3A_35] : memref<64x1xf32, #tpu.memory_space<vmem>>, vector<64x1xf32>
    %dot_general3A_37 = arith.constant dense<0.000000e+00> : vector<1x1xf32>
    %dot_general3A_38 = tpu.matmul %get3A_33, %get3A_36, %dot_general3A_37 {dimension_numbers = #tpu.dot_dimension_numbers<[1], [0], [0], [1], [0, 0, 1, 1], [], []>, transpose_lhs_hint = false} : vector<1x64xf32>, vector<64x1xf32>, vector<1x1xf32> -> vector<1x1xf32>
    %get3A_39 = arith.constant 0 : index
    %get3A_40 = arith.constant 0 : index
    %get3A_41 = vector.load %arg8[%get3A_39, %get3A_40] : memref<1x1xf32, #tpu.memory_space<vmem>>, vector<1x1xf32>
    %add3A_42 = arith.addf %dot_general3A_38, %get3A_41 : vector<1x1xf32>
    %mul3A_43 = arith.mulf %get3A_1, %mul3A_28 : vector<400x1xf32>
    %add3A_44 = vector.broadcast %add3A_42 : vector<1x1xf32> to vector<400x1xf32>
    %add3A_45 = arith.addf %mul3A_43, %add3A_44 : vector<400x1xf32>
    %swap3A_46 = arith.constant 0 : index
    %swap3A_47 = arith.constant 0 : index
    %swap3A_48 = vector.load %arg10[%swap3A_46, %swap3A_47] : memref<400x1xf32, #tpu.memory_space<vmem>>, vector<400x1xf32>
    tpu.vector_store %arg10[%swap3A_46, %swap3A_47], %add3A_45 {strides = array<i32>} : memref<400x1xf32, #tpu.memory_space<vmem>>, vector<400x1xf32>,
    return
  }
  func.func @transform_0(%arg0: i32) -> (i32, i32, i32) {
    %c0_i32 = arith.constant 0 : i32
    %c0_i32_0 = arith.constant 0 : i32
    %c0_i32_1 = arith.constant 0 : i32
    return %c0_i32, %arg0, %c0_i32_0 : i32, i32, i32
  }
  func.func @transform_1(%arg0: i32) -> (i32, i32) {
    %c0_i32 = arith.constant 0 : i32
    %c0_i32_0 = arith.constant 0 : i32
    return %arg0, %c0_i32 : i32, i32
  }
  func.func @transform_2(%arg0: i32) -> (i32, i32) {
    %c0_i32 = arith.constant 0 : i32
    %c0_i32_0 = arith.constant 0 : i32
    return %arg0, %c0_i32 : i32, i32
  }
  func.func @transform_3(%arg0: i32) -> (i32, i32) {
    %c0_i32 = arith.constant 0 : i32
    %c0_i32_0 = arith.constant 0 : i32
    %c0_i32_1 = arith.constant 0 : i32
    return %c0_i32, %c0_i32_0 : i32, i32
  }
  func.func @transform_4(%arg0: i32) -> (i32, i32) {
    %c0_i32 = arith.constant 0 : i32
    %c0_i32_0 = arith.constant 0 : i32
    %c0_i32_1 = arith.constant 0 : i32
    return %c0_i32, %c0_i32_0 : i32, i32
  }
  func.func @transform_5(%arg0: i32) -> (i32, i32) {
    %c0_i32 = arith.constant 0 : i32
    %c0_i32_0 = arith.constant 0 : i32
    %c0_i32_1 = arith.constant 0 : i32
    return %c0_i32, %c0_i32_0 : i32, i32
  }
  func.func @transform_6(%arg0: i32) -> (i32, i32) {
    %c0_i32 = arith.constant 0 : i32
    %c0_i32_0 = arith.constant 0 : i32
    %c0_i32_1 = arith.constant 0 : i32
    return %c0_i32, %c0_i32_0 : i32, i32
  }
  func.func @transform_7(%arg0: i32) -> (i32, i32) {
    %c0_i32 = arith.constant 0 : i32
    %c0_i32_0 = arith.constant 0 : i32
    %c0_i32_1 = arith.constant 0 : i32
    return %c0_i32, %c0_i32_0 : i32, i32
  }
  func.func @transform_8(%arg0: i32) -> (i32, i32) {
    %c0_i32 = arith.constant 0 : i32
    %c0_i32_0 = arith.constant 0 : i32
    return %arg0, %c0_i32 : i32, i32
  }
  func.func @transform_9(%arg0: i32) -> (i32, i32) {
    %c0_i32 = arith.constant 0 : i32
    %c0_i32_0 = arith.constant 0 : i32
    return %arg0, %c0_i32 : i32, i32
  }
}

</mosaic_0001>

<sc_bundles>
// kernel: kernel.10.cloned.1.call-start
scs
__scs_entry_jumppad:
0x0: {  	(pc) =	sbr.rel $0x88, $3  }
0x1: {  	(tag) =	ssettag $0x0;
	lr =	simm.s32 $0x1  }
0x2: {  	[smem:$0x3F99] =	sst lr;
	_ =	strace $0xD0000000  }
0x3: {  	_ = 	snop  }
0x4: {  	_ = 	snop  }
0x5: {  	_ = 	snop  }
0x6: {  	_ = 	snop  }
0x7: {  	_ = 	snop  }
__scs_overlays_trampoline_lowered:
0x8: {  	[smem:$0x3FA8] =	sst s0  }
0x9: {  	[smem:$0x3FA9] =	sst s1  }
0xa: {  	[smem:$0x3FAA] =	sst s2  }
0xb: {  	[smem:$0x3FAB] =	sst s3  }
0xc: {  	[smem:$0x3FAC] =	sst s4  }
0xd: {  	[smem:$0x3FAD] =	sst s5  }
0xe: {  	[smem:$0x3FAE] =	sst s6  }
0xf: {  	[smem:$0x3FAF] =	sst s7  }
0x10: {  	[smem:$0x3FB0] =	sst s8  }
0x11: {  	[smem:$0x3FB1] =	sst s9;
	s0 =	simm.s32 @!p0 $0x0  }
0x12: {  	s1 =	sld [smem:$0x3F97];
	s0 =	simm.s32 @p0 $0x1  }
0x13: {  	[smem:$0x3FB2] =	sst s0;
	s0 =	simm.s32 @!p1 $0x0  }
0x14: {  	s2 =	sld [smem:$0x3F96];
	s0 =	simm.s32 @p1 $0x1  }
0x15: {  	[smem:$0x3FB3] =	sst s0;
	s0 =	simm.s32 @!p2 $0x0  }
0x16: {  	s3 =	sld [smem:$0x3FDB];
	s0 =	simm.s32 @p2 $0x1  }
0x17: {  	s4 =	simm.s32 $0x1BF5;
	[smem:$0x3FB5] =	sst s0  }
0x18: {  	s0 =	sld [smem:$0x3F98];
	_ =	swait.ge [sflag:s4], $0x0  }
0x19: {  	s7 =	sld [smem:$0x3F99]  }
0x1a: {  	s8 =	sadd.s32 $0xFFFFE003, lr  }
0x1b: {  	s9 =	sadd.s32 $0xFFFFFEF7, lr;
	s5 =	simm.s32 $0xFFFFFFFF;
	p2 =	slt.u32 s8, $0xFFFFF086  }
0x1c: {  	p1 =	slt.u32 s9, $0xF7A;
	s5 =	simm.s32 @!p2 $0x0  }
0x1d: {  	s5 =	simm.s32 @p1 $0x1;
	p0 =	seq.s32 s7, s2  }
0x1e: {  	s7 =	smul.u32 @!p0 $0xF7A, s2;
	p2 =	seq.s32 @!p0 s5, $0x0  }
0x1f: {  	s9 =	smul.u32 $0xF7A, s1;
	s8 =	simm.s32 @!p0 $0x1BF5;
	p2 =	por !p2, p0  }
0x20: {  	[sflag:s8] =	ssyncset.s32 @!p0 $0xFFFFF086;
	s6 =	sadd.s32 @!p0 s3, s7;
	s7 =	simm.s32 @!p0 $0x108  }
0x21: {  	s3 =	sadd.s32 s3, s9;
	s6 =	sadd.s32 @!p0 $0x88, s6;
	s7 =	simm.s32 @p2 $0x1082  }
0x22: {  	[simem:s7], [sflag:s8] =	dma.local @!p0 [hbm:s6], $0xF7A  }
0x23: {  	s9 =	sor.u32 $0xD0000000, s2;
	s6 =	simm.s32 $0x108;
	_ =	swait.ge @!p0 [sflag:s8], $0x0  }
0x24: {  	s3 =	sadd.s32 $0x88, s3;
	s6 =	simm.s32 @!p1 $0x1082;
	[sflag:s4] =	ssyncset.s32 $0xFFFFF086  }
0x25: {  	[simem:s6], [sflag:s4] =	dma.local [hbm:s3], $0xF7A  }
0x26: {  	[smem:$0x3F99] =	sst s1;
	(tag) =	ssettag s2;
	_ =	strace s9  }
0x27: {  	s1 =	sld [smem:$0x3FA9]  }
0x28: {  	s2 =	sld [smem:$0x3FAA]  }
0x29: {  	s4 =	sld [smem:$0x3FAC]  }
0x2a: {  	p0 =	seq.s32 s5, $0x0;
	s5 =	sld [smem:$0x3FAD]  }
0x2b: {  	s6 =	sld [smem:$0x3FAE]  }
0x2c: {  	s7 =	sld [smem:$0x3FAF]  }
0x2d: {  	s3 =	simm.s32 $0x108;
	s8 =	sld [smem:$0x3FB0]  }
0x2e: {  	s3 =	simm.s32 @!p0 $0x1082;
	s9 =	sld [smem:$0x3FB1]  }
0x2f: {  	lr =	sadd.s32 s0, s3;
	s0 =	sld [smem:$0x3FA8]  }
0x30: {  	s3 =	sld [smem:$0x3FAB]  }
0x31: {  	[smem:$0x3FB4] =	sst s10  }
0x32: {  	s10 =	sld [smem:$0x3FB2];
	_ =	sdelay $0x3  }
0x33: {  	p0 =	seq.s32 s10, $0x1;
	s10 =	sld [smem:$0x3FB4];
	_ =	sdelay $0x3  }
0x34: {  	[smem:$0x3FB4] =	sst s10  }
0x35: {  	s10 =	sld [smem:$0x3FB3];
	_ =	sdelay $0x3  }
0x36: {  	p1 =	seq.s32 s10, $0x1;
	s10 =	sld [smem:$0x3FB4];
	_ =	sdelay $0x3  }
0x37: {  	[smem:$0x3FB4] =	sst s10  }
0x38: {  	s10 =	sld [smem:$0x3FB5]  }
0x39: {  	_ = 	snop;
	(pc) =	sbr.ind lr, $3  }
0x3a: {  	_ = 	snop  }
0x3b: {  	_ = 	snop  }
0x3c: {  	p2 =	seq.s32 s10, $0x1;
	s10 =	sld [smem:$0x3FB4]  }
0x3d: {  	_ =	shalt  }
0x3e: {  	_ =	shalt  }
0x3f: {  	_ =	shalt  }
0x40: {  	_ =	shalt  }
0x41: {  	_ =	shalt  }
0x42: {  	_ =	shalt  }
0x43: {  	_ =	shalt  }
0x44: {  	_ =	shalt  }
0x45: {  	_ =	shalt  }
0x46: {  	_ =	shalt  }
0x47: {  	_ =	shalt  }
0x48: {  	_ =	shalt  }
0x49: {  	_ =	shalt  }
0x4a: {  	_ =	shalt  }
0x4b: {  	_ =	shalt  }
0x4c: {  	_ =	shalt  }
0x4d: {  	_ =	shalt  }
0x4e: {  	_ =	shalt  }
0x4f: {  	_ =	shalt  }
0x50: {  	_ =	shalt  }
0x51: {  	_ =	shalt  }
0x52: {  	_ =	shalt  }
0x53: {  	_ =	shalt  }
0x54: {  	_ =	shalt  }
0x55: {  	_ =	shalt  }
0x56: {  	_ =	shalt  }
0x57: {  	_ =	shalt  }
0x58: {  	_ =	shalt  }
0x59: {  	_ =	shalt  }
0x5a: {  	_ =	shalt  }
0x5b: {  	_ =	shalt  }
0x5c: {  	_ =	shalt  }
0x5d: {  	_ =	shalt  }
0x5e: {  	_ =	shalt  }
0x5f: {  	_ =	shalt  }
0x60: {  	_ =	shalt  }
0x61: {  	_ =	shalt  }
0x62: {  	_ =	shalt  }
0x63: {  	_ =	shalt  }
0x64: {  	_ =	shalt  }
0x65: {  	_ =	shalt  }
0x66: {  	_ =	shalt  }
0x67: {  	_ =	shalt  }
0x68: {  	_ =	shalt  }
0x69: {  	_ =	shalt  }
0x6a: {  	_ =	shalt  }
0x6b: {  	_ =	shalt  }
0x6c: {  	_ =	shalt  }
0x6d: {  	_ =	shalt  }
0x6e: {  	_ =	shalt  }
0x6f: {  	_ =	shalt  }
0x70: {  	_ =	shalt  }
0x71: {  	_ =	shalt  }
0x72: {  	_ =	shalt  }
0x73: {  	_ =	shalt  }
0x74: {  	_ =	shalt  }
0x75: {  	_ =	shalt  }
0x76: {  	_ =	shalt  }
0x77: {  	_ =	shalt  }
0x78: {  	_ =	shalt  }
0x79: {  	_ =	shalt  }
0x7a: {  	_ =	shalt  }
0x7b: {  	_ =	shalt  }
0x7c: {  	_ =	shalt  }
0x7d: {  	_ =	shalt  }
0x7e: {  	_ =	shalt  }
0x7f: {  	_ =	shalt  }
0x80: {  	_ =	shalt  }
0x81: {  	_ =	shalt  }
0x82: {  	_ =	shalt  }
0x83: {  	_ =	shalt  }
0x84: {  	_ =	shalt  }
0x85: {  	_ =	shalt  }
0x86: {  	_ =	shalt  }
0x87: {  	_ =	shalt  }
.Lfunc_end0:
.L_simem_size_0:
called_computation.1_lowered:
.L_overlay_start_0:
0x88: {  	s2 =	sld [smem:$0x3FD9]  }
0x89: {  	s3 =	sld [smem:$0x3FFE];
	_ =	sdelay $0x1  }
0x8a: {  	s1 =	srdreg.scid  }
0x8b: {  	s0 =	sand.u32 $0x1, s1  }
0x8c: {  	s16 =	sshll.u32 s0, $0xA;
	s2 =	sadd.s32 s3, s2  }
0x8d: {  	s2 =	sadd.s32 s2, s16  }
0x8e: {  	[smem:$0x3FC0] =	sst s2  }
0x8f: {  	_ = 	snop  }
0x90: {  	(tm) =	ssettm $0x1  }
0x91: {  	s17 =	sld [smem:$0x3FFB];
	_ =	sdelay $0x3  }
0x92: {  	_ =	strace s17  }
0x93: {  	s2 =	sld [smem:$0x3FFC];
	_ =	sdelay $0x3  }
0x94: {  	_ =	strace s2  }
0x95: {  	s2 =	sld [smem:$0x3FFD];
	_ =	sdelay $0x3  }
0x96: {  	_ =	strace s2  }
0x97: {  	_ =	strace $0x8FFFFFFF  }
0x98: {  	s18 =	sld [smem:$0x3FDB];
	_ =	sdelay $0x1  }
0x99: {  	s19 =	simm.s32 $_scs_section_size  }
0x9a: {  	s4 =	simm.s32 $_size__tile_overlayer_lowered;
	s5 =	simm.s32 $_tile_overlayer_lowered  }
0x9b: {  	s22 =	simm.s32 $0x1BFF;
	s21 =	sshll.u32 s5, $0x1;
	s2 =	sadd.s32 s19, s18  }
0x9c: {  	s6 =	simm.s32 $0x0;
	s20 =	sshll.u32 s4, $0x1;
	s4 =	sadd.s32 s21, s2  }
0x9d: {  	[timem:s6], [sflag:s22] =	dma.local [hbm:s4], s20  }
0x9e: {  	_ =	swait.ge [sflag:s22], s20  }
0x9f: {  	s3 =	ssub.s32 $0x0, s20;
	[sflag:s22] =	ssyncset.done $0x0  }
0xa0: {  	[sflag:s22] =	ssyncadd.s32 s3;
	_ =	sdelay $0x1  }
0xa1: {  	s23 =	simm.s32 $0x1B8B  }
0xa2: {  	_ =	swait.ge [sflag:s23], $0x1  }
0xa3: {  	[sflag:s23] =	ssyncset.done $0x0  }
0xa4: {  	s25 =	simm.s32 $0x1B8E;
	s24 =	sld [smem:$0x3FFE];
	[sflag:s23] =	ssyncadd.s32 $0xFFFFFFFF  }
0xa5: {  	s26 =	simm.s32 $execute0_lowered;
	[smem:$0x3FD2] =	sst s25  }
0xa6: {  	s4 =	sshll.u32 s26, $0x1;
	_ =	strace $0x80000049;
	[dreg:$0x1] =	wrdreg $0xFFFFFFFF  }
0xa7: {  	s28 =	simm.s32 $_size_execute0_lowered;
	s2 =	sadd.s32 s2, s4;
	[dreg:$0x0] =	wrdreg $0x0  }
0xa8: {  	s4 =	sshll.u32 s28, $0x1;
	[dreg:$0x2] =	wrdreg s2  }
0xa9: {  	[dreg:$0x3] =	wrdreg s4  }
0xaa: {  	[dreg:$0x4] =	wrdreg $0xC0  }
0xab: {  	_ =	task [dreg:s6], $0x5FFFF  }
0xac: {  	[dreg:$0x1] =	wrdreg $0xFFFFFFFF  }
0xad: {  	[dreg:$0x0] =	wrdreg $0x60  }
0xae: {  	[dreg:$0x2] =	wrdreg s24  }
0xaf: {  	[dreg:$0x3] =	wrdreg $0xA9000  }
0xb0: {  	[dreg:$0x4] =	wrdreg $0x9  }
0xb1: {  	_ =	task.clear_ibuf [dreg:s6], $0x5FFFF;
	_ =	strace $0x90000049  }
0xb2: {  	s29 =	simm.s32 $0x9;
	_ =	strace $0x8000004B  }
0xb3: {  	_ =	swait.ge [sflag:s29], $0x1  }
0xb4: {  	[sflag:s29] =	ssyncadd.s32 $0xFFFFFFFF  }
0xb5: {  	_ =	strace $0x9000004B  }
0xb6: {  	_ =	sfence  }
0xb7: {  	s30 =	sld [smem:$0x0];
	_ =	sdelay $0x2  }
0xb8: {  	s31 =	sshll.u32 s1, $0xD;
	s1 =	sshrl.u32 s1, $0x2  }
0xb9: {  	s3 =	sand.u32 $0x4000, s31;
	s1 =	sadd.s32 s1, s30  }
0xba: {  	s0 =	sor.u32 s3, s0;
	s1 =	sshll.u32 s1, $0x11  }
0xbb: {  	s0 =	sor.u32 s1, s0  }
0xbc: {  	s0 =	sadd.s32 $0x8F2B, s0  }
0xbd: {  	[sflag:s0] =	ssyncadd.remote.s32 $0x1  }
0xbe: {  	_ =	sfence.sel $0xFFFF  }
0xbf: {  	[dreg:$0x0] =	wrdreg $0xFFFFFFFF;
	(pc) =	sbr.abs _section_cstart, $3  }
0xc0: {  	[dreg:$0x1] =	wrdreg $0xFFFFFFFF  }
0xc1: {  	_ =	task.clear_ibuf [dreg:s6], $0x2FFFF;
	_ =	strace $0x9FFFFFFF  }
0xc2: {  	(tm) =	ssettm $0x7FFFFFFF  }
0xc3: {  	_ =	shalt  }
tec
execute0_lowered:
.L_overlay_start_1:
0x0: {  	(tag) =	ssettag $0x1  }
0x1: {  	s0 =	srdreg.scid;
	s6 =	rddreg [dreg:$0x0]  }
0x2: {  	s15 =	stileid.u32;
	s2 =	rddreg [dreg:$0x1]  }
0x3: {  	s3 =	simm.s32 $0x0;
	s28 =	simm.s32 $0x2900;
	s29 =	simm.s32 $0x2780  }
0x4: {  	s30 =	simm.s32 $0x2800;
	s31 =	simm.s32 $0x80;
	s9 =	smul.u32 $0x4E000, s15  }
0x5: {  	s0 =	sand.u32 $0x1, s0;
	[smem:$0x7FF] =	sst s3;
	s13 =	smul.u32 $0x270, s15  }
0x6: {  	s4 =	sadd.s32 $0x15000, s6;
	s5 =	sadd.s32 $0xB000, s6;
	s24 =	smul.u32 $0x2710, s15  }
0x7: {  	s10 =	sadd.s32 $0x3C200, s6;
	p0 =	sne.s32 s15, $0xF;
	s23 =	smul.u32 $0x2710, s0  }
0x8: {  	s1 =	sshll.u32 s0, $0x4;
	_ =	strace $0x8000004A;
	s16 =	smul.u32 $0x138800, s0  }
0x9: {  	s8 =	ssub.s32 $0x2, s0;
	[dreg:$0x3] =	wrdreg s10;
	s0 =	smul.u32 $0x27100, s0  }
0xa: {  	s1 =	sor.u32 s15, s1;
	s21 =	sshrl.u32 s8, $0x1;
	s22 =	sshrl.u32 s9, $0x2  }
0xb: {  	s1 =	smul.u32 $0x2710, s1;
	s14 =	ssub.s32 s8, s21;
	s8 =	sadd.s32 s22, s2  }
0xc: {  	s20 =	sshrl.u32 s16, $0x3;
	s0 =	sadd.s32 s24, s0;
	s16 =	simm.s32 $0x4  }
0xd: {  	s9 =	sadd.s32 $0x4000, s8;
	s10 =	sadd.s32 $0x8000, s8;
	s1 =	sshrl.u32 s1, $0x3  }
0xe: {  	s11 =	sadd.s32 $0xC000, s8;
	s7 =	sadd.s32 s1, s6;
	s17 =	sadd.s32 s5, s1  }
0xf: {  	s12 =	sadd.s32 $0x10000, s8;
	s7 =	sadd.s32 $0x1200, s7;
	[dreg:$0x5] =	wrdreg s17  }
0x10: {  	s6 =	sadd.s32 $0x3CA00, s6;
	s25 =	sadd.s32 $0x4D0, s17;
	[dreg:$0x4] =	wrdreg s7  }
0x11: {  	s26 =	sadd.s32 $0x4E0, s17;
	s22 =	sadd.s32 s6, s20;
	[dreg:$0x7] =	wrdreg s25  }
0x12: {  	s7 =	sadd.s32 s13, s23;
	s13 =	sadd.s32 $0x138000, s2;
	[dreg:$0x8] =	wrdreg s26  }
0x13: {  	s23 =	sadd.s32 $0x80, s0;
	s1 =	sadd.s32 $0x27000, s22;
	s26 =	smax.u32 s14, $0x1  }
0x14: {  	s7 =	sshll.u32 s7, $0x4;
	[dreg:$0xd] =	wrdreg s1;
	s25 =	sshrl.u32 s23, $0x3  }
0x15: {  	[dreg:$0xe] =	wrdreg s26;
	s26 =	simm.s32 $0x7;
	s18 =	sadd.s32 s6, s7  }
0x16: {  	s1 =	simm.s32 $0x6900;
	s17 =	sadd.s32 $0x800, s18;
	[dreg:$0x6] =	wrdreg s18  }
0x17: {  	s6 =	simm.s32 $0x1;
	s19 =	sadd.s32 $0x1000, s18;
	[dreg:$0x9] =	wrdreg s17  }
0x18: {  	s7 =	simm.s32 $0x5;
	s21 =	sadd.s32 $0x1800, s18;
	[dreg:$0xa] =	wrdreg s19  }
0x19: {  	s24 =	sadd.s32 $0x2000, s18;
	s18 =	simm.s32 $0x6;
	[dreg:$0xb] =	wrdreg s21  }
0x1a: {  	[dreg:$0xc] =	wrdreg s24;
	s24 =	sadd.s32 s25, s5;
	s25 =	sadd.s32 $0x100, s0  }
0x1b: {  	s0 =	simm.s32 $0x3;
	s17 =	simm.s32 $0x2;
	s21 =	simm.s32 $0x0  }
.LBB2_1:
0x1c: {  	s14 =	rddreg [dreg:$0x4]  }
0x1d: {  	[tilespmem:s3], [sflag:$0x7] =	stream.linear.gather [hbm4b:s14+s3], $0x2710, $0x38;
	[tilespmem:$0x1E180] =	vst v63  }
0x1e: {  	_ =	swait.ge [sflag:s26], $0x2710  }
0x1f: {  	[sflag:s26] =	ssyncset.done $0x0  }
0x20: {  	s15 =	rddreg [dreg:$0x3];
	[sflag:s26] =	ssyncadd.s32 $0xFFFFD8F0  }
0x21: {  	[tilespmem:s28], [sflag:$0x7] =	stream.linear.gather [hbm4b:s15+s3], $0x4000, $0x38;
	[tilespmem:$0x1E180] =	vst v63  }
0x22: {  	_ =	swait.ge [sflag:s26], $0x4000  }
0x23: {  	[sflag:s26] =	ssyncset.done $0x0  }
0x24: {  	[sflag:s26] =	ssyncadd.s32 $0xFFFFC000  }
0x25: {  	[spmem:s8] =	stream.linear.scatter [tilespmem:s28], [sflag:$0x7], $0x4000, $0x38;
	[tilespmem:$0x1E180] =	vst v63  }
0x26: {  	_ =	swait.ge [sflag:s26], $0x4000  }
0x27: {  	[sflag:s26] =	ssyncset.done $0x0  }
0x28: {  	[sflag:s26] =	ssyncadd.s32 $0xFFFFC000  }
0x29: {  	[spmem:s9] =	stream.linear.scatter [tilespmem:s28], [sflag:$0x7], $0x4000, $0x38;
	[tilespmem:$0x1E180] =	vst v63  }
0x2a: {  	_ =	swait.ge [sflag:s26], $0x4000  }
0x2b: {  	[sflag:s26] =	ssyncset.done $0x0  }
0x2c: {  	[sflag:s26] =	ssyncadd.s32 $0xFFFFC000  }
0x2d: {  	[spmem:s10] =	stream.linear.scatter [tilespmem:s28], [sflag:$0x7], $0x4000, $0x38;
	[tilespmem:$0x1E180] =	vst v63  }
0x2e: {  	_ =	swait.ge [sflag:s26], $0x4000  }
0x2f: {  	[sflag:s26] =	ssyncset.done $0x0  }
0x30: {  	[sflag:s26] =	ssyncadd.s32 $0xFFFFC000  }
0x31: {  	[spmem:s11] =	stream.linear.scatter [tilespmem:s28], [sflag:$0x7], $0x4000, $0x38;
	[tilespmem:$0x1E180] =	vst v63  }
0x32: {  	_ =	swait.ge [sflag:s26], $0x4000  }
0x33: {  	[sflag:s26] =	ssyncset.done $0x0  }
0x34: {  	[sflag:s26] =	ssyncadd.s32 $0xFFFFC000  }
0x35: {  	[spmem:s12] =	stream.linear.scatter [tilespmem:s28], [sflag:$0x7], $0x3800, $0x38;
	[tilespmem:$0x1E180] =	vst v63  }
0x36: {  	_ =	swait.ge [sflag:s26], $0x3800  }
0x37: {  	[sflag:s26] =	ssyncset.done $0x0  }
0x38: {  	s14 =	simm.s32 @!p0 $0x2900;
	[sflag:s26] =	ssyncadd.s32 $0xFFFFC800  }
0x39: {  	[spmem:s13] =	stream.linear.scatter @!p0 [tilespmem:s14], [sflag:$0x7], $0x800, $0x38;
	[tilespmem:$0x1E180] =	vst v63  }
0x3a: {  	s14 =	simm.s32 @!p0 $0x7  }
0x3b: {  	_ =	swait.ge @!p0 [sflag:s14], $0x800  }
0x3c: {  	[sflag:s14] =	ssyncset.done @!p0 $0x0  }
0x3d: {  	[sflag:s14] =	ssyncadd.s32 @!p0 $0xFFFFF800  }
0x3e: {  	[bflag:$0x0] =	sbarrier.arrive $0xFFFF  }
0x3f: {  	s19 =	rddreg [dreg:$0x5]  }
0x40: {  	[tilespmem:s29], [sflag:$0x3] =	stream.linear.gather [hbm4b:s19+s3], $0x80, $0x38;
	[tilespmem:$0x1E180] =	vst v63  }
0x41: {  	_ = 	snop  }
0x42: {  	[tilespmem:s28], [sflag:$0x1] =	stream.indirect.gather [hbm4b:s4+s31], $0x80, s3, s31, $0xb8;
	[tilespmem:$0x1E180] =	vst v63  }
0x43: {  	s20 =	sadd.s32 $0x0, s24  }
0x44: {  	[tilespmem:s30], [sflag:$0x4] =	stream.linear.gather [hbm4b:s20+s3], $0x80, $0x38;
	[tilespmem:$0x1E180] =	vst v63  }
0x45: {  	_ = 	snop  }
0x46: {  	[tilespmem:s1], [sflag:$0x2] =	stream.indirect.gather [hbm4b:s4+s31], $0x80, s31, s31, $0xb8;
	[tilespmem:$0x1E180] =	vst v63  }
0x47: {  	_ =	swait.ge [sflag:s0], $0x80  }
0x48: {  	[sflag:s0] =	ssyncset.done $0x0  }
0x49: {  	[sflag:s0] =	ssyncadd.s32 $0xFFFFFF80  }
0x4a: {  	_ =	swait.ge [sflag:s6], $0x4000  }
0x4b: {  	[sflag:s6] =	ssyncset.done $0x0  }
0x4c: {  	[sflag:s6] =	ssyncadd.s32 $0xFFFFC000  }
0x4d: {  	[spmem:s2] =	stream.indirect.scatter.add.f32 [tilespmem:s28], [sflag:$0x5], $0x80, s29, s31, $0xb8;
	[tilespmem:$0x1E180] =	vst v63  }
0x4e: {  	_ =	swait.ge [sflag:s7], $0x4000  }
0x4f: {  	s22 =	sshrl.u32 s25, $0x3;
	[sflag:s7] =	ssyncset.done $0x0  }
0x50: {  	s14 =	sadd.s32 s5, s22;
	[sflag:s7] =	ssyncadd.s32 $0xFFFFC000  }
0x51: {  	[tilespmem:s29], [sflag:$0x3] =	stream.linear.gather [hbm4b:s14+s3], $0x80, $0x38;
	[tilespmem:$0x1E180] =	vst v63  }
0x52: {  	s23 =	simm.s32 $0x100  }
0x53: {  	[tilespmem:s28], [sflag:$0x1] =	stream.indirect.gather [hbm4b:s4+s31], $0x80, s23, s31, $0xb8;
	[tilespmem:$0x1E180] =	vst v63  }
0x54: {  	_ =	swait.ge [sflag:s16], $0x80  }
0x55: {  	[sflag:s16] =	ssyncset.done $0x0  }
0x56: {  	[sflag:s16] =	ssyncadd.s32 $0xFFFFFF80  }
0x57: {  	_ =	swait.ge [sflag:s17], $0x4000  }
0x58: {  	[sflag:s17] =	ssyncset.done $0x0  }
0x59: {  	[sflag:s17] =	ssyncadd.s32 $0xFFFFC000  }
0x5a: {  	[spmem:s2] =	stream.indirect.scatter.add.f32 [tilespmem:s1], [sflag:$0x6], $0x80, s30, s31, $0xb8;
	[tilespmem:$0x1E180] =	vst v63  }
0x5b: {  	s22 =	simm.s32 $0x180;
	s19 =	simm.s32 $0x40;
	_ =	swait.ge [sflag:s18], $0x4000  }
0x5c: {  	s14 =	simm.s32 $0x20;
	s23 =	sadd.s32 $0x100, s25;
	[sflag:s18] =	ssyncset.done $0x0  }
.LBB2_2:
0x5d: {  	s20 =	sadd.s32 s14, s24  }
0x5e: {  	[sflag:s18] =	ssyncadd.s32 $0xFFFFC000;
	s14 =	smov.u32 s19;
	s15 =	sadd.s32 $0x20, s19  }
0x5f: {  	[tilespmem:s30], [sflag:$0x4] =	stream.linear.gather [hbm4b:s20+s3], $0x80, $0x38;
	[tilespmem:$0x1E180] =	vst v63  }
0x60: {  	p1 =	sne.s32 s19, $0x4A0  }
0x61: {  	[tilespmem:s1], [sflag:$0x2] =	stream.indirect.gather [hbm4b:s4+s31], $0x80, s22, s31, $0xb8;
	[tilespmem:$0x1E180] =	vst v63  }
0x62: {  	_ =	swait.ge [sflag:s0], $0x80  }
0x63: {  	[sflag:s0] =	ssyncset.done $0x0  }
0x64: {  	[sflag:s0] =	ssyncadd.s32 $0xFFFFFF80  }
0x65: {  	_ =	swait.ge [sflag:s6], $0x4000  }
0x66: {  	[sflag:s6] =	ssyncset.done $0x0  }
0x67: {  	[sflag:s6] =	ssyncadd.s32 $0xFFFFC000  }
0x68: {  	[spmem:s2] =	stream.indirect.scatter.add.f32 [tilespmem:s28], [sflag:$0x5], $0x80, s29, s31, $0xb8;
	[tilespmem:$0x1E180] =	vst v63  }
0x69: {  	_ =	swait.ge [sflag:s7], $0x4000  }
0x6a: {  	s19 =	sshrl.u32 s23, $0x3;
	[sflag:s7] =	ssyncset.done $0x0  }
0x6b: {  	s19 =	sadd.s32 s5, s19;
	[sflag:s7] =	ssyncadd.s32 $0xFFFFC000  }
0x6c: {  	[tilespmem:s29], [sflag:$0x3] =	stream.linear.gather [hbm4b:s19+s3], $0x80, $0x38;
	[tilespmem:$0x1E180] =	vst v63  }
0x6d: {  	s19 =	sadd.s32 $0x80, s22  }
0x6e: {  	[tilespmem:s28], [sflag:$0x1] =	stream.indirect.gather [hbm4b:s4+s31], $0x80, s19, s31, $0xb8;
	[tilespmem:$0x1E180] =	vst v63  }
0x6f: {  	_ =	swait.ge [sflag:s16], $0x80  }
0x70: {  	[sflag:s16] =	ssyncset.done $0x0  }
0x71: {  	[sflag:s16] =	ssyncadd.s32 $0xFFFFFF80  }
0x72: {  	_ =	swait.ge [sflag:s17], $0x4000  }
.Ltmp0:
0x73: {  	[sflag:s17] =	ssyncset.done $0x0;
	(pc) =	sbr.rel @p1 .LBB2_2-.Ltmp0, $4  }
0x74: {  	[sflag:s17] =	ssyncadd.s32 $0xFFFFC000  }
0x75: {  	[spmem:s2] =	stream.indirect.scatter.add.f32 [tilespmem:s1], [sflag:$0x6], $0x80, s30, s31, $0xb8;
	[tilespmem:$0x1E180] =	vst v63  }
0x76: {  	s23 =	sadd.s32 $0x100, s23;
	_ =	swait.ge [sflag:s18], $0x4000  }
0x77: {  	s22 =	sadd.s32 $0x100, s22;
	s19 =	smov.u32 s15;
	[sflag:s18] =	ssyncset.done $0x0  }
0x78: {  	s14 =	sadd.s32 s14, s24;
	[sflag:s18] =	ssyncadd.s32 $0xFFFFC000  }
0x79: {  	[tilespmem:s30], [sflag:$0x4] =	stream.linear.gather [hbm4b:s14+s3], $0x80, $0x38;
	[tilespmem:$0x1E180] =	vst v63  }
0x7a: {  	_ = 	snop  }
0x7b: {  	[tilespmem:s1], [sflag:$0x2] =	stream.indirect.gather [hbm4b:s4+s31], $0x80, s22, s31, $0xb8;
	[tilespmem:$0x1E180] =	vst v63  }
0x7c: {  	_ =	swait.ge [sflag:s0], $0x80  }
0x7d: {  	[sflag:s0] =	ssyncset.done $0x0  }
0x7e: {  	[sflag:s0] =	ssyncadd.s32 $0xFFFFFF80  }
0x7f: {  	_ =	swait.ge [sflag:s6], $0x4000  }
0x80: {  	[sflag:s6] =	ssyncset.done $0x0  }
0x81: {  	[sflag:s6] =	ssyncadd.s32 $0xFFFFC000  }
0x82: {  	[spmem:s2] =	stream.indirect.scatter.add.f32 [tilespmem:s28], [sflag:$0x5], $0x80, s29, s31, $0xb8;
	[tilespmem:$0x1E180] =	vst v63  }
0x83: {  	_ =	swait.ge [sflag:s7], $0x4000  }
0x84: {  	s20 =	sshrl.u32 s23, $0x3;
	[sflag:s7] =	ssyncset.done $0x0  }
0x85: {  	s14 =	sadd.s32 s5, s20;
	[sflag:s7] =	ssyncadd.s32 $0xFFFFC000  }
0x86: {  	[tilespmem:s29], [sflag:$0x3] =	stream.linear.gather [hbm4b:s14+s3], $0x80, $0x38;
	[tilespmem:$0x1E180] =	vst v63  }
0x87: {  	s23 =	sadd.s32 $0x80, s22  }
0x88: {  	[tilespmem:s28], [sflag:$0x1] =	stream.indirect.gather [hbm4b:s4+s31], $0x80, s23, s31, $0xb8;
	[tilespmem:$0x1E180] =	vst v63  }
0x89: {  	_ =	swait.ge [sflag:s16], $0x80  }
0x8a: {  	[sflag:s16] =	ssyncset.done $0x0  }
0x8b: {  	[sflag:s16] =	ssyncadd.s32 $0xFFFFFF80  }
0x8c: {  	_ =	swait.ge [sflag:s17], $0x4000  }
0x8d: {  	[sflag:s17] =	ssyncset.done $0x0  }
0x8e: {  	[sflag:s17] =	ssyncadd.s32 $0xFFFFC000  }
0x8f: {  	[spmem:s2] =	stream.indirect.scatter.add.f32 [tilespmem:s1], [sflag:$0x6], $0x80, s30, s31, $0xb8;
	[tilespmem:$0x1E180] =	vst v63  }
0x90: {  	_ =	swait.ge [sflag:s18], $0x4000  }
0x91: {  	[sflag:s18] =	ssyncset.done $0x0  }
0x92: {  	s15 =	rddreg [dreg:$0x7];
	[sflag:s18] =	ssyncadd.s32 $0xFFFFC000  }
0x93: {  	[tilespmem:s30], [sflag:$0x4] =	stream.linear.gather [hbm4b:s15+s3], $0x80, $0x38;
	[tilespmem:$0x1E180] =	vst v63  }
0x94: {  	s19 =	simm.s32 $0x2680  }
0x95: {  	[tilespmem:s1], [sflag:$0x2] =	stream.indirect.gather [hbm4b:s4+s31], $0x80, s19, s31, $0xb8;
	[tilespmem:$0x1E180] =	vst v63  }
0x96: {  	_ =	swait.ge [sflag:s0], $0x80  }
0x97: {  	[sflag:s0] =	ssyncset.done $0x0  }
0x98: {  	[sflag:s0] =	ssyncadd.s32 $0xFFFFFF80  }
0x99: {  	_ =	swait.ge [sflag:s6], $0x4000  }
0x9a: {  	[sflag:s6] =	ssyncset.done $0x0  }
0x9b: {  	[sflag:s6] =	ssyncadd.s32 $0xFFFFC000  }
0x9c: {  	[spmem:s2] =	stream.indirect.scatter.add.f32 [tilespmem:s28], [sflag:$0x5], $0x80, s29, s31, $0xb8;
	[tilespmem:$0x1E180] =	vst v63  }
0x9d: {  	_ =	swait.ge [sflag:s7], $0x4000  }
0x9e: {  	[sflag:s7] =	ssyncset.done $0x0  }
0x9f: {  	[sflag:s7] =	ssyncadd.s32 $0xFFFFC000  }
0xa0: {  	_ =	swait.ge [sflag:s16], $0x80  }
0xa1: {  	[sflag:s16] =	ssyncset.done $0x0  }
0xa2: {  	[sflag:s16] =	ssyncadd.s32 $0xFFFFFF80  }
0xa3: {  	_ =	swait.ge [sflag:s17], $0x4000  }
0xa4: {  	[sflag:s17] =	ssyncset.done $0x0  }
0xa5: {  	[sflag:s17] =	ssyncadd.s32 $0xFFFFC000  }
0xa6: {  	[spmem:s2] =	stream.indirect.scatter.add.f32 [tilespmem:s1], [sflag:$0x6], $0x80, s30, s31, $0xb8;
	[tilespmem:$0x1E180] =	vst v63  }
0xa7: {  	_ =	swait.ge [sflag:s18], $0x4000  }
0xa8: {  	[sflag:s18] =	ssyncset.done $0x0  }
0xa9: {  	s15 =	simm.s32 $0x2880;
	s20 =	rddreg [dreg:$0x8];
	[sflag:s18] =	ssyncadd.s32 $0xFFFFC000  }
0xaa: {  	[tilespmem:s15], [sflag:$0x7] =	stream.linear.gather [hbm4b:s20+s3], $0x10, $0x38;
	[tilespmem:$0x1E180] =	vst v63  }
0xab: {  	_ =	swait.ge [sflag:s26], $0x10  }
0xac: {  	[sflag:s26] =	ssyncset.done $0x0  }
0xad: {  	s22 =	simm.s32 $0x10;
	s19 =	simm.s32 $0x2700;
	[sflag:s26] =	ssyncadd.s32 $0xFFFFFFF0  }
0xae: {  	[tilespmem:s28], [sflag:$0x1] =	stream.indirect.gather [hbm4b:s4+s22], $0x80, s19, s22, $0xb8;
	[tilespmem:$0x1E180] =	vst v63  }
0xaf: {  	_ =	swait.ge [sflag:s6], $0x800  }
0xb0: {  	[sflag:s6] =	ssyncset.done $0x0  }
0xb1: {  	[sflag:s6] =	ssyncadd.s32 $0xFFFFF800  }
0xb2: {  	[spmem:s2] =	stream.indirect.scatter.add.f32 [tilespmem:s28], [sflag:$0x7], $0x80, s15, s22, $0xb8;
	[tilespmem:$0x1E180] =	vst v63  }
0xb3: {  	_ =	swait.ge [sflag:s26], $0x800  }
0xb4: {  	[sflag:s26] =	ssyncset.done $0x0  }
0xb5: {  	[sflag:s26] =	ssyncadd.s32 $0xFFFFF800  }
0xb6: {  	[bflag:$0x0] =	sbarrier.arrive $0xFFFF  }
0xb7: {  	[tilespmem:s28], [sflag:$0x7] =	stream.linear.gather [spmem:s8], $0x4000, $0x38;
	[tilespmem:$0x1E180] =	vst v63  }
0xb8: {  	_ =	swait.ge [sflag:s26], $0x4000  }
0xb9: {  	[sflag:s26] =	ssyncset.done $0x0  }
0xba: {  	s23 =	rddreg [dreg:$0x6];
	[sflag:s26] =	ssyncadd.s32 $0xFFFFC000  }
0xbb: {  	[hbm4b:s23+s3] =	stream.linear.scatter [tilespmem:s28], [sflag:$0x7], $0x4000, $0x38;
	[tilespmem:$0x1E180] =	vst v63  }
0xbc: {  	_ =	swait.ge [sflag:s26], $0x4000  }
0xbd: {  	[sflag:s26] =	ssyncset.done $0x0  }
0xbe: {  	[sflag:s26] =	ssyncadd.s32 $0xFFFFC000  }
0xbf: {  	[tilespmem:s28], [sflag:$0x7] =	stream.linear.gather [spmem:s9], $0x4000, $0x38;
	[tilespmem:$0x1E180] =	vst v63  }
0xc0: {  	_ =	swait.ge [sflag:s26], $0x4000  }
0xc1: {  	[sflag:s26] =	ssyncset.done $0x0  }
0xc2: {  	s15 =	rddreg [dreg:$0x9];
	[sflag:s26] =	ssyncadd.s32 $0xFFFFC000  }
0xc3: {  	[hbm4b:s15+s3] =	stream.linear.scatter [tilespmem:s28], [sflag:$0x7], $0x4000, $0x38;
	[tilespmem:$0x1E180] =	vst v63  }
0xc4: {  	_ =	swait.ge [sflag:s26], $0x4000  }
0xc5: {  	[sflag:s26] =	ssyncset.done $0x0  }
0xc6: {  	[sflag:s26] =	ssyncadd.s32 $0xFFFFC000  }
0xc7: {  	[tilespmem:s28], [sflag:$0x7] =	stream.linear.gather [spmem:s10], $0x4000, $0x38;
	[tilespmem:$0x1E180] =	vst v63  }
0xc8: {  	_ =	swait.ge [sflag:s26], $0x4000  }
0xc9: {  	[sflag:s26] =	ssyncset.done $0x0  }
0xca: {  	s19 =	rddreg [dreg:$0xa];
	[sflag:s26] =	ssyncadd.s32 $0xFFFFC000  }
0xcb: {  	[hbm4b:s19+s3] =	stream.linear.scatter [tilespmem:s28], [sflag:$0x7], $0x4000, $0x38;
	[tilespmem:$0x1E180] =	vst v63  }
0xcc: {  	_ =	swait.ge [sflag:s26], $0x4000  }
0xcd: {  	[sflag:s26] =	ssyncset.done $0x0  }
0xce: {  	[sflag:s26] =	ssyncadd.s32 $0xFFFFC000  }
0xcf: {  	[tilespmem:s28], [sflag:$0x7] =	stream.linear.gather [spmem:s11], $0x4000, $0x38;
	[tilespmem:$0x1E180] =	vst v63  }
0xd0: {  	_ =	swait.ge [sflag:s26], $0x4000  }
0xd1: {  	[sflag:s26] =	ssyncset.done $0x0  }
0xd2: {  	s20 =	rddreg [dreg:$0xb];
	[sflag:s26] =	ssyncadd.s32 $0xFFFFC000  }
0xd3: {  	[hbm4b:s20+s3] =	stream.linear.scatter [tilespmem:s28], [sflag:$0x7], $0x4000, $0x38;
	[tilespmem:$0x1E180] =	vst v63  }
0xd4: {  	_ =	swait.ge [sflag:s26], $0x4000  }
0xd5: {  	[sflag:s26] =	ssyncset.done $0x0  }
0xd6: {  	[sflag:s26] =	ssyncadd.s32 $0xFFFFC000  }
0xd7: {  	[tilespmem:s28], [sflag:$0x7] =	stream.linear.gather [spmem:s12], $0x3800, $0x38;
	[tilespmem:$0x1E180] =	vst v63  }
0xd8: {  	_ =	swait.ge [sflag:s26], $0x3800  }
0xd9: {  	[sflag:s26] =	ssyncset.done $0x0  }
0xda: {  	s22 =	rddreg [dreg:$0xc];
	[sflag:s26] =	ssyncadd.s32 $0xFFFFC800  }
0xdb: {  	[hbm4b:s22+s3] =	stream.linear.scatter [tilespmem:s28], [sflag:$0x7], $0x3800, $0x38;
	[tilespmem:$0x1E180] =	vst v63  }
0xdc: {  	_ =	swait.ge [sflag:s26], $0x3800  }
0xdd: {  	[sflag:s26] =	ssyncset.done $0x0  }
0xde: {  	s14 =	simm.s32 @!p0 $0x6900;
	s15 =	simm.s32 @!p0 $0x7;
	[sflag:s26] =	ssyncadd.s32 $0xFFFFC800  }
0xdf: {  	[tilespmem:s14], [sflag:$0x7] =	stream.linear.gather @!p0 [spmem:s13], $0x800, $0x38;
	[tilespmem:$0x1E180] =	vst v63  }
0xe0: {  	_ =	swait.ge @!p0 [sflag:s15], $0x800  }
0xe1: {  	[sflag:s15] =	ssyncset.done @!p0 $0x0  }
0xe2: {  	s19 =	simm.s32 @!p0 $0x0;
	s20 =	rddreg [dreg:$0xd];
	[sflag:s15] =	ssyncadd.s32 @!p0 $0xFFFFF800  }
0xe3: {  	[hbm4b:s20+s19] =	stream.linear.scatter @!p0 [tilespmem:s14], [sflag:$0x7], $0x800, $0x38;
	[tilespmem:$0x1E180] =	vst v63  }
0xe4: {  	_ =	swait.ge @!p0 [sflag:s15], $0x800  }
0xe5: {  	s21 =	sadd.s32 $0x1, s21;
	s23 =	rddreg [dreg:$0xe]  }
0xe6: {  	p1 =	sne.s32 s21, s23  }
.Ltmp1:
0xe7: {  	_ = 	snop;
	(pc) =	sbr.rel @p1 .LBB2_1-.Ltmp1, $3  }
0xe8: {  	_ =	sdelay $0x1  }
0xe9: {  	[sflag:s15] =	ssyncset.done @!p0 $0x0  }
0xea: {  	[sflag:s15] =	ssyncadd.s32 @!p0 $0xFFFFF800  }
0xeb: {  	_ =	sfence.sel $0x180000  }
0xec: {  	[bflag:$0x0] =	sbarrier.arrive $0xFFFF  }
0xed: {  	_ =	strace $0x9000004A  }
0xee: {  	s0 =	stileid.u32;
	[bflag:$0x2] =	sbarrier.arrive $0xFFFF  }
0xef: {  	p0 =	sne.s32 s0, $0x0;
	s0 =	rddreg [dreg:$0x2]  }
0xf0: {  	s0 =	sadd.s32 @!p0 $0x100000, s0  }
0xf1: {  	[sflag:s0] =	ssyncadd.tile.s32 @!p0 $0x1;
	_ =	shalt  }
.Lfunc_end2:
_tile_overlayer_lowered:
.L_overlay_start_2:
0xf2: {  	(tag) =	ssettag $0x2  }
0xf3: {  	s0 =	rddreg [dreg:$0x0];
	s2 =	stileid.u32  }
0xf4: {  	s1 =	rddreg [dreg:$0x1];
	p0 =	sne.s32 s2, $0x0  }
0xf5: {  	s3 =	rddreg [dreg:$0x2];
	[bflag:$0x3] =	sbarrier.arrive $0xFFFF;
	s2 =	simm.s32 @!p0 $0x1C07  }
0xf6: {  	[timem:s3], [sflag:s2] =	dma.local @!p0 [hbm:s0], s1  }
0xf7: {  	s0 =	simm.s32 @!p0 $0x7  }
0xf8: {  	_ =	swait.ge @!p0 [sflag:s0], s1  }
0xf9: {  	s1 =	ssub.s32 @!p0 $0x0, s1;
	[sflag:s0] =	ssyncset.done @!p0 $0x0  }
0xfa: {  	[sflag:s0] =	ssyncadd.s32 @!p0 s1  }
0xfb: {  	[bflag:$0x3] =	sbarrier.arrive $0xFFFF  }
0xfc: {  	_ =	shalt  }

// kernel: kernel.13.cloned.1.call-start
scs
__scs_entry_jumppad:
0x0: {  	(pc) =	sbr.rel $0x88, $3  }
0x1: {  	(tag) =	ssettag $0x0;
	lr =	simm.s32 $0x1  }
0x2: {  	[smem:$0x3F99] =	sst lr;
	_ =	strace $0xD0000000  }
0x3: {  	_ = 	snop  }
0x4: {  	_ = 	snop  }
0x5: {  	_ = 	snop  }
0x6: {  	_ = 	snop  }
0x7: {  	_ = 	snop  }
__scs_overlays_trampoline_lowered:
0x8: {  	[smem:$0x3FA8] =	sst s0  }
0x9: {  	[smem:$0x3FA9] =	sst s1  }
0xa: {  	[smem:$0x3FAA] =	sst s2  }
0xb: {  	[smem:$0x3FAB] =	sst s3  }
0xc: {  	[smem:$0x3FAC] =	sst s4  }
0xd: {  	[smem:$0x3FAD] =	sst s5  }
0xe: {  	[smem:$0x3FAE] =	sst s6  }
0xf: {  	[smem:$0x3FAF] =	sst s7  }
0x10: {  	[smem:$0x3FB0] =	sst s8  }
0x11: {  	[smem:$0x3FB1] =	sst s9;
	s0 =	simm.s32 @!p0 $0x0  }
0x12: {  	s1 =	sld [smem:$0x3F97];
	s0 =	simm.s32 @p0 $0x1  }
0x13: {  	[smem:$0x3FB2] =	sst s0;
	s0 =	simm.s32 @!p1 $0x0  }
0x14: {  	s2 =	sld [smem:$0x3F96];
	s0 =	simm.s32 @p1 $0x1  }
0x15: {  	[smem:$0x3FB3] =	sst s0;
	s0 =	simm.s32 @!p2 $0x0  }
0x16: {  	s3 =	sld [smem:$0x3FDB];
	s0 =	simm.s32 @p2 $0x1  }
0x17: {  	s4 =	simm.s32 $0x1BF5;
	[smem:$0x3FB5] =	sst s0  }
0x18: {  	s0 =	sld [smem:$0x3F98];
	_ =	swait.ge [sflag:s4], $0x0  }
0x19: {  	s7 =	sld [smem:$0x3F99]  }
0x1a: {  	s8 =	sadd.s32 $0xFFFFE003, lr  }
0x1b: {  	s9 =	sadd.s32 $0xFFFFFEF7, lr;
	s5 =	simm.s32 $0xFFFFFFFF;
	p2 =	slt.u32 s8, $0xFFFFF086  }
0x1c: {  	p1 =	slt.u32 s9, $0xF7A;
	s5 =	simm.s32 @!p2 $0x0  }
0x1d: {  	s5 =	simm.s32 @p1 $0x1;
	p0 =	seq.s32 s7, s2  }
0x1e: {  	s7 =	smul.u32 @!p0 $0xF7A, s2;
	p2 =	seq.s32 @!p0 s5, $0x0  }
0x1f: {  	s9 =	smul.u32 $0xF7A, s1;
	s8 =	simm.s32 @!p0 $0x1BF5;
	p2 =	por !p2, p0  }
0x20: {  	[sflag:s8] =	ssyncset.s32 @!p0 $0xFFFFF086;
	s6 =	sadd.s32 @!p0 s3, s7;
	s7 =	simm.s32 @!p0 $0x108  }
0x21: {  	s3 =	sadd.s32 s3, s9;
	s6 =	sadd.s32 @!p0 $0x88, s6;
	s7 =	simm.s32 @p2 $0x1082  }
0x22: {  	[simem:s7], [sflag:s8] =	dma.local @!p0 [hbm:s6], $0xF7A  }
0x23: {  	s9 =	sor.u32 $0xD0000000, s2;
	s6 =	simm.s32 $0x108;
	_ =	swait.ge @!p0 [sflag:s8], $0x0  }
0x24: {  	s3 =	sadd.s32 $0x88, s3;
	s6 =	simm.s32 @!p1 $0x1082;
	[sflag:s4] =	ssyncset.s32 $0xFFFFF086  }
0x25: {  	[simem:s6], [sflag:s4] =	dma.local [hbm:s3], $0xF7A  }
0x26: {  	[smem:$0x3F99] =	sst s1;
	(tag) =	ssettag s2;
	_ =	strace s9  }
0x27: {  	s1 =	sld [smem:$0x3FA9]  }
0x28: {  	s2 =	sld [smem:$0x3FAA]  }
0x29: {  	s4 =	sld [smem:$0x3FAC]  }
0x2a: {  	p0 =	seq.s32 s5, $0x0;
	s5 =	sld [smem:$0x3FAD]  }
0x2b: {  	s6 =	sld [smem:$0x3FAE]  }
0x2c: {  	s7 =	sld [smem:$0x3FAF]  }
0x2d: {  	s3 =	simm.s32 $0x108;
	s8 =	sld [smem:$0x3FB0]  }
0x2e: {  	s3 =	simm.s32 @!p0 $0x1082;
	s9 =	sld [smem:$0x3FB1]  }
0x2f: {  	lr =	sadd.s32 s0, s3;
	s0 =	sld [smem:$0x3FA8]  }
0x30: {  	s3 =	sld [smem:$0x3FAB]  }
0x31: {  	[smem:$0x3FB4] =	sst s10  }
0x32: {  	s10 =	sld [smem:$0x3FB2];
	_ =	sdelay $0x3  }
0x33: {  	p0 =	seq.s32 s10, $0x1;
	s10 =	sld [smem:$0x3FB4];
	_ =	sdelay $0x3  }
0x34: {  	[smem:$0x3FB4] =	sst s10  }
0x35: {  	s10 =	sld [smem:$0x3FB3];
	_ =	sdelay $0x3  }
0x36: {  	p1 =	seq.s32 s10, $0x1;
	s10 =	sld [smem:$0x3FB4];
	_ =	sdelay $0x3  }
0x37: {  	[smem:$0x3FB4] =	sst s10  }
0x38: {  	s10 =	sld [smem:$0x3FB5]  }
0x39: {  	_ = 	snop;
	(pc) =	sbr.ind lr, $3  }
0x3a: {  	_ = 	snop  }
0x3b: {  	_ = 	snop  }
0x3c: {  	p2 =	seq.s32 s10, $0x1;
	s10 =	sld [smem:$0x3FB4]  }
0x3d: {  	_ =	shalt  }
0x3e: {  	_ =	shalt  }
0x3f: {  	_ =	shalt  }
0x40: {  	_ =	shalt  }
0x41: {  	_ =	shalt  }
0x42: {  	_ =	shalt  }
0x43: {  	_ =	shalt  }
0x44: {  	_ =	shalt  }
0x45: {  	_ =	shalt  }
0x46: {  	_ =	shalt  }
0x47: {  	_ =	shalt  }
0x48: {  	_ =	shalt  }
0x49: {  	_ =	shalt  }
0x4a: {  	_ =	shalt  }
0x4b: {  	_ =	shalt  }
0x4c: {  	_ =	shalt  }
0x4d: {  	_ =	shalt  }
0x4e: {  	_ =	shalt  }
0x4f: {  	_ =	shalt  }
0x50: {  	_ =	shalt  }
0x51: {  	_ =	shalt  }
0x52: {  	_ =	shalt  }
0x53: {  	_ =	shalt  }
0x54: {  	_ =	shalt  }
0x55: {  	_ =	shalt  }
0x56: {  	_ =	shalt  }
0x57: {  	_ =	shalt  }
0x58: {  	_ =	shalt  }
0x59: {  	_ =	shalt  }
0x5a: {  	_ =	shalt  }
0x5b: {  	_ =	shalt  }
0x5c: {  	_ =	shalt  }
0x5d: {  	_ =	shalt  }
0x5e: {  	_ =	shalt  }
0x5f: {  	_ =	shalt  }
0x60: {  	_ =	shalt  }
0x61: {  	_ =	shalt  }
0x62: {  	_ =	shalt  }
0x63: {  	_ =	shalt  }
0x64: {  	_ =	shalt  }
0x65: {  	_ =	shalt  }
0x66: {  	_ =	shalt  }
0x67: {  	_ =	shalt  }
0x68: {  	_ =	shalt  }
0x69: {  	_ =	shalt  }
0x6a: {  	_ =	shalt  }
0x6b: {  	_ =	shalt  }
0x6c: {  	_ =	shalt  }
0x6d: {  	_ =	shalt  }
0x6e: {  	_ =	shalt  }
0x6f: {  	_ =	shalt  }
0x70: {  	_ =	shalt  }
0x71: {  	_ =	shalt  }
0x72: {  	_ =	shalt  }
0x73: {  	_ =	shalt  }
0x74: {  	_ =	shalt  }
0x75: {  	_ =	shalt  }
0x76: {  	_ =	shalt  }
0x77: {  	_ =	shalt  }
0x78: {  	_ =	shalt  }
0x79: {  	_ =	shalt  }
0x7a: {  	_ =	shalt  }
0x7b: {  	_ =	shalt  }
0x7c: {  	_ =	shalt  }
0x7d: {  	_ =	shalt  }
0x7e: {  	_ =	shalt  }
0x7f: {  	_ =	shalt  }
0x80: {  	_ =	shalt  }
0x81: {  	_ =	shalt  }
0x82: {  	_ =	shalt  }
0x83: {  	_ =	shalt  }
0x84: {  	_ =	shalt  }
0x85: {  	_ =	shalt  }
0x86: {  	_ =	shalt  }
0x87: {  	_ =	shalt  }
.Lfunc_end0:
.L_simem_size_0:
called_computation.2_lowered:
.L_overlay_start_0:
0x88: {  	s2 =	sld [smem:$0x3FD9]  }
0x89: {  	s3 =	sld [smem:$0x3FFE];
	_ =	sdelay $0x1  }
0x8a: {  	s1 =	srdreg.scid  }
0x8b: {  	s0 =	sand.u32 $0x1, s1  }
0x8c: {  	s17 =	sshll.u32 s0, $0xA;
	s2 =	sadd.s32 s3, s2  }
0x8d: {  	s2 =	sadd.s32 s2, s17  }
0x8e: {  	[smem:$0x3FC0] =	sst s2  }
0x8f: {  	_ = 	snop  }
0x90: {  	s2 =	sld [smem:$0x3FD0];
	(tm) =	ssettm $0x1  }
0x91: {  	s18 =	sld [smem:$0x3FFB];
	_ =	sdelay $0x3  }
0x92: {  	_ =	strace s18  }
0x93: {  	s3 =	sld [smem:$0x3FFC];
	_ =	sdelay $0x3  }
0x94: {  	_ =	strace s3  }
0x95: {  	s3 =	sld [smem:$0x3FFD];
	_ =	sdelay $0x3  }
0x96: {  	_ =	strace s3  }
0x97: {  	_ =	strace $0x8FFFFFFF  }
0x98: {  	s19 =	sld [smem:$0x3FDB];
	_ =	sdelay $0x1  }
0x99: {  	s4 =	simm.s32 $_scs_section_size  }
0x9a: {  	s5 =	simm.s32 $_size__tile_overlayer_lowered;
	s6 =	simm.s32 $_tile_overlayer_lowered  }
0x9b: {  	s22 =	simm.s32 $0x1BFF;
	s21 =	sshll.u32 s6, $0x1;
	s3 =	sadd.s32 s4, s19  }
0x9c: {  	s7 =	simm.s32 $0x0;
	s20 =	sshll.u32 s5, $0x1;
	s5 =	sadd.s32 s21, s3  }
0x9d: {  	[timem:s7], [sflag:s22] =	dma.local [hbm:s5], s20  }
0x9e: {  	_ =	swait.ge [sflag:s22], s20  }
0x9f: {  	s4 =	ssub.s32 $0x0, s20;
	[sflag:s22] =	ssyncset.done $0x0  }
0xa0: {  	[sflag:s22] =	ssyncadd.s32 s4;
	_ =	sdelay $0x1  }
0xa1: {  	s23 =	simm.s32 $0x1B8B  }
0xa2: {  	_ =	swait.ge [sflag:s23], $0x1  }
0xa3: {  	[sflag:s23] =	ssyncset.done $0x0  }
0xa4: {  	s25 =	simm.s32 $0x1B8E;
	s24 =	sld [smem:$0x3FFE];
	[sflag:s23] =	ssyncadd.s32 $0xFFFFFFFF  }
0xa5: {  	s26 =	simm.s32 $execute0_lowered;
	[smem:$0x3FD2] =	sst s25  }
0xa6: {  	s5 =	sshll.u32 s26, $0x1;
	_ =	strace $0x8000004C;
	[dreg:$0x1] =	wrdreg $0xFFFFFFFF  }
0xa7: {  	s28 =	simm.s32 $_size_execute0_lowered;
	s3 =	sadd.s32 s3, s5;
	[dreg:$0x0] =	wrdreg $0x0  }
0xa8: {  	s5 =	sshll.u32 s28, $0x1;
	[dreg:$0x2] =	wrdreg s3  }
0xa9: {  	[dreg:$0x3] =	wrdreg s5  }
0xaa: {  	[dreg:$0x4] =	wrdreg $0xC0  }
0xab: {  	_ =	task [dreg:s7], $0x5FFFF  }
0xac: {  	[dreg:$0x1] =	wrdreg $0xFFFFFFFF  }
0xad: {  	[dreg:$0x0] =	wrdreg $0x60  }
0xae: {  	[dreg:$0x2] =	wrdreg s24  }
0xaf: {  	[dreg:$0x3] =	wrdreg s2  }
0xb0: {  	[dreg:$0x4] =	wrdreg $0xCE000  }
0xb1: {  	[dreg:$0x5] =	wrdreg $0x9  }
0xb2: {  	_ =	task.clear_ibuf [dreg:s7], $0x6FFFF;
	_ =	strace $0x9000004C  }
0xb3: {  	s29 =	simm.s32 $0x9;
	_ =	strace $0x8000004E  }
0xb4: {  	_ =	swait.ge [sflag:s29], $0x1  }
0xb5: {  	[sflag:s29] =	ssyncadd.s32 $0xFFFFFFFF  }
0xb6: {  	_ =	strace $0x9000004E  }
0xb7: {  	_ =	sfence  }
0xb8: {  	s30 =	sld [smem:$0x0];
	_ =	sdelay $0x2  }
0xb9: {  	s31 =	sshll.u32 s1, $0xD;
	s1 =	sshrl.u32 s1, $0x2  }
0xba: {  	s3 =	sand.u32 $0x4000, s31;
	s1 =	sadd.s32 s1, s30  }
0xbb: {  	s0 =	sor.u32 s3, s0;
	s1 =	sshll.u32 s1, $0x11  }
0xbc: {  	s0 =	sor.u32 s1, s0  }
0xbd: {  	s0 =	sadd.s32 $0x8F2B, s0  }
0xbe: {  	[sflag:s0] =	ssyncadd.remote.s32 $0x1  }
0xbf: {  	_ =	sfence.sel $0xFFFF  }
0xc0: {  	[dreg:$0x0] =	wrdreg $0xFFFFFFFF;
	(pc) =	sbr.abs _section_cstart, $3  }
0xc1: {  	[dreg:$0x1] =	wrdreg $0xFFFFFFFF  }
0xc2: {  	_ =	task.clear_ibuf [dreg:s7], $0x2FFFF;
	_ =	strace $0x9FFFFFFF  }
0xc3: {  	(tm) =	ssettm $0x7FFFFFFF  }
tec
execute0_lowered:
.L_overlay_start_1:
0x0: {  	(tag) =	ssettag $0x1  }
0x1: {  	s0 =	rddreg [dreg:$0x0]  }
0x2: {  	s2 =	rddreg [dreg:$0x1]  }
0x3: {  	s1 =	rddreg [dreg:$0x2]  }
0x4: {  	s3 =	simm.s32 $0x0;
	s19 =	stileid.u32;
	s5 =	srdreg.scid  }
0x5: {  	s22 =	simm.s32 $0xC700;
	s23 =	simm.s32 $0x80;
	s24 =	simm.s32 $0xC480  }
0x6: {  	s28 =	simm.s32 $0xC680;
	s29 =	simm.s32 $0x1;
	s30 =	simm.s32 $0x2  }
0x7: {  	s21 =	simm.s32 $0xCC80;
	s31 =	simm.s32 $0x0;
	[smem:$0x7FF] =	sst s3  }
0x8: {  	s4 =	sadd.s32 $0x15000, s0;
	s16 =	sadd.s32 $0x15600, s0;
	s6 =	smul.u32 $0x9C4, s19  }
0x9: {  	s5 =	sand.u32 $0x1, s5;
	s15 =	sadd.s32 $0x8AC00, s0;
	s8 =	smul.u32 $0x9C0, s19  }
0xa: {  	s10 =	smul.u32 $0x138, s19;
	p0 =	sne.s32 s19, $0xF;
	s19 =	simm.s32 $0x3  }
0xb: {  	_ =	strace $0x8000004D;
	s7 =	ssub.s32 $0x2, s5;
	s11 =	smul.u32 $0x1388, s5  }
0xc: {  	s5 =	sadd.s32 $0x14E00, s0;
	s9 =	sadd.s32 s6, s0;
	s25 =	sshrl.u32 s7, $0x1  }
0xd: {  	s8 =	sshrl.u32 s8, $0x2;
	s26 =	ssub.s32 s7, s25;
	s6 =	sadd.s32 $0x1200, s9  }
0xe: {  	s7 =	sadd.s32 $0xB000, s9;
	s8 =	sadd.s32 s8, s1;
	s9 =	sadd.s32 $0x2700, s1  }
0xf: {  	s12 =	sadd.s32 s10, s11;
	s14 =	sadd.s32 $0x1378, s11;
	s25 =	simm.s32 $0xC600  }
0x10: {  	s10 =	sadd.s32 s12, s1;
	s13 =	sshrl.u32 s12, $0x3;
	s17 =	sshrl.u32 s14, $0x3  }
0x11: {  	s14 =	sadd.s32 s14, s1;
	s18 =	smax.u32 s26, $0x1;
	s26 =	simm.s32 $0xC500  }
0x12: {  	s11 =	sadd.s32 s15, s13;
	s12 =	sadd.s32 s16, s13;
	s13 =	sadd.s32 s2, s13  }
0x13: {  	s15 =	sadd.s32 s15, s17;
	s16 =	sadd.s32 s16, s17;
	s17 =	sadd.s32 s2, s17  }
.LBB2_1:
0x14: {  	[tilespmem:s3], [sflag:$0x3] =	stream.linear.gather [hbm4b:s4+s3], $0x2780, $0x38;
	[tilespmem:$0xD078] =	vst v63  }
0x15: {  	_ =	swait.ge [sflag:s19], $0x2780  }
0x16: {  	[sflag:s19] =	ssyncset.done $0x0  }
0x17: {  	s0 =	simm.s32 $0x2780;
	[sflag:s19] =	ssyncadd.s32 $0xFFFFD880  }
0x18: {  	[tilespmem:s0], [sflag:$0x3] =	stream.linear.gather [hbm4b:s6+s3], $0x4E20, $0x38;
	[tilespmem:$0xD078] =	vst v63  }
0x19: {  	_ =	swait.ge [sflag:s19], $0x4E20  }
0x1a: {  	[sflag:s19] =	ssyncset.done $0x0  }
0x1b: {  	s20 =	simm.s32 $0x7600;
	[sflag:s19] =	ssyncadd.s32 $0xFFFFB1E0  }
0x1c: {  	[tilespmem:s20], [sflag:$0x3] =	stream.linear.gather [hbm4b:s7+s3], $0x4E20, $0x38;
	[tilespmem:$0xD078] =	vst v63  }
0x1d: {  	_ =	swait.ge [sflag:s19], $0x4E20  }
0x1e: {  	[sflag:s19] =	ssyncset.done $0x0  }
0x1f: {  	[sflag:s19] =	ssyncadd.s32 $0xFFFFB1E0  }
0x20: {  	[tilespmem:s22], [sflag:$0x3] =	stream.linear.gather [hbm4b:s5+s3], $0x280, $0x38;
	[tilespmem:$0xD078] =	vst v63  }
0x21: {  	_ =	swait.ge [sflag:s19], $0x280  }
0x22: {  	[sflag:s19] =	ssyncset.done $0x0  }
0x23: {  	[sflag:s19] =	ssyncadd.s32 $0xFFFFFD80  }
0x24: {  	[spmem:s8] =	stream.linear.scatter [tilespmem:s22], [sflag:$0x3], $0x270, $0x38;
	[tilespmem:$0xD078] =	vst v63  }
0x25: {  	_ =	swait.ge [sflag:s19], $0x270  }
0x26: {  	[sflag:s19] =	ssyncset.done $0x0  }
0x27: {  	s0 =	simm.s32 @!p0 $0xC700;
	[sflag:s19] =	ssyncadd.s32 $0xFFFFFD90  }
0x28: {  	[spmem:s9] =	stream.linear.scatter @!p0 [tilespmem:s0], [sflag:$0x3], $0x10, $0x38;
	[tilespmem:$0xD078] =	vst v63  }
0x29: {  	s0 =	simm.s32 @!p0 $0x3  }
0x2a: {  	_ =	swait.ge @!p0 [sflag:s0], $0x10  }
0x2b: {  	[sflag:s0] =	ssyncset.done @!p0 $0x0  }
0x2c: {  	[sflag:s0] =	ssyncadd.s32 @!p0 $0xFFFFFFF0  }
0x2d: {  	[bflag:$0x0] =	sbarrier.arrive $0xFFFF  }
0x2e: {  	v0 =	vld [tilespmem:$0x2780];
	_ =	sdelay $0x5  }
0x2f: {  	v1 =	vld [tilespmem:$0x2790]  }
0x30: {  	v2 =	vld [tilespmem:$0x7600]  }
0x31: {  	v0 =	vld.idx.msk [tilespmem:v0+s3+$0x0], $0xffff;
	_ =	sdelay $0x3  }
0x32: {  	v35 =	vld [tilespmem:$0x27A0];
	[tilespmem:$0xC480] =	vst v2  }
0x33: {  	v36 =	vld [tilespmem:$0x7610];
	[tilespmem:$0xC600] =	vst v0  }
0x34: {  	v1 =	vld.idx.msk [tilespmem:v1+s3+$0x0], $0xffff;
	_ =	sdelay $0x3  }
0x35: {  	v37 =	vld [tilespmem:$0x27B0];
	[tilespmem:$0xC490] =	vst v36  }
0x36: {  	v38 =	vld [tilespmem:$0x7620];
	[tilespmem:$0xC610] =	vst v1  }
0x37: {  	v0 =	vld.idx.msk [tilespmem:v35+s3+$0x0], $0xffff;
	_ =	sdelay $0x3  }
0x38: {  	v39 =	vld [tilespmem:$0x27C0];
	[tilespmem:$0xC4A0] =	vst v38  }
0x39: {  	v40 =	vld [tilespmem:$0x7630];
	[tilespmem:$0xC620] =	vst v0  }
0x3a: {  	v1 =	vld.idx.msk [tilespmem:v37+s3+$0x0], $0xffff;
	_ =	sdelay $0x3  }
0x3b: {  	v41 =	vld [tilespmem:$0x27D0];
	[tilespmem:$0xC4B0] =	vst v40  }
0x3c: {  	v42 =	vld [tilespmem:$0x7640];
	[tilespmem:$0xC630] =	vst v1  }
0x3d: {  	v0 =	vld.idx.msk [tilespmem:v39+s3+$0x0], $0xffff;
	_ =	sdelay $0x3  }
0x3e: {  	v43 =	vld [tilespmem:$0x27E0];
	[tilespmem:$0xC4C0] =	vst v42  }
0x3f: {  	v44 =	vld [tilespmem:$0x7650];
	[tilespmem:$0xC640] =	vst v0  }
0x40: {  	v1 =	vld.idx.msk [tilespmem:v41+s3+$0x0], $0xffff;
	_ =	sdelay $0x3  }
0x41: {  	v45 =	vld [tilespmem:$0x27F0];
	[tilespmem:$0xC4D0] =	vst v44  }
0x42: {  	v46 =	vld [tilespmem:$0x7660];
	[tilespmem:$0xC650] =	vst v1  }
0x43: {  	v0 =	vld.idx.msk [tilespmem:v43+s3+$0x0], $0xffff;
	_ =	sdelay $0x3  }
0x44: {  	[tilespmem:$0xC4E0] =	vst v46  }
0x45: {  	v47 =	vld [tilespmem:$0x7670];
	[tilespmem:$0xC660] =	vst v0  }
0x46: {  	v0 =	vld.idx.msk [tilespmem:v45+s3+$0x0], $0xffff;
	_ =	sdelay $0x3  }
0x47: {  	[tilespmem:$0xC4F0] =	vst v47  }
0x48: {  	[tilespmem:$0xC670] =	vst v0  }
0x49: {  	[spmem:s1] =	stream.indirect.scatter.add.f32 [tilespmem:s25], [sflag:$0x1], $0x1, s24, s23, $0xb8;
	[tilespmem:$0xD078] =	vst v63  }
0x4a: {  	v48 =	vld [tilespmem:$0x2800];
	_ =	sdelay $0x5  }
0x4b: {  	v49 =	vld [tilespmem:$0x2810]  }
0x4c: {  	v50 =	vld [tilespmem:$0x7680]  }
0x4d: {  	v0 =	vld.idx.msk [tilespmem:v48+s3+$0x0], $0xffff;
	_ =	sdelay $0x3  }
0x4e: {  	v51 =	vld [tilespmem:$0x2820];
	[tilespmem:$0xC500] =	vst v50  }
0x4f: {  	v52 =	vld [tilespmem:$0x7690];
	[tilespmem:$0xC680] =	vst v0  }
0x50: {  	v1 =	vld.idx.msk [tilespmem:v49+s3+$0x0], $0xffff;
	_ =	sdelay $0x3  }
0x51: {  	v53 =	vld [tilespmem:$0x2830];
	[tilespmem:$0xC510] =	vst v52  }
0x52: {  	v54 =	vld [tilespmem:$0x76A0];
	[tilespmem:$0xC690] =	vst v1  }
0x53: {  	v0 =	vld.idx.msk [tilespmem:v51+s3+$0x0], $0xffff;
	_ =	sdelay $0x3  }
0x54: {  	v55 =	vld [tilespmem:$0x2840];
	[tilespmem:$0xC520] =	vst v54  }
0x55: {  	v56 =	vld [tilespmem:$0x76B0];
	[tilespmem:$0xC6A0] =	vst v0  }
0x56: {  	v1 =	vld.idx.msk [tilespmem:v53+s3+$0x0], $0xffff;
	_ =	sdelay $0x3  }
0x57: {  	v57 =	vld [tilespmem:$0x2850];
	[tilespmem:$0xC530] =	vst v56  }
0x58: {  	v58 =	vld [tilespmem:$0x76C0];
	[tilespmem:$0xC6B0] =	vst v1  }
0x59: {  	v0 =	vld.idx.msk [tilespmem:v55+s3+$0x0], $0xffff;
	_ =	sdelay $0x3  }
0x5a: {  	v59 =	vld [tilespmem:$0x2860];
	[tilespmem:$0xC540] =	vst v58  }
0x5b: {  	v60 =	vld [tilespmem:$0x76D0];
	[tilespmem:$0xC6C0] =	vst v0  }
0x5c: {  	v1 =	vld.idx.msk [tilespmem:v57+s3+$0x0], $0xffff;
	_ =	sdelay $0x3  }
0x5d: {  	v61 =	vld [tilespmem:$0x2870];
	[tilespmem:$0xC550] =	vst v60  }
0x5e: {  	v62 =	vld [tilespmem:$0x76E0];
	[tilespmem:$0xC6D0] =	vst v1  }
0x5f: {  	v0 =	vld.idx.msk [tilespmem:v59+s3+$0x0], $0xffff;
	_ =	sdelay $0x3  }
0x60: {  	[tilespmem:$0xC560] =	vst v62  }
0x61: {  	v63 =	vld [tilespmem:$0x76F0];
	[tilespmem:$0xC6E0] =	vst v0  }
0x62: {  	v0 =	vld.idx.msk [tilespmem:v61+s3+$0x0], $0xffff;
	_ =	sdelay $0x3  }
0x63: {  	[tilespmem:$0xC570] =	vst v63  }
0x64: {  	s0 =	simm.s32 $0x7C0;
	[tilespmem:$0xC6F0] =	vst v0  }
0x65: {  	[spmem:s1] =	stream.indirect.scatter.add.f32 [tilespmem:s28], [sflag:$0x2], $0x1, s26, s23, $0xb8;
	[tilespmem:$0xD078] =	vst v63  }
.LBB2_2:
0x66: {  	_ =	swait.ge [sflag:s29], $0x80  }
0x67: {  	[sflag:s29] =	ssyncset.done $0x0  }
0x68: {  	s2 =	sshra.s32 s0, $0x2;
	[sflag:s29] =	ssyncadd.s32 $0xFFFFFF80  }
0x69: {  	v0 =	vld [tilespmem:s2+$0x2690];
	_ =	sdelay $0x7  }
0x6a: {  	v0 =	vld.idx.msk [tilespmem:v0+s3+$0x0], $0xffff;
	_ =	sdelay $0x4  }
0x6b: {  	[tilespmem:$0xC600] =	vst v0  }
0x6c: {  	v0 =	vld [tilespmem:s2+$0x7510];
	_ =	sdelay $0x4  }
0x6d: {  	[tilespmem:$0xC480] =	vst v0  }
0x6e: {  	v0 =	vld [tilespmem:s2+$0x26A0];
	_ =	sdelay $0x7  }
0x6f: {  	v0 =	vld.idx.msk [tilespmem:v0+s3+$0x0], $0xffff;
	_ =	sdelay $0x4  }
0x70: {  	[tilespmem:$0xC610] =	vst v0  }
0x71: {  	v0 =	vld [tilespmem:s2+$0x7520];
	_ =	sdelay $0x4  }
0x72: {  	[tilespmem:$0xC490] =	vst v0  }
0x73: {  	v0 =	vld [tilespmem:s2+$0x26B0];
	_ =	sdelay $0x7  }
0x74: {  	v0 =	vld.idx.msk [tilespmem:v0+s3+$0x0], $0xffff;
	_ =	sdelay $0x4  }
0x75: {  	[tilespmem:$0xC620] =	vst v0  }
0x76: {  	v0 =	vld [tilespmem:s2+$0x7530];
	_ =	sdelay $0x4  }
0x77: {  	[tilespmem:$0xC4A0] =	vst v0  }
0x78: {  	v0 =	vld [tilespmem:s2+$0x26C0];
	_ =	sdelay $0x7  }
0x79: {  	v0 =	vld.idx.msk [tilespmem:v0+s3+$0x0], $0xffff;
	_ =	sdelay $0x4  }
0x7a: {  	[tilespmem:$0xC630] =	vst v0  }
0x7b: {  	v0 =	vld [tilespmem:s2+$0x7540];
	_ =	sdelay $0x4  }
0x7c: {  	[tilespmem:$0xC4B0] =	vst v0  }
0x7d: {  	v0 =	vld [tilespmem:s2+$0x26D0];
	_ =	sdelay $0x7  }
0x7e: {  	v0 =	vld.idx.msk [tilespmem:v0+s3+$0x0], $0xffff;
	_ =	sdelay $0x4  }
0x7f: {  	[tilespmem:$0xC640] =	vst v0  }
0x80: {  	v0 =	vld [tilespmem:s2+$0x7550];
	_ =	sdelay $0x4  }
0x81: {  	[tilespmem:$0xC4C0] =	vst v0  }
0x82: {  	v0 =	vld [tilespmem:s2+$0x26E0];
	_ =	sdelay $0x7  }
0x83: {  	v0 =	vld.idx.msk [tilespmem:v0+s3+$0x0], $0xffff;
	_ =	sdelay $0x4  }
0x84: {  	[tilespmem:$0xC650] =	vst v0  }
0x85: {  	v0 =	vld [tilespmem:s2+$0x7560];
	_ =	sdelay $0x4  }
0x86: {  	[tilespmem:$0xC4D0] =	vst v0  }
0x87: {  	v0 =	vld [tilespmem:s2+$0x26F0];
	_ =	sdelay $0x7  }
0x88: {  	v0 =	vld.idx.msk [tilespmem:v0+s3+$0x0], $0xffff;
	_ =	sdelay $0x4  }
0x89: {  	[tilespmem:$0xC660] =	vst v0  }
0x8a: {  	v0 =	vld [tilespmem:s2+$0x7570];
	_ =	sdelay $0x4  }
0x8b: {  	[tilespmem:$0xC4E0] =	vst v0  }
0x8c: {  	v0 =	vld [tilespmem:s2+$0x2700];
	_ =	sdelay $0x7  }
0x8d: {  	v0 =	vld.idx.msk [tilespmem:v0+s3+$0x0], $0xffff;
	_ =	sdelay $0x4  }
0x8e: {  	[tilespmem:$0xC670] =	vst v0  }
0x8f: {  	v0 =	vld [tilespmem:s2+$0x7580];
	_ =	sdelay $0x4  }
0x90: {  	[tilespmem:$0xC4F0] =	vst v0  }
0x91: {  	[spmem:s1] =	stream.indirect.scatter.add.f32 [tilespmem:s25], [sflag:$0x1], $0x1, s24, s23, $0xb8;
	[tilespmem:$0xD078] =	vst v63  }
0x92: {  	_ =	swait.ge [sflag:s30], $0x80  }
0x93: {  	[sflag:s30] =	ssyncset.done $0x0  }
0x94: {  	[sflag:s30] =	ssyncadd.s32 $0xFFFFFF80  }
0x95: {  	v63 =	vld [tilespmem:s2+$0x2710];
	_ =	sdelay $0x7  }
0x96: {  	v0 =	vld.idx.msk [tilespmem:v63+s3+$0x0], $0xffff;
	_ =	sdelay $0x4  }
0x97: {  	[tilespmem:$0xC680] =	vst v0  }
0x98: {  	v0 =	vld [tilespmem:s2+$0x7590];
	_ =	sdelay $0x4  }
0x99: {  	[tilespmem:$0xC500] =	vst v0  }
0x9a: {  	v0 =	vld [tilespmem:s2+$0x2720];
	_ =	sdelay $0x7  }
0x9b: {  	v0 =	vld.idx.msk [tilespmem:v0+s3+$0x0], $0xffff;
	_ =	sdelay $0x4  }
0x9c: {  	[tilespmem:$0xC690] =	vst v0  }
0x9d: {  	v0 =	vld [tilespmem:s2+$0x75A0];
	_ =	sdelay $0x4  }
0x9e: {  	[tilespmem:$0xC510] =	vst v0  }
0x9f: {  	v0 =	vld [tilespmem:s2+$0x2730];
	_ =	sdelay $0x7  }
0xa0: {  	v0 =	vld.idx.msk [tilespmem:v0+s3+$0x0], $0xffff;
	_ =	sdelay $0x4  }
0xa1: {  	[tilespmem:$0xC6A0] =	vst v0  }
0xa2: {  	v0 =	vld [tilespmem:s2+$0x75B0];
	_ =	sdelay $0x4  }
0xa3: {  	[tilespmem:$0xC520] =	vst v0  }
0xa4: {  	v0 =	vld [tilespmem:s2+$0x2740];
	_ =	sdelay $0x7  }
0xa5: {  	v0 =	vld.idx.msk [tilespmem:v0+s3+$0x0], $0xffff;
	_ =	sdelay $0x4  }
0xa6: {  	[tilespmem:$0xC6B0] =	vst v0  }
0xa7: {  	v0 =	vld [tilespmem:s2+$0x75C0];
	_ =	sdelay $0x4  }
0xa8: {  	[tilespmem:$0xC530] =	vst v0  }
0xa9: {  	v0 =	vld [tilespmem:s2+$0x2750];
	_ =	sdelay $0x7  }
0xaa: {  	v0 =	vld.idx.msk [tilespmem:v0+s3+$0x0], $0xffff;
	_ =	sdelay $0x4  }
0xab: {  	[tilespmem:$0xC6C0] =	vst v0  }
0xac: {  	v0 =	vld [tilespmem:s2+$0x75D0];
	_ =	sdelay $0x4  }
0xad: {  	[tilespmem:$0xC540] =	vst v0  }
0xae: {  	v0 =	vld [tilespmem:s2+$0x2760];
	_ =	sdelay $0x7  }
0xaf: {  	v0 =	vld.idx.msk [tilespmem:v0+s3+$0x0], $0xffff;
	_ =	sdelay $0x4  }
0xb0: {  	[tilespmem:$0xC6D0] =	vst v0  }
0xb1: {  	v0 =	vld [tilespmem:s2+$0x75E0];
	_ =	sdelay $0x4  }
0xb2: {  	[tilespmem:$0xC550] =	vst v0  }
0xb3: {  	v0 =	vld [tilespmem:s2+$0x2770];
	_ =	sdelay $0x7  }
0xb4: {  	v0 =	vld.idx.msk [tilespmem:v0+s3+$0x0], $0xffff;
	_ =	sdelay $0x4  }
0xb5: {  	[tilespmem:$0xC6E0] =	vst v0  }
0xb6: {  	v0 =	vld [tilespmem:s2+$0x75F0];
	_ =	sdelay $0x4  }
0xb7: {  	[tilespmem:$0xC560] =	vst v0  }
0xb8: {  	v0 =	vld [tilespmem:s2+$0x2780];
	_ =	sdelay $0x7  }
0xb9: {  	v0 =	vld.idx.msk [tilespmem:v0+s3+$0x0], $0xffff;
	_ =	sdelay $0x4  }
0xba: {  	[tilespmem:$0xC6F0] =	vst v0  }
0xbb: {  	v0 =	vld [tilespmem:s2+$0x7600]  }
0xbc: {  	p1 =	sne.s32 s0, $0x137C0  }
.Ltmp0:
0xbd: {  	_ = 	snop;
	(pc) =	sbr.rel @p1 .LBB2_2-.Ltmp0, $3  }
0xbe: {  	_ =	sdelay $0x1  }
0xbf: {  	s0 =	sadd.s32 $0x400, s0;
	[tilespmem:$0xC570] =	vst v0  }
0xc0: {  	[spmem:s1] =	stream.indirect.scatter.add.f32 [tilespmem:s28], [sflag:$0x2], $0x1, s26, s23, $0xb8;
	[tilespmem:$0xD078] =	vst v63  }
0xc1: {  	_ =	swait.ge [sflag:s29], $0x80  }
0xc2: {  	[sflag:s29] =	ssyncset.done $0x0  }
0xc3: {  	[sflag:s29] =	ssyncadd.s32 $0xFFFFFF80  }
0xc4: {  	_ =	swait.ge [sflag:s30], $0x80  }
0xc5: {  	[sflag:s30] =	ssyncset.done $0x0  }
0xc6: {  	[sflag:s30] =	ssyncadd.s32 $0xFFFFFF80  }
0xc7: {  	v0 =	vld [tilespmem:$0x7580];
	_ =	sdelay $0x5  }
0xc8: {  	v1 =	vld [tilespmem:$0x7590]  }
0xc9: {  	v2 =	vld [tilespmem:$0xC400]  }
0xca: {  	v0 =	vld.idx.msk [tilespmem:v0+s3+$0x0], $0xffff;
	_ =	sdelay $0x3  }
0xcb: {  	[tilespmem:$0xC580] =	vst v2  }
0xcc: {  	v46 =	vld [tilespmem:$0xC410];
	[tilespmem:$0xC600] =	vst v0  }
0xcd: {  	v0 =	vld.idx.msk [tilespmem:v1+s3+$0x0], $0xffff;
	_ =	sdelay $0x3  }
0xce: {  	[tilespmem:$0xC590] =	vst v46  }
0xcf: {  	s0 =	simm.s32 $0x20;
	s2 =	simm.s32 $0xC580;
	[tilespmem:$0xC610] =	vst v0  }
0xd0: {  	[spmem:s1] =	stream.indirect.scatter.add.f32 [tilespmem:s25], [sflag:$0x3], $0x1, s2, s0, $0xb8;
	[tilespmem:$0xD078] =	vst v63  }
0xd1: {  	_ =	swait.ge [sflag:s19], $0x20  }
0xd2: {  	[sflag:s19] =	ssyncset.done $0x0  }
0xd3: {  	[sflag:s19] =	ssyncadd.s32 $0xFFFFFFE0  }
0xd4: {  	[bflag:$0x0] =	sbarrier.arrive $0xFFFF  }
0xd5: {  	[tilespmem:s22], [sflag:$0x3] =	stream.linear.gather [spmem:s10], $0x138, $0x38;
	[tilespmem:$0xD078] =	vst v63  }
0xd6: {  	_ =	swait.ge [sflag:s19], $0x138  }
0xd7: {  	[sflag:s19] =	ssyncset.done $0x0  }
0xd8: {  	s2 =	simm.s32 $0xC980;
	[sflag:s19] =	ssyncadd.s32 $0xFFFFFEC8  }
0xd9: {  	[tilespmem:s2], [sflag:$0x3] =	stream.linear.gather [hbm4b:s11+s3], $0x138, $0x38;
	[tilespmem:$0xD078] =	vst v63  }
0xda: {  	_ =	swait.ge [sflag:s19], $0x138  }
0xdb: {  	[sflag:s19] =	ssyncset.done $0x0  }
0xdc: {  	s20 =	simm.s32 $0xCB00;
	[sflag:s19] =	ssyncadd.s32 $0xFFFFFEC8  }
0xdd: {  	[tilespmem:s20], [sflag:$0x3] =	stream.linear.gather [hbm4b:s12+s3], $0x138, $0x38;
	[tilespmem:$0xD078] =	vst v63  }
0xde: {  	_ =	swait.ge [sflag:s19], $0x138  }
0xdf: {  	[sflag:s19] =	ssyncset.done $0x0  }
0xe0: {  	[sflag:s19] =	ssyncadd.s32 $0xFFFFFEC8  }
0xe1: {  	v47 =	vld [tilespmem:$0xC980]  }
0xe2: {  	v48 =	vld [tilespmem:$0xC700]  }
0xe3: {  	v49 =	vld [tilespmem:$0xCB00]  }
0xe4: {  	v3 =	vld [tilespmem:$0xC990]  }
0xe5: {  	v4 =	vld [tilespmem:$0xC710]  }
0xe6: {  	v5 =	vld [tilespmem:$0xCB10]  }
0xe7: {  	v6 =	vld [tilespmem:$0xC9A0]  }
0xe8: {  	v7 =	vld [tilespmem:$0xC720]  }
0xe9: {  	v8 =	vld [tilespmem:$0xCB20]  }
0xea: {  	v9 =	vld [tilespmem:$0xC9B0]  }
0xeb: {  	v10 =	vld [tilespmem:$0xC730]  }
0xec: {  	v11 =	vld [tilespmem:$0xCB30]  }
0xed: {  	v12 =	vld [tilespmem:$0xC9C0]  }
0xee: {  	v13 =	vld [tilespmem:$0xC740]  }
0xef: {  	v14 =	vld [tilespmem:$0xCB40]  }
0xf0: {  	v15 =	vld [tilespmem:$0xC9D0]  }
0xf1: {  	v16 =	vld [tilespmem:$0xC750]  }
0xf2: {  	v17 =	vld [tilespmem:$0xCB50]  }
0xf3: {  	v18 =	vld [tilespmem:$0xC9E0]  }
0xf4: {  	v19 =	vld [tilespmem:$0xC760]  }
0xf5: {  	v20 =	vld [tilespmem:$0xCB60]  }
0xf6: {  	v21 =	vld [tilespmem:$0xC9F0]  }
0xf7: {  	v22 =	vld [tilespmem:$0xC770]  }
0xf8: {  	v23 =	vld [tilespmem:$0xCB70]  }
0xf9: {  	v24 =	vld [tilespmem:$0xCA00]  }
0xfa: {  	v25 =	vld [tilespmem:$0xC780]  }
0xfb: {  	v26 =	vld [tilespmem:$0xCB80]  }
0xfc: {  	v27 =	vld [tilespmem:$0xCA10]  }
0xfd: {  	v28 =	vld [tilespmem:$0xC790]  }
0xfe: {  	v29 =	vld [tilespmem:$0xCB90]  }
0xff: {  	v30 =	vld [tilespmem:$0xCA20]  }
0x100: {  	v31 =	vld [tilespmem:$0xC7A0]  }
0x101: {  	v32 =	vld [tilespmem:$0xCBA0]  }
0x102: {  	v33 =	vld [tilespmem:$0xCA30]  }
0x103: {  	v34 =	vld [tilespmem:$0xC7B0]  }
0x104: {  	v35 =	vld [tilespmem:$0xCBB0]  }
0x105: {  	v36 =	vld [tilespmem:$0xCA40]  }
0x106: {  	v37 =	vld [tilespmem:$0xC7C0]  }
0x107: {  	v38 =	vld [tilespmem:$0xCBC0]  }
0x108: {  	v39 =	vld [tilespmem:$0xCA50]  }
0x109: {  	v40 =	vld [tilespmem:$0xC7D0]  }
0x10a: {  	v41 =	vld [tilespmem:$0xCBD0]  }
0x10b: {  	v42 =	vld [tilespmem:$0xCA60]  }
0x10c: {  	v1 =	vld [tilespmem:$0xC7E0];
	v0 =	vmul.f32 v48, v47  }
0x10d: {  	v52 =	vld [tilespmem:$0xC7F0];
	v3 =	vmul.f32 v4, v3  }
0x10e: {  	v57 =	vld [tilespmem:$0xCA80];
	v50 =	vmul.f32 v7, v6;
	v0 =	vadd.f32 v49, v0  }
0x10f: {  	v60 =	vld [tilespmem:$0xC800];
	v51 =	vmul.f32 v10, v9;
	v3 =	vadd.f32 v5, v3  }
0x110: {  	v63 =	vld [tilespmem:$0xCC00];
	v54 =	vmul.f32 v13, v12;
	v53 =	vadd.f32 v8, v50;
	[tilespmem:$0xCC80] =	vst v0  }
0x111: {  	v45 =	vld [tilespmem:$0xC820];
	v56 =	vmul.f32 v16, v15;
	v55 =	vadd.f32 v11, v51;
	[tilespmem:$0xCC90] =	vst v3  }
0x112: {  	v4 =	vld [tilespmem:$0xCBE0];
	v59 =	vmul.f32 v19, v18;
	v58 =	vadd.f32 v14, v54;
	[tilespmem:$0xCCA0] =	vst v53  }
0x113: {  	v6 =	vld [tilespmem:$0xCA70];
	v62 =	vmul.f32 v22, v21;
	v61 =	vadd.f32 v17, v56;
	[tilespmem:$0xCCB0] =	vst v55  }
0x114: {  	v21 =	vmul.f32 v25, v24;
	v22 =	vld [tilespmem:$0xCA90];
	v20 =	vadd.f32 v20, v59;
	[tilespmem:$0xCCC0] =	vst v58  }
0x115: {  	v24 =	vmul.f32 v28, v27;
	v25 =	vld [tilespmem:$0xC810];
	v23 =	vadd.f32 v23, v62;
	[tilespmem:$0xCCD0] =	vst v61  }
0x116: {  	v28 =	vmul.f32 v31, v30;
	v30 =	vld [tilespmem:$0xCC10];
	v27 =	vadd.f32 v26, v21;
	[tilespmem:$0xCCE0] =	vst v20  }
0x117: {  	v33 =	vmul.f32 v34, v33;
	v34 =	vld [tilespmem:$0xCAA0];
	v31 =	vadd.f32 v29, v24;
	[tilespmem:$0xCCF0] =	vst v23  }
0x118: {  	v44 =	vmul.f32 v37, v36;
	v48 =	vld [tilespmem:$0xCAA8];
	v43 =	vadd.f32 v32, v28;
	[tilespmem:$0xCD00] =	vst v27  }
0x119: {  	v47 =	vmul.f32 v40, v39;
	v8 =	vld [tilespmem:$0xCBF0];
	v46 =	vadd.f32 v35, v33;
	[tilespmem:$0xCD10] =	vst v31  }
0x11a: {  	v1 =	vmul.f32 v1, v42;
	v49 =	vadd.f32 v38, v44;
	v50 =	vld [tilespmem:$0xC828];
	[tilespmem:$0xCD20] =	vst v43  }
0x11b: {  	v51 =	vadd.f32 v41, v47;
	[tilespmem:$0xCD30] =	vst v46;
	v53 =	vld [tilespmem:$0xCC20];
	v55 =	vmul.f32 v60, v57  }
0x11c: {  	v56 =	vld [tilespmem:$0xCC28];
	[tilespmem:$0xCD40] =	vst v49;
	v52 =	vmul.f32 v52, v6;
	v54 =	vadd.f32 v4, v1  }
0x11d: {  	[tilespmem:$0xCD50] =	vst v51;
	v58 =	vmul.f32 v25, v22;
	v59 =	vadd.f32 v63, v55  }
0x11e: {  	v60 =	vmul.f32 v45, v34;
	v57 =	vadd.f32 v8, v52;
	[tilespmem:$0xCD60] =	vst v54  }
0x11f: {  	v61 =	vadd.f32 v30, v58;
	v2 =	vmul.f32 v50, v48;
	[tilespmem:$0xCD80] =	vst v59  }
0x120: {  	[tilespmem:$0xCD70] =	vst v57;
	v62 =	vadd.f32 v53, v60  }
0x121: {  	[tilespmem:$0xCD90] =	vst v61;
	v63 =	vadd.f32 v56, v2  }
0x122: {  	[tilespmem:$0xCDA0] =	vst v62  }
0x123: {  	[tilespmem:$0xCDA8] =	vst v63  }
0x124: {  	[hbm4b:s13+s3] =	stream.linear.scatter [tilespmem:s21], [sflag:$0x3], $0x138, $0x38;
	[tilespmem:$0xD078] =	vst v63  }
0x125: {  	_ =	swait.ge [sflag:s19], $0x138  }
0x126: {  	[sflag:s19] =	ssyncset.done $0x0  }
0x127: {  	s0 =	simm.s32 @!p0 $0xC700;
	[sflag:s19] =	ssyncadd.s32 $0xFFFFFEC8  }
0x128: {  	[tilespmem:s0], [sflag:$0x3] =	stream.linear.gather @!p0 [spmem:s14], $0x10, $0x38;
	[tilespmem:$0xD078] =	vst v63  }
0x129: {  	s0 =	simm.s32 @!p0 $0x3  }
0x12a: {  	_ =	swait.ge @!p0 [sflag:s0], $0x10  }
0x12b: {  	[sflag:s0] =	ssyncset.done @!p0 $0x0  }
0x12c: {  	s2 =	simm.s32 @!p0 $0x0;
	s20 =	simm.s32 @!p0 $0xC980;
	[sflag:s0] =	ssyncadd.s32 @!p0 $0xFFFFFFF0  }
0x12d: {  	[tilespmem:s20], [sflag:$0x3] =	stream.linear.gather @!p0 [hbm4b:s15+s2], $0x10, $0x38;
	[tilespmem:$0xD078] =	vst v63  }
0x12e: {  	_ =	swait.ge @!p0 [sflag:s0], $0x10  }
0x12f: {  	[sflag:s0] =	ssyncset.done @!p0 $0x0  }
0x130: {  	s20 =	simm.s32 @!p0 $0xCB00;
	[sflag:s0] =	ssyncadd.s32 @!p0 $0xFFFFFFF0  }
0x131: {  	[tilespmem:s20], [sflag:$0x3] =	stream.linear.gather @!p0 [hbm4b:s16+s2], $0x10, $0x38;
	[tilespmem:$0xD078] =	vst v63  }
0x132: {  	_ =	swait.ge @!p0 [sflag:s0], $0x10  }
0x133: {  	[sflag:s0] =	ssyncset.done @!p0 $0x0  }
0x134: {  	[sflag:s0] =	ssyncadd.s32 @!p0 $0xFFFFFFF0  }
0x135: {  	v0 =	vld @!p0 [tilespmem:$0xC980]  }
0x136: {  	v1 =	vld @!p0 [tilespmem:$0xC700];
	_ =	sdelay $0x1  }
0x137: {  	v2 =	vld @!p0 [tilespmem:$0xCB00];
	_ =	sdelay $0x2  }
0x138: {  	v0 =	vmul.f32 @!p0 v1, v0;
	_ =	sdelay $0x1  }
0x139: {  	s31 =	sadd.s32 $0x1, s31;
	v0 =	vadd.f32 @!p0 v2, v0  }
0x13a: {  	p1 =	sne.s32 s31, s18  }
.Ltmp1:
0x13b: {  	s20 =	simm.s32 @!p0 $0xCC80;
	[tilespmem:$0xCC80] =	vst @!p0 v0;
	(pc) =	sbr.rel @p1 .LBB2_1-.Ltmp1, $4  }
0x13c: {  	[hbm4b:s17+s2] =	stream.linear.scatter @!p0 [tilespmem:s20], [sflag:$0x3], $0x10, $0x38;
	[tilespmem:$0xD078] =	vst v63  }
0x13d: {  	_ =	swait.ge @!p0 [sflag:s0], $0x10  }
0x13e: {  	[sflag:s0] =	ssyncset.done @!p0 $0x0  }
0x13f: {  	[sflag:s0] =	ssyncadd.s32 @!p0 $0xFFFFFFF0  }
0x140: {  	_ =	sfence.sel $0x180000  }
0x141: {  	[bflag:$0x0] =	sbarrier.arrive $0xFFFF  }
0x142: {  	_ =	strace $0x9000004D  }
0x143: {  	s0 =	stileid.u32;
	[bflag:$0x2] =	sbarrier.arrive $0xFFFF  }
0x144: {  	p0 =	sne.s32 s0, $0x0;
	s0 =	rddreg [dreg:$0x3]  }
0x145: {  	s0 =	sadd.s32 @!p0 $0x100000, s0  }
0x146: {  	[sflag:s0] =	ssyncadd.tile.s32 @!p0 $0x1;
	_ =	shalt  }
.Lfunc_end2:
_tile_overlayer_lowered:
.L_overlay_start_2:
0x147: {  	(tag) =	ssettag $0x2  }
0x148: {  	s0 =	rddreg [dreg:$0x0];
	s2 =	stileid.u32  }
0x149: {  	s1 =	rddreg [dreg:$0x1];
	p0 =	sne.s32 s2, $0x0  }
0x14a: {  	s3 =	rddreg [dreg:$0x2];
	[bflag:$0x3] =	sbarrier.arrive $0xFFFF;
	s2 =	simm.s32 @!p0 $0x1C03  }
0x14b: {  	[timem:s3], [sflag:s2] =	dma.local @!p0 [hbm:s0], s1  }
0x14c: {  	s0 =	simm.s32 @!p0 $0x3  }
0x14d: {  	_ =	swait.ge @!p0 [sflag:s0], s1  }
0x14e: {  	s1 =	ssub.s32 @!p0 $0x0, s1;
	[sflag:s0] =	ssyncset.done @!p0 $0x0  }
0x14f: {  	[sflag:s0] =	ssyncadd.s32 @!p0 s1  }
0x150: {  	[bflag:$0x3] =	sbarrier.arrive $0xFFFF  }
0x151: {  	_ =	shalt  }

// kernel: kernel.7.cloned.1.call-start
scs
__scs_entry_jumppad:
0x0: {  	(pc) =	sbr.rel $0x88, $3  }
0x1: {  	(tag) =	ssettag $0x0;
	lr =	simm.s32 $0x1  }
0x2: {  	[smem:$0x3F99] =	sst lr;
	_ =	strace $0xD0000000  }
0x3: {  	_ = 	snop  }
0x4: {  	_ = 	snop  }
0x5: {  	_ = 	snop  }
0x6: {  	_ = 	snop  }
0x7: {  	_ = 	snop  }
__scs_overlays_trampoline_lowered:
0x8: {  	[smem:$0x3FA8] =	sst s0  }
0x9: {  	[smem:$0x3FA9] =	sst s1  }
0xa: {  	[smem:$0x3FAA] =	sst s2  }
0xb: {  	[smem:$0x3FAB] =	sst s3  }
0xc: {  	[smem:$0x3FAC] =	sst s4  }
0xd: {  	[smem:$0x3FAD] =	sst s5  }
0xe: {  	[smem:$0x3FAE] =	sst s6  }
0xf: {  	[smem:$0x3FAF] =	sst s7  }
0x10: {  	[smem:$0x3FB0] =	sst s8  }
0x11: {  	[smem:$0x3FB1] =	sst s9;
	s0 =	simm.s32 @!p0 $0x0  }
0x12: {  	s1 =	sld [smem:$0x3F97];
	s0 =	simm.s32 @p0 $0x1  }
0x13: {  	[smem:$0x3FB2] =	sst s0;
	s0 =	simm.s32 @!p1 $0x0  }
0x14: {  	s2 =	sld [smem:$0x3F96];
	s0 =	simm.s32 @p1 $0x1  }
0x15: {  	[smem:$0x3FB3] =	sst s0;
	s0 =	simm.s32 @!p2 $0x0  }
0x16: {  	s3 =	sld [smem:$0x3FDB];
	s0 =	simm.s32 @p2 $0x1  }
0x17: {  	s4 =	simm.s32 $0x1BF5;
	[smem:$0x3FB5] =	sst s0  }
0x18: {  	s0 =	sld [smem:$0x3F98];
	_ =	swait.ge [sflag:s4], $0x0  }
0x19: {  	s7 =	sld [smem:$0x3F99]  }
0x1a: {  	s8 =	sadd.s32 $0xFFFFE003, lr  }
0x1b: {  	s9 =	sadd.s32 $0xFFFFFEF7, lr;
	s5 =	simm.s32 $0xFFFFFFFF;
	p2 =	slt.u32 s8, $0xFFFFF086  }
0x1c: {  	p1 =	slt.u32 s9, $0xF7A;
	s5 =	simm.s32 @!p2 $0x0  }
0x1d: {  	s5 =	simm.s32 @p1 $0x1;
	p0 =	seq.s32 s7, s2  }
0x1e: {  	s7 =	smul.u32 @!p0 $0xF7A, s2;
	p2 =	seq.s32 @!p0 s5, $0x0  }
0x1f: {  	s9 =	smul.u32 $0xF7A, s1;
	s8 =	simm.s32 @!p0 $0x1BF5;
	p2 =	por !p2, p0  }
0x20: {  	[sflag:s8] =	ssyncset.s32 @!p0 $0xFFFFF086;
	s6 =	sadd.s32 @!p0 s3, s7;
	s7 =	simm.s32 @!p0 $0x108  }
0x21: {  	s3 =	sadd.s32 s3, s9;
	s6 =	sadd.s32 @!p0 $0x88, s6;
	s7 =	simm.s32 @p2 $0x1082  }
0x22: {  	[simem:s7], [sflag:s8] =	dma.local @!p0 [hbm:s6], $0xF7A  }
0x23: {  	s9 =	sor.u32 $0xD0000000, s2;
	s6 =	simm.s32 $0x108;
	_ =	swait.ge @!p0 [sflag:s8], $0x0  }
0x24: {  	s3 =	sadd.s32 $0x88, s3;
	s6 =	simm.s32 @!p1 $0x1082;
	[sflag:s4] =	ssyncset.s32 $0xFFFFF086  }
0x25: {  	[simem:s6], [sflag:s4] =	dma.local [hbm:s3], $0xF7A  }
0x26: {  	[smem:$0x3F99] =	sst s1;
	(tag) =	ssettag s2;
	_ =	strace s9  }
0x27: {  	s1 =	sld [smem:$0x3FA9]  }
0x28: {  	s2 =	sld [smem:$0x3FAA]  }
0x29: {  	s4 =	sld [smem:$0x3FAC]  }
0x2a: {  	p0 =	seq.s32 s5, $0x0;
	s5 =	sld [smem:$0x3FAD]  }
0x2b: {  	s6 =	sld [smem:$0x3FAE]  }
0x2c: {  	s7 =	sld [smem:$0x3FAF]  }
0x2d: {  	s3 =	simm.s32 $0x108;
	s8 =	sld [smem:$0x3FB0]  }
0x2e: {  	s3 =	simm.s32 @!p0 $0x1082;
	s9 =	sld [smem:$0x3FB1]  }
0x2f: {  	lr =	sadd.s32 s0, s3;
	s0 =	sld [smem:$0x3FA8]  }
0x30: {  	s3 =	sld [smem:$0x3FAB]  }
0x31: {  	[smem:$0x3FB4] =	sst s10  }
0x32: {  	s10 =	sld [smem:$0x3FB2];
	_ =	sdelay $0x3  }
0x33: {  	p0 =	seq.s32 s10, $0x1;
	s10 =	sld [smem:$0x3FB4];
	_ =	sdelay $0x3  }
0x34: {  	[smem:$0x3FB4] =	sst s10  }
0x35: {  	s10 =	sld [smem:$0x3FB3];
	_ =	sdelay $0x3  }
0x36: {  	p1 =	seq.s32 s10, $0x1;
	s10 =	sld [smem:$0x3FB4];
	_ =	sdelay $0x3  }
0x37: {  	[smem:$0x3FB4] =	sst s10  }
0x38: {  	s10 =	sld [smem:$0x3FB5]  }
0x39: {  	_ = 	snop;
	(pc) =	sbr.ind lr, $3  }
0x3a: {  	_ = 	snop  }
0x3b: {  	_ = 	snop  }
0x3c: {  	p2 =	seq.s32 s10, $0x1;
	s10 =	sld [smem:$0x3FB4]  }
0x3d: {  	_ =	shalt  }
0x3e: {  	_ =	shalt  }
0x3f: {  	_ =	shalt  }
0x40: {  	_ =	shalt  }
0x41: {  	_ =	shalt  }
0x42: {  	_ =	shalt  }
0x43: {  	_ =	shalt  }
0x44: {  	_ =	shalt  }
0x45: {  	_ =	shalt  }
0x46: {  	_ =	shalt  }
0x47: {  	_ =	shalt  }
0x48: {  	_ =	shalt  }
0x49: {  	_ =	shalt  }
0x4a: {  	_ =	shalt  }
0x4b: {  	_ =	shalt  }
0x4c: {  	_ =	shalt  }
0x4d: {  	_ =	shalt  }
0x4e: {  	_ =	shalt  }
0x4f: {  	_ =	shalt  }
0x50: {  	_ =	shalt  }
0x51: {  	_ =	shalt  }
0x52: {  	_ =	shalt  }
0x53: {  	_ =	shalt  }
0x54: {  	_ =	shalt  }
0x55: {  	_ =	shalt  }
0x56: {  	_ =	shalt  }
0x57: {  	_ =	shalt  }
0x58: {  	_ =	shalt  }
0x59: {  	_ =	shalt  }
0x5a: {  	_ =	shalt  }
0x5b: {  	_ =	shalt  }
0x5c: {  	_ =	shalt  }
0x5d: {  	_ =	shalt  }
0x5e: {  	_ =	shalt  }
0x5f: {  	_ =	shalt  }
0x60: {  	_ =	shalt  }
0x61: {  	_ =	shalt  }
0x62: {  	_ =	shalt  }
0x63: {  	_ =	shalt  }
0x64: {  	_ =	shalt  }
0x65: {  	_ =	shalt  }
0x66: {  	_ =	shalt  }
0x67: {  	_ =	shalt  }
0x68: {  	_ =	shalt  }
0x69: {  	_ =	shalt  }
0x6a: {  	_ =	shalt  }
0x6b: {  	_ =	shalt  }
0x6c: {  	_ =	shalt  }
0x6d: {  	_ =	shalt  }
0x6e: {  	_ =	shalt  }
0x6f: {  	_ =	shalt  }
0x70: {  	_ =	shalt  }
0x71: {  	_ =	shalt  }
0x72: {  	_ =	shalt  }
0x73: {  	_ =	shalt  }
0x74: {  	_ =	shalt  }
0x75: {  	_ =	shalt  }
0x76: {  	_ =	shalt  }
0x77: {  	_ =	shalt  }
0x78: {  	_ =	shalt  }
0x79: {  	_ =	shalt  }
0x7a: {  	_ =	shalt  }
0x7b: {  	_ =	shalt  }
0x7c: {  	_ =	shalt  }
0x7d: {  	_ =	shalt  }
0x7e: {  	_ =	shalt  }
0x7f: {  	_ =	shalt  }
0x80: {  	_ =	shalt  }
0x81: {  	_ =	shalt  }
0x82: {  	_ =	shalt  }
0x83: {  	_ =	shalt  }
0x84: {  	_ =	shalt  }
0x85: {  	_ =	shalt  }
0x86: {  	_ =	shalt  }
0x87: {  	_ =	shalt  }
.Lfunc_end0:
.L_simem_size_0:
called_computation_lowered:
.L_overlay_start_0:
0x88: {  	s2 =	sld [smem:$0x3FD9]  }
0x89: {  	s3 =	sld [smem:$0x3FFE];
	_ =	sdelay $0x1  }
0x8a: {  	s1 =	srdreg.scid  }
0x8b: {  	s0 =	sand.u32 $0x1, s1  }
0x8c: {  	s16 =	sshll.u32 s0, $0xA;
	s2 =	sadd.s32 s3, s2  }
0x8d: {  	s2 =	sadd.s32 s2, s16  }
0x8e: {  	[smem:$0x3FC0] =	sst s2  }
0x8f: {  	_ = 	snop  }
0x90: {  	(tm) =	ssettm $0x1  }
0x91: {  	s17 =	sld [smem:$0x3FFB];
	_ =	sdelay $0x3  }
0x92: {  	_ =	strace s17  }
0x93: {  	s2 =	sld [smem:$0x3FFC];
	_ =	sdelay $0x3  }
0x94: {  	_ =	strace s2  }
0x95: {  	s2 =	sld [smem:$0x3FFD];
	_ =	sdelay $0x3  }
0x96: {  	_ =	strace s2  }
0x97: {  	_ =	strace $0x8FFFFFFF  }
0x98: {  	s18 =	sld [smem:$0x3FDB];
	_ =	sdelay $0x1  }
0x99: {  	s19 =	simm.s32 $_scs_section_size  }
0x9a: {  	s4 =	simm.s32 $_size__tile_overlayer_lowered;
	s5 =	simm.s32 $_tile_overlayer_lowered  }
0x9b: {  	s22 =	simm.s32 $0x1BFF;
	s21 =	sshll.u32 s5, $0x1;
	s2 =	sadd.s32 s19, s18  }
0x9c: {  	s6 =	simm.s32 $0x0;
	s20 =	sshll.u32 s4, $0x1;
	s4 =	sadd.s32 s21, s2  }
0x9d: {  	[timem:s6], [sflag:s22] =	dma.local [hbm:s4], s20  }
0x9e: {  	_ =	swait.ge [sflag:s22], s20  }
0x9f: {  	s3 =	ssub.s32 $0x0, s20;
	[sflag:s22] =	ssyncset.done $0x0  }
0xa0: {  	[sflag:s22] =	ssyncadd.s32 s3;
	_ =	sdelay $0x1  }
0xa1: {  	s23 =	simm.s32 $0x1B8B  }
0xa2: {  	_ =	swait.ge [sflag:s23], $0x1  }
0xa3: {  	[sflag:s23] =	ssyncset.done $0x0  }
0xa4: {  	s25 =	simm.s32 $0x1B8E;
	s24 =	sld [smem:$0x3FFE];
	[sflag:s23] =	ssyncadd.s32 $0xFFFFFFFF  }
0xa5: {  	s26 =	simm.s32 $execute0_lowered;
	[smem:$0x3FD2] =	sst s25  }
0xa6: {  	s4 =	sshll.u32 s26, $0x1;
	_ =	strace $0x80000046;
	[dreg:$0x1] =	wrdreg $0xFFFFFFFF  }
0xa7: {  	s28 =	simm.s32 $_size_execute0_lowered;
	s2 =	sadd.s32 s2, s4;
	[dreg:$0x0] =	wrdreg $0x0  }
0xa8: {  	s4 =	sshll.u32 s28, $0x1;
	[dreg:$0x2] =	wrdreg s2  }
0xa9: {  	[dreg:$0x3] =	wrdreg s4  }
0xaa: {  	[dreg:$0x4] =	wrdreg $0xC0  }
0xab: {  	_ =	task [dreg:s6], $0x5FFFF  }
0xac: {  	[dreg:$0x1] =	wrdreg $0xFFFFFFFF  }
0xad: {  	[dreg:$0x0] =	wrdreg $0x60  }
0xae: {  	[dreg:$0x2] =	wrdreg s24  }
0xaf: {  	[dreg:$0x3] =	wrdreg $0x2C000  }
0xb0: {  	[dreg:$0x4] =	wrdreg $0x9  }
0xb1: {  	_ =	task.clear_ibuf [dreg:s6], $0x5FFFF;
	_ =	strace $0x90000046  }
0xb2: {  	s29 =	simm.s32 $0x9;
	_ =	strace $0x80000048  }
0xb3: {  	_ =	swait.ge [sflag:s29], $0x1  }
0xb4: {  	[sflag:s29] =	ssyncadd.s32 $0xFFFFFFFF  }
0xb5: {  	_ =	strace $0x90000048  }
0xb6: {  	_ =	sfence  }
0xb7: {  	s30 =	sld [smem:$0x0];
	_ =	sdelay $0x2  }
0xb8: {  	s31 =	sshll.u32 s1, $0xD;
	s1 =	sshrl.u32 s1, $0x2  }
0xb9: {  	s3 =	sand.u32 $0x4000, s31;
	s1 =	sadd.s32 s1, s30  }
0xba: {  	s0 =	sor.u32 s3, s0;
	s1 =	sshll.u32 s1, $0x11  }
0xbb: {  	s0 =	sor.u32 s1, s0  }
0xbc: {  	s0 =	sadd.s32 $0x8F2B, s0  }
0xbd: {  	[sflag:s0] =	ssyncadd.remote.s32 $0x1  }
0xbe: {  	_ =	sfence.sel $0xFFFF  }
0xbf: {  	[dreg:$0x0] =	wrdreg $0xFFFFFFFF;
	(pc) =	sbr.abs _section_cstart, $3  }
0xc0: {  	[dreg:$0x1] =	wrdreg $0xFFFFFFFF  }
0xc1: {  	_ =	task.clear_ibuf [dreg:s6], $0x2FFFF;
	_ =	strace $0x9FFFFFFF  }
0xc2: {  	(tm) =	ssettm $0x7FFFFFFF  }
0xc3: {  	_ =	shalt  }
tec
execute0_lowered:
.L_overlay_start_1:
0x0: {  	(tag) =	ssettag $0x1  }
0x1: {  	s5 =	rddreg [dreg:$0x0]  }
0x2: {  	s0 =	srdreg.scid;
	s2 =	rddreg [dreg:$0x1]  }
0x3: {  	s1 =	stileid.u32;
	s3 =	simm.s32 $0x0;
	s13 =	simm.s32 $0x80  }
0x4: {  	s14 =	simm.s32 $0x2780;
	s15 =	simm.s32 $0x2900;
	s16 =	simm.s32 $0x2800  }
0x5: {  	s17 =	simm.s32 $0x1;
	s18 =	simm.s32 $0x2;
	s19 =	simm.s32 $0x10  }
0x6: {  	s20 =	simm.s32 $0x2880;
	s6 =	sand.u32 $0x1, s0;
	s0 =	rddreg [dreg:$0x2]  }
0x7: {  	s21 =	simm.s32 $0x0;
	[smem:$0x7FF] =	sst s3;
	s9 =	smul.u32 $0x270, s1  }
0x8: {  	s12 =	sadd.s32 $0x15000, s5;
	p0 =	sne.s32 s1, $0xF;
	s4 =	sshll.u32 s6, $0x4  }
0x9: {  	_ =	strace $0x80000047;
	s8 =	ssub.s32 $0x2, s6;
	s11 =	smul.u32 $0x2710, s6  }
0xa: {  	s4 =	sor.u32 s1, s4;
	s10 =	sshrl.u32 s8, $0x1;
	s6 =	sadd.s32 s9, s2  }
0xb: {  	s4 =	smul.u32 $0x4E2, s4;
	s10 =	ssub.s32 s8, s10;
	s30 =	sadd.s32 s9, s11  }
0xc: {  	s31 =	sshrl.u32 s11, $0x3;
	s11 =	simm.s32 $0x3;
	s8 =	sshrl.u32 s30, $0x3  }
0xd: {  	s9 =	sadd.s32 s12, s31;
	s10 =	smax.u32 s10, $0x1;
	s7 =	sadd.s32 s4, s5  }
0xe: {  	s4 =	sadd.s32 $0x14E00, s5;
	s8 =	sadd.s32 s12, s8;
	s9 =	sadd.s32 $0x4E0, s9  }
0xf: {  	v0 =	vimm.f32 $1.000000000e+00;
	s12 =	simm.s32 $0x2980;
	s5 =	sadd.s32 $0xB000, s7;
	s7 =	sadd.s32 $0x2700, s2  }
.LBB2_1:
0x10: {  	[tilespmem:s3], [sflag:$0x3] =	stream.linear.gather [hbm4b:s5+s3], $0x2710, $0x38;
	[tilespmem:$0x2E78] =	vst v63  }
0x11: {  	_ =	swait.ge [sflag:s11], $0x2710  }
0x12: {  	[sflag:s11] =	ssyncset.done $0x0  }
0x13: {  	[sflag:s11] =	ssyncadd.s32 $0xFFFFD8F0  }
0x14: {  	[tilespmem:s12], [sflag:$0x3] =	stream.linear.gather [hbm4b:s4+s3], $0x280, $0x38;
	[tilespmem:$0x2E78] =	vst v63  }
0x15: {  	_ =	swait.ge [sflag:s11], $0x280  }
0x16: {  	[sflag:s11] =	ssyncset.done $0x0  }
0x17: {  	[sflag:s11] =	ssyncadd.s32 $0xFFFFFD80  }
0x18: {  	[spmem:s6] =	stream.linear.scatter [tilespmem:s12], [sflag:$0x3], $0x270, $0x38;
	[tilespmem:$0x2E78] =	vst v63  }
0x19: {  	_ =	swait.ge [sflag:s11], $0x270  }
0x1a: {  	[sflag:s11] =	ssyncset.done $0x0  }
0x1b: {  	s22 =	simm.s32 @!p0 $0x2980;
	[sflag:s11] =	ssyncadd.s32 $0xFFFFFD90  }
0x1c: {  	[spmem:s7] =	stream.linear.scatter @!p0 [tilespmem:s22], [sflag:$0x3], $0x10, $0x38;
	[tilespmem:$0x2E78] =	vst v63  }
0x1d: {  	s22 =	simm.s32 @!p0 $0x3  }
0x1e: {  	_ =	swait.ge @!p0 [sflag:s22], $0x10  }
0x1f: {  	[sflag:s22] =	ssyncset.done @!p0 $0x0  }
0x20: {  	[sflag:s22] =	ssyncadd.s32 @!p0 $0xFFFFFFF0  }
0x21: {  	[tilespmem:$0x2900] =	vst v0  }
0x22: {  	[tilespmem:$0x2910] =	vst v0  }
0x23: {  	[tilespmem:$0x2920] =	vst v0  }
0x24: {  	[tilespmem:$0x2930] =	vst v0  }
0x25: {  	[tilespmem:$0x2940] =	vst v0  }
0x26: {  	[tilespmem:$0x2950] =	vst v0  }
0x27: {  	[tilespmem:$0x2960] =	vst v0  }
0x28: {  	[tilespmem:$0x2970] =	vst v0  }
0x29: {  	[bflag:$0x0] =	sbarrier.arrive $0xFFFF  }
0x2a: {  	v1 =	vld [tilespmem:$0x0]  }
0x2b: {  	v2 =	vld [tilespmem:$0x10]  }
0x2c: {  	v3 =	vld [tilespmem:$0x20]  }
0x2d: {  	v4 =	vld [tilespmem:$0x30]  }
0x2e: {  	v5 =	vld [tilespmem:$0x40]  }
0x2f: {  	[tilespmem:$0x2780] =	vst v1;
	v1 =	vld [tilespmem:$0x50]  }
0x30: {  	[tilespmem:$0x2790] =	vst v2;
	v2 =	vld [tilespmem:$0x60]  }
0x31: {  	[tilespmem:$0x27A0] =	vst v3;
	v3 =	vld [tilespmem:$0x70]  }
0x32: {  	[tilespmem:$0x27B0] =	vst v4  }
0x33: {  	[tilespmem:$0x27C0] =	vst v5  }
0x34: {  	[tilespmem:$0x27D0] =	vst v1  }
0x35: {  	[tilespmem:$0x27E0] =	vst v2  }
0x36: {  	[tilespmem:$0x27F0] =	vst v3  }
0x37: {  	[spmem:s2] =	stream.indirect.scatter.add.f32 [tilespmem:s15], [sflag:$0x1], $0x1, s14, s13, $0xb8;
	[tilespmem:$0x2E78] =	vst v63  }
0x38: {  	v1 =	vld [tilespmem:$0x80]  }
0x39: {  	v2 =	vld [tilespmem:$0x90]  }
0x3a: {  	v3 =	vld [tilespmem:$0xA0]  }
0x3b: {  	v62 =	vld [tilespmem:$0xB0]  }
0x3c: {  	v63 =	vld [tilespmem:$0xC0]  }
0x3d: {  	[tilespmem:$0x2800] =	vst v1;
	v1 =	vld [tilespmem:$0xD0]  }
0x3e: {  	[tilespmem:$0x2810] =	vst v2;
	v2 =	vld [tilespmem:$0xE0]  }
0x3f: {  	[tilespmem:$0x2820] =	vst v3;
	v3 =	vld [tilespmem:$0xF0]  }
0x40: {  	[tilespmem:$0x2830] =	vst v62  }
0x41: {  	[tilespmem:$0x2840] =	vst v63  }
0x42: {  	[tilespmem:$0x2850] =	vst v1  }
0x43: {  	[tilespmem:$0x2860] =	vst v2  }
0x44: {  	[tilespmem:$0x2870] =	vst v3  }
0x45: {  	[spmem:s2] =	stream.indirect.scatter.add.f32 [tilespmem:s15], [sflag:$0x2], $0x1, s16, s13, $0xb8;
	[tilespmem:$0x2E78] =	vst v63  }
0x46: {  	_ =	swait.ge [sflag:s17], $0x80  }
0x47: {  	[sflag:s17] =	ssyncset.done $0x0  }
0x48: {  	s31 =	simm.s32 $0x1F0;
	[sflag:s17] =	ssyncadd.s32 $0xFFFFFF80  }
0x49: {  	v1 =	vld [tilespmem:s31+$0xFFFFFF10];
	_ =	sdelay $0x4  }
0x4a: {  	[tilespmem:$0x2780] =	vst v1  }
0x4b: {  	v1 =	vld [tilespmem:s31+$0xFFFFFF20];
	_ =	sdelay $0x4  }
0x4c: {  	[tilespmem:$0x2790] =	vst v1  }
0x4d: {  	v1 =	vld [tilespmem:s31+$0xFFFFFF30];
	_ =	sdelay $0x4  }
0x4e: {  	[tilespmem:$0x27A0] =	vst v1  }
0x4f: {  	v1 =	vld [tilespmem:s31+$0xFFFFFF40];
	_ =	sdelay $0x4  }
0x50: {  	[tilespmem:$0x27B0] =	vst v1  }
0x51: {  	v1 =	vld [tilespmem:s31+$0xFFFFFF50];
	_ =	sdelay $0x4  }
0x52: {  	[tilespmem:$0x27C0] =	vst v1  }
0x53: {  	v1 =	vld [tilespmem:s31+$0xFFFFFF60];
	_ =	sdelay $0x4  }
0x54: {  	[tilespmem:$0x27D0] =	vst v1  }
0x55: {  	v1 =	vld [tilespmem:s31+$0xFFFFFF70];
	_ =	sdelay $0x4  }
0x56: {  	[tilespmem:$0x27E0] =	vst v1  }
0x57: {  	v1 =	vld [tilespmem:s31+$0xFFFFFF80];
	_ =	sdelay $0x4  }
0x58: {  	[tilespmem:$0x27F0] =	vst v1  }
0x59: {  	[spmem:s2] =	stream.indirect.scatter.add.f32 [tilespmem:s15], [sflag:$0x1], $0x1, s14, s13, $0xb8;
	[tilespmem:$0x2E78] =	vst v63  }
0x5a: {  	_ =	swait.ge [sflag:s18], $0x80  }
0x5b: {  	[sflag:s18] =	ssyncset.done $0x0  }
0x5c: {  	[sflag:s18] =	ssyncadd.s32 $0xFFFFFF80  }
0x5d: {  	v1 =	vld [tilespmem:s31+$0xFFFFFF90];
	_ =	sdelay $0x4  }
0x5e: {  	[tilespmem:$0x2800] =	vst v1  }
0x5f: {  	v1 =	vld [tilespmem:s31+$0xFFFFFFA0];
	_ =	sdelay $0x4  }
0x60: {  	[tilespmem:$0x2810] =	vst v1  }
0x61: {  	v1 =	vld [tilespmem:s31+$0xFFFFFFB0];
	_ =	sdelay $0x4  }
0x62: {  	[tilespmem:$0x2820] =	vst v1  }
0x63: {  	v1 =	vld [tilespmem:s31+$0xFFFFFFC0];
	_ =	sdelay $0x4  }
0x64: {  	[tilespmem:$0x2830] =	vst v1  }
0x65: {  	v1 =	vld [tilespmem:s31+$0xFFFFFFD0];
	_ =	sdelay $0x4  }
0x66: {  	[tilespmem:$0x2840] =	vst v1  }
0x67: {  	v1 =	vld [tilespmem:s31+$0xFFFFFFE0];
	_ =	sdelay $0x4  }
0x68: {  	[tilespmem:$0x2850] =	vst v1  }
0x69: {  	v1 =	vld [tilespmem:s31+$0xFFFFFFF0];
	_ =	sdelay $0x4  }
0x6a: {  	[tilespmem:$0x2860] =	vst v1  }
0x6b: {  	v1 =	vld [tilespmem:s31+$0x0];
	_ =	sdelay $0x4  }
0x6c: {  	s22 =	simm.s32 $0xBC0;
	[tilespmem:$0x2870] =	vst v1  }
.LBB2_2:
0x6d: {  	[spmem:s2] =	stream.indirect.scatter.add.f32 [tilespmem:s15], [sflag:$0x2], $0x1, s16, s13, $0xb8;
	[tilespmem:$0x2E78] =	vst v63  }
0x6e: {  	s23 =	smov.u32 s22  }
0x6f: {  	p1 =	sne.s32 s22, $0x9BC0;
	s22 =	sadd.s32 $0x400, s22;
	_ =	swait.ge [sflag:s17], $0x80  }
0x70: {  	[sflag:s17] =	ssyncset.done $0x0  }
0x71: {  	s23 =	sshra.s32 s23, $0x2;
	[sflag:s17] =	ssyncadd.s32 $0xFFFFFF80  }
0x72: {  	v1 =	vld [tilespmem:s23+$0xFFFFFF10];
	_ =	sdelay $0x4  }
0x73: {  	[tilespmem:$0x2780] =	vst v1  }
0x74: {  	v1 =	vld [tilespmem:s23+$0xFFFFFF20];
	_ =	sdelay $0x4  }
0x75: {  	[tilespmem:$0x2790] =	vst v1  }
0x76: {  	v1 =	vld [tilespmem:s23+$0xFFFFFF30];
	_ =	sdelay $0x4  }
0x77: {  	[tilespmem:$0x27A0] =	vst v1  }
0x78: {  	v1 =	vld [tilespmem:s23+$0xFFFFFF40];
	_ =	sdelay $0x4  }
0x79: {  	[tilespmem:$0x27B0] =	vst v1  }
0x7a: {  	v1 =	vld [tilespmem:s23+$0xFFFFFF50];
	_ =	sdelay $0x4  }
0x7b: {  	[tilespmem:$0x27C0] =	vst v1  }
0x7c: {  	v1 =	vld [tilespmem:s23+$0xFFFFFF60];
	_ =	sdelay $0x4  }
0x7d: {  	[tilespmem:$0x27D0] =	vst v1  }
0x7e: {  	v1 =	vld [tilespmem:s23+$0xFFFFFF70];
	_ =	sdelay $0x4  }
0x7f: {  	[tilespmem:$0x27E0] =	vst v1  }
0x80: {  	v1 =	vld [tilespmem:s23+$0xFFFFFF80];
	_ =	sdelay $0x4  }
0x81: {  	[tilespmem:$0x27F0] =	vst v1  }
0x82: {  	[spmem:s2] =	stream.indirect.scatter.add.f32 [tilespmem:s15], [sflag:$0x1], $0x1, s14, s13, $0xb8;
	[tilespmem:$0x2E78] =	vst v63  }
0x83: {  	_ =	swait.ge [sflag:s18], $0x80  }
0x84: {  	[sflag:s18] =	ssyncset.done $0x0  }
0x85: {  	[sflag:s18] =	ssyncadd.s32 $0xFFFFFF80  }
0x86: {  	v1 =	vld [tilespmem:s23+$0xFFFFFF90];
	_ =	sdelay $0x4  }
0x87: {  	[tilespmem:$0x2800] =	vst v1  }
0x88: {  	v1 =	vld [tilespmem:s23+$0xFFFFFFA0];
	_ =	sdelay $0x4  }
0x89: {  	[tilespmem:$0x2810] =	vst v1  }
0x8a: {  	v1 =	vld [tilespmem:s23+$0xFFFFFFB0];
	_ =	sdelay $0x4  }
0x8b: {  	[tilespmem:$0x2820] =	vst v1  }
0x8c: {  	v1 =	vld [tilespmem:s23+$0xFFFFFFC0];
	_ =	sdelay $0x4  }
0x8d: {  	[tilespmem:$0x2830] =	vst v1  }
0x8e: {  	v1 =	vld [tilespmem:s23+$0xFFFFFFD0];
	_ =	sdelay $0x4  }
0x8f: {  	[tilespmem:$0x2840] =	vst v1  }
0x90: {  	v1 =	vld [tilespmem:s23+$0xFFFFFFE0];
	_ =	sdelay $0x4  }
0x91: {  	[tilespmem:$0x2850] =	vst v1  }
0x92: {  	v1 =	vld [tilespmem:s23+$0xFFFFFFF0];
	_ =	sdelay $0x4  }
0x93: {  	[tilespmem:$0x2860] =	vst v1  }
0x94: {  	v1 =	vld [tilespmem:s23+$0x0]  }
.Ltmp0:
0x95: {  	(pc) =	sbr.rel @p1 .LBB2_2-.Ltmp0, $2  }
0x96: {  	_ =	sdelay $0x2  }
0x97: {  	[tilespmem:$0x2870] =	vst v1  }
0x98: {  	[spmem:s2] =	stream.indirect.scatter.add.f32 [tilespmem:s15], [sflag:$0x2], $0x1, s16, s13, $0xb8;
	[tilespmem:$0x2E78] =	vst v63  }
0x99: {  	_ =	swait.ge [sflag:s17], $0x80  }
0x9a: {  	[sflag:s17] =	ssyncset.done $0x0  }
0x9b: {  	[sflag:s17] =	ssyncadd.s32 $0xFFFFFF80  }
0x9c: {  	_ =	swait.ge [sflag:s18], $0x80  }
0x9d: {  	[sflag:s18] =	ssyncset.done $0x0  }
0x9e: {  	[sflag:s18] =	ssyncadd.s32 $0xFFFFFF80  }
0x9f: {  	v1 =	vld [tilespmem:$0x2700];
	_ =	sdelay $0x4  }
0xa0: {  	[tilespmem:$0x2880] =	vst v1  }
0xa1: {  	[spmem:s2] =	stream.indirect.scatter.add.f32 [tilespmem:s15], [sflag:$0x3], $0x1, s20, s19, $0xb8;
	[tilespmem:$0x2E78] =	vst v63  }
0xa2: {  	_ =	swait.ge [sflag:s11], $0x10  }
0xa3: {  	[sflag:s11] =	ssyncset.done $0x0  }
0xa4: {  	[sflag:s11] =	ssyncadd.s32 $0xFFFFFFF0  }
0xa5: {  	[bflag:$0x0] =	sbarrier.arrive $0xFFFF  }
0xa6: {  	[tilespmem:s12], [sflag:$0x3] =	stream.linear.gather [spmem:s6], $0x270, $0x38;
	[tilespmem:$0x2E78] =	vst v63  }
0xa7: {  	_ =	swait.ge [sflag:s11], $0x270  }
0xa8: {  	[sflag:s11] =	ssyncset.done $0x0  }
0xa9: {  	[sflag:s11] =	ssyncadd.s32 $0xFFFFFD90  }
0xaa: {  	[hbm4b:s8+s3] =	stream.linear.scatter [tilespmem:s12], [sflag:$0x3], $0x270, $0x38;
	[tilespmem:$0x2E78] =	vst v63  }
0xab: {  	_ =	swait.ge [sflag:s11], $0x270  }
0xac: {  	[sflag:s11] =	ssyncset.done $0x0  }
0xad: {  	s22 =	simm.s32 @!p0 $0x2980;
	s23 =	simm.s32 @!p0 $0x3;
	[sflag:s11] =	ssyncadd.s32 $0xFFFFFD90  }
0xae: {  	[tilespmem:s22], [sflag:$0x3] =	stream.linear.gather @!p0 [spmem:s7], $0x10, $0x38;
	[tilespmem:$0x2E78] =	vst v63  }
0xaf: {  	s21 =	sadd.s32 $0x1, s21;
	_ =	swait.ge @!p0 [sflag:s23], $0x10  }
0xb0: {  	p1 =	sne.s32 s21, s10;
	[sflag:s23] =	ssyncset.done @!p0 $0x0  }
.Ltmp1:
0xb1: {  	s24 =	simm.s32 @!p0 $0x0;
	[sflag:s23] =	ssyncadd.s32 @!p0 $0xFFFFFFF0;
	(pc) =	sbr.rel @p1 .LBB2_1-.Ltmp1, $4  }
0xb2: {  	[hbm4b:s9+s24] =	stream.linear.scatter @!p0 [tilespmem:s22], [sflag:$0x3], $0x10, $0x38;
	[tilespmem:$0x2E78] =	vst v63  }
0xb3: {  	_ =	swait.ge @!p0 [sflag:s23], $0x10  }
0xb4: {  	[sflag:s23] =	ssyncset.done @!p0 $0x0  }
0xb5: {  	[sflag:s23] =	ssyncadd.s32 @!p0 $0xFFFFFFF0  }
0xb6: {  	_ =	sfence.sel $0x180000  }
0xb7: {  	[bflag:$0x0] =	sbarrier.arrive $0xFFFF  }
0xb8: {  	p0 =	sne.s32 s1, $0x0;
	_ =	strace $0x90000047  }
0xb9: {  	s0 =	sadd.s32 @!p0 $0x100000, s0;
	[bflag:$0x2] =	sbarrier.arrive $0xFFFF  }
0xba: {  	[sflag:s0] =	ssyncadd.tile.s32 @!p0 $0x1;
	_ =	shalt  }
.Lfunc_end2:
_tile_overlayer_lowered:
.L_overlay_start_2:
0xbb: {  	(tag) =	ssettag $0x2  }
0xbc: {  	s0 =	rddreg [dreg:$0x0];
	s2 =	stileid.u32  }
0xbd: {  	s1 =	rddreg [dreg:$0x1];
	p0 =	sne.s32 s2, $0x0  }
0xbe: {  	s3 =	rddreg [dreg:$0x2];
	[bflag:$0x3] =	sbarrier.arrive $0xFFFF;
	s2 =	simm.s32 @!p0 $0x1C03  }
0xbf: {  	[timem:s3], [sflag:s2] =	dma.local @!p0 [hbm:s0], s1  }
0xc0: {  	s0 =	simm.s32 @!p0 $0x3  }
0xc1: {  	_ =	swait.ge @!p0 [sflag:s0], s1  }
0xc2: {  	s1 =	ssub.s32 @!p0 $0x0, s1;
	[sflag:s0] =	ssyncset.done @!p0 $0x0  }
0xc3: {  	[sflag:s0] =	ssyncadd.s32 @!p0 s1  }
0xc4: {  	[bflag:$0x3] =	sbarrier.arrive $0xFFFF  }
0xc5: {  	_ =	shalt  }

</sc_bundles>
